<compile_context>
chip_gen: v7x
topology: tpu7x:2x2x1
jax: 0.10.2.dev20260603
libtpu: 0.0.44.dev20260713+nightly
codegen_flags: <defaults>
</compile_context>

<pallas_src>
import math
import functools

import jax
import jax.numpy as jnp
from jax import lax
from jax.experimental import pallas as pl
from jax.experimental.pallas import tpu as pltpu
from jax.experimental.pallas import tpu_sc as plsc

N = 10000
E = 320000
H = 128
G = 4
HG = H // G
ROW = 3 * HG
OC = 4 * HG
OW = OC
NC = 2
NS = 16
EPT = E // NS
K = 80
NBLK = EPT // K
KH = K // 2
NPT = 624
NTAIL = N - NS * NPT
CW = 256



def _xh_body(x_ref, vg_ref, g_ref, b_ref, w1_ref, b1_ref, w2_ref, b2_ref, o_ref):
    x = x_ref[...]
    mu = jnp.mean(x, axis=1, keepdims=True)
    var = jnp.mean((x - mu) ** 2, axis=1, keepdims=True)
    xln = (x - mu) * lax.rsqrt(var + 1e-5) * g_ref[...] + b_ref[...]
    t = jnp.dot(xln, w1_ref[...], preferred_element_type=jnp.float32) + b1_ref[...]
    s = t * jax.nn.sigmoid(t) * (1.0 / 0.6)
    xh = jnp.dot(s, w2_ref[0], preferred_element_type=jnp.float32) + b2_ref[0]
    pad = jnp.zeros((x.shape[0], CW - 2 * ROW), jnp.float32)
    o_ref[0] = jnp.concatenate([xh, vg_ref[0], pad], axis=1)


def _node_table_grouped(x, vec_g, ln_gamma, ln_beta, W1, b1, W2p, b2p):
    bn = 1000
    return pl.pallas_call(
        _xh_body,
        grid=(G, N // bn),
        in_specs=[
            pl.BlockSpec((bn, H), lambda g, i: (i, 0)),
            pl.BlockSpec((1, bn, ROW), lambda g, i: (g, i, 0)),
            pl.BlockSpec((1, H), lambda g, i: (0, 0)),
            pl.BlockSpec((1, H), lambda g, i: (0, 0)),
            pl.BlockSpec((H, H), lambda g, i: (0, 0)),
            pl.BlockSpec((1, H), lambda g, i: (0, 0)),
            pl.BlockSpec((1, H, ROW), lambda g, i: (g, 0, 0)),
            pl.BlockSpec((1, 1, ROW), lambda g, i: (g, 0, 0)),
        ],
        out_specs=pl.BlockSpec((1, bn, CW), lambda g, i: (g, i, 0)),
        out_shape=jax.ShapeDtypeStruct((G, N, CW), jnp.float32),
    )(x, vec_g, ln_gamma.reshape(1, H), ln_beta.reshape(1, H),
      W1, b1.reshape(1, H), W2p, b2p)



def _rbf_body(r_ref, wr_ref, br_ref, o_ref):
    y = (jnp.dot(r_ref[...], wr_ref[...], preferred_element_type=jnp.float32)
         + br_ref[...])
    for g in range(G):
        o_ref[g] = y[:, g * ROW:(g + 1) * ROW]


def _rbf_mlp_grouped(edge_rbf, Wrp, brp):
    r = edge_rbf.shape[1]
    be = 2000
    return pl.pallas_call(
        _rbf_body,
        grid=(E // be,),
        in_specs=[
            pl.BlockSpec((be, r), lambda i: (i, 0)),
            pl.BlockSpec((r, G * ROW), lambda i: (0, 0)),
            pl.BlockSpec((1, G * ROW), lambda i: (0, 0)),
        ],
        out_specs=pl.BlockSpec((G, be, ROW), lambda i: (0, i, 0)),
        out_shape=jax.ShapeDtypeStruct((G, E, ROW), jnp.float32),
    )(edge_rbf, Wrp, brp.reshape(1, G * ROW))



def _sc_body(comb, rbfg, src_h, dst_h, ev_h, zeros_h, out_h,
             srcb, dstb, dst1, dst2, cb1, cb2, rbb, evb,
             outb, acc,
             semsrc, semdst, semrb, semev, semg1, semg2):
    c = lax.axis_index("c")
    t = lax.axis_index("s")

    for j in range(KH, KH + 8):
        for kk in range(OW // 16):
            outb[j, pl.ds(kk * 16, 16)] = jnp.zeros((16,), jnp.float32)
    dstb[pl.ds(K, 16)] = jnp.zeros((16,), jnp.int32)

    for gi in range(G // NC):
        g = (G // NC) * c + gi

        pltpu.sync_copy(zeros_h.at[pl.ds(t * NPT, NPT)],
                        acc.at[pl.ds(t * NPT, NPT)])

        @pl.when(t == 0)
        def _zero_tail():
            pltpu.sync_copy(zeros_h.at[pl.ds(NS * NPT, NTAIL)],
                            acc.at[pl.ds(NS * NPT, NTAIL)])

        plsc.subcore_barrier()

        def compute_half(cb, base, dsth):
            @pl.loop(0, KH, unroll=2)
            def _edge(j):
                ev = evb[pl.ds(3 * (base + j), 16)]
                ev0 = ev[0]
                ev1 = ev[1]
                ev2 = ev[2]
                for k in range(HG // 16):
                    o = k * 16
                    outb[j, pl.ds(o, 16)] = (cb[j, pl.ds(o, 16)]
                                             * rbb[base + j, pl.ds(o, 16)])
                    m2 = cb[j, pl.ds(HG + o, 16)] * rbb[base + j, pl.ds(HG + o, 16)]
                    m3 = cb[j, pl.ds(2 * HG + o, 16)] * rbb[base + j, pl.ds(2 * HG + o, 16)]
                    outb[j, pl.ds(HG + o, 16)] = cb[j, pl.ds(ROW + o, 16)] * m2 + m3 * ev0
                    outb[j, pl.ds(2 * HG + o, 16)] = cb[j, pl.ds(ROW + HG + o, 16)] * m2 + m3 * ev1
                    outb[j, pl.ds(3 * HG + o, 16)] = cb[j, pl.ds(ROW + 2 * HG + o, 16)] * m2 + m3 * ev2

            pltpu.sync_copy(outb, acc.at[dsth], add=True)

        @pl.loop(0, NBLK)
        def _block(b):
            e0 = t * EPT + b * K
            d_src = pltpu.async_copy(src_h.at[pl.ds(e0, K)], srcb.at[pl.ds(0, K)], semsrc)
            d_dst = pltpu.async_copy(dst_h.at[pl.ds(e0, K)], dstb.at[pl.ds(0, K)], semdst)
            d_rb = pltpu.async_copy(rbfg.at[pl.ds(g * E + e0, K)], rbb, semrb)
            d_ev = pltpu.async_copy(ev_h.at[pl.ds(3 * e0, 3 * K)],
                                    evb.at[pl.ds(0, 3 * K)], semev)
            d_src.wait()

            @pl.loop(0, K // 16)
            def _adj(i2):
                srcb[pl.ds(i2 * 16, 16)] = srcb[pl.ds(i2 * 16, 16)] + g * N

            g1 = pltpu.async_copy(comb.at[srcb.at[pl.ds(0, KH)]], cb1, semg1)
            g2 = pltpu.async_copy(comb.at[srcb.at[pl.ds(KH, KH)]], cb2, semg2)

            d_dst.wait()
            for i2 in range(3):
                dst1[pl.ds(i2 * 16, 16)] = dstb[pl.ds(i2 * 16, 16)]
                dst2[pl.ds(i2 * 16, 16)] = dstb[pl.ds(KH + i2 * 16, 16)]
            d_rb.wait()
            d_ev.wait()

            g1.wait()
            compute_half(cb1, 0, dst1)
            g2.wait()
            compute_half(cb2, KH, dst2)

        plsc.subcore_barrier()

        pltpu.sync_copy(acc.at[pl.ds(t * NPT, NPT)],
                        out_h.at[pl.ds(g * N + t * NPT, NPT)])

        @pl.when(t == 0)
        def _flush_tail():
            pltpu.sync_copy(acc.at[pl.ds(NS * NPT, NTAIL)],
                            out_h.at[pl.ds(g * N + NS * NPT, NTAIL)])


@functools.cache
def _sc_aggregate():
    return pl.kernel(
        _sc_body,
        out_type=jax.ShapeDtypeStruct((G * N, OW), jnp.float32),
        mesh=plsc.VectorSubcoreMesh(core_axis_name="c", subcore_axis_name="s",
                                    num_cores=NC, num_subcores=NS),
        scratch_types=(
        [
            pltpu.VMEM((K,), jnp.int32),
            pltpu.VMEM((K + 16,), jnp.int32),
            pltpu.VMEM((KH + 8,), jnp.int32),
            pltpu.VMEM((KH + 8,), jnp.int32),
            pltpu.VMEM((KH, CW), jnp.float32),
            pltpu.VMEM((KH, CW), jnp.float32),
            pltpu.VMEM((K, ROW), jnp.float32),
            pltpu.VMEM((3 * K + 16,), jnp.float32),
            pltpu.VMEM((KH + 8, OW), jnp.float32),
            pltpu.VMEM_SHARED((N, OW), jnp.float32),
        ]
        + [pltpu.SemaphoreType.DMA] * 6
        ),
    )


def kernel(x, vec, edge_index, edge_rbf, edge_vector,
           ln_gamma, ln_beta, W1, b1, W2, b2, Wr, br):
    perm = []
    for g in range(G):
        for part in range(3):
            perm.extend(range(part * H + g * HG, part * H + (g + 1) * HG))
    perm = jnp.asarray(perm, dtype=jnp.int32)
    scale = jnp.concatenate([
        jnp.full((H,), 1.0, jnp.float32),
        jnp.full((H,), 1.0 / (math.sqrt(3.0) * math.sqrt(H)), jnp.float32),
        jnp.full((H,), 1.0 / math.sqrt(H), jnp.float32),
    ])
    W2p = W2[:, perm].reshape(H, G, ROW).transpose(1, 0, 2)
    b2p = b2[perm].reshape(G, 1, ROW)
    Wrp = (Wr * scale[None, :])[:, perm]
    brp = (br * scale)[perm]

    vec_g = vec.reshape(N, 3, G, HG).transpose(2, 0, 1, 3).reshape(G, N, ROW)
    comb = _node_table_grouped(x, vec_g, ln_gamma, ln_beta, W1, b1, W2p, b2p)
    rbf_g = _rbf_mlp_grouped(edge_rbf, Wrp, brp)

    src = edge_index[0]
    dst = edge_index[1]
    ev_flat = edge_vector.reshape(3 * E)

    acc = _sc_aggregate()(
        comb.reshape(G * N, CW), rbf_g.reshape(G * E, ROW),
        src, dst, ev_flat, jnp.zeros((N, OW), jnp.float32),
    )

    acc = acc.reshape(G, N, OW)
    dx = acc[:, :, :HG].transpose(1, 0, 2).reshape(N, H)
    dvec = (acc[:, :, HG:OC].reshape(G, N, 3, HG)
            .transpose(1, 2, 0, 3).reshape(N, 3, H))
    return (dx, dvec)

# --- scband reference (transcript-rebuilt; emitter-appended) ---
"""Pipeline reference for scband-oapai-nn-63934883168409 (READ-ONLY COPY).

The authoritative reference and input builder live on the scoring server;
editing this copy changes nothing except your own understanding.
"""

import jax, jax.numpy as jnp
import numpy as np
import math

N = 10000
E = 320000
H = 128
R = 128


def scaled_silu(x):
    # ScaledSiLU: silu(x) * (1 / 0.6)
    return jax.nn.silu(x) * (1.0 / 0.6)


def setup_inputs(seed: int = 0) -> dict:
    key = jax.random.key(seed)
    ks = jax.random.split(key, 16)
    x = jax.random.normal(ks[0], (N, H), dtype=jnp.float32)
    vec = jax.random.normal(ks[1], (N, 3, H), dtype=jnp.float32)
    edge_index = jax.random.randint(ks[2], (2, E), 0, N, dtype=jnp.int32)
    edge_rbf = jax.random.uniform(ks[3], (E, R), dtype=jnp.float32)
    ev = jax.random.normal(ks[4], (E, 3), dtype=jnp.float32)
    edge_vector = ev / (jnp.linalg.norm(ev, axis=-1, keepdims=True) + 1e-8)
    # parameters (xavier-ish init)
    ln_gamma = jnp.ones((H,), dtype=jnp.float32)
    ln_beta = jnp.zeros((H,), dtype=jnp.float32)
    W1 = jax.random.normal(ks[5], (H, H), dtype=jnp.float32) * math.sqrt(2.0 / (H + H))
    b1 = jnp.zeros((H,), dtype=jnp.float32)
    W2 = jax.random.normal(ks[6], (H, 3 * H), dtype=jnp.float32) * math.sqrt(2.0 / (H + 3 * H))
    b2 = jnp.zeros((3 * H,), dtype=jnp.float32)
    Wr = jax.random.normal(ks[7], (R, 3 * H), dtype=jnp.float32) * math.sqrt(2.0 / (R + 3 * H))
    br = jnp.zeros((3 * H,), dtype=jnp.float32)
    return {
        "x": x, "vec": vec, "edge_index": edge_index,
        "edge_rbf": edge_rbf, "edge_vector": edge_vector,
        "ln_gamma": ln_gamma, "ln_beta": ln_beta,
        "W1": W1, "b1": b1, "W2": W2, "b2": b2, "Wr": Wr, "br": br,
    }


def reference(x, vec, edge_index, edge_rbf, edge_vector,
              ln_gamma, ln_beta, W1, b1, W2, b2, Wr, br):
    # PaiNNMessage.forward
    # x_layernorm
    mu = jnp.mean(x, axis=-1, keepdims=True)
    var = jnp.var(x, axis=-1, keepdims=True)
    xln = (x - mu) / jnp.sqrt(var + 1e-5) * ln_gamma + ln_beta
    # x_proj: Linear(H,H) -> ScaledSiLU -> Linear(H,3H)
    xh = scaled_silu(xln @ W1 + b1) @ W2 + b2  # [N, 3H]
    # rbf_proj
    rbfh = edge_rbf @ Wr + br  # [E, 3H]
    src = edge_index[0]  # j (source, gathered)
    dst = edge_index[1]  # i (aggregation target)
    xh_j = jnp.take(xh, src, axis=0)      # [E, 3H]
    vec_j = jnp.take(vec, src, axis=0)    # [E, 3, H]
    # message
    m = xh_j * rbfh
    xm = m[:, :H]
    xh2 = m[:, H:2 * H] * (1.0 / math.sqrt(3.0))
    xh3 = m[:, 2 * H:]
    vecm = vec_j * xh2[:, None, :] + xh3[:, None, :] * edge_vector[:, :, None]
    vecm = vecm * (1.0 / math.sqrt(H))
    # aggregate (scatter-add over dst nodes)
    dx = jax.ops.segment_sum(xm, dst, num_segments=N)
    dvec = jax.ops.segment_sum(vecm, dst, num_segments=N)
    return (dx, dvec)

if __name__ == "__main__":
    import jax
    _d = setup_inputs()
    print(jax.jit(kernel)(*tuple(_d.values())))

</pallas_src>

<mosaic_0001>
#map = affine_map<(d0, d1) -> (0, 0)>
#map1 = affine_map<(d0, d1) -> (0)>
module attributes {stable_mosaic.version = 14 : i64} {
  func.func @_sc_body(%arg0: i32, %arg1: i32, %arg2: memref<40000x256xf32, #tpu.memory_space<hbm>>, %arg3: memref<1280000x96xf32, #tpu.memory_space<hbm>>, %arg4: memref<320000xi32, #tpu.memory_space<hbm>>, %arg5: memref<320000xi32, #tpu.memory_space<hbm>>, %arg6: memref<960000xf32, #tpu.memory_space<hbm>>, %arg7: memref<10000x128xf32, #tpu.memory_space<hbm>>, %arg8: memref<40000x128xf32, #tpu.memory_space<hbm>>, %arg9: memref<80xi32, #tpu.memory_space<vmem>>, %arg10: memref<96xi32, #tpu.memory_space<vmem>>, %arg11: memref<48xi32, #tpu.memory_space<vmem>>, %arg12: memref<48xi32, #tpu.memory_space<vmem>>, %arg13: memref<40x256xf32, #tpu.memory_space<vmem>>, %arg14: memref<40x256xf32, #tpu.memory_space<vmem>>, %arg15: memref<80x96xf32, #tpu.memory_space<vmem>>, %arg16: memref<256xf32, #tpu.memory_space<vmem>>, %arg17: memref<48x128xf32, #tpu.memory_space<vmem>>, %arg18: memref<10000x128xf32, #tpu.memory_space<vmem_shared>>, %arg19: memref<!tpu.dma_semaphore, #tpu.memory_space<semaphore_mem>>, %arg20: memref<!tpu.dma_semaphore, #tpu.memory_space<semaphore_mem>>, %arg21: memref<!tpu.dma_semaphore, #tpu.memory_space<semaphore_mem>>, %arg22: memref<!tpu.dma_semaphore, #tpu.memory_space<semaphore_mem>>, %arg23: memref<!tpu.dma_semaphore, #tpu.memory_space<semaphore_mem>>, %arg24: memref<!tpu.dma_semaphore, #tpu.memory_space<semaphore_mem>>) attributes {dimension_semantics = [#tpu.dimension_semantics<core_parallel>, #tpu.dimension_semantics<subcore_parallel>], iteration_bounds = array<i64: 2, 16>, scalar_prefetch = 0 : i64, scratch_operands = 16 : i64, tpu.core_type = #tpu.core_type<sc_vector_subcore>, window_params = [{transform_indices = #map}, {transform_indices = #map}, {transform_indices = #map1}, {transform_indices = #map1}, {transform_indices = #map1}, {transform_indices = #map}, {transform_indices = #map}]} {
    %broadcast_in_dim3A = arith.constant 0.000000e+00 : f32
    %broadcast_in_dim3A_0 = vector.broadcast %broadcast_in_dim3A : f32 to vector<16xf32>
    %swap3A = arith.constant 40 : i32
    %swap3A_1 = arith.index_cast %swap3A : i32 to index
    %swap3A_2 = arith.constant 0 : index
    %swap3A_3 = tpu.vector_load %arg17[%swap3A_1, %swap3A_2] {strides = array<i32>} : memref<48x128xf32, #tpu.memory_space<vmem>>, vector<1x16xf32>,
    %swap3A_4 = vector.shape_cast %swap3A_3 : vector<1x16xf32> to vector<16xf32>
    %swap3A_5 = vector.shape_cast %broadcast_in_dim3A_0 : vector<16xf32> to vector<1x16xf32>
    tpu.vector_store %arg17[%swap3A_1, %swap3A_2], %swap3A_5 {strides = array<i32>} : memref<48x128xf32, #tpu.memory_space<vmem>>, vector<1x16xf32>,
    %broadcast_in_dim3A_6 = arith.constant 0.000000e+00 : f32
    %broadcast_in_dim3A_7 = vector.broadcast %broadcast_in_dim3A_6 : f32 to vector<16xf32>
    %swap3A_8 = arith.constant 40 : i32
    %swap3A_9 = arith.index_cast %swap3A_8 : i32 to index
    %swap3A_10 = arith.constant 16 : index
    %swap3A_11 = tpu.vector_load %arg17[%swap3A_9, %swap3A_10] {strides = array<i32>} : memref<48x128xf32, #tpu.memory_space<vmem>>, vector<1x16xf32>,
    %swap3A_12 = vector.shape_cast %swap3A_11 : vector<1x16xf32> to vector<16xf32>
    %swap3A_13 = vector.shape_cast %broadcast_in_dim3A_7 : vector<16xf32> to vector<1x16xf32>
    tpu.vector_store %arg17[%swap3A_9, %swap3A_10], %swap3A_13 {strides = array<i32>} : memref<48x128xf32, #tpu.memory_space<vmem>>, vector<1x16xf32>,
    %broadcast_in_dim3A_14 = arith.constant 0.000000e+00 : f32
    %broadcast_in_dim3A_15 = vector.broadcast %broadcast_in_dim3A_14 : f32 to vector<16xf32>
    %swap3A_16 = arith.constant 40 : i32
    %swap3A_17 = arith.index_cast %swap3A_16 : i32 to index
    %swap3A_18 = arith.constant 32 : index
    %swap3A_19 = tpu.vector_load %arg17[%swap3A_17, %swap3A_18] {strides = array<i32>} : memref<48x128xf32, #tpu.memory_space<vmem>>, vector<1x16xf32>,
    %swap3A_20 = vector.shape_cast %swap3A_19 : vector<1x16xf32> to vector<16xf32>
    %swap3A_21 = vector.shape_cast %broadcast_in_dim3A_15 : vector<16xf32> to vector<1x16xf32>
    tpu.vector_store %arg17[%swap3A_17, %swap3A_18], %swap3A_21 {strides = array<i32>} : memref<48x128xf32, #tpu.memory_space<vmem>>, vector<1x16xf32>,
    %broadcast_in_dim3A_22 = arith.constant 0.000000e+00 : f32
    %broadcast_in_dim3A_23 = vector.broadcast %broadcast_in_dim3A_22 : f32 to vector<16xf32>
    %swap3A_24 = arith.constant 40 : i32
    %swap3A_25 = arith.index_cast %swap3A_24 : i32 to index
    %swap3A_26 = arith.constant 48 : index
    %swap3A_27 = tpu.vector_load %arg17[%swap3A_25, %swap3A_26] {strides = array<i32>} : memref<48x128xf32, #tpu.memory_space<vmem>>, vector<1x16xf32>,
    %swap3A_28 = vector.shape_cast %swap3A_27 : vector<1x16xf32> to vector<16xf32>
    %swap3A_29 = vector.shape_cast %broadcast_in_dim3A_23 : vector<16xf32> to vector<1x16xf32>
    tpu.vector_store %arg17[%swap3A_25, %swap3A_26], %swap3A_29 {strides = array<i32>} : memref<48x128xf32, #tpu.memory_space<vmem>>, vector<1x16xf32>,
    %broadcast_in_dim3A_30 = arith.constant 0.000000e+00 : f32
    %broadcast_in_dim3A_31 = vector.broadcast %broadcast_in_dim3A_30 : f32 to vector<16xf32>
    %swap3A_32 = arith.constant 40 : i32
    %swap3A_33 = arith.index_cast %swap3A_32 : i32 to index
    %swap3A_34 = arith.constant 64 : index
    %swap3A_35 = tpu.vector_load %arg17[%swap3A_33, %swap3A_34] {strides = array<i32>} : memref<48x128xf32, #tpu.memory_space<vmem>>, vector<1x16xf32>,
    %swap3A_36 = vector.shape_cast %swap3A_35 : vector<1x16xf32> to vector<16xf32>
    %swap3A_37 = vector.shape_cast %broadcast_in_dim3A_31 : vector<16xf32> to vector<1x16xf32>
    tpu.vector_store %arg17[%swap3A_33, %swap3A_34], %swap3A_37 {strides = array<i32>} : memref<48x128xf32, #tpu.memory_space<vmem>>, vector<1x16xf32>,
    %broadcast_in_dim3A_38 = arith.constant 0.000000e+00 : f32
    %broadcast_in_dim3A_39 = vector.broadcast %broadcast_in_dim3A_38 : f32 to vector<16xf32>
    %swap3A_40 = arith.constant 40 : i32
    %swap3A_41 = arith.index_cast %swap3A_40 : i32 to index
    %swap3A_42 = arith.constant 80 : index
    %swap3A_43 = tpu.vector_load %arg17[%swap3A_41, %swap3A_42] {strides = array<i32>} : memref<48x128xf32, #tpu.memory_space<vmem>>, vector<1x16xf32>,
    %swap3A_44 = vector.shape_cast %swap3A_43 : vector<1x16xf32> to vector<16xf32>
    %swap3A_45 = vector.shape_cast %broadcast_in_dim3A_39 : vector<16xf32> to vector<1x16xf32>
    tpu.vector_store %arg17[%swap3A_41, %swap3A_42], %swap3A_45 {strides = array<i32>} : memref<48x128xf32, #tpu.memory_space<vmem>>, vector<1x16xf32>,
    %broadcast_in_dim3A_46 = arith.constant 0.000000e+00 : f32
    %broadcast_in_dim3A_47 = vector.broadcast %broadcast_in_dim3A_46 : f32 to vector<16xf32>
    %swap3A_48 = arith.constant 40 : i32
    %swap3A_49 = arith.index_cast %swap3A_48 : i32 to index
    %swap3A_50 = arith.constant 96 : index
    %swap3A_51 = tpu.vector_load %arg17[%swap3A_49, %swap3A_50] {strides = array<i32>} : memref<48x128xf32, #tpu.memory_space<vmem>>, vector<1x16xf32>,
    %swap3A_52 = vector.shape_cast %swap3A_51 : vector<1x16xf32> to vector<16xf32>
    %swap3A_53 = vector.shape_cast %broadcast_in_dim3A_47 : vector<16xf32> to vector<1x16xf32>
    tpu.vector_store %arg17[%swap3A_49, %swap3A_50], %swap3A_53 {strides = array<i32>} : memref<48x128xf32, #tpu.memory_space<vmem>>, vector<1x16xf32>,
    %broadcast_in_dim3A_54 = arith.constant 0.000000e+00 : f32
    %broadcast_in_dim3A_55 = vector.broadcast %broadcast_in_dim3A_54 : f32 to vector<16xf32>
    %swap3A_56 = arith.constant 40 : i32
    %swap3A_57 = arith.index_cast %swap3A_56 : i32 to index
    %swap3A_58 = arith.constant 112 : index
    %swap3A_59 = tpu.vector_load %arg17[%swap3A_57, %swap3A_58] {strides = array<i32>} : memref<48x128xf32, #tpu.memory_space<vmem>>, vector<1x16xf32>,
    %swap3A_60 = vector.shape_cast %swap3A_59 : vector<1x16xf32> to vector<16xf32>
    %swap3A_61 = vector.shape_cast %broadcast_in_dim3A_55 : vector<16xf32> to vector<1x16xf32>
    tpu.vector_store %arg17[%swap3A_57, %swap3A_58], %swap3A_61 {strides = array<i32>} : memref<48x128xf32, #tpu.memory_space<vmem>>, vector<1x16xf32>,
    %broadcast_in_dim3A_62 = arith.constant 0.000000e+00 : f32
    %broadcast_in_dim3A_63 = vector.broadcast %broadcast_in_dim3A_62 : f32 to vector<16xf32>
    %swap3A_64 = arith.constant 41 : i32
    %swap3A_65 = arith.index_cast %swap3A_64 : i32 to index
    %swap3A_66 = arith.constant 0 : index
    %swap3A_67 = tpu.vector_load %arg17[%swap3A_65, %swap3A_66] {strides = array<i32>} : memref<48x128xf32, #tpu.memory_space<vmem>>, vector<1x16xf32>,
    %swap3A_68 = vector.shape_cast %swap3A_67 : vector<1x16xf32> to vector<16xf32>
    %swap3A_69 = vector.shape_cast %broadcast_in_dim3A_63 : vector<16xf32> to vector<1x16xf32>
    tpu.vector_store %arg17[%swap3A_65, %swap3A_66], %swap3A_69 {strides = array<i32>} : memref<48x128xf32, #tpu.memory_space<vmem>>, vector<1x16xf32>,
    %broadcast_in_dim3A_70 = arith.constant 0.000000e+00 : f32
    %broadcast_in_dim3A_71 = vector.broadcast %broadcast_in_dim3A_70 : f32 to vector<16xf32>
    %swap3A_72 = arith.constant 41 : i32
    %swap3A_73 = arith.index_cast %swap3A_72 : i32 to index
    %swap3A_74 = arith.constant 16 : index
    %swap3A_75 = tpu.vector_load %arg17[%swap3A_73, %swap3A_74] {strides = array<i32>} : memref<48x128xf32, #tpu.memory_space<vmem>>, vector<1x16xf32>,
    %swap3A_76 = vector.shape_cast %swap3A_75 : vector<1x16xf32> to vector<16xf32>
    %swap3A_77 = vector.shape_cast %broadcast_in_dim3A_71 : vector<16xf32> to vector<1x16xf32>
    tpu.vector_store %arg17[%swap3A_73, %swap3A_74], %swap3A_77 {strides = array<i32>} : memref<48x128xf32, #tpu.memory_space<vmem>>, vector<1x16xf32>,
    %broadcast_in_dim3A_78 = arith.constant 0.000000e+00 : f32
    %broadcast_in_dim3A_79 = vector.broadcast %broadcast_in_dim3A_78 : f32 to vector<16xf32>
    %swap3A_80 = arith.constant 41 : i32
    %swap3A_81 = arith.index_cast %swap3A_80 : i32 to index
    %swap3A_82 = arith.constant 32 : index
    %swap3A_83 = tpu.vector_load %arg17[%swap3A_81, %swap3A_82] {strides = array<i32>} : memref<48x128xf32, #tpu.memory_space<vmem>>, vector<1x16xf32>,
    %swap3A_84 = vector.shape_cast %swap3A_83 : vector<1x16xf32> to vector<16xf32>
    %swap3A_85 = vector.shape_cast %broadcast_in_dim3A_79 : vector<16xf32> to vector<1x16xf32>
    tpu.vector_store %arg17[%swap3A_81, %swap3A_82], %swap3A_85 {strides = array<i32>} : memref<48x128xf32, #tpu.memory_space<vmem>>, vector<1x16xf32>,
    %broadcast_in_dim3A_86 = arith.constant 0.000000e+00 : f32
    %broadcast_in_dim3A_87 = vector.broadcast %broadcast_in_dim3A_86 : f32 to vector<16xf32>
    %swap3A_88 = arith.constant 41 : i32
    %swap3A_89 = arith.index_cast %swap3A_88 : i32 to index
    %swap3A_90 = arith.constant 48 : index
    %swap3A_91 = tpu.vector_load %arg17[%swap3A_89, %swap3A_90] {strides = array<i32>} : memref<48x128xf32, #tpu.memory_space<vmem>>, vector<1x16xf32>,
    %swap3A_92 = vector.shape_cast %swap3A_91 : vector<1x16xf32> to vector<16xf32>
    %swap3A_93 = vector.shape_cast %broadcast_in_dim3A_87 : vector<16xf32> to vector<1x16xf32>
    tpu.vector_store %arg17[%swap3A_89, %swap3A_90], %swap3A_93 {strides = array<i32>} : memref<48x128xf32, #tpu.memory_space<vmem>>, vector<1x16xf32>,
    %broadcast_in_dim3A_94 = arith.constant 0.000000e+00 : f32
    %broadcast_in_dim3A_95 = vector.broadcast %broadcast_in_dim3A_94 : f32 to vector<16xf32>
    %swap3A_96 = arith.constant 41 : i32
    %swap3A_97 = arith.index_cast %swap3A_96 : i32 to index
    %swap3A_98 = arith.constant 64 : index
    %swap3A_99 = tpu.vector_load %arg17[%swap3A_97, %swap3A_98] {strides = array<i32>} : memref<48x128xf32, #tpu.memory_space<vmem>>, vector<1x16xf32>,
    %swap3A_100 = vector.shape_cast %swap3A_99 : vector<1x16xf32> to vector<16xf32>
    %swap3A_101 = vector.shape_cast %broadcast_in_dim3A_95 : vector<16xf32> to vector<1x16xf32>
    tpu.vector_store %arg17[%swap3A_97, %swap3A_98], %swap3A_101 {strides = array<i32>} : memref<48x128xf32, #tpu.memory_space<vmem>>, vector<1x16xf32>,
    %broadcast_in_dim3A_102 = arith.constant 0.000000e+00 : f32
    %broadcast_in_dim3A_103 = vector.broadcast %broadcast_in_dim3A_102 : f32 to vector<16xf32>
    %swap3A_104 = arith.constant 41 : i32
    %swap3A_105 = arith.index_cast %swap3A_104 : i32 to index
    %swap3A_106 = arith.constant 80 : index
    %swap3A_107 = tpu.vector_load %arg17[%swap3A_105, %swap3A_106] {strides = array<i32>} : memref<48x128xf32, #tpu.memory_space<vmem>>, vector<1x16xf32>,
    %swap3A_108 = vector.shape_cast %swap3A_107 : vector<1x16xf32> to vector<16xf32>
    %swap3A_109 = vector.shape_cast %broadcast_in_dim3A_103 : vector<16xf32> to vector<1x16xf32>
    tpu.vector_store %arg17[%swap3A_105, %swap3A_106], %swap3A_109 {strides = array<i32>} : memref<48x128xf32, #tpu.memory_space<vmem>>, vector<1x16xf32>,
    %broadcast_in_dim3A_110 = arith.constant 0.000000e+00 : f32
    %broadcast_in_dim3A_111 = vector.broadcast %broadcast_in_dim3A_110 : f32 to vector<16xf32>
    %swap3A_112 = arith.constant 41 : i32
    %swap3A_113 = arith.index_cast %swap3A_112 : i32 to index
    %swap3A_114 = arith.constant 96 : index
    %swap3A_115 = tpu.vector_load %arg17[%swap3A_113, %swap3A_114] {strides = array<i32>} : memref<48x128xf32, #tpu.memory_space<vmem>>, vector<1x16xf32>,
    %swap3A_116 = vector.shape_cast %swap3A_115 : vector<1x16xf32> to vector<16xf32>
    %swap3A_117 = vector.shape_cast %broadcast_in_dim3A_111 : vector<16xf32> to vector<1x16xf32>
    tpu.vector_store %arg17[%swap3A_113, %swap3A_114], %swap3A_117 {strides = array<i32>} : memref<48x128xf32, #tpu.memory_space<vmem>>, vector<1x16xf32>,
    %broadcast_in_dim3A_118 = arith.constant 0.000000e+00 : f32
    %broadcast_in_dim3A_119 = vector.broadcast %broadcast_in_dim3A_118 : f32 to vector<16xf32>
    %swap3A_120 = arith.constant 41 : i32
    %swap3A_121 = arith.index_cast %swap3A_120 : i32 to index
    %swap3A_122 = arith.constant 112 : index
    %swap3A_123 = tpu.vector_load %arg17[%swap3A_121, %swap3A_122] {strides = array<i32>} : memref<48x128xf32, #tpu.memory_space<vmem>>, vector<1x16xf32>,
    %swap3A_124 = vector.shape_cast %swap3A_123 : vector<1x16xf32> to vector<16xf32>
    %swap3A_125 = vector.shape_cast %broadcast_in_dim3A_119 : vector<16xf32> to vector<1x16xf32>
    tpu.vector_store %arg17[%swap3A_121, %swap3A_122], %swap3A_125 {strides = array<i32>} : memref<48x128xf32, #tpu.memory_space<vmem>>, vector<1x16xf32>,
    %broadcast_in_dim3A_126 = arith.constant 0.000000e+00 : f32
    %broadcast_in_dim3A_127 = vector.broadcast %broadcast_in_dim3A_126 : f32 to vector<16xf32>
    %swap3A_128 = arith.constant 42 : i32
    %swap3A_129 = arith.index_cast %swap3A_128 : i32 to index
    %swap3A_130 = arith.constant 0 : index
    %swap3A_131 = tpu.vector_load %arg17[%swap3A_129, %swap3A_130] {strides = array<i32>} : memref<48x128xf32, #tpu.memory_space<vmem>>, vector<1x16xf32>,
    %swap3A_132 = vector.shape_cast %swap3A_131 : vector<1x16xf32> to vector<16xf32>
    %swap3A_133 = vector.shape_cast %broadcast_in_dim3A_127 : vector<16xf32> to vector<1x16xf32>
    tpu.vector_store %arg17[%swap3A_129, %swap3A_130], %swap3A_133 {strides = array<i32>} : memref<48x128xf32, #tpu.memory_space<vmem>>, vector<1x16xf32>,
    %broadcast_in_dim3A_134 = arith.constant 0.000000e+00 : f32
    %broadcast_in_dim3A_135 = vector.broadcast %broadcast_in_dim3A_134 : f32 to vector<16xf32>
    %swap3A_136 = arith.constant 42 : i32
    %swap3A_137 = arith.index_cast %swap3A_136 : i32 to index
    %swap3A_138 = arith.constant 16 : index
    %swap3A_139 = tpu.vector_load %arg17[%swap3A_137, %swap3A_138] {strides = array<i32>} : memref<48x128xf32, #tpu.memory_space<vmem>>, vector<1x16xf32>,
    %swap3A_140 = vector.shape_cast %swap3A_139 : vector<1x16xf32> to vector<16xf32>
    %swap3A_141 = vector.shape_cast %broadcast_in_dim3A_135 : vector<16xf32> to vector<1x16xf32>
    tpu.vector_store %arg17[%swap3A_137, %swap3A_138], %swap3A_141 {strides = array<i32>} : memref<48x128xf32, #tpu.memory_space<vmem>>, vector<1x16xf32>,
    %broadcast_in_dim3A_142 = arith.constant 0.000000e+00 : f32
    %broadcast_in_dim3A_143 = vector.broadcast %broadcast_in_dim3A_142 : f32 to vector<16xf32>
    %swap3A_144 = arith.constant 42 : i32
    %swap3A_145 = arith.index_cast %swap3A_144 : i32 to index
    %swap3A_146 = arith.constant 32 : index
    %swap3A_147 = tpu.vector_load %arg17[%swap3A_145, %swap3A_146] {strides = array<i32>} : memref<48x128xf32, #tpu.memory_space<vmem>>, vector<1x16xf32>,
    %swap3A_148 = vector.shape_cast %swap3A_147 : vector<1x16xf32> to vector<16xf32>
    %swap3A_149 = vector.shape_cast %broadcast_in_dim3A_143 : vector<16xf32> to vector<1x16xf32>
    tpu.vector_store %arg17[%swap3A_145, %swap3A_146], %swap3A_149 {strides = array<i32>} : memref<48x128xf32, #tpu.memory_space<vmem>>, vector<1x16xf32>,
    %broadcast_in_dim3A_150 = arith.constant 0.000000e+00 : f32
    %broadcast_in_dim3A_151 = vector.broadcast %broadcast_in_dim3A_150 : f32 to vector<16xf32>
    %swap3A_152 = arith.constant 42 : i32
    %swap3A_153 = arith.index_cast %swap3A_152 : i32 to index
    %swap3A_154 = arith.constant 48 : index
    %swap3A_155 = tpu.vector_load %arg17[%swap3A_153, %swap3A_154] {strides = array<i32>} : memref<48x128xf32, #tpu.memory_space<vmem>>, vector<1x16xf32>,
    %swap3A_156 = vector.shape_cast %swap3A_155 : vector<1x16xf32> to vector<16xf32>
    %swap3A_157 = vector.shape_cast %broadcast_in_dim3A_151 : vector<16xf32> to vector<1x16xf32>
    tpu.vector_store %arg17[%swap3A_153, %swap3A_154], %swap3A_157 {strides = array<i32>} : memref<48x128xf32, #tpu.memory_space<vmem>>, vector<1x16xf32>,
    %broadcast_in_dim3A_158 = arith.constant 0.000000e+00 : f32
    %broadcast_in_dim3A_159 = vector.broadcast %broadcast_in_dim3A_158 : f32 to vector<16xf32>
    %swap3A_160 = arith.constant 42 : i32
    %swap3A_161 = arith.index_cast %swap3A_160 : i32 to index
    %swap3A_162 = arith.constant 64 : index
    %swap3A_163 = tpu.vector_load %arg17[%swap3A_161, %swap3A_162] {strides = array<i32>} : memref<48x128xf32, #tpu.memory_space<vmem>>, vector<1x16xf32>,
    %swap3A_164 = vector.shape_cast %swap3A_163 : vector<1x16xf32> to vector<16xf32>
    %swap3A_165 = vector.shape_cast %broadcast_in_dim3A_159 : vector<16xf32> to vector<1x16xf32>
    tpu.vector_store %arg17[%swap3A_161, %swap3A_162], %swap3A_165 {strides = array<i32>} : memref<48x128xf32, #tpu.memory_space<vmem>>, vector<1x16xf32>,
    %broadcast_in_dim3A_166 = arith.constant 0.000000e+00 : f32
    %broadcast_in_dim3A_167 = vector.broadcast %broadcast_in_dim3A_166 : f32 to vector<16xf32>
    %swap3A_168 = arith.constant 42 : i32
    %swap3A_169 = arith.index_cast %swap3A_168 : i32 to index
    %swap3A_170 = arith.constant 80 : index
    %swap3A_171 = tpu.vector_load %arg17[%swap3A_169, %swap3A_170] {strides = array<i32>} : memref<48x128xf32, #tpu.memory_space<vmem>>, vector<1x16xf32>,
    %swap3A_172 = vector.shape_cast %swap3A_171 : vector<1x16xf32> to vector<16xf32>
    %swap3A_173 = vector.shape_cast %broadcast_in_dim3A_167 : vector<16xf32> to vector<1x16xf32>
    tpu.vector_store %arg17[%swap3A_169, %swap3A_170], %swap3A_173 {strides = array<i32>} : memref<48x128xf32, #tpu.memory_space<vmem>>, vector<1x16xf32>,
    %broadcast_in_dim3A_174 = arith.constant 0.000000e+00 : f32
    %broadcast_in_dim3A_175 = vector.broadcast %broadcast_in_dim3A_174 : f32 to vector<16xf32>
    %swap3A_176 = arith.constant 42 : i32
    %swap3A_177 = arith.index_cast %swap3A_176 : i32 to index
    %swap3A_178 = arith.constant 96 : index
    %swap3A_179 = tpu.vector_load %arg17[%swap3A_177, %swap3A_178] {strides = array<i32>} : memref<48x128xf32, #tpu.memory_space<vmem>>, vector<1x16xf32>,
    %swap3A_180 = vector.shape_cast %swap3A_179 : vector<1x16xf32> to vector<16xf32>
    %swap3A_181 = vector.shape_cast %broadcast_in_dim3A_175 : vector<16xf32> to vector<1x16xf32>
    tpu.vector_store %arg17[%swap3A_177, %swap3A_178], %swap3A_181 {strides = array<i32>} : memref<48x128xf32, #tpu.memory_space<vmem>>, vector<1x16xf32>,
    %broadcast_in_dim3A_182 = arith.constant 0.000000e+00 : f32
    %broadcast_in_dim3A_183 = vector.broadcast %broadcast_in_dim3A_182 : f32 to vector<16xf32>
    %swap3A_184 = arith.constant 42 : i32
    %swap3A_185 = arith.index_cast %swap3A_184 : i32 to index
    %swap3A_186 = arith.constant 112 : index
    %swap3A_187 = tpu.vector_load %arg17[%swap3A_185, %swap3A_186] {strides = array<i32>} : memref<48x128xf32, #tpu.memory_space<vmem>>, vector<1x16xf32>,
    %swap3A_188 = vector.shape_cast %swap3A_187 : vector<1x16xf32> to vector<16xf32>
    %swap3A_189 = vector.shape_cast %broadcast_in_dim3A_183 : vector<16xf32> to vector<1x16xf32>
    tpu.vector_store %arg17[%swap3A_185, %swap3A_186], %swap3A_189 {strides = array<i32>} : memref<48x128xf32, #tpu.memory_space<vmem>>, vector<1x16xf32>,
    %broadcast_in_dim3A_190 = arith.constant 0.000000e+00 : f32
    %broadcast_in_dim3A_191 = vector.broadcast %broadcast_in_dim3A_190 : f32 to vector<16xf32>
    %swap3A_192 = arith.constant 43 : i32
    %swap3A_193 = arith.index_cast %swap3A_192 : i32 to index
    %swap3A_194 = arith.constant 0 : index
    %swap3A_195 = tpu.vector_load %arg17[%swap3A_193, %swap3A_194] {strides = array<i32>} : memref<48x128xf32, #tpu.memory_space<vmem>>, vector<1x16xf32>,
    %swap3A_196 = vector.shape_cast %swap3A_195 : vector<1x16xf32> to vector<16xf32>
    %swap3A_197 = vector.shape_cast %broadcast_in_dim3A_191 : vector<16xf32> to vector<1x16xf32>
    tpu.vector_store %arg17[%swap3A_193, %swap3A_194], %swap3A_197 {strides = array<i32>} : memref<48x128xf32, #tpu.memory_space<vmem>>, vector<1x16xf32>,
    %broadcast_in_dim3A_198 = arith.constant 0.000000e+00 : f32
    %broadcast_in_dim3A_199 = vector.broadcast %broadcast_in_dim3A_198 : f32 to vector<16xf32>
    %swap3A_200 = arith.constant 43 : i32
    %swap3A_201 = arith.index_cast %swap3A_200 : i32 to index
    %swap3A_202 = arith.constant 16 : index
    %swap3A_203 = tpu.vector_load %arg17[%swap3A_201, %swap3A_202] {strides = array<i32>} : memref<48x128xf32, #tpu.memory_space<vmem>>, vector<1x16xf32>,
    %swap3A_204 = vector.shape_cast %swap3A_203 : vector<1x16xf32> to vector<16xf32>
    %swap3A_205 = vector.shape_cast %broadcast_in_dim3A_199 : vector<16xf32> to vector<1x16xf32>
    tpu.vector_store %arg17[%swap3A_201, %swap3A_202], %swap3A_205 {strides = array<i32>} : memref<48x128xf32, #tpu.memory_space<vmem>>, vector<1x16xf32>,
    %broadcast_in_dim3A_206 = arith.constant 0.000000e+00 : f32
    %broadcast_in_dim3A_207 = vector.broadcast %broadcast_in_dim3A_206 : f32 to vector<16xf32>
    %swap3A_208 = arith.constant 43 : i32
    %swap3A_209 = arith.index_cast %swap3A_208 : i32 to index
    %swap3A_210 = arith.constant 32 : index
    %swap3A_211 = tpu.vector_load %arg17[%swap3A_209, %swap3A_210] {strides = array<i32>} : memref<48x128xf32, #tpu.memory_space<vmem>>, vector<1x16xf32>,
    %swap3A_212 = vector.shape_cast %swap3A_211 : vector<1x16xf32> to vector<16xf32>
    %swap3A_213 = vector.shape_cast %broadcast_in_dim3A_207 : vector<16xf32> to vector<1x16xf32>
    tpu.vector_store %arg17[%swap3A_209, %swap3A_210], %swap3A_213 {strides = array<i32>} : memref<48x128xf32, #tpu.memory_space<vmem>>, vector<1x16xf32>,
    %broadcast_in_dim3A_214 = arith.constant 0.000000e+00 : f32
    %broadcast_in_dim3A_215 = vector.broadcast %broadcast_in_dim3A_214 : f32 to vector<16xf32>
    %swap3A_216 = arith.constant 43 : i32
    %swap3A_217 = arith.index_cast %swap3A_216 : i32 to index
    %swap3A_218 = arith.constant 48 : index
    %swap3A_219 = tpu.vector_load %arg17[%swap3A_217, %swap3A_218] {strides = array<i32>} : memref<48x128xf32, #tpu.memory_space<vmem>>, vector<1x16xf32>,
    %swap3A_220 = vector.shape_cast %swap3A_219 : vector<1x16xf32> to vector<16xf32>
    %swap3A_221 = vector.shape_cast %broadcast_in_dim3A_215 : vector<16xf32> to vector<1x16xf32>
    tpu.vector_store %arg17[%swap3A_217, %swap3A_218], %swap3A_221 {strides = array<i32>} : memref<48x128xf32, #tpu.memory_space<vmem>>, vector<1x16xf32>,
    %broadcast_in_dim3A_222 = arith.constant 0.000000e+00 : f32
    %broadcast_in_dim3A_223 = vector.broadcast %broadcast_in_dim3A_222 : f32 to vector<16xf32>
    %swap3A_224 = arith.constant 43 : i32
    %swap3A_225 = arith.index_cast %swap3A_224 : i32 to index
    %swap3A_226 = arith.constant 64 : index
    %swap3A_227 = tpu.vector_load %arg17[%swap3A_225, %swap3A_226] {strides = array<i32>} : memref<48x128xf32, #tpu.memory_space<vmem>>, vector<1x16xf32>,
    %swap3A_228 = vector.shape_cast %swap3A_227 : vector<1x16xf32> to vector<16xf32>
    %swap3A_229 = vector.shape_cast %broadcast_in_dim3A_223 : vector<16xf32> to vector<1x16xf32>
    tpu.vector_store %arg17[%swap3A_225, %swap3A_226], %swap3A_229 {strides = array<i32>} : memref<48x128xf32, #tpu.memory_space<vmem>>, vector<1x16xf32>,
    %broadcast_in_dim3A_230 = arith.constant 0.000000e+00 : f32
    %broadcast_in_dim3A_231 = vector.broadcast %broadcast_in_dim3A_230 : f32 to vector<16xf32>
    %swap3A_232 = arith.constant 43 : i32
    %swap3A_233 = arith.index_cast %swap3A_232 : i32 to index
    %swap3A_234 = arith.constant 80 : index
    %swap3A_235 = tpu.vector_load %arg17[%swap3A_233, %swap3A_234] {strides = array<i32>} : memref<48x128xf32, #tpu.memory_space<vmem>>, vector<1x16xf32>,
    %swap3A_236 = vector.shape_cast %swap3A_235 : vector<1x16xf32> to vector<16xf32>
    %swap3A_237 = vector.shape_cast %broadcast_in_dim3A_231 : vector<16xf32> to vector<1x16xf32>
    tpu.vector_store %arg17[%swap3A_233, %swap3A_234], %swap3A_237 {strides = array<i32>} : memref<48x128xf32, #tpu.memory_space<vmem>>, vector<1x16xf32>,
    %broadcast_in_dim3A_238 = arith.constant 0.000000e+00 : f32
    %broadcast_in_dim3A_239 = vector.broadcast %broadcast_in_dim3A_238 : f32 to vector<16xf32>
    %swap3A_240 = arith.constant 43 : i32
    %swap3A_241 = arith.index_cast %swap3A_240 : i32 to index
    %swap3A_242 = arith.constant 96 : index
    %swap3A_243 = tpu.vector_load %arg17[%swap3A_241, %swap3A_242] {strides = array<i32>} : memref<48x128xf32, #tpu.memory_space<vmem>>, vector<1x16xf32>,
    %swap3A_244 = vector.shape_cast %swap3A_243 : vector<1x16xf32> to vector<16xf32>
    %swap3A_245 = vector.shape_cast %broadcast_in_dim3A_239 : vector<16xf32> to vector<1x16xf32>
    tpu.vector_store %arg17[%swap3A_241, %swap3A_242], %swap3A_245 {strides = array<i32>} : memref<48x128xf32, #tpu.memory_space<vmem>>, vector<1x16xf32>,
    %broadcast_in_dim3A_246 = arith.constant 0.000000e+00 : f32
    %broadcast_in_dim3A_247 = vector.broadcast %broadcast_in_dim3A_246 : f32 to vector<16xf32>
    %swap3A_248 = arith.constant 43 : i32
    %swap3A_249 = arith.index_cast %swap3A_248 : i32 to index
    %swap3A_250 = arith.constant 112 : index
    %swap3A_251 = tpu.vector_load %arg17[%swap3A_249, %swap3A_250] {strides = array<i32>} : memref<48x128xf32, #tpu.memory_space<vmem>>, vector<1x16xf32>,
    %swap3A_252 = vector.shape_cast %swap3A_251 : vector<1x16xf32> to vector<16xf32>
    %swap3A_253 = vector.shape_cast %broadcast_in_dim3A_247 : vector<16xf32> to vector<1x16xf32>
    tpu.vector_store %arg17[%swap3A_249, %swap3A_250], %swap3A_253 {strides = array<i32>} : memref<48x128xf32, #tpu.memory_space<vmem>>, vector<1x16xf32>,
    %broadcast_in_dim3A_254 = arith.constant 0.000000e+00 : f32
    %broadcast_in_dim3A_255 = vector.broadcast %broadcast_in_dim3A_254 : f32 to vector<16xf32>
    %swap3A_256 = arith.constant 44 : i32
    %swap3A_257 = arith.index_cast %swap3A_256 : i32 to index
    %swap3A_258 = arith.constant 0 : index
    %swap3A_259 = tpu.vector_load %arg17[%swap3A_257, %swap3A_258] {strides = array<i32>} : memref<48x128xf32, #tpu.memory_space<vmem>>, vector<1x16xf32>,
    %swap3A_260 = vector.shape_cast %swap3A_259 : vector<1x16xf32> to vector<16xf32>
    %swap3A_261 = vector.shape_cast %broadcast_in_dim3A_255 : vector<16xf32> to vector<1x16xf32>
    tpu.vector_store %arg17[%swap3A_257, %swap3A_258], %swap3A_261 {strides = array<i32>} : memref<48x128xf32, #tpu.memory_space<vmem>>, vector<1x16xf32>,
    %broadcast_in_dim3A_262 = arith.constant 0.000000e+00 : f32
    %broadcast_in_dim3A_263 = vector.broadcast %broadcast_in_dim3A_262 : f32 to vector<16xf32>
    %swap3A_264 = arith.constant 44 : i32
    %swap3A_265 = arith.index_cast %swap3A_264 : i32 to index
    %swap3A_266 = arith.constant 16 : index
    %swap3A_267 = tpu.vector_load %arg17[%swap3A_265, %swap3A_266] {strides = array<i32>} : memref<48x128xf32, #tpu.memory_space<vmem>>, vector<1x16xf32>,
    %swap3A_268 = vector.shape_cast %swap3A_267 : vector<1x16xf32> to vector<16xf32>
    %swap3A_269 = vector.shape_cast %broadcast_in_dim3A_263 : vector<16xf32> to vector<1x16xf32>
    tpu.vector_store %arg17[%swap3A_265, %swap3A_266], %swap3A_269 {strides = array<i32>} : memref<48x128xf32, #tpu.memory_space<vmem>>, vector<1x16xf32>,
    %broadcast_in_dim3A_270 = arith.constant 0.000000e+00 : f32
    %broadcast_in_dim3A_271 = vector.broadcast %broadcast_in_dim3A_270 : f32 to vector<16xf32>
    %swap3A_272 = arith.constant 44 : i32
    %swap3A_273 = arith.index_cast %swap3A_272 : i32 to index
    %swap3A_274 = arith.constant 32 : index
    %swap3A_275 = tpu.vector_load %arg17[%swap3A_273, %swap3A_274] {strides = array<i32>} : memref<48x128xf32, #tpu.memory_space<vmem>>, vector<1x16xf32>,
    %swap3A_276 = vector.shape_cast %swap3A_275 : vector<1x16xf32> to vector<16xf32>
    %swap3A_277 = vector.shape_cast %broadcast_in_dim3A_271 : vector<16xf32> to vector<1x16xf32>
    tpu.vector_store %arg17[%swap3A_273, %swap3A_274], %swap3A_277 {strides = array<i32>} : memref<48x128xf32, #tpu.memory_space<vmem>>, vector<1x16xf32>,
    %broadcast_in_dim3A_278 = arith.constant 0.000000e+00 : f32
    %broadcast_in_dim3A_279 = vector.broadcast %broadcast_in_dim3A_278 : f32 to vector<16xf32>
    %swap3A_280 = arith.constant 44 : i32
    %swap3A_281 = arith.index_cast %swap3A_280 : i32 to index
    %swap3A_282 = arith.constant 48 : index
    %swap3A_283 = tpu.vector_load %arg17[%swap3A_281, %swap3A_282] {strides = array<i32>} : memref<48x128xf32, #tpu.memory_space<vmem>>, vector<1x16xf32>,
    %swap3A_284 = vector.shape_cast %swap3A_283 : vector<1x16xf32> to vector<16xf32>
    %swap3A_285 = vector.shape_cast %broadcast_in_dim3A_279 : vector<16xf32> to vector<1x16xf32>
    tpu.vector_store %arg17[%swap3A_281, %swap3A_282], %swap3A_285 {strides = array<i32>} : memref<48x128xf32, #tpu.memory_space<vmem>>, vector<1x16xf32>,
    %broadcast_in_dim3A_286 = arith.constant 0.000000e+00 : f32
    %broadcast_in_dim3A_287 = vector.broadcast %broadcast_in_dim3A_286 : f32 to vector<16xf32>
    %swap3A_288 = arith.constant 44 : i32
    %swap3A_289 = arith.index_cast %swap3A_288 : i32 to index
    %swap3A_290 = arith.constant 64 : index
    %swap3A_291 = tpu.vector_load %arg17[%swap3A_289, %swap3A_290] {strides = array<i32>} : memref<48x128xf32, #tpu.memory_space<vmem>>, vector<1x16xf32>,
    %swap3A_292 = vector.shape_cast %swap3A_291 : vector<1x16xf32> to vector<16xf32>
    %swap3A_293 = vector.shape_cast %broadcast_in_dim3A_287 : vector<16xf32> to vector<1x16xf32>
    tpu.vector_store %arg17[%swap3A_289, %swap3A_290], %swap3A_293 {strides = array<i32>} : memref<48x128xf32, #tpu.memory_space<vmem>>, vector<1x16xf32>,
    %broadcast_in_dim3A_294 = arith.constant 0.000000e+00 : f32
    %broadcast_in_dim3A_295 = vector.broadcast %broadcast_in_dim3A_294 : f32 to vector<16xf32>
    %swap3A_296 = arith.constant 44 : i32
    %swap3A_297 = arith.index_cast %swap3A_296 : i32 to index
    %swap3A_298 = arith.constant 80 : index
    %swap3A_299 = tpu.vector_load %arg17[%swap3A_297, %swap3A_298] {strides = array<i32>} : memref<48x128xf32, #tpu.memory_space<vmem>>, vector<1x16xf32>,
    %swap3A_300 = vector.shape_cast %swap3A_299 : vector<1x16xf32> to vector<16xf32>
    %swap3A_301 = vector.shape_cast %broadcast_in_dim3A_295 : vector<16xf32> to vector<1x16xf32>
    tpu.vector_store %arg17[%swap3A_297, %swap3A_298], %swap3A_301 {strides = array<i32>} : memref<48x128xf32, #tpu.memory_space<vmem>>, vector<1x16xf32>,
    %broadcast_in_dim3A_302 = arith.constant 0.000000e+00 : f32
    %broadcast_in_dim3A_303 = vector.broadcast %broadcast_in_dim3A_302 : f32 to vector<16xf32>
    %swap3A_304 = arith.constant 44 : i32
    %swap3A_305 = arith.index_cast %swap3A_304 : i32 to index
    %swap3A_306 = arith.constant 96 : index
    %swap3A_307 = tpu.vector_load %arg17[%swap3A_305, %swap3A_306] {strides = array<i32>} : memref<48x128xf32, #tpu.memory_space<vmem>>, vector<1x16xf32>,
    %swap3A_308 = vector.shape_cast %swap3A_307 : vector<1x16xf32> to vector<16xf32>
    %swap3A_309 = vector.shape_cast %broadcast_in_dim3A_303 : vector<16xf32> to vector<1x16xf32>
    tpu.vector_store %arg17[%swap3A_305, %swap3A_306], %swap3A_309 {strides = array<i32>} : memref<48x128xf32, #tpu.memory_space<vmem>>, vector<1x16xf32>,
    %broadcast_in_dim3A_310 = arith.constant 0.000000e+00 : f32
    %broadcast_in_dim3A_311 = vector.broadcast %broadcast_in_dim3A_310 : f32 to vector<16xf32>
    %swap3A_312 = arith.constant 44 : i32
    %swap3A_313 = arith.index_cast %swap3A_312 : i32 to index
    %swap3A_314 = arith.constant 112 : index
    %swap3A_315 = tpu.vector_load %arg17[%swap3A_313, %swap3A_314] {strides = array<i32>} : memref<48x128xf32, #tpu.memory_space<vmem>>, vector<1x16xf32>,
    %swap3A_316 = vector.shape_cast %swap3A_315 : vector<1x16xf32> to vector<16xf32>
    %swap3A_317 = vector.shape_cast %broadcast_in_dim3A_311 : vector<16xf32> to vector<1x16xf32>
    tpu.vector_store %arg17[%swap3A_313, %swap3A_314], %swap3A_317 {strides = array<i32>} : memref<48x128xf32, #tpu.memory_space<vmem>>, vector<1x16xf32>,
    %broadcast_in_dim3A_318 = arith.constant 0.000000e+00 : f32
    %broadcast_in_dim3A_319 = vector.broadcast %broadcast_in_dim3A_318 : f32 to vector<16xf32>
    %swap3A_320 = arith.constant 45 : i32
    %swap3A_321 = arith.index_cast %swap3A_320 : i32 to index
    %swap3A_322 = arith.constant 0 : index
    %swap3A_323 = tpu.vector_load %arg17[%swap3A_321, %swap3A_322] {strides = array<i32>} : memref<48x128xf32, #tpu.memory_space<vmem>>, vector<1x16xf32>,
    %swap3A_324 = vector.shape_cast %swap3A_323 : vector<1x16xf32> to vector<16xf32>
    %swap3A_325 = vector.shape_cast %broadcast_in_dim3A_319 : vector<16xf32> to vector<1x16xf32>
    tpu.vector_store %arg17[%swap3A_321, %swap3A_322], %swap3A_325 {strides = array<i32>} : memref<48x128xf32, #tpu.memory_space<vmem>>, vector<1x16xf32>,
    %broadcast_in_dim3A_326 = arith.constant 0.000000e+00 : f32
    %broadcast_in_dim3A_327 = vector.broadcast %broadcast_in_dim3A_326 : f32 to vector<16xf32>
    %swap3A_328 = arith.constant 45 : i32
    %swap3A_329 = arith.index_cast %swap3A_328 : i32 to index
    %swap3A_330 = arith.constant 16 : index
    %swap3A_331 = tpu.vector_load %arg17[%swap3A_329, %swap3A_330] {strides = array<i32>} : memref<48x128xf32, #tpu.memory_space<vmem>>, vector<1x16xf32>,
    %swap3A_332 = vector.shape_cast %swap3A_331 : vector<1x16xf32> to vector<16xf32>
    %swap3A_333 = vector.shape_cast %broadcast_in_dim3A_327 : vector<16xf32> to vector<1x16xf32>
    tpu.vector_store %arg17[%swap3A_329, %swap3A_330], %swap3A_333 {strides = array<i32>} : memref<48x128xf32, #tpu.memory_space<vmem>>, vector<1x16xf32>,
    %broadcast_in_dim3A_334 = arith.constant 0.000000e+00 : f32
    %broadcast_in_dim3A_335 = vector.broadcast %broadcast_in_dim3A_334 : f32 to vector<16xf32>
    %swap3A_336 = arith.constant 45 : i32
    %swap3A_337 = arith.index_cast %swap3A_336 : i32 to index
    %swap3A_338 = arith.constant 32 : index
    %swap3A_339 = tpu.vector_load %arg17[%swap3A_337, %swap3A_338] {strides = array<i32>} : memref<48x128xf32, #tpu.memory_space<vmem>>, vector<1x16xf32>,
    %swap3A_340 = vector.shape_cast %swap3A_339 : vector<1x16xf32> to vector<16xf32>
    %swap3A_341 = vector.shape_cast %broadcast_in_dim3A_335 : vector<16xf32> to vector<1x16xf32>
    tpu.vector_store %arg17[%swap3A_337, %swap3A_338], %swap3A_341 {strides = array<i32>} : memref<48x128xf32, #tpu.memory_space<vmem>>, vector<1x16xf32>,
    %broadcast_in_dim3A_342 = arith.constant 0.000000e+00 : f32
    %broadcast_in_dim3A_343 = vector.broadcast %broadcast_in_dim3A_342 : f32 to vector<16xf32>
    %swap3A_344 = arith.constant 45 : i32
    %swap3A_345 = arith.index_cast %swap3A_344 : i32 to index
    %swap3A_346 = arith.constant 48 : index
    %swap3A_347 = tpu.vector_load %arg17[%swap3A_345, %swap3A_346] {strides = array<i32>} : memref<48x128xf32, #tpu.memory_space<vmem>>, vector<1x16xf32>,
    %swap3A_348 = vector.shape_cast %swap3A_347 : vector<1x16xf32> to vector<16xf32>
    %swap3A_349 = vector.shape_cast %broadcast_in_dim3A_343 : vector<16xf32> to vector<1x16xf32>
    tpu.vector_store %arg17[%swap3A_345, %swap3A_346], %swap3A_349 {strides = array<i32>} : memref<48x128xf32, #tpu.memory_space<vmem>>, vector<1x16xf32>,
    %broadcast_in_dim3A_350 = arith.constant 0.000000e+00 : f32
    %broadcast_in_dim3A_351 = vector.broadcast %broadcast_in_dim3A_350 : f32 to vector<16xf32>
    %swap3A_352 = arith.constant 45 : i32
    %swap3A_353 = arith.index_cast %swap3A_352 : i32 to index
    %swap3A_354 = arith.constant 64 : index
    %swap3A_355 = tpu.vector_load %arg17[%swap3A_353, %swap3A_354] {strides = array<i32>} : memref<48x128xf32, #tpu.memory_space<vmem>>, vector<1x16xf32>,
    %swap3A_356 = vector.shape_cast %swap3A_355 : vector<1x16xf32> to vector<16xf32>
    %swap3A_357 = vector.shape_cast %broadcast_in_dim3A_351 : vector<16xf32> to vector<1x16xf32>
    tpu.vector_store %arg17[%swap3A_353, %swap3A_354], %swap3A_357 {strides = array<i32>} : memref<48x128xf32, #tpu.memory_space<vmem>>, vector<1x16xf32>,
    %broadcast_in_dim3A_358 = arith.constant 0.000000e+00 : f32
    %broadcast_in_dim3A_359 = vector.broadcast %broadcast_in_dim3A_358 : f32 to vector<16xf32>
    %swap3A_360 = arith.constant 45 : i32
    %swap3A_361 = arith.index_cast %swap3A_360 : i32 to index
    %swap3A_362 = arith.constant 80 : index
    %swap3A_363 = tpu.vector_load %arg17[%swap3A_361, %swap3A_362] {strides = array<i32>} : memref<48x128xf32, #tpu.memory_space<vmem>>, vector<1x16xf32>,
    %swap3A_364 = vector.shape_cast %swap3A_363 : vector<1x16xf32> to vector<16xf32>
    %swap3A_365 = vector.shape_cast %broadcast_in_dim3A_359 : vector<16xf32> to vector<1x16xf32>
    tpu.vector_store %arg17[%swap3A_361, %swap3A_362], %swap3A_365 {strides = array<i32>} : memref<48x128xf32, #tpu.memory_space<vmem>>, vector<1x16xf32>,
    %broadcast_in_dim3A_366 = arith.constant 0.000000e+00 : f32
    %broadcast_in_dim3A_367 = vector.broadcast %broadcast_in_dim3A_366 : f32 to vector<16xf32>
    %swap3A_368 = arith.constant 45 : i32
    %swap3A_369 = arith.index_cast %swap3A_368 : i32 to index
    %swap3A_370 = arith.constant 96 : index
    %swap3A_371 = tpu.vector_load %arg17[%swap3A_369, %swap3A_370] {strides = array<i32>} : memref<48x128xf32, #tpu.memory_space<vmem>>, vector<1x16xf32>,
    %swap3A_372 = vector.shape_cast %swap3A_371 : vector<1x16xf32> to vector<16xf32>
    %swap3A_373 = vector.shape_cast %broadcast_in_dim3A_367 : vector<16xf32> to vector<1x16xf32>
    tpu.vector_store %arg17[%swap3A_369, %swap3A_370], %swap3A_373 {strides = array<i32>} : memref<48x128xf32, #tpu.memory_space<vmem>>, vector<1x16xf32>,
    %broadcast_in_dim3A_374 = arith.constant 0.000000e+00 : f32
    %broadcast_in_dim3A_375 = vector.broadcast %broadcast_in_dim3A_374 : f32 to vector<16xf32>
    %swap3A_376 = arith.constant 45 : i32
    %swap3A_377 = arith.index_cast %swap3A_376 : i32 to index
    %swap3A_378 = arith.constant 112 : index
    %swap3A_379 = tpu.vector_load %arg17[%swap3A_377, %swap3A_378] {strides = array<i32>} : memref<48x128xf32, #tpu.memory_space<vmem>>, vector<1x16xf32>,
    %swap3A_380 = vector.shape_cast %swap3A_379 : vector<1x16xf32> to vector<16xf32>
    %swap3A_381 = vector.shape_cast %broadcast_in_dim3A_375 : vector<16xf32> to vector<1x16xf32>
    tpu.vector_store %arg17[%swap3A_377, %swap3A_378], %swap3A_381 {strides = array<i32>} : memref<48x128xf32, #tpu.memory_space<vmem>>, vector<1x16xf32>,
    %broadcast_in_dim3A_382 = arith.constant 0.000000e+00 : f32
    %broadcast_in_dim3A_383 = vector.broadcast %broadcast_in_dim3A_382 : f32 to vector<16xf32>
    %swap3A_384 = arith.constant 46 : i32
    %swap3A_385 = arith.index_cast %swap3A_384 : i32 to index
    %swap3A_386 = arith.constant 0 : index
    %swap3A_387 = tpu.vector_load %arg17[%swap3A_385, %swap3A_386] {strides = array<i32>} : memref<48x128xf32, #tpu.memory_space<vmem>>, vector<1x16xf32>,
    %swap3A_388 = vector.shape_cast %swap3A_387 : vector<1x16xf32> to vector<16xf32>
    %swap3A_389 = vector.shape_cast %broadcast_in_dim3A_383 : vector<16xf32> to vector<1x16xf32>
    tpu.vector_store %arg17[%swap3A_385, %swap3A_386], %swap3A_389 {strides = array<i32>} : memref<48x128xf32, #tpu.memory_space<vmem>>, vector<1x16xf32>,
    %broadcast_in_dim3A_390 = arith.constant 0.000000e+00 : f32
    %broadcast_in_dim3A_391 = vector.broadcast %broadcast_in_dim3A_390 : f32 to vector<16xf32>
    %swap3A_392 = arith.constant 46 : i32
    %swap3A_393 = arith.index_cast %swap3A_392 : i32 to index
    %swap3A_394 = arith.constant 16 : index
    %swap3A_395 = tpu.vector_load %arg17[%swap3A_393, %swap3A_394] {strides = array<i32>} : memref<48x128xf32, #tpu.memory_space<vmem>>, vector<1x16xf32>,
    %swap3A_396 = vector.shape_cast %swap3A_395 : vector<1x16xf32> to vector<16xf32>
    %swap3A_397 = vector.shape_cast %broadcast_in_dim3A_391 : vector<16xf32> to vector<1x16xf32>
    tpu.vector_store %arg17[%swap3A_393, %swap3A_394], %swap3A_397 {strides = array<i32>} : memref<48x128xf32, #tpu.memory_space<vmem>>, vector<1x16xf32>,
    %broadcast_in_dim3A_398 = arith.constant 0.000000e+00 : f32
    %broadcast_in_dim3A_399 = vector.broadcast %broadcast_in_dim3A_398 : f32 to vector<16xf32>
    %swap3A_400 = arith.constant 46 : i32
    %swap3A_401 = arith.index_cast %swap3A_400 : i32 to index
    %swap3A_402 = arith.constant 32 : index
    %swap3A_403 = tpu.vector_load %arg17[%swap3A_401, %swap3A_402] {strides = array<i32>} : memref<48x128xf32, #tpu.memory_space<vmem>>, vector<1x16xf32>,
    %swap3A_404 = vector.shape_cast %swap3A_403 : vector<1x16xf32> to vector<16xf32>
    %swap3A_405 = vector.shape_cast %broadcast_in_dim3A_399 : vector<16xf32> to vector<1x16xf32>
    tpu.vector_store %arg17[%swap3A_401, %swap3A_402], %swap3A_405 {strides = array<i32>} : memref<48x128xf32, #tpu.memory_space<vmem>>, vector<1x16xf32>,
    %broadcast_in_dim3A_406 = arith.constant 0.000000e+00 : f32
    %broadcast_in_dim3A_407 = vector.broadcast %broadcast_in_dim3A_406 : f32 to vector<16xf32>
    %swap3A_408 = arith.constant 46 : i32
    %swap3A_409 = arith.index_cast %swap3A_408 : i32 to index
    %swap3A_410 = arith.constant 48 : index
    %swap3A_411 = tpu.vector_load %arg17[%swap3A_409, %swap3A_410] {strides = array<i32>} : memref<48x128xf32, #tpu.memory_space<vmem>>, vector<1x16xf32>,
    %swap3A_412 = vector.shape_cast %swap3A_411 : vector<1x16xf32> to vector<16xf32>
    %swap3A_413 = vector.shape_cast %broadcast_in_dim3A_407 : vector<16xf32> to vector<1x16xf32>
    tpu.vector_store %arg17[%swap3A_409, %swap3A_410], %swap3A_413 {strides = array<i32>} : memref<48x128xf32, #tpu.memory_space<vmem>>, vector<1x16xf32>,
    %broadcast_in_dim3A_414 = arith.constant 0.000000e+00 : f32
    %broadcast_in_dim3A_415 = vector.broadcast %broadcast_in_dim3A_414 : f32 to vector<16xf32>
    %swap3A_416 = arith.constant 46 : i32
    %swap3A_417 = arith.index_cast %swap3A_416 : i32 to index
    %swap3A_418 = arith.constant 64 : index
    %swap3A_419 = tpu.vector_load %arg17[%swap3A_417, %swap3A_418] {strides = array<i32>} : memref<48x128xf32, #tpu.memory_space<vmem>>, vector<1x16xf32>,
    %swap3A_420 = vector.shape_cast %swap3A_419 : vector<1x16xf32> to vector<16xf32>
    %swap3A_421 = vector.shape_cast %broadcast_in_dim3A_415 : vector<16xf32> to vector<1x16xf32>
    tpu.vector_store %arg17[%swap3A_417, %swap3A_418], %swap3A_421 {strides = array<i32>} : memref<48x128xf32, #tpu.memory_space<vmem>>, vector<1x16xf32>,
    %broadcast_in_dim3A_422 = arith.constant 0.000000e+00 : f32
    %broadcast_in_dim3A_423 = vector.broadcast %broadcast_in_dim3A_422 : f32 to vector<16xf32>
    %swap3A_424 = arith.constant 46 : i32
    %swap3A_425 = arith.index_cast %swap3A_424 : i32 to index
    %swap3A_426 = arith.constant 80 : index
    %swap3A_427 = tpu.vector_load %arg17[%swap3A_425, %swap3A_426] {strides = array<i32>} : memref<48x128xf32, #tpu.memory_space<vmem>>, vector<1x16xf32>,
    %swap3A_428 = vector.shape_cast %swap3A_427 : vector<1x16xf32> to vector<16xf32>
    %swap3A_429 = vector.shape_cast %broadcast_in_dim3A_423 : vector<16xf32> to vector<1x16xf32>
    tpu.vector_store %arg17[%swap3A_425, %swap3A_426], %swap3A_429 {strides = array<i32>} : memref<48x128xf32, #tpu.memory_space<vmem>>, vector<1x16xf32>,
    %broadcast_in_dim3A_430 = arith.constant 0.000000e+00 : f32
    %broadcast_in_dim3A_431 = vector.broadcast %broadcast_in_dim3A_430 : f32 to vector<16xf32>
    %swap3A_432 = arith.constant 46 : i32
    %swap3A_433 = arith.index_cast %swap3A_432 : i32 to index
    %swap3A_434 = arith.constant 96 : index
    %swap3A_435 = tpu.vector_load %arg17[%swap3A_433, %swap3A_434] {strides = array<i32>} : memref<48x128xf32, #tpu.memory_space<vmem>>, vector<1x16xf32>,
    %swap3A_436 = vector.shape_cast %swap3A_435 : vector<1x16xf32> to vector<16xf32>
    %swap3A_437 = vector.shape_cast %broadcast_in_dim3A_431 : vector<16xf32> to vector<1x16xf32>
    tpu.vector_store %arg17[%swap3A_433, %swap3A_434], %swap3A_437 {strides = array<i32>} : memref<48x128xf32, #tpu.memory_space<vmem>>, vector<1x16xf32>,
    %broadcast_in_dim3A_438 = arith.constant 0.000000e+00 : f32
    %broadcast_in_dim3A_439 = vector.broadcast %broadcast_in_dim3A_438 : f32 to vector<16xf32>
    %swap3A_440 = arith.constant 46 : i32
    %swap3A_441 = arith.index_cast %swap3A_440 : i32 to index
    %swap3A_442 = arith.constant 112 : index
    %swap3A_443 = tpu.vector_load %arg17[%swap3A_441, %swap3A_442] {strides = array<i32>} : memref<48x128xf32, #tpu.memory_space<vmem>>, vector<1x16xf32>,
    %swap3A_444 = vector.shape_cast %swap3A_443 : vector<1x16xf32> to vector<16xf32>
    %swap3A_445 = vector.shape_cast %broadcast_in_dim3A_439 : vector<16xf32> to vector<1x16xf32>
    tpu.vector_store %arg17[%swap3A_441, %swap3A_442], %swap3A_445 {strides = array<i32>} : memref<48x128xf32, #tpu.memory_space<vmem>>, vector<1x16xf32>,
    %broadcast_in_dim3A_446 = arith.constant 0.000000e+00 : f32
    %broadcast_in_dim3A_447 = vector.broadcast %broadcast_in_dim3A_446 : f32 to vector<16xf32>
    %swap3A_448 = arith.constant 47 : i32
    %swap3A_449 = arith.index_cast %swap3A_448 : i32 to index
    %swap3A_450 = arith.constant 0 : index
    %swap3A_451 = tpu.vector_load %arg17[%swap3A_449, %swap3A_450] {strides = array<i32>} : memref<48x128xf32, #tpu.memory_space<vmem>>, vector<1x16xf32>,
    %swap3A_452 = vector.shape_cast %swap3A_451 : vector<1x16xf32> to vector<16xf32>
    %swap3A_453 = vector.shape_cast %broadcast_in_dim3A_447 : vector<16xf32> to vector<1x16xf32>
    tpu.vector_store %arg17[%swap3A_449, %swap3A_450], %swap3A_453 {strides = array<i32>} : memref<48x128xf32, #tpu.memory_space<vmem>>, vector<1x16xf32>,
    %broadcast_in_dim3A_454 = arith.constant 0.000000e+00 : f32
    %broadcast_in_dim3A_455 = vector.broadcast %broadcast_in_dim3A_454 : f32 to vector<16xf32>
    %swap3A_456 = arith.constant 47 : i32
    %swap3A_457 = arith.index_cast %swap3A_456 : i32 to index
    %swap3A_458 = arith.constant 16 : index
    %swap3A_459 = tpu.vector_load %arg17[%swap3A_457, %swap3A_458] {strides = array<i32>} : memref<48x128xf32, #tpu.memory_space<vmem>>, vector<1x16xf32>,
    %swap3A_460 = vector.shape_cast %swap3A_459 : vector<1x16xf32> to vector<16xf32>
    %swap3A_461 = vector.shape_cast %broadcast_in_dim3A_455 : vector<16xf32> to vector<1x16xf32>
    tpu.vector_store %arg17[%swap3A_457, %swap3A_458], %swap3A_461 {strides = array<i32>} : memref<48x128xf32, #tpu.memory_space<vmem>>, vector<1x16xf32>,
    %broadcast_in_dim3A_462 = arith.constant 0.000000e+00 : f32
    %broadcast_in_dim3A_463 = vector.broadcast %broadcast_in_dim3A_462 : f32 to vector<16xf32>
    %swap3A_464 = arith.constant 47 : i32
    %swap3A_465 = arith.index_cast %swap3A_464 : i32 to index
    %swap3A_466 = arith.constant 32 : index
    %swap3A_467 = tpu.vector_load %arg17[%swap3A_465, %swap3A_466] {strides = array<i32>} : memref<48x128xf32, #tpu.memory_space<vmem>>, vector<1x16xf32>,
    %swap3A_468 = vector.shape_cast %swap3A_467 : vector<1x16xf32> to vector<16xf32>
    %swap3A_469 = vector.shape_cast %broadcast_in_dim3A_463 : vector<16xf32> to vector<1x16xf32>
    tpu.vector_store %arg17[%swap3A_465, %swap3A_466], %swap3A_469 {strides = array<i32>} : memref<48x128xf32, #tpu.memory_space<vmem>>, vector<1x16xf32>,
    %broadcast_in_dim3A_470 = arith.constant 0.000000e+00 : f32
    %broadcast_in_dim3A_471 = vector.broadcast %broadcast_in_dim3A_470 : f32 to vector<16xf32>
    %swap3A_472 = arith.constant 47 : i32
    %swap3A_473 = arith.index_cast %swap3A_472 : i32 to index
    %swap3A_474 = arith.constant 48 : index
    %swap3A_475 = tpu.vector_load %arg17[%swap3A_473, %swap3A_474] {strides = array<i32>} : memref<48x128xf32, #tpu.memory_space<vmem>>, vector<1x16xf32>,
    %swap3A_476 = vector.shape_cast %swap3A_475 : vector<1x16xf32> to vector<16xf32>
    %swap3A_477 = vector.shape_cast %broadcast_in_dim3A_471 : vector<16xf32> to vector<1x16xf32>
    tpu.vector_store %arg17[%swap3A_473, %swap3A_474], %swap3A_477 {strides = array<i32>} : memref<48x128xf32, #tpu.memory_space<vmem>>, vector<1x16xf32>,
    %broadcast_in_dim3A_478 = arith.constant 0.000000e+00 : f32
    %broadcast_in_dim3A_479 = vector.broadcast %broadcast_in_dim3A_478 : f32 to vector<16xf32>
    %swap3A_480 = arith.constant 47 : i32
    %swap3A_481 = arith.index_cast %swap3A_480 : i32 to index
    %swap3A_482 = arith.constant 64 : index
    %swap3A_483 = tpu.vector_load %arg17[%swap3A_481, %swap3A_482] {strides = array<i32>} : memref<48x128xf32, #tpu.memory_space<vmem>>, vector<1x16xf32>,
    %swap3A_484 = vector.shape_cast %swap3A_483 : vector<1x16xf32> to vector<16xf32>
    %swap3A_485 = vector.shape_cast %broadcast_in_dim3A_479 : vector<16xf32> to vector<1x16xf32>
    tpu.vector_store %arg17[%swap3A_481, %swap3A_482], %swap3A_485 {strides = array<i32>} : memref<48x128xf32, #tpu.memory_space<vmem>>, vector<1x16xf32>,
    %broadcast_in_dim3A_486 = arith.constant 0.000000e+00 : f32
    %broadcast_in_dim3A_487 = vector.broadcast %broadcast_in_dim3A_486 : f32 to vector<16xf32>
    %swap3A_488 = arith.constant 47 : i32
    %swap3A_489 = arith.index_cast %swap3A_488 : i32 to index
    %swap3A_490 = arith.constant 80 : index
    %swap3A_491 = tpu.vector_load %arg17[%swap3A_489, %swap3A_490] {strides = array<i32>} : memref<48x128xf32, #tpu.memory_space<vmem>>, vector<1x16xf32>,
    %swap3A_492 = vector.shape_cast %swap3A_491 : vector<1x16xf32> to vector<16xf32>
    %swap3A_493 = vector.shape_cast %broadcast_in_dim3A_487 : vector<16xf32> to vector<1x16xf32>
    tpu.vector_store %arg17[%swap3A_489, %swap3A_490], %swap3A_493 {strides = array<i32>} : memref<48x128xf32, #tpu.memory_space<vmem>>, vector<1x16xf32>,
    %broadcast_in_dim3A_494 = arith.constant 0.000000e+00 : f32
    %broadcast_in_dim3A_495 = vector.broadcast %broadcast_in_dim3A_494 : f32 to vector<16xf32>
    %swap3A_496 = arith.constant 47 : i32
    %swap3A_497 = arith.index_cast %swap3A_496 : i32 to index
    %swap3A_498 = arith.constant 96 : index
    %swap3A_499 = tpu.vector_load %arg17[%swap3A_497, %swap3A_498] {strides = array<i32>} : memref<48x128xf32, #tpu.memory_space<vmem>>, vector<1x16xf32>,
    %swap3A_500 = vector.shape_cast %swap3A_499 : vector<1x16xf32> to vector<16xf32>
    %swap3A_501 = vector.shape_cast %broadcast_in_dim3A_495 : vector<16xf32> to vector<1x16xf32>
    tpu.vector_store %arg17[%swap3A_497, %swap3A_498], %swap3A_501 {strides = array<i32>} : memref<48x128xf32, #tpu.memory_space<vmem>>, vector<1x16xf32>,
    %broadcast_in_dim3A_502 = arith.constant 0.000000e+00 : f32
    %broadcast_in_dim3A_503 = vector.broadcast %broadcast_in_dim3A_502 : f32 to vector<16xf32>
    %swap3A_504 = arith.constant 47 : i32
    %swap3A_505 = arith.index_cast %swap3A_504 : i32 to index
    %swap3A_506 = arith.constant 112 : index
    %swap3A_507 = tpu.vector_load %arg17[%swap3A_505, %swap3A_506] {strides = array<i32>} : memref<48x128xf32, #tpu.memory_space<vmem>>, vector<1x16xf32>,
    %swap3A_508 = vector.shape_cast %swap3A_507 : vector<1x16xf32> to vector<16xf32>
    %swap3A_509 = vector.shape_cast %broadcast_in_dim3A_503 : vector<16xf32> to vector<1x16xf32>
    tpu.vector_store %arg17[%swap3A_505, %swap3A_506], %swap3A_509 {strides = array<i32>} : memref<48x128xf32, #tpu.memory_space<vmem>>, vector<1x16xf32>,
    %broadcast_in_dim3A_510 = arith.constant 0 : i32
    %broadcast_in_dim3A_511 = vector.broadcast %broadcast_in_dim3A_510 : i32 to vector<16xi32>
    %swap3A_512 = arith.constant 80 : index
    %swap3A_513 = tpu.vector_load %arg10[%swap3A_512] {strides = array<i32>} : memref<96xi32, #tpu.memory_space<vmem>>, vector<16xi32>,
    %swap3A_514 = vector.shape_cast %swap3A_513 : vector<16xi32> to vector<16xi32>
    %swap3A_515 = vector.shape_cast %broadcast_in_dim3A_511 : vector<16xi32> to vector<16xi32>
    tpu.vector_store %arg10[%swap3A_512], %swap3A_515 {strides = array<i32>} : memref<96xi32, #tpu.memory_space<vmem>>, vector<16xi32>,
    %mul3A = arith.constant 2 : i32
    %mul3A_516 = arith.muli %mul3A, %arg0 : i32
    %add3A = arith.constant 0 : i32
    %add3A_517 = arith.addi %mul3A_516, %add3A : i32
    %mul3A_518 = arith.constant 624 : i32
    %mul3A_519 = arith.muli %arg1, %mul3A_518 : i32
    %mul3A_520 = arith.constant 624 : i32
    %mul3A_521 = arith.muli %arg1, %mul3A_520 : i32
    "tpu.region"() ({
      %run_scoped3A = tpu.sem_alloc : memref<!tpu.dma_semaphore, #tpu.memory_space<semaphore_mem>>
      %dma_start3A = arith.constant 0 : i32
      %dma_start3A_573 = tpu.memref_slice %arg18[%mul3A_521, %dma_start3A] : memref<10000x128xf32, #tpu.memory_space<vmem_shared>> -> memref<624x128xf32, #tpu.memory_space<vmem_shared>>
      %dma_start3A_574 = arith.constant 0 : i32
      %dma_start3A_575 = tpu.memref_slice %arg7[%mul3A_519, %dma_start3A_574] : memref<10000x128xf32, #tpu.memory_space<hbm>> -> memref<624x128xf32, #tpu.memory_space<hbm>>
      tpu.enqueue_dma source(%dma_start3A_575 : memref<624x128xf32, #tpu.memory_space<hbm>>) target(%dma_start3A_573 : memref<624x128xf32, #tpu.memory_space<vmem_shared>>) target_semaphore(%run_scoped3A : memref<!tpu.dma_semaphore, #tpu.memory_space<semaphore_mem>>)
      %dma_wait3A = arith.constant 0 : i32
      %dma_wait3A_576 = tpu.memref_slice %arg18[%mul3A_521, %dma_wait3A] : memref<10000x128xf32, #tpu.memory_space<vmem_shared>> -> memref<624x128xf32, #tpu.memory_space<vmem_shared>>
      %dma_wait3A_577 = arith.constant 0 : i32
      %dma_wait3A_578 = tpu.memref_slice %arg7[%mul3A_519, %dma_wait3A_577] : memref<10000x128xf32, #tpu.memory_space<hbm>> -> memref<624x128xf32, #tpu.memory_space<hbm>>
      tpu.wait_dma2 semaphore(%run_scoped3A : memref<!tpu.dma_semaphore, #tpu.memory_space<semaphore_mem>>) src(%dma_wait3A_578 : memref<624x128xf32, #tpu.memory_space<hbm>>) dst(%dma_wait3A_576 : memref<624x128xf32, #tpu.memory_space<vmem_shared>>)
      tpu.yield
    }) : () -> ()
    %eq3A = arith.constant 0 : i32
    %eq3A_522 = arith.cmpi eq, %arg1, %eq3A : i32
    %convert_element_type3A = arith.extui %eq3A_522 : i1 to i32
    %cond3A = arith.constant 0 : i32
    %cond3A_523 = arith.cmpi ne, %convert_element_type3A, %cond3A : i32
    scf.if %cond3A_523 {
      "tpu.region"() ({
        %run_scoped3A = tpu.sem_alloc : memref<!tpu.dma_semaphore, #tpu.memory_space<semaphore_mem>>
        %dma_start3A = arith.constant 9984 : i32
        %dma_start3A_573 = arith.constant 0 : i32
        %dma_start3A_574 = tpu.memref_slice %arg18[%dma_start3A, %dma_start3A_573] : memref<10000x128xf32, #tpu.memory_space<vmem_shared>> -> memref<16x128xf32, #tpu.memory_space<vmem_shared>>
        %dma_start3A_575 = arith.constant 9984 : i32
        %dma_start3A_576 = arith.constant 0 : i32
        %dma_start3A_577 = tpu.memref_slice %arg7[%dma_start3A_575, %dma_start3A_576] : memref<10000x128xf32, #tpu.memory_space<hbm>> -> memref<16x128xf32, #tpu.memory_space<hbm>>
        tpu.enqueue_dma source(%dma_start3A_577 : memref<16x128xf32, #tpu.memory_space<hbm>>) target(%dma_start3A_574 : memref<16x128xf32, #tpu.memory_space<vmem_shared>>) target_semaphore(%run_scoped3A : memref<!tpu.dma_semaphore, #tpu.memory_space<semaphore_mem>>)
        %dma_wait3A = arith.constant 9984 : i32
        %dma_wait3A_578 = arith.constant 0 : i32
        %dma_wait3A_579 = tpu.memref_slice %arg18[%dma_wait3A, %dma_wait3A_578] : memref<10000x128xf32, #tpu.memory_space<vmem_shared>> -> memref<16x128xf32, #tpu.memory_space<vmem_shared>>
        %dma_wait3A_580 = arith.constant 9984 : i32
        %dma_wait3A_581 = arith.constant 0 : i32
        %dma_wait3A_582 = tpu.memref_slice %arg7[%dma_wait3A_580, %dma_wait3A_581] : memref<10000x128xf32, #tpu.memory_space<hbm>> -> memref<16x128xf32, #tpu.memory_space<hbm>>
        tpu.wait_dma2 semaphore(%run_scoped3A : memref<!tpu.dma_semaphore, #tpu.memory_space<semaphore_mem>>) src(%dma_wait3A_582 : memref<16x128xf32, #tpu.memory_space<hbm>>) dst(%dma_wait3A_579 : memref<16x128xf32, #tpu.memory_space<vmem_shared>>)
        tpu.yield
      }) : () -> ()
    } else {
    }
    %barrier3A = arith.constant 0 : index
    tpu.barrier barrier_id(%barrier3A)
    %scan3A = arith.constant 0 : i32
    %scan3A_524 = arith.constant 250 : i32
    %scan3A_525 = arith.addi %scan3A, %scan3A_524 : i32
    %scan3A_526 = arith.constant 1 : i32
    scf.for %scan3A_573 = %scan3A to %scan3A_525 step %scan3A_526  : i32 {
      %mul3A_574 = arith.constant 1 : i32
      %mul3A_575 = arith.muli %scan3A_573, %mul3A_574 : i32
      %add3A_576 = arith.constant 0 : i32
      %add3A_577 = arith.addi %add3A_576, %mul3A_575 : i32
      %mul3A_578 = arith.constant 20000 : i32
      %mul3A_579 = arith.muli %arg1, %mul3A_578 : i32
      %mul3A_580 = arith.constant 80 : i32
      %mul3A_581 = arith.muli %add3A_577, %mul3A_580 : i32
      %add3A_582 = arith.addi %mul3A_579, %mul3A_581 : i32
      %dma_start3A = arith.constant 0 : i32
      %dma_start3A_583 = tpu.memref_slice %arg9[%dma_start3A] : memref<80xi32, #tpu.memory_space<vmem>> -> memref<80xi32, #tpu.memory_space<vmem>>
      %dma_start3A_584 = tpu.memref_slice %arg4[%add3A_582] : memref<320000xi32, #tpu.memory_space<hbm>> -> memref<80xi32, #tpu.memory_space<hbm>>
      %dma_start3A_585 = arith.constant 0 : i32
      %dma_start3A_586 = tpu.memref_slice %arg9[%dma_start3A_585] : memref<80xi32, #tpu.memory_space<vmem>> -> memref<80xi32, #tpu.memory_space<vmem>>
      %dma_start3A_587 = tpu.memref_slice %arg4[%add3A_582] : memref<320000xi32, #tpu.memory_space<hbm>> -> memref<80xi32, #tpu.memory_space<hbm>>
      tpu.enqueue_dma source(%dma_start3A_587 : memref<80xi32, #tpu.memory_space<hbm>>) target(%dma_start3A_586 : memref<80xi32, #tpu.memory_space<vmem>>) target_semaphore(%arg19 : memref<!tpu.dma_semaphore, #tpu.memory_space<semaphore_mem>>)
      %dma_start3A_588 = arith.constant 0 : i32
      %dma_start3A_589 = tpu.memref_slice %arg10[%dma_start3A_588] : memref<96xi32, #tpu.memory_space<vmem>> -> memref<80xi32, #tpu.memory_space<vmem>>
      %dma_start3A_590 = tpu.memref_slice %arg5[%add3A_582] : memref<320000xi32, #tpu.memory_space<hbm>> -> memref<80xi32, #tpu.memory_space<hbm>>
      %dma_start3A_591 = arith.constant 0 : i32
      %dma_start3A_592 = tpu.memref_slice %arg10[%dma_start3A_591] : memref<96xi32, #tpu.memory_space<vmem>> -> memref<80xi32, #tpu.memory_space<vmem>>
      %dma_start3A_593 = tpu.memref_slice %arg5[%add3A_582] : memref<320000xi32, #tpu.memory_space<hbm>> -> memref<80xi32, #tpu.memory_space<hbm>>
      tpu.enqueue_dma source(%dma_start3A_593 : memref<80xi32, #tpu.memory_space<hbm>>) target(%dma_start3A_592 : memref<80xi32, #tpu.memory_space<vmem>>) target_semaphore(%arg20 : memref<!tpu.dma_semaphore, #tpu.memory_space<semaphore_mem>>)
      %mul3A_594 = arith.constant 320000 : i32
      %mul3A_595 = arith.muli %add3A_517, %mul3A_594 : i32
      %add3A_596 = arith.addi %mul3A_595, %add3A_582 : i32
      %dma_start3A_597 = arith.constant 0 : i32
      %dma_start3A_598 = tpu.memref_slice %arg3[%add3A_596, %dma_start3A_597] : memref<1280000x96xf32, #tpu.memory_space<hbm>> -> memref<80x96xf32, #tpu.memory_space<hbm>>
      %dma_start3A_599 = arith.constant 0 : i32
      %dma_start3A_600 = tpu.memref_slice %arg3[%add3A_596, %dma_start3A_599] : memref<1280000x96xf32, #tpu.memory_space<hbm>> -> memref<80x96xf32, #tpu.memory_space<hbm>>
      tpu.enqueue_dma source(%dma_start3A_600 : memref<80x96xf32, #tpu.memory_space<hbm>>) target(%arg15 : memref<80x96xf32, #tpu.memory_space<vmem>>) target_semaphore(%arg21 : memref<!tpu.dma_semaphore, #tpu.memory_space<semaphore_mem>>)
      %mul3A_601 = arith.constant 3 : i32
      %mul3A_602 = arith.muli %mul3A_601, %add3A_582 : i32
      %dma_start3A_603 = arith.constant 0 : i32
      %dma_start3A_604 = tpu.memref_slice %arg16[%dma_start3A_603] : memref<256xf32, #tpu.memory_space<vmem>> -> memref<240xf32, #tpu.memory_space<vmem>>
      %dma_start3A_605 = tpu.memref_slice %arg6[%mul3A_602] : memref<960000xf32, #tpu.memory_space<hbm>> -> memref<240xf32, #tpu.memory_space<hbm>>
      %dma_start3A_606 = arith.constant 0 : i32
      %dma_start3A_607 = tpu.memref_slice %arg16[%dma_start3A_606] : memref<256xf32, #tpu.memory_space<vmem>> -> memref<240xf32, #tpu.memory_space<vmem>>
      %dma_start3A_608 = tpu.memref_slice %arg6[%mul3A_602] : memref<960000xf32, #tpu.memory_space<hbm>> -> memref<240xf32, #tpu.memory_space<hbm>>
      tpu.enqueue_dma source(%dma_start3A_608 : memref<240xf32, #tpu.memory_space<hbm>>) target(%dma_start3A_607 : memref<240xf32, #tpu.memory_space<vmem>>) target_semaphore(%arg22 : memref<!tpu.dma_semaphore, #tpu.memory_space<semaphore_mem>>)
      %dma_wait3A = arith.constant 0 : i32
      %dma_wait3A_609 = tpu.memref_slice %arg9[%dma_wait3A] : memref<80xi32, #tpu.memory_space<vmem>> -> memref<80xi32, #tpu.memory_space<vmem>>
      %dma_wait3A_610 = tpu.memref_slice %arg4[%add3A_582] : memref<320000xi32, #tpu.memory_space<hbm>> -> memref<80xi32, #tpu.memory_space<hbm>>
      %dma_wait3A_611 = arith.constant 0 : i32
      %dma_wait3A_612 = tpu.memref_slice %arg9[%dma_wait3A_611] : memref<80xi32, #tpu.memory_space<vmem>> -> memref<80xi32, #tpu.memory_space<vmem>>
      %dma_wait3A_613 = tpu.memref_slice %arg4[%add3A_582] : memref<320000xi32, #tpu.memory_space<hbm>> -> memref<80xi32, #tpu.memory_space<hbm>>
      tpu.wait_dma2 semaphore(%arg19 : memref<!tpu.dma_semaphore, #tpu.memory_space<semaphore_mem>>) src(%dma_wait3A_613 : memref<80xi32, #tpu.memory_space<hbm>>) dst(%dma_wait3A_612 : memref<80xi32, #tpu.memory_space<vmem>>)
      %scan3A_614 = arith.constant 0 : i32
      %scan3A_615 = arith.constant 5 : i32
      %scan3A_616 = arith.addi %scan3A_614, %scan3A_615 : i32
      %scan3A_617 = arith.constant 1 : i32
      scf.for %scan3A_706 = %scan3A_614 to %scan3A_616 step %scan3A_617  : i32 {
        %mul3A_707 = arith.constant 1 : i32
        %mul3A_708 = arith.muli %scan3A_706, %mul3A_707 : i32
        %add3A_709 = arith.constant 0 : i32
        %add3A_710 = arith.addi %add3A_709, %mul3A_708 : i32
        %mul3A_711 = arith.constant 16 : i32
        %mul3A_712 = arith.muli %add3A_710, %mul3A_711 : i32
        %get3A_713 = arith.index_cast %mul3A_712 : i32 to index
        %get3A_714 = tpu.vector_load %arg9[%get3A_713] {strides = array<i32>} : memref<80xi32, #tpu.memory_space<vmem>>, vector<16xi32>,
        %get3A_715 = vector.shape_cast %get3A_714 : vector<16xi32> to vector<16xi32>
        %mul3A_716 = arith.constant 10000 : i32
        %mul3A_717 = arith.muli %add3A_517, %mul3A_716 : i32
        %add3A_718 = vector.broadcast %mul3A_717 : i32 to vector<16xi32>
        %add3A_719 = arith.addi %get3A_715, %add3A_718 : vector<16xi32>
        %mul3A_720 = arith.constant 16 : i32
        %mul3A_721 = arith.muli %add3A_710, %mul3A_720 : i32
        %swap3A_722 = arith.index_cast %mul3A_721 : i32 to index
        %swap3A_723 = tpu.vector_load %arg9[%swap3A_722] {strides = array<i32>} : memref<80xi32, #tpu.memory_space<vmem>>, vector<16xi32>,
        %swap3A_724 = vector.shape_cast %swap3A_723 : vector<16xi32> to vector<16xi32>
        %swap3A_725 = vector.shape_cast %add3A_719 : vector<16xi32> to vector<16xi32>
        tpu.vector_store %arg9[%swap3A_722], %swap3A_725 {strides = array<i32>} : memref<80xi32, #tpu.memory_space<vmem>>, vector<16xi32>,
      }
      %scan3A_618 = arith.constant 5 : i32
      %dma_start3A_619 = arith.constant 0 : i32
      %dma_start3A_620 = tpu.memref_slice %arg9[%dma_start3A_619] : memref<80xi32, #tpu.memory_space<vmem>> -> memref<40xi32, #tpu.memory_space<vmem>>
      %dma_start3A_621 = arith.constant 0 : i32
      %dma_start3A_622 = arith.constant 0 : i32
      %dma_start3A_623 = tpu.memref_slice %arg2[%dma_start3A_621, %dma_start3A_622] : memref<40000x256xf32, #tpu.memory_space<hbm>> -> memref<40000x256xf32, #tpu.memory_space<hbm>>
      tpu.enqueue_indirect_dma source(%dma_start3A_623 : memref<40000x256xf32, #tpu.memory_space<hbm>>) target(%arg13 : memref<40x256xf32, #tpu.memory_space<vmem>>) offsets(%dma_start3A_620 : memref<40xi32, #tpu.memory_space<vmem>>) semaphore(%arg23 : memref<!tpu.dma_semaphore, #tpu.memory_space<semaphore_mem>>)
      %dma_start3A_624 = arith.constant 40 : i32
      %dma_start3A_625 = tpu.memref_slice %arg9[%dma_start3A_624] : memref<80xi32, #tpu.memory_space<vmem>> -> memref<40xi32, #tpu.memory_space<vmem>>
      %dma_start3A_626 = arith.constant 0 : i32
      %dma_start3A_627 = arith.constant 0 : i32
      %dma_start3A_628 = tpu.memref_slice %arg2[%dma_start3A_626, %dma_start3A_627] : memref<40000x256xf32, #tpu.memory_space<hbm>> -> memref<40000x256xf32, #tpu.memory_space<hbm>>
      tpu.enqueue_indirect_dma source(%dma_start3A_628 : memref<40000x256xf32, #tpu.memory_space<hbm>>) target(%arg14 : memref<40x256xf32, #tpu.memory_space<vmem>>) offsets(%dma_start3A_625 : memref<40xi32, #tpu.memory_space<vmem>>) semaphore(%arg24 : memref<!tpu.dma_semaphore, #tpu.memory_space<semaphore_mem>>)
      %dma_wait3A_629 = arith.constant 0 : i32
      %dma_wait3A_630 = tpu.memref_slice %arg10[%dma_wait3A_629] : memref<96xi32, #tpu.memory_space<vmem>> -> memref<80xi32, #tpu.memory_space<vmem>>
      %dma_wait3A_631 = tpu.memref_slice %arg5[%add3A_582] : memref<320000xi32, #tpu.memory_space<hbm>> -> memref<80xi32, #tpu.memory_space<hbm>>
      %dma_wait3A_632 = arith.constant 0 : i32
      %dma_wait3A_633 = tpu.memref_slice %arg10[%dma_wait3A_632] : memref<96xi32, #tpu.memory_space<vmem>> -> memref<80xi32, #tpu.memory_space<vmem>>
      %dma_wait3A_634 = tpu.memref_slice %arg5[%add3A_582] : memref<320000xi32, #tpu.memory_space<hbm>> -> memref<80xi32, #tpu.memory_space<hbm>>
      tpu.wait_dma2 semaphore(%arg20 : memref<!tpu.dma_semaphore, #tpu.memory_space<semaphore_mem>>) src(%dma_wait3A_634 : memref<80xi32, #tpu.memory_space<hbm>>) dst(%dma_wait3A_633 : memref<80xi32, #tpu.memory_space<vmem>>)
      %get3A = arith.constant 0 : index
      %get3A_635 = tpu.vector_load %arg10[%get3A] {strides = array<i32>} : memref<96xi32, #tpu.memory_space<vmem>>, vector<16xi32>,
      %get3A_636 = vector.shape_cast %get3A_635 : vector<16xi32> to vector<16xi32>
      %swap3A_637 = arith.constant 0 : index
      %swap3A_638 = tpu.vector_load %arg11[%swap3A_637] {strides = array<i32>} : memref<48xi32, #tpu.memory_space<vmem>>, vector<16xi32>,
      %swap3A_639 = vector.shape_cast %swap3A_638 : vector<16xi32> to vector<16xi32>
      %swap3A_640 = vector.shape_cast %get3A_636 : vector<16xi32> to vector<16xi32>
      tpu.vector_store %arg11[%swap3A_637], %swap3A_640 {strides = array<i32>} : memref<48xi32, #tpu.memory_space<vmem>>, vector<16xi32>,
      %get3A_641 = arith.constant 40 : index
      %get3A_642 = tpu.vector_load %arg10[%get3A_641] {strides = array<i32>} : memref<96xi32, #tpu.memory_space<vmem>>, vector<16xi32>,
      %get3A_643 = vector.shape_cast %get3A_642 : vector<16xi32> to vector<16xi32>
      %swap3A_644 = arith.constant 0 : index
      %swap3A_645 = tpu.vector_load %arg12[%swap3A_644] {strides = array<i32>} : memref<48xi32, #tpu.memory_space<vmem>>, vector<16xi32>,
      %swap3A_646 = vector.shape_cast %swap3A_645 : vector<16xi32> to vector<16xi32>
      %swap3A_647 = vector.shape_cast %get3A_643 : vector<16xi32> to vector<16xi32>
      tpu.vector_store %arg12[%swap3A_644], %swap3A_647 {strides = array<i32>} : memref<48xi32, #tpu.memory_space<vmem>>, vector<16xi32>,
      %get3A_648 = arith.constant 16 : index
      %get3A_649 = tpu.vector_load %arg10[%get3A_648] {strides = array<i32>} : memref<96xi32, #tpu.memory_space<vmem>>, vector<16xi32>,
      %get3A_650 = vector.shape_cast %get3A_649 : vector<16xi32> to vector<16xi32>
      %swap3A_651 = arith.constant 16 : index
      %swap3A_652 = tpu.vector_load %arg11[%swap3A_651] {strides = array<i32>} : memref<48xi32, #tpu.memory_space<vmem>>, vector<16xi32>,
      %swap3A_653 = vector.shape_cast %swap3A_652 : vector<16xi32> to vector<16xi32>
      %swap3A_654 = vector.shape_cast %get3A_650 : vector<16xi32> to vector<16xi32>
      tpu.vector_store %arg11[%swap3A_651], %swap3A_654 {strides = array<i32>} : memref<48xi32, #tpu.memory_space<vmem>>, vector<16xi32>,
      %get3A_655 = arith.constant 56 : index
      %get3A_656 = tpu.vector_load %arg10[%get3A_655] {strides = array<i32>} : memref<96xi32, #tpu.memory_space<vmem>>, vector<16xi32>,
      %get3A_657 = vector.shape_cast %get3A_656 : vector<16xi32> to vector<16xi32>
      %swap3A_658 = arith.constant 16 : index
      %swap3A_659 = tpu.vector_load %arg12[%swap3A_658] {strides = array<i32>} : memref<48xi32, #tpu.memory_space<vmem>>, vector<16xi32>,
      %swap3A_660 = vector.shape_cast %swap3A_659 : vector<16xi32> to vector<16xi32>
      %swap3A_661 = vector.shape_cast %get3A_657 : vector<16xi32> to vector<16xi32>
      tpu.vector_store %arg12[%swap3A_658], %swap3A_661 {strides = array<i32>} : memref<48xi32, #tpu.memory_space<vmem>>, vector<16xi32>,
      %get3A_662 = arith.constant 32 : index
      %get3A_663 = tpu.vector_load %arg10[%get3A_662] {strides = array<i32>} : memref<96xi32, #tpu.memory_space<vmem>>, vector<16xi32>,
      %get3A_664 = vector.shape_cast %get3A_663 : vector<16xi32> to vector<16xi32>
      %swap3A_665 = arith.constant 32 : index
      %swap3A_666 = tpu.vector_load %arg11[%swap3A_665] {strides = array<i32>} : memref<48xi32, #tpu.memory_space<vmem>>, vector<16xi32>,
      %swap3A_667 = vector.shape_cast %swap3A_666 : vector<16xi32> to vector<16xi32>
      %swap3A_668 = vector.shape_cast %get3A_664 : vector<16xi32> to vector<16xi32>
      tpu.vector_store %arg11[%swap3A_665], %swap3A_668 {strides = array<i32>} : memref<48xi32, #tpu.memory_space<vmem>>, vector<16xi32>,
      %get3A_669 = arith.constant 72 : index
      %get3A_670 = tpu.vector_load %arg10[%get3A_669] {strides = array<i32>} : memref<96xi32, #tpu.memory_space<vmem>>, vector<16xi32>,
      %get3A_671 = vector.shape_cast %get3A_670 : vector<16xi32> to vector<16xi32>
      %swap3A_672 = arith.constant 32 : index
      %swap3A_673 = tpu.vector_load %arg12[%swap3A_672] {strides = array<i32>} : memref<48xi32, #tpu.memory_space<vmem>>, vector<16xi32>,
      %swap3A_674 = vector.shape_cast %swap3A_673 : vector<16xi32> to vector<16xi32>
      %swap3A_675 = vector.shape_cast %get3A_671 : vector<16xi32> to vector<16xi32>
      tpu.vector_store %arg12[%swap3A_672], %swap3A_675 {strides = array<i32>} : memref<48xi32, #tpu.memory_space<vmem>>, vector<16xi32>,
      %dma_wait3A_676 = arith.constant 0 : i32
      %dma_wait3A_677 = tpu.memref_slice %arg3[%add3A_596, %dma_wait3A_676] : memref<1280000x96xf32, #tpu.memory_space<hbm>> -> memref<80x96xf32, #tpu.memory_space<hbm>>
      %dma_wait3A_678 = arith.constant 0 : i32
      %dma_wait3A_679 = tpu.memref_slice %arg3[%add3A_596, %dma_wait3A_678] : memref<1280000x96xf32, #tpu.memory_space<hbm>> -> memref<80x96xf32, #tpu.memory_space<hbm>>
      tpu.wait_dma2 semaphore(%arg21 : memref<!tpu.dma_semaphore, #tpu.memory_space<semaphore_mem>>) src(%dma_wait3A_679 : memref<80x96xf32, #tpu.memory_space<hbm>>) dst(%arg15 : memref<80x96xf32, #tpu.memory_space<vmem>>)
      %dma_wait3A_680 = arith.constant 0 : i32
      %dma_wait3A_681 = tpu.memref_slice %arg16[%dma_wait3A_680] : memref<256xf32, #tpu.memory_space<vmem>> -> memref<240xf32, #tpu.memory_space<vmem>>
      %dma_wait3A_682 = tpu.memref_slice %arg6[%mul3A_602] : memref<960000xf32, #tpu.memory_space<hbm>> -> memref<240xf32, #tpu.memory_space<hbm>>
      %dma_wait3A_683 = arith.constant 0 : i32
      %dma_wait3A_684 = tpu.memref_slice %arg16[%dma_wait3A_683] : memref<256xf32, #tpu.memory_space<vmem>> -> memref<240xf32, #tpu.memory_space<vmem>>
      %dma_wait3A_685 = tpu.memref_slice %arg6[%mul3A_602] : memref<960000xf32, #tpu.memory_space<hbm>> -> memref<240xf32, #tpu.memory_space<hbm>>
      tpu.wait_dma2 semaphore(%arg22 : memref<!tpu.dma_semaphore, #tpu.memory_space<semaphore_mem>>) src(%dma_wait3A_685 : memref<240xf32, #tpu.memory_space<hbm>>) dst(%dma_wait3A_684 : memref<240xf32, #tpu.memory_space<vmem>>)
      %dma_wait3A_686 = arith.constant 0 : i32
      %dma_wait3A_687 = tpu.memref_slice %arg9[%dma_wait3A_686] : memref<80xi32, #tpu.memory_space<vmem>> -> memref<40xi32, #tpu.memory_space<vmem>>
      %dma_wait3A_688 = arith.constant 0 : i32
      %dma_wait3A_689 = arith.constant 0 : i32
      %dma_wait3A_690 = tpu.memref_slice %arg2[%dma_wait3A_688, %dma_wait3A_689] : memref<40000x256xf32, #tpu.memory_space<hbm>> -> memref<40000x256xf32, #tpu.memory_space<hbm>>
      tpu.wait_indirect_dma semaphore(%arg23 : memref<!tpu.dma_semaphore, #tpu.memory_space<semaphore_mem>>) src(%dma_wait3A_690 : memref<40000x256xf32, #tpu.memory_space<hbm>>) dst(%arg13 : memref<40x256xf32, #tpu.memory_space<vmem>>)
      %scan3A_691 = arith.constant 0 : i32
      %scan3A_692 = arith.constant 40 : i32
      %scan3A_693 = arith.addi %scan3A_691, %scan3A_692 : i32
      %scan3A_694 = arith.constant 2 : i32
      scf.for %scan3A_706 = %scan3A_691 to %scan3A_693 step %scan3A_694  : i32 {
        %mul3A_707 = arith.constant 1 : i32
        %mul3A_708 = arith.muli %scan3A_706, %mul3A_707 : i32
        %add3A_709 = arith.constant 0 : i32
        %add3A_710 = arith.addi %add3A_709, %mul3A_708 : i32
        %add3A_711 = arith.constant 0 : i32
        %add3A_712 = arith.addi %add3A_711, %add3A_710 : i32
        %mul3A_713 = arith.constant 3 : i32
        %mul3A_714 = arith.muli %mul3A_713, %add3A_712 : i32
        %get3A_715 = arith.index_cast %mul3A_714 : i32 to index
        %get3A_716 = tpu.vector_load %arg16[%get3A_715] {strides = array<i32>} : memref<256xf32, #tpu.memory_space<vmem>>, vector<16xf32>,
        %get3A_717 = vector.shape_cast %get3A_716 : vector<16xf32> to vector<16xf32>
        %slice3A = vector.extract_strided_slice %get3A_717 {offsets = [0], sizes = [1], strides = [1]} : vector<16xf32> to vector<1xf32>
        %squeeze3A = vector.extract %slice3A[0] : f32 from vector<1xf32>
        %slice3A_718 = vector.extract_strided_slice %get3A_717 {offsets = [1], sizes = [1], strides = [1]} : vector<16xf32> to vector<1xf32>
        %squeeze3A_719 = vector.extract %slice3A_718[0] : f32 from vector<1xf32>
        %slice3A_720 = vector.extract_strided_slice %get3A_717 {offsets = [2], sizes = [1], strides = [1]} : vector<16xf32> to vector<1xf32>
        %squeeze3A_721 = vector.extract %slice3A_720[0] : f32 from vector<1xf32>
        %get3A_722 = arith.index_cast %add3A_710 : i32 to index
        %get3A_723 = arith.constant 0 : index
        %get3A_724 = tpu.vector_load %arg13[%get3A_722, %get3A_723] {strides = array<i32>} : memref<40x256xf32, #tpu.memory_space<vmem>>, vector<1x16xf32>,
        %get3A_725 = vector.shape_cast %get3A_724 : vector<1x16xf32> to vector<16xf32>
        %add3A_726 = arith.constant 0 : i32
        %add3A_727 = arith.addi %add3A_726, %add3A_710 : i32
        %get3A_728 = arith.index_cast %add3A_727 : i32 to index
        %get3A_729 = arith.constant 0 : index
        %get3A_730 = tpu.vector_load %arg15[%get3A_728, %get3A_729] {strides = array<i32>} : memref<80x96xf32, #tpu.memory_space<vmem>>, vector<1x16xf32>,
        %get3A_731 = vector.shape_cast %get3A_730 : vector<1x16xf32> to vector<16xf32>
        %mul3A_732 = arith.mulf %get3A_725, %get3A_731 : vector<16xf32>
        %swap3A_733 = arith.index_cast %add3A_710 : i32 to index
        %swap3A_734 = arith.constant 0 : index
        %swap3A_735 = tpu.vector_load %arg17[%swap3A_733, %swap3A_734] {strides = array<i32>} : memref<48x128xf32, #tpu.memory_space<vmem>>, vector<1x16xf32>,
        %swap3A_736 = vector.shape_cast %swap3A_735 : vector<1x16xf32> to vector<16xf32>
        %swap3A_737 = vector.shape_cast %mul3A_732 : vector<16xf32> to vector<1x16xf32>
        tpu.vector_store %arg17[%swap3A_733, %swap3A_734], %swap3A_737 {strides = array<i32>} : memref<48x128xf32, #tpu.memory_space<vmem>>, vector<1x16xf32>,
        %get3A_738 = arith.index_cast %add3A_710 : i32 to index
        %get3A_739 = arith.constant 32 : index
        %get3A_740 = tpu.vector_load %arg13[%get3A_738, %get3A_739] {strides = array<i32>} : memref<40x256xf32, #tpu.memory_space<vmem>>, vector<1x16xf32>,
        %get3A_741 = vector.shape_cast %get3A_740 : vector<1x16xf32> to vector<16xf32>
        %add3A_742 = arith.constant 0 : i32
        %add3A_743 = arith.addi %add3A_742, %add3A_710 : i32
        %get3A_744 = arith.index_cast %add3A_743 : i32 to index
        %get3A_745 = arith.constant 32 : index
        %get3A_746 = tpu.vector_load %arg15[%get3A_744, %get3A_745] {strides = array<i32>} : memref<80x96xf32, #tpu.memory_space<vmem>>, vector<1x16xf32>,
        %get3A_747 = vector.shape_cast %get3A_746 : vector<1x16xf32> to vector<16xf32>
        %mul3A_748 = arith.mulf %get3A_741, %get3A_747 : vector<16xf32>
        %get3A_749 = arith.index_cast %add3A_710 : i32 to index
        %get3A_750 = arith.constant 64 : index
        %get3A_751 = tpu.vector_load %arg13[%get3A_749, %get3A_750] {strides = array<i32>} : memref<40x256xf32, #tpu.memory_space<vmem>>, vector<1x16xf32>,
        %get3A_752 = vector.shape_cast %get3A_751 : vector<1x16xf32> to vector<16xf32>
        %add3A_753 = arith.constant 0 : i32
        %add3A_754 = arith.addi %add3A_753, %add3A_710 : i32
        %get3A_755 = arith.index_cast %add3A_754 : i32 to index
        %get3A_756 = arith.constant 64 : index
        %get3A_757 = tpu.vector_load %arg15[%get3A_755, %get3A_756] {strides = array<i32>} : memref<80x96xf32, #tpu.memory_space<vmem>>, vector<1x16xf32>,
        %get3A_758 = vector.shape_cast %get3A_757 : vector<1x16xf32> to vector<16xf32>
        %mul3A_759 = arith.mulf %get3A_752, %get3A_758 : vector<16xf32>
        %get3A_760 = arith.index_cast %add3A_710 : i32 to index
        %get3A_761 = arith.constant 96 : index
        %get3A_762 = tpu.vector_load %arg13[%get3A_760, %get3A_761] {strides = array<i32>} : memref<40x256xf32, #tpu.memory_space<vmem>>, vector<1x16xf32>,
        %get3A_763 = vector.shape_cast %get3A_762 : vector<1x16xf32> to vector<16xf32>
        %mul3A_764 = arith.mulf %get3A_763, %mul3A_748 : vector<16xf32>
        %mul3A_765 = vector.broadcast %squeeze3A : f32 to vector<16xf32>
        %mul3A_766 = arith.mulf %mul3A_759, %mul3A_765 : vector<16xf32>
        %add3A_767 = arith.addf %mul3A_764, %mul3A_766 : vector<16xf32>
        %swap3A_768 = arith.index_cast %add3A_710 : i32 to index
        %swap3A_769 = arith.constant 32 : index
        %swap3A_770 = tpu.vector_load %arg17[%swap3A_768, %swap3A_769] {strides = array<i32>} : memref<48x128xf32, #tpu.memory_space<vmem>>, vector<1x16xf32>,
        %swap3A_771 = vector.shape_cast %swap3A_770 : vector<1x16xf32> to vector<16xf32>
        %swap3A_772 = vector.shape_cast %add3A_767 : vector<16xf32> to vector<1x16xf32>
        tpu.vector_store %arg17[%swap3A_768, %swap3A_769], %swap3A_772 {strides = array<i32>} : memref<48x128xf32, #tpu.memory_space<vmem>>, vector<1x16xf32>,
        %get3A_773 = arith.index_cast %add3A_710 : i32 to index
        %get3A_774 = arith.constant 128 : index
        %get3A_775 = tpu.vector_load %arg13[%get3A_773, %get3A_774] {strides = array<i32>} : memref<40x256xf32, #tpu.memory_space<vmem>>, vector<1x16xf32>,
        %get3A_776 = vector.shape_cast %get3A_775 : vector<1x16xf32> to vector<16xf32>
        %mul3A_777 = arith.mulf %get3A_776, %mul3A_748 : vector<16xf32>
        %mul3A_778 = vector.broadcast %squeeze3A_719 : f32 to vector<16xf32>
        %mul3A_779 = arith.mulf %mul3A_759, %mul3A_778 : vector<16xf32>
        %add3A_780 = arith.addf %mul3A_777, %mul3A_779 : vector<16xf32>
        %swap3A_781 = arith.index_cast %add3A_710 : i32 to index
        %swap3A_782 = arith.constant 64 : index
        %swap3A_783 = tpu.vector_load %arg17[%swap3A_781, %swap3A_782] {strides = array<i32>} : memref<48x128xf32, #tpu.memory_space<vmem>>, vector<1x16xf32>,
        %swap3A_784 = vector.shape_cast %swap3A_783 : vector<1x16xf32> to vector<16xf32>
        %swap3A_785 = vector.shape_cast %add3A_780 : vector<16xf32> to vector<1x16xf32>
        tpu.vector_store %arg17[%swap3A_781, %swap3A_782], %swap3A_785 {strides = array<i32>} : memref<48x128xf32, #tpu.memory_space<vmem>>, vector<1x16xf32>,
        %get3A_786 = arith.index_cast %add3A_710 : i32 to index
        %get3A_787 = arith.constant 160 : index
        %get3A_788 = tpu.vector_load %arg13[%get3A_786, %get3A_787] {strides = array<i32>} : memref<40x256xf32, #tpu.memory_space<vmem>>, vector<1x16xf32>,
        %get3A_789 = vector.shape_cast %get3A_788 : vector<1x16xf32> to vector<16xf32>
        %mul3A_790 = arith.mulf %get3A_789, %mul3A_748 : vector<16xf32>
        %mul3A_791 = vector.broadcast %squeeze3A_721 : f32 to vector<16xf32>
        %mul3A_792 = arith.mulf %mul3A_759, %mul3A_791 : vector<16xf32>
        %add3A_793 = arith.addf %mul3A_790, %mul3A_792 : vector<16xf32>
        %swap3A_794 = arith.index_cast %add3A_710 : i32 to index
        %swap3A_795 = arith.constant 96 : index
        %swap3A_796 = tpu.vector_load %arg17[%swap3A_794, %swap3A_795] {strides = array<i32>} : memref<48x128xf32, #tpu.memory_space<vmem>>, vector<1x16xf32>,
        %swap3A_797 = vector.shape_cast %swap3A_796 : vector<1x16xf32> to vector<16xf32>
        %swap3A_798 = vector.shape_cast %add3A_793 : vector<16xf32> to vector<1x16xf32>
        tpu.vector_store %arg17[%swap3A_794, %swap3A_795], %swap3A_798 {strides = array<i32>} : memref<48x128xf32, #tpu.memory_space<vmem>>, vector<1x16xf32>,
        %get3A_799 = arith.index_cast %add3A_710 : i32 to index
        %get3A_800 = arith.constant 16 : index
        %get3A_801 = tpu.vector_load %arg13[%get3A_799, %get3A_800] {strides = array<i32>} : memref<40x256xf32, #tpu.memory_space<vmem>>, vector<1x16xf32>,
        %get3A_802 = vector.shape_cast %get3A_801 : vector<1x16xf32> to vector<16xf32>
        %add3A_803 = arith.constant 0 : i32
        %add3A_804 = arith.addi %add3A_803, %add3A_710 : i32
        %get3A_805 = arith.index_cast %add3A_804 : i32 to index
        %get3A_806 = arith.constant 16 : index
        %get3A_807 = tpu.vector_load %arg15[%get3A_805, %get3A_806] {strides = array<i32>} : memref<80x96xf32, #tpu.memory_space<vmem>>, vector<1x16xf32>,
        %get3A_808 = vector.shape_cast %get3A_807 : vector<1x16xf32> to vector<16xf32>
        %mul3A_809 = arith.mulf %get3A_802, %get3A_808 : vector<16xf32>
        %swap3A_810 = arith.index_cast %add3A_710 : i32 to index
        %swap3A_811 = arith.constant 16 : index
        %swap3A_812 = tpu.vector_load %arg17[%swap3A_810, %swap3A_811] {strides = array<i32>} : memref<48x128xf32, #tpu.memory_space<vmem>>, vector<1x16xf32>,
        %swap3A_813 = vector.shape_cast %swap3A_812 : vector<1x16xf32> to vector<16xf32>
        %swap3A_814 = vector.shape_cast %mul3A_809 : vector<16xf32> to vector<1x16xf32>
        tpu.vector_store %arg17[%swap3A_810, %swap3A_811], %swap3A_814 {strides = array<i32>} : memref<48x128xf32, #tpu.memory_space<vmem>>, vector<1x16xf32>,
        %get3A_815 = arith.index_cast %add3A_710 : i32 to index
        %get3A_816 = arith.constant 48 : index
        %get3A_817 = tpu.vector_load %arg13[%get3A_815, %get3A_816] {strides = array<i32>} : memref<40x256xf32, #tpu.memory_space<vmem>>, vector<1x16xf32>,
        %get3A_818 = vector.shape_cast %get3A_817 : vector<1x16xf32> to vector<16xf32>
        %add3A_819 = arith.constant 0 : i32
        %add3A_820 = arith.addi %add3A_819, %add3A_710 : i32
        %get3A_821 = arith.index_cast %add3A_820 : i32 to index
        %get3A_822 = arith.constant 48 : index
        %get3A_823 = tpu.vector_load %arg15[%get3A_821, %get3A_822] {strides = array<i32>} : memref<80x96xf32, #tpu.memory_space<vmem>>, vector<1x16xf32>,
        %get3A_824 = vector.shape_cast %get3A_823 : vector<1x16xf32> to vector<16xf32>
        %mul3A_825 = arith.mulf %get3A_818, %get3A_824 : vector<16xf32>
        %get3A_826 = arith.index_cast %add3A_710 : i32 to index
        %get3A_827 = arith.constant 80 : index
        %get3A_828 = tpu.vector_load %arg13[%get3A_826, %get3A_827] {strides = array<i32>} : memref<40x256xf32, #tpu.memory_space<vmem>>, vector<1x16xf32>,
        %get3A_829 = vector.shape_cast %get3A_828 : vector<1x16xf32> to vector<16xf32>
        %add3A_830 = arith.constant 0 : i32
        %add3A_831 = arith.addi %add3A_830, %add3A_710 : i32
        %get3A_832 = arith.index_cast %add3A_831 : i32 to index
        %get3A_833 = arith.constant 80 : index
        %get3A_834 = tpu.vector_load %arg15[%get3A_832, %get3A_833] {strides = array<i32>} : memref<80x96xf32, #tpu.memory_space<vmem>>, vector<1x16xf32>,
        %get3A_835 = vector.shape_cast %get3A_834 : vector<1x16xf32> to vector<16xf32>
        %mul3A_836 = arith.mulf %get3A_829, %get3A_835 : vector<16xf32>
        %get3A_837 = arith.index_cast %add3A_710 : i32 to index
        %get3A_838 = arith.constant 112 : index
        %get3A_839 = tpu.vector_load %arg13[%get3A_837, %get3A_838] {strides = array<i32>} : memref<40x256xf32, #tpu.memory_space<vmem>>, vector<1x16xf32>,
        %get3A_840 = vector.shape_cast %get3A_839 : vector<1x16xf32> to vector<16xf32>
        %mul3A_841 = arith.mulf %get3A_840, %mul3A_825 : vector<16xf32>
        %mul3A_842 = vector.broadcast %squeeze3A : f32 to vector<16xf32>
        %mul3A_843 = arith.mulf %mul3A_836, %mul3A_842 : vector<16xf32>
        %add3A_844 = arith.addf %mul3A_841, %mul3A_843 : vector<16xf32>
        %swap3A_845 = arith.index_cast %add3A_710 : i32 to index
        %swap3A_846 = arith.constant 48 : index
        %swap3A_847 = tpu.vector_load %arg17[%swap3A_845, %swap3A_846] {strides = array<i32>} : memref<48x128xf32, #tpu.memory_space<vmem>>, vector<1x16xf32>,
        %swap3A_848 = vector.shape_cast %swap3A_847 : vector<1x16xf32> to vector<16xf32>
        %swap3A_849 = vector.shape_cast %add3A_844 : vector<16xf32> to vector<1x16xf32>
        tpu.vector_store %arg17[%swap3A_845, %swap3A_846], %swap3A_849 {strides = array<i32>} : memref<48x128xf32, #tpu.memory_space<vmem>>, vector<1x16xf32>,
        %get3A_850 = arith.index_cast %add3A_710 : i32 to index
        %get3A_851 = arith.constant 144 : index
        %get3A_852 = tpu.vector_load %arg13[%get3A_850, %get3A_851] {strides = array<i32>} : memref<40x256xf32, #tpu.memory_space<vmem>>, vector<1x16xf32>,
        %get3A_853 = vector.shape_cast %get3A_852 : vector<1x16xf32> to vector<16xf32>
        %mul3A_854 = arith.mulf %get3A_853, %mul3A_825 : vector<16xf32>
        %mul3A_855 = vector.broadcast %squeeze3A_719 : f32 to vector<16xf32>
        %mul3A_856 = arith.mulf %mul3A_836, %mul3A_855 : vector<16xf32>
        %add3A_857 = arith.addf %mul3A_854, %mul3A_856 : vector<16xf32>
        %swap3A_858 = arith.index_cast %add3A_710 : i32 to index
        %swap3A_859 = arith.constant 80 : index
        %swap3A_860 = tpu.vector_load %arg17[%swap3A_858, %swap3A_859] {strides = array<i32>} : memref<48x128xf32, #tpu.memory_space<vmem>>, vector<1x16xf32>,
        %swap3A_861 = vector.shape_cast %swap3A_860 : vector<1x16xf32> to vector<16xf32>
        %swap3A_862 = vector.shape_cast %add3A_857 : vector<16xf32> to vector<1x16xf32>
        tpu.vector_store %arg17[%swap3A_858, %swap3A_859], %swap3A_862 {strides = array<i32>} : memref<48x128xf32, #tpu.memory_space<vmem>>, vector<1x16xf32>,
        %get3A_863 = arith.index_cast %add3A_710 : i32 to index
        %get3A_864 = arith.constant 176 : index
        %get3A_865 = tpu.vector_load %arg13[%get3A_863, %get3A_864] {strides = array<i32>} : memref<40x256xf32, #tpu.memory_space<vmem>>, vector<1x16xf32>,
        %get3A_866 = vector.shape_cast %get3A_865 : vector<1x16xf32> to vector<16xf32>
        %mul3A_867 = arith.mulf %get3A_866, %mul3A_825 : vector<16xf32>
        %mul3A_868 = vector.broadcast %squeeze3A_721 : f32 to vector<16xf32>
        %mul3A_869 = arith.mulf %mul3A_836, %mul3A_868 : vector<16xf32>
        %add3A_870 = arith.addf %mul3A_867, %mul3A_869 : vector<16xf32>
        %swap3A_871 = arith.index_cast %add3A_710 : i32 to index
        %swap3A_872 = arith.constant 112 : index
        %swap3A_873 = tpu.vector_load %arg17[%swap3A_871, %swap3A_872] {strides = array<i32>} : memref<48x128xf32, #tpu.memory_space<vmem>>, vector<1x16xf32>,
        %swap3A_874 = vector.shape_cast %swap3A_873 : vector<1x16xf32> to vector<16xf32>
        %swap3A_875 = vector.shape_cast %add3A_870 : vector<16xf32> to vector<1x16xf32>
        tpu.vector_store %arg17[%swap3A_871, %swap3A_872], %swap3A_875 {strides = array<i32>} : memref<48x128xf32, #tpu.memory_space<vmem>>, vector<1x16xf32>,
        %scan3A_876 = arith.constant 1 : i32
        %scan3A_877 = arith.addi %scan3A_706, %scan3A_876 : i32
        %mul3A_878 = arith.constant 1 : i32
        %mul3A_879 = arith.muli %scan3A_877, %mul3A_878 : i32
        %add3A_880 = arith.constant 0 : i32
        %add3A_881 = arith.addi %add3A_880, %mul3A_879 : i32
        %add3A_882 = arith.constant 0 : i32
        %add3A_883 = arith.addi %add3A_882, %add3A_881 : i32
        %mul3A_884 = arith.constant 3 : i32
        %mul3A_885 = arith.muli %mul3A_884, %add3A_883 : i32
        %get3A_886 = arith.index_cast %mul3A_885 : i32 to index
        %get3A_887 = tpu.vector_load %arg16[%get3A_886] {strides = array<i32>} : memref<256xf32, #tpu.memory_space<vmem>>, vector<16xf32>,
        %get3A_888 = vector.shape_cast %get3A_887 : vector<16xf32> to vector<16xf32>
        %slice3A_889 = vector.extract_strided_slice %get3A_888 {offsets = [0], sizes = [1], strides = [1]} : vector<16xf32> to vector<1xf32>
        %squeeze3A_890 = vector.extract %slice3A_889[0] : f32 from vector<1xf32>
        %slice3A_891 = vector.extract_strided_slice %get3A_888 {offsets = [1], sizes = [1], strides = [1]} : vector<16xf32> to vector<1xf32>
        %squeeze3A_892 = vector.extract %slice3A_891[0] : f32 from vector<1xf32>
        %slice3A_893 = vector.extract_strided_slice %get3A_888 {offsets = [2], sizes = [1], strides = [1]} : vector<16xf32> to vector<1xf32>
        %squeeze3A_894 = vector.extract %slice3A_893[0] : f32 from vector<1xf32>
        %get3A_895 = arith.index_cast %add3A_881 : i32 to index
        %get3A_896 = arith.constant 0 : index
        %get3A_897 = tpu.vector_load %arg13[%get3A_895, %get3A_896] {strides = array<i32>} : memref<40x256xf32, #tpu.memory_space<vmem>>, vector<1x16xf32>,
        %get3A_898 = vector.shape_cast %get3A_897 : vector<1x16xf32> to vector<16xf32>
        %add3A_899 = arith.constant 0 : i32
        %add3A_900 = arith.addi %add3A_899, %add3A_881 : i32
        %get3A_901 = arith.index_cast %add3A_900 : i32 to index
        %get3A_902 = arith.constant 0 : index
        %get3A_903 = tpu.vector_load %arg15[%get3A_901, %get3A_902] {strides = array<i32>} : memref<80x96xf32, #tpu.memory_space<vmem>>, vector<1x16xf32>,
        %get3A_904 = vector.shape_cast %get3A_903 : vector<1x16xf32> to vector<16xf32>
        %mul3A_905 = arith.mulf %get3A_898, %get3A_904 : vector<16xf32>
        %swap3A_906 = arith.index_cast %add3A_881 : i32 to index
        %swap3A_907 = arith.constant 0 : index
        %swap3A_908 = tpu.vector_load %arg17[%swap3A_906, %swap3A_907] {strides = array<i32>} : memref<48x128xf32, #tpu.memory_space<vmem>>, vector<1x16xf32>,
        %swap3A_909 = vector.shape_cast %swap3A_908 : vector<1x16xf32> to vector<16xf32>
        %swap3A_910 = vector.shape_cast %mul3A_905 : vector<16xf32> to vector<1x16xf32>
        tpu.vector_store %arg17[%swap3A_906, %swap3A_907], %swap3A_910 {strides = array<i32>} : memref<48x128xf32, #tpu.memory_space<vmem>>, vector<1x16xf32>,
        %get3A_911 = arith.index_cast %add3A_881 : i32 to index
        %get3A_912 = arith.constant 32 : index
        %get3A_913 = tpu.vector_load %arg13[%get3A_911, %get3A_912] {strides = array<i32>} : memref<40x256xf32, #tpu.memory_space<vmem>>, vector<1x16xf32>,
        %get3A_914 = vector.shape_cast %get3A_913 : vector<1x16xf32> to vector<16xf32>
        %add3A_915 = arith.constant 0 : i32
        %add3A_916 = arith.addi %add3A_915, %add3A_881 : i32
        %get3A_917 = arith.index_cast %add3A_916 : i32 to index
        %get3A_918 = arith.constant 32 : index
        %get3A_919 = tpu.vector_load %arg15[%get3A_917, %get3A_918] {strides = array<i32>} : memref<80x96xf32, #tpu.memory_space<vmem>>, vector<1x16xf32>,
        %get3A_920 = vector.shape_cast %get3A_919 : vector<1x16xf32> to vector<16xf32>
        %mul3A_921 = arith.mulf %get3A_914, %get3A_920 : vector<16xf32>
        %get3A_922 = arith.index_cast %add3A_881 : i32 to index
        %get3A_923 = arith.constant 64 : index
        %get3A_924 = tpu.vector_load %arg13[%get3A_922, %get3A_923] {strides = array<i32>} : memref<40x256xf32, #tpu.memory_space<vmem>>, vector<1x16xf32>,
        %get3A_925 = vector.shape_cast %get3A_924 : vector<1x16xf32> to vector<16xf32>
        %add3A_926 = arith.constant 0 : i32
        %add3A_927 = arith.addi %add3A_926, %add3A_881 : i32
        %get3A_928 = arith.index_cast %add3A_927 : i32 to index
        %get3A_929 = arith.constant 64 : index
        %get3A_930 = tpu.vector_load %arg15[%get3A_928, %get3A_929] {strides = array<i32>} : memref<80x96xf32, #tpu.memory_space<vmem>>, vector<1x16xf32>,
        %get3A_931 = vector.shape_cast %get3A_930 : vector<1x16xf32> to vector<16xf32>
        %mul3A_932 = arith.mulf %get3A_925, %get3A_931 : vector<16xf32>
        %get3A_933 = arith.index_cast %add3A_881 : i32 to index
        %get3A_934 = arith.constant 96 : index
        %get3A_935 = tpu.vector_load %arg13[%get3A_933, %get3A_934] {strides = array<i32>} : memref<40x256xf32, #tpu.memory_space<vmem>>, vector<1x16xf32>,
        %get3A_936 = vector.shape_cast %get3A_935 : vector<1x16xf32> to vector<16xf32>
        %mul3A_937 = arith.mulf %get3A_936, %mul3A_921 : vector<16xf32>
        %mul3A_938 = vector.broadcast %squeeze3A_890 : f32 to vector<16xf32>
        %mul3A_939 = arith.mulf %mul3A_932, %mul3A_938 : vector<16xf32>
        %add3A_940 = arith.addf %mul3A_937, %mul3A_939 : vector<16xf32>
        %swap3A_941 = arith.index_cast %add3A_881 : i32 to index
        %swap3A_942 = arith.constant 32 : index
        %swap3A_943 = tpu.vector_load %arg17[%swap3A_941, %swap3A_942] {strides = array<i32>} : memref<48x128xf32, #tpu.memory_space<vmem>>, vector<1x16xf32>,
        %swap3A_944 = vector.shape_cast %swap3A_943 : vector<1x16xf32> to vector<16xf32>
        %swap3A_945 = vector.shape_cast %add3A_940 : vector<16xf32> to vector<1x16xf32>
        tpu.vector_store %arg17[%swap3A_941, %swap3A_942], %swap3A_945 {strides = array<i32>} : memref<48x128xf32, #tpu.memory_space<vmem>>, vector<1x16xf32>,
        %get3A_946 = arith.index_cast %add3A_881 : i32 to index
        %get3A_947 = arith.constant 128 : index
        %get3A_948 = tpu.vector_load %arg13[%get3A_946, %get3A_947] {strides = array<i32>} : memref<40x256xf32, #tpu.memory_space<vmem>>, vector<1x16xf32>,
        %get3A_949 = vector.shape_cast %get3A_948 : vector<1x16xf32> to vector<16xf32>
        %mul3A_950 = arith.mulf %get3A_949, %mul3A_921 : vector<16xf32>
        %mul3A_951 = vector.broadcast %squeeze3A_892 : f32 to vector<16xf32>
        %mul3A_952 = arith.mulf %mul3A_932, %mul3A_951 : vector<16xf32>
        %add3A_953 = arith.addf %mul3A_950, %mul3A_952 : vector<16xf32>
        %swap3A_954 = arith.index_cast %add3A_881 : i32 to index
        %swap3A_955 = arith.constant 64 : index
        %swap3A_956 = tpu.vector_load %arg17[%swap3A_954, %swap3A_955] {strides = array<i32>} : memref<48x128xf32, #tpu.memory_space<vmem>>, vector<1x16xf32>,
        %swap3A_957 = vector.shape_cast %swap3A_956 : vector<1x16xf32> to vector<16xf32>
        %swap3A_958 = vector.shape_cast %add3A_953 : vector<16xf32> to vector<1x16xf32>
        tpu.vector_store %arg17[%swap3A_954, %swap3A_955], %swap3A_958 {strides = array<i32>} : memref<48x128xf32, #tpu.memory_space<vmem>>, vector<1x16xf32>,
        %get3A_959 = arith.index_cast %add3A_881 : i32 to index
        %get3A_960 = arith.constant 160 : index
        %get3A_961 = tpu.vector_load %arg13[%get3A_959, %get3A_960] {strides = array<i32>} : memref<40x256xf32, #tpu.memory_space<vmem>>, vector<1x16xf32>,
        %get3A_962 = vector.shape_cast %get3A_961 : vector<1x16xf32> to vector<16xf32>
        %mul3A_963 = arith.mulf %get3A_962, %mul3A_921 : vector<16xf32>
        %mul3A_964 = vector.broadcast %squeeze3A_894 : f32 to vector<16xf32>
        %mul3A_965 = arith.mulf %mul3A_932, %mul3A_964 : vector<16xf32>
        %add3A_966 = arith.addf %mul3A_963, %mul3A_965 : vector<16xf32>
        %swap3A_967 = arith.index_cast %add3A_881 : i32 to index
        %swap3A_968 = arith.constant 96 : index
        %swap3A_969 = tpu.vector_load %arg17[%swap3A_967, %swap3A_968] {strides = array<i32>} : memref<48x128xf32, #tpu.memory_space<vmem>>, vector<1x16xf32>,
        %swap3A_970 = vector.shape_cast %swap3A_969 : vector<1x16xf32> to vector<16xf32>
        %swap3A_971 = vector.shape_cast %add3A_966 : vector<16xf32> to vector<1x16xf32>
        tpu.vector_store %arg17[%swap3A_967, %swap3A_968], %swap3A_971 {strides = array<i32>} : memref<48x128xf32, #tpu.memory_space<vmem>>, vector<1x16xf32>,
        %get3A_972 = arith.index_cast %add3A_881 : i32 to index
        %get3A_973 = arith.constant 16 : index
        %get3A_974 = tpu.vector_load %arg13[%get3A_972, %get3A_973] {strides = array<i32>} : memref<40x256xf32, #tpu.memory_space<vmem>>, vector<1x16xf32>,
        %get3A_975 = vector.shape_cast %get3A_974 : vector<1x16xf32> to vector<16xf32>
        %add3A_976 = arith.constant 0 : i32
        %add3A_977 = arith.addi %add3A_976, %add3A_881 : i32
        %get3A_978 = arith.index_cast %add3A_977 : i32 to index
        %get3A_979 = arith.constant 16 : index
        %get3A_980 = tpu.vector_load %arg15[%get3A_978, %get3A_979] {strides = array<i32>} : memref<80x96xf32, #tpu.memory_space<vmem>>, vector<1x16xf32>,
        %get3A_981 = vector.shape_cast %get3A_980 : vector<1x16xf32> to vector<16xf32>
        %mul3A_982 = arith.mulf %get3A_975, %get3A_981 : vector<16xf32>
        %swap3A_983 = arith.index_cast %add3A_881 : i32 to index
        %swap3A_984 = arith.constant 16 : index
        %swap3A_985 = tpu.vector_load %arg17[%swap3A_983, %swap3A_984] {strides = array<i32>} : memref<48x128xf32, #tpu.memory_space<vmem>>, vector<1x16xf32>,
        %swap3A_986 = vector.shape_cast %swap3A_985 : vector<1x16xf32> to vector<16xf32>
        %swap3A_987 = vector.shape_cast %mul3A_982 : vector<16xf32> to vector<1x16xf32>
        tpu.vector_store %arg17[%swap3A_983, %swap3A_984], %swap3A_987 {strides = array<i32>} : memref<48x128xf32, #tpu.memory_space<vmem>>, vector<1x16xf32>,
        %get3A_988 = arith.index_cast %add3A_881 : i32 to index
        %get3A_989 = arith.constant 48 : index
        %get3A_990 = tpu.vector_load %arg13[%get3A_988, %get3A_989] {strides = array<i32>} : memref<40x256xf32, #tpu.memory_space<vmem>>, vector<1x16xf32>,
        %get3A_991 = vector.shape_cast %get3A_990 : vector<1x16xf32> to vector<16xf32>
        %add3A_992 = arith.constant 0 : i32
        %add3A_993 = arith.addi %add3A_992, %add3A_881 : i32
        %get3A_994 = arith.index_cast %add3A_993 : i32 to index
        %get3A_995 = arith.constant 48 : index
        %get3A_996 = tpu.vector_load %arg15[%get3A_994, %get3A_995] {strides = array<i32>} : memref<80x96xf32, #tpu.memory_space<vmem>>, vector<1x16xf32>,
        %get3A_997 = vector.shape_cast %get3A_996 : vector<1x16xf32> to vector<16xf32>
        %mul3A_998 = arith.mulf %get3A_991, %get3A_997 : vector<16xf32>
        %get3A_999 = arith.index_cast %add3A_881 : i32 to index
        %get3A_1000 = arith.constant 80 : index
        %get3A_1001 = tpu.vector_load %arg13[%get3A_999, %get3A_1000] {strides = array<i32>} : memref<40x256xf32, #tpu.memory_space<vmem>>, vector<1x16xf32>,
        %get3A_1002 = vector.shape_cast %get3A_1001 : vector<1x16xf32> to vector<16xf32>
        %add3A_1003 = arith.constant 0 : i32
        %add3A_1004 = arith.addi %add3A_1003, %add3A_881 : i32
        %get3A_1005 = arith.index_cast %add3A_1004 : i32 to index
        %get3A_1006 = arith.constant 80 : index
        %get3A_1007 = tpu.vector_load %arg15[%get3A_1005, %get3A_1006] {strides = array<i32>} : memref<80x96xf32, #tpu.memory_space<vmem>>, vector<1x16xf32>,
        %get3A_1008 = vector.shape_cast %get3A_1007 : vector<1x16xf32> to vector<16xf32>
        %mul3A_1009 = arith.mulf %get3A_1002, %get3A_1008 : vector<16xf32>
        %get3A_1010 = arith.index_cast %add3A_881 : i32 to index
        %get3A_1011 = arith.constant 112 : index
        %get3A_1012 = tpu.vector_load %arg13[%get3A_1010, %get3A_1011] {strides = array<i32>} : memref<40x256xf32, #tpu.memory_space<vmem>>, vector<1x16xf32>,
        %get3A_1013 = vector.shape_cast %get3A_1012 : vector<1x16xf32> to vector<16xf32>
        %mul3A_1014 = arith.mulf %get3A_1013, %mul3A_998 : vector<16xf32>
        %mul3A_1015 = vector.broadcast %squeeze3A_890 : f32 to vector<16xf32>
        %mul3A_1016 = arith.mulf %mul3A_1009, %mul3A_1015 : vector<16xf32>
        %add3A_1017 = arith.addf %mul3A_1014, %mul3A_1016 : vector<16xf32>
        %swap3A_1018 = arith.index_cast %add3A_881 : i32 to index
        %swap3A_1019 = arith.constant 48 : index
        %swap3A_1020 = tpu.vector_load %arg17[%swap3A_1018, %swap3A_1019] {strides = array<i32>} : memref<48x128xf32, #tpu.memory_space<vmem>>, vector<1x16xf32>,
        %swap3A_1021 = vector.shape_cast %swap3A_1020 : vector<1x16xf32> to vector<16xf32>
        %swap3A_1022 = vector.shape_cast %add3A_1017 : vector<16xf32> to vector<1x16xf32>
        tpu.vector_store %arg17[%swap3A_1018, %swap3A_1019], %swap3A_1022 {strides = array<i32>} : memref<48x128xf32, #tpu.memory_space<vmem>>, vector<1x16xf32>,
        %get3A_1023 = arith.index_cast %add3A_881 : i32 to index
        %get3A_1024 = arith.constant 144 : index
        %get3A_1025 = tpu.vector_load %arg13[%get3A_1023, %get3A_1024] {strides = array<i32>} : memref<40x256xf32, #tpu.memory_space<vmem>>, vector<1x16xf32>,
        %get3A_1026 = vector.shape_cast %get3A_1025 : vector<1x16xf32> to vector<16xf32>
        %mul3A_1027 = arith.mulf %get3A_1026, %mul3A_998 : vector<16xf32>
        %mul3A_1028 = vector.broadcast %squeeze3A_892 : f32 to vector<16xf32>
        %mul3A_1029 = arith.mulf %mul3A_1009, %mul3A_1028 : vector<16xf32>
        %add3A_1030 = arith.addf %mul3A_1027, %mul3A_1029 : vector<16xf32>
        %swap3A_1031 = arith.index_cast %add3A_881 : i32 to index
        %swap3A_1032 = arith.constant 80 : index
        %swap3A_1033 = tpu.vector_load %arg17[%swap3A_1031, %swap3A_1032] {strides = array<i32>} : memref<48x128xf32, #tpu.memory_space<vmem>>, vector<1x16xf32>,
        %swap3A_1034 = vector.shape_cast %swap3A_1033 : vector<1x16xf32> to vector<16xf32>
        %swap3A_1035 = vector.shape_cast %add3A_1030 : vector<16xf32> to vector<1x16xf32>
        tpu.vector_store %arg17[%swap3A_1031, %swap3A_1032], %swap3A_1035 {strides = array<i32>} : memref<48x128xf32, #tpu.memory_space<vmem>>, vector<1x16xf32>,
        %get3A_1036 = arith.index_cast %add3A_881 : i32 to index
        %get3A_1037 = arith.constant 176 : index
        %get3A_1038 = tpu.vector_load %arg13[%get3A_1036, %get3A_1037] {strides = array<i32>} : memref<40x256xf32, #tpu.memory_space<vmem>>, vector<1x16xf32>,
        %get3A_1039 = vector.shape_cast %get3A_1038 : vector<1x16xf32> to vector<16xf32>
        %mul3A_1040 = arith.mulf %get3A_1039, %mul3A_998 : vector<16xf32>
        %mul3A_1041 = vector.broadcast %squeeze3A_894 : f32 to vector<16xf32>
        %mul3A_1042 = arith.mulf %mul3A_1009, %mul3A_1041 : vector<16xf32>
        %add3A_1043 = arith.addf %mul3A_1040, %mul3A_1042 : vector<16xf32>
        %swap3A_1044 = arith.index_cast %add3A_881 : i32 to index
        %swap3A_1045 = arith.constant 112 : index
        %swap3A_1046 = tpu.vector_load %arg17[%swap3A_1044, %swap3A_1045] {strides = array<i32>} : memref<48x128xf32, #tpu.memory_space<vmem>>, vector<1x16xf32>,
        %swap3A_1047 = vector.shape_cast %swap3A_1046 : vector<1x16xf32> to vector<16xf32>
        %swap3A_1048 = vector.shape_cast %add3A_1043 : vector<16xf32> to vector<1x16xf32>
        tpu.vector_store %arg17[%swap3A_1044, %swap3A_1045], %swap3A_1048 {strides = array<i32>} : memref<48x128xf32, #tpu.memory_space<vmem>>, vector<1x16xf32>,
      }
      %scan3A_695 = arith.constant 40 : i32
      "tpu.region"() ({
        %run_scoped3A = tpu.sem_alloc : memref<!tpu.dma_semaphore, #tpu.memory_space<semaphore_mem>>
        %dma_start3A_706 = arith.constant 0 : i32
        %dma_start3A_707 = arith.constant 0 : i32
        %dma_start3A_708 = tpu.memref_slice %arg18[%dma_start3A_706, %dma_start3A_707] : memref<10000x128xf32, #tpu.memory_space<vmem_shared>> -> memref<10000x128xf32, #tpu.memory_space<vmem_shared>>
        tpu.enqueue_indirect_dma source(%arg17 : memref<48x128xf32, #tpu.memory_space<vmem>>) target(%dma_start3A_708 : memref<10000x128xf32, #tpu.memory_space<vmem_shared>>) offsets(%arg11 : memref<48xi32, #tpu.memory_space<vmem>>) semaphore(%run_scoped3A : memref<!tpu.dma_semaphore, #tpu.memory_space<semaphore_mem>>) {add = true}
        %dma_wait3A_709 = arith.constant 0 : i32
        %dma_wait3A_710 = arith.constant 0 : i32
        %dma_wait3A_711 = tpu.memref_slice %arg18[%dma_wait3A_709, %dma_wait3A_710] : memref<10000x128xf32, #tpu.memory_space<vmem_shared>> -> memref<10000x128xf32, #tpu.memory_space<vmem_shared>>
        tpu.wait_indirect_dma semaphore(%run_scoped3A : memref<!tpu.dma_semaphore, #tpu.memory_space<semaphore_mem>>) src(%arg17 : memref<48x128xf32, #tpu.memory_space<vmem>>) dst(%dma_wait3A_711 : memref<10000x128xf32, #tpu.memory_space<vmem_shared>>)
        tpu.yield
      }) : () -> ()
      %dma_wait3A_696 = arith.constant 40 : i32
      %dma_wait3A_697 = tpu.memref_slice %arg9[%dma_wait3A_696] : memref<80xi32, #tpu.memory_space<vmem>> -> memref<40xi32, #tpu.memory_space<vmem>>
      %dma_wait3A_698 = arith.constant 0 : i32
      %dma_wait3A_699 = arith.constant 0 : i32
      %dma_wait3A_700 = tpu.memref_slice %arg2[%dma_wait3A_698, %dma_wait3A_699] : memref<40000x256xf32, #tpu.memory_space<hbm>> -> memref<40000x256xf32, #tpu.memory_space<hbm>>
      tpu.wait_indirect_dma semaphore(%arg24 : memref<!tpu.dma_semaphore, #tpu.memory_space<semaphore_mem>>) src(%dma_wait3A_700 : memref<40000x256xf32, #tpu.memory_space<hbm>>) dst(%arg14 : memref<40x256xf32, #tpu.memory_space<vmem>>)
      %scan3A_701 = arith.constant 0 : i32
      %scan3A_702 = arith.constant 40 : i32
      %scan3A_703 = arith.addi %scan3A_701, %scan3A_702 : i32
      %scan3A_704 = arith.constant 2 : i32
      scf.for %scan3A_706 = %scan3A_701 to %scan3A_703 step %scan3A_704  : i32 {
        %mul3A_707 = arith.constant 1 : i32
        %mul3A_708 = arith.muli %scan3A_706, %mul3A_707 : i32
        %add3A_709 = arith.constant 0 : i32
        %add3A_710 = arith.addi %add3A_709, %mul3A_708 : i32
        %add3A_711 = arith.constant 40 : i32
        %add3A_712 = arith.addi %add3A_711, %add3A_710 : i32
        %mul3A_713 = arith.constant 3 : i32
        %mul3A_714 = arith.muli %mul3A_713, %add3A_712 : i32
        %get3A_715 = arith.index_cast %mul3A_714 : i32 to index
        %get3A_716 = tpu.vector_load %arg16[%get3A_715] {strides = array<i32>} : memref<256xf32, #tpu.memory_space<vmem>>, vector<16xf32>,
        %get3A_717 = vector.shape_cast %get3A_716 : vector<16xf32> to vector<16xf32>
        %slice3A = vector.extract_strided_slice %get3A_717 {offsets = [0], sizes = [1], strides = [1]} : vector<16xf32> to vector<1xf32>
        %squeeze3A = vector.extract %slice3A[0] : f32 from vector<1xf32>
        %slice3A_718 = vector.extract_strided_slice %get3A_717 {offsets = [1], sizes = [1], strides = [1]} : vector<16xf32> to vector<1xf32>
        %squeeze3A_719 = vector.extract %slice3A_718[0] : f32 from vector<1xf32>
        %slice3A_720 = vector.extract_strided_slice %get3A_717 {offsets = [2], sizes = [1], strides = [1]} : vector<16xf32> to vector<1xf32>
        %squeeze3A_721 = vector.extract %slice3A_720[0] : f32 from vector<1xf32>
        %get3A_722 = arith.index_cast %add3A_710 : i32 to index
        %get3A_723 = arith.constant 0 : index
        %get3A_724 = tpu.vector_load %arg14[%get3A_722, %get3A_723] {strides = array<i32>} : memref<40x256xf32, #tpu.memory_space<vmem>>, vector<1x16xf32>,
        %get3A_725 = vector.shape_cast %get3A_724 : vector<1x16xf32> to vector<16xf32>
        %add3A_726 = arith.constant 40 : i32
        %add3A_727 = arith.addi %add3A_726, %add3A_710 : i32
        %get3A_728 = arith.index_cast %add3A_727 : i32 to index
        %get3A_729 = arith.constant 0 : index
        %get3A_730 = tpu.vector_load %arg15[%get3A_728, %get3A_729] {strides = array<i32>} : memref<80x96xf32, #tpu.memory_space<vmem>>, vector<1x16xf32>,
        %get3A_731 = vector.shape_cast %get3A_730 : vector<1x16xf32> to vector<16xf32>
        %mul3A_732 = arith.mulf %get3A_725, %get3A_731 : vector<16xf32>
        %swap3A_733 = arith.index_cast %add3A_710 : i32 to index
        %swap3A_734 = arith.constant 0 : index
        %swap3A_735 = tpu.vector_load %arg17[%swap3A_733, %swap3A_734] {strides = array<i32>} : memref<48x128xf32, #tpu.memory_space<vmem>>, vector<1x16xf32>,
        %swap3A_736 = vector.shape_cast %swap3A_735 : vector<1x16xf32> to vector<16xf32>
        %swap3A_737 = vector.shape_cast %mul3A_732 : vector<16xf32> to vector<1x16xf32>
        tpu.vector_store %arg17[%swap3A_733, %swap3A_734], %swap3A_737 {strides = array<i32>} : memref<48x128xf32, #tpu.memory_space<vmem>>, vector<1x16xf32>,
        %get3A_738 = arith.index_cast %add3A_710 : i32 to index
        %get3A_739 = arith.constant 32 : index
        %get3A_740 = tpu.vector_load %arg14[%get3A_738, %get3A_739] {strides = array<i32>} : memref<40x256xf32, #tpu.memory_space<vmem>>, vector<1x16xf32>,
        %get3A_741 = vector.shape_cast %get3A_740 : vector<1x16xf32> to vector<16xf32>
        %add3A_742 = arith.constant 40 : i32
        %add3A_743 = arith.addi %add3A_742, %add3A_710 : i32
        %get3A_744 = arith.index_cast %add3A_743 : i32 to index
        %get3A_745 = arith.constant 32 : index
        %get3A_746 = tpu.vector_load %arg15[%get3A_744, %get3A_745] {strides = array<i32>} : memref<80x96xf32, #tpu.memory_space<vmem>>, vector<1x16xf32>,
        %get3A_747 = vector.shape_cast %get3A_746 : vector<1x16xf32> to vector<16xf32>
        %mul3A_748 = arith.mulf %get3A_741, %get3A_747 : vector<16xf32>
        %get3A_749 = arith.index_cast %add3A_710 : i32 to index
        %get3A_750 = arith.constant 64 : index
        %get3A_751 = tpu.vector_load %arg14[%get3A_749, %get3A_750] {strides = array<i32>} : memref<40x256xf32, #tpu.memory_space<vmem>>, vector<1x16xf32>,
        %get3A_752 = vector.shape_cast %get3A_751 : vector<1x16xf32> to vector<16xf32>
        %add3A_753 = arith.constant 40 : i32
        %add3A_754 = arith.addi %add3A_753, %add3A_710 : i32
        %get3A_755 = arith.index_cast %add3A_754 : i32 to index
        %get3A_756 = arith.constant 64 : index
        %get3A_757 = tpu.vector_load %arg15[%get3A_755, %get3A_756] {strides = array<i32>} : memref<80x96xf32, #tpu.memory_space<vmem>>, vector<1x16xf32>,
        %get3A_758 = vector.shape_cast %get3A_757 : vector<1x16xf32> to vector<16xf32>
        %mul3A_759 = arith.mulf %get3A_752, %get3A_758 : vector<16xf32>
        %get3A_760 = arith.index_cast %add3A_710 : i32 to index
        %get3A_761 = arith.constant 96 : index
        %get3A_762 = tpu.vector_load %arg14[%get3A_760, %get3A_761] {strides = array<i32>} : memref<40x256xf32, #tpu.memory_space<vmem>>, vector<1x16xf32>,
        %get3A_763 = vector.shape_cast %get3A_762 : vector<1x16xf32> to vector<16xf32>
        %mul3A_764 = arith.mulf %get3A_763, %mul3A_748 : vector<16xf32>
        %mul3A_765 = vector.broadcast %squeeze3A : f32 to vector<16xf32>
        %mul3A_766 = arith.mulf %mul3A_759, %mul3A_765 : vector<16xf32>
        %add3A_767 = arith.addf %mul3A_764, %mul3A_766 : vector<16xf32>
        %swap3A_768 = arith.index_cast %add3A_710 : i32 to index
        %swap3A_769 = arith.constant 32 : index
        %swap3A_770 = tpu.vector_load %arg17[%swap3A_768, %swap3A_769] {strides = array<i32>} : memref<48x128xf32, #tpu.memory_space<vmem>>, vector<1x16xf32>,
        %swap3A_771 = vector.shape_cast %swap3A_770 : vector<1x16xf32> to vector<16xf32>
        %swap3A_772 = vector.shape_cast %add3A_767 : vector<16xf32> to vector<1x16xf32>
        tpu.vector_store %arg17[%swap3A_768, %swap3A_769], %swap3A_772 {strides = array<i32>} : memref<48x128xf32, #tpu.memory_space<vmem>>, vector<1x16xf32>,
        %get3A_773 = arith.index_cast %add3A_710 : i32 to index
        %get3A_774 = arith.constant 128 : index
        %get3A_775 = tpu.vector_load %arg14[%get3A_773, %get3A_774] {strides = array<i32>} : memref<40x256xf32, #tpu.memory_space<vmem>>, vector<1x16xf32>,
        %get3A_776 = vector.shape_cast %get3A_775 : vector<1x16xf32> to vector<16xf32>
        %mul3A_777 = arith.mulf %get3A_776, %mul3A_748 : vector<16xf32>
        %mul3A_778 = vector.broadcast %squeeze3A_719 : f32 to vector<16xf32>
        %mul3A_779 = arith.mulf %mul3A_759, %mul3A_778 : vector<16xf32>
        %add3A_780 = arith.addf %mul3A_777, %mul3A_779 : vector<16xf32>
        %swap3A_781 = arith.index_cast %add3A_710 : i32 to index
        %swap3A_782 = arith.constant 64 : index
        %swap3A_783 = tpu.vector_load %arg17[%swap3A_781, %swap3A_782] {strides = array<i32>} : memref<48x128xf32, #tpu.memory_space<vmem>>, vector<1x16xf32>,
        %swap3A_784 = vector.shape_cast %swap3A_783 : vector<1x16xf32> to vector<16xf32>
        %swap3A_785 = vector.shape_cast %add3A_780 : vector<16xf32> to vector<1x16xf32>
        tpu.vector_store %arg17[%swap3A_781, %swap3A_782], %swap3A_785 {strides = array<i32>} : memref<48x128xf32, #tpu.memory_space<vmem>>, vector<1x16xf32>,
        %get3A_786 = arith.index_cast %add3A_710 : i32 to index
        %get3A_787 = arith.constant 160 : index
        %get3A_788 = tpu.vector_load %arg14[%get3A_786, %get3A_787] {strides = array<i32>} : memref<40x256xf32, #tpu.memory_space<vmem>>, vector<1x16xf32>,
        %get3A_789 = vector.shape_cast %get3A_788 : vector<1x16xf32> to vector<16xf32>
        %mul3A_790 = arith.mulf %get3A_789, %mul3A_748 : vector<16xf32>
        %mul3A_791 = vector.broadcast %squeeze3A_721 : f32 to vector<16xf32>
        %mul3A_792 = arith.mulf %mul3A_759, %mul3A_791 : vector<16xf32>
        %add3A_793 = arith.addf %mul3A_790, %mul3A_792 : vector<16xf32>
        %swap3A_794 = arith.index_cast %add3A_710 : i32 to index
        %swap3A_795 = arith.constant 96 : index
        %swap3A_796 = tpu.vector_load %arg17[%swap3A_794, %swap3A_795] {strides = array<i32>} : memref<48x128xf32, #tpu.memory_space<vmem>>, vector<1x16xf32>,
        %swap3A_797 = vector.shape_cast %swap3A_796 : vector<1x16xf32> to vector<16xf32>
        %swap3A_798 = vector.shape_cast %add3A_793 : vector<16xf32> to vector<1x16xf32>
        tpu.vector_store %arg17[%swap3A_794, %swap3A_795], %swap3A_798 {strides = array<i32>} : memref<48x128xf32, #tpu.memory_space<vmem>>, vector<1x16xf32>,
        %get3A_799 = arith.index_cast %add3A_710 : i32 to index
        %get3A_800 = arith.constant 16 : index
        %get3A_801 = tpu.vector_load %arg14[%get3A_799, %get3A_800] {strides = array<i32>} : memref<40x256xf32, #tpu.memory_space<vmem>>, vector<1x16xf32>,
        %get3A_802 = vector.shape_cast %get3A_801 : vector<1x16xf32> to vector<16xf32>
        %add3A_803 = arith.constant 40 : i32
        %add3A_804 = arith.addi %add3A_803, %add3A_710 : i32
        %get3A_805 = arith.index_cast %add3A_804 : i32 to index
        %get3A_806 = arith.constant 16 : index
        %get3A_807 = tpu.vector_load %arg15[%get3A_805, %get3A_806] {strides = array<i32>} : memref<80x96xf32, #tpu.memory_space<vmem>>, vector<1x16xf32>,
        %get3A_808 = vector.shape_cast %get3A_807 : vector<1x16xf32> to vector<16xf32>
        %mul3A_809 = arith.mulf %get3A_802, %get3A_808 : vector<16xf32>
        %swap3A_810 = arith.index_cast %add3A_710 : i32 to index
        %swap3A_811 = arith.constant 16 : index
        %swap3A_812 = tpu.vector_load %arg17[%swap3A_810, %swap3A_811] {strides = array<i32>} : memref<48x128xf32, #tpu.memory_space<vmem>>, vector<1x16xf32>,
        %swap3A_813 = vector.shape_cast %swap3A_812 : vector<1x16xf32> to vector<16xf32>
        %swap3A_814 = vector.shape_cast %mul3A_809 : vector<16xf32> to vector<1x16xf32>
        tpu.vector_store %arg17[%swap3A_810, %swap3A_811], %swap3A_814 {strides = array<i32>} : memref<48x128xf32, #tpu.memory_space<vmem>>, vector<1x16xf32>,
        %get3A_815 = arith.index_cast %add3A_710 : i32 to index
        %get3A_816 = arith.constant 48 : index
        %get3A_817 = tpu.vector_load %arg14[%get3A_815, %get3A_816] {strides = array<i32>} : memref<40x256xf32, #tpu.memory_space<vmem>>, vector<1x16xf32>,
        %get3A_818 = vector.shape_cast %get3A_817 : vector<1x16xf32> to vector<16xf32>
        %add3A_819 = arith.constant 40 : i32
        %add3A_820 = arith.addi %add3A_819, %add3A_710 : i32
        %get3A_821 = arith.index_cast %add3A_820 : i32 to index
        %get3A_822 = arith.constant 48 : index
        %get3A_823 = tpu.vector_load %arg15[%get3A_821, %get3A_822] {strides = array<i32>} : memref<80x96xf32, #tpu.memory_space<vmem>>, vector<1x16xf32>,
        %get3A_824 = vector.shape_cast %get3A_823 : vector<1x16xf32> to vector<16xf32>
        %mul3A_825 = arith.mulf %get3A_818, %get3A_824 : vector<16xf32>
        %get3A_826 = arith.index_cast %add3A_710 : i32 to index
        %get3A_827 = arith.constant 80 : index
        %get3A_828 = tpu.vector_load %arg14[%get3A_826, %get3A_827] {strides = array<i32>} : memref<40x256xf32, #tpu.memory_space<vmem>>, vector<1x16xf32>,
        %get3A_829 = vector.shape_cast %get3A_828 : vector<1x16xf32> to vector<16xf32>
        %add3A_830 = arith.constant 40 : i32
        %add3A_831 = arith.addi %add3A_830, %add3A_710 : i32
        %get3A_832 = arith.index_cast %add3A_831 : i32 to index
        %get3A_833 = arith.constant 80 : index
        %get3A_834 = tpu.vector_load %arg15[%get3A_832, %get3A_833] {strides = array<i32>} : memref<80x96xf32, #tpu.memory_space<vmem>>, vector<1x16xf32>,
        %get3A_835 = vector.shape_cast %get3A_834 : vector<1x16xf32> to vector<16xf32>
        %mul3A_836 = arith.mulf %get3A_829, %get3A_835 : vector<16xf32>
        %get3A_837 = arith.index_cast %add3A_710 : i32 to index
        %get3A_838 = arith.constant 112 : index
        %get3A_839 = tpu.vector_load %arg14[%get3A_837, %get3A_838] {strides = array<i32>} : memref<40x256xf32, #tpu.memory_space<vmem>>, vector<1x16xf32>,
        %get3A_840 = vector.shape_cast %get3A_839 : vector<1x16xf32> to vector<16xf32>
        %mul3A_841 = arith.mulf %get3A_840, %mul3A_825 : vector<16xf32>
        %mul3A_842 = vector.broadcast %squeeze3A : f32 to vector<16xf32>
        %mul3A_843 = arith.mulf %mul3A_836, %mul3A_842 : vector<16xf32>
        %add3A_844 = arith.addf %mul3A_841, %mul3A_843 : vector<16xf32>
        %swap3A_845 = arith.index_cast %add3A_710 : i32 to index
        %swap3A_846 = arith.constant 48 : index
        %swap3A_847 = tpu.vector_load %arg17[%swap3A_845, %swap3A_846] {strides = array<i32>} : memref<48x128xf32, #tpu.memory_space<vmem>>, vector<1x16xf32>,
        %swap3A_848 = vector.shape_cast %swap3A_847 : vector<1x16xf32> to vector<16xf32>
        %swap3A_849 = vector.shape_cast %add3A_844 : vector<16xf32> to vector<1x16xf32>
        tpu.vector_store %arg17[%swap3A_845, %swap3A_846], %swap3A_849 {strides = array<i32>} : memref<48x128xf32, #tpu.memory_space<vmem>>, vector<1x16xf32>,
        %get3A_850 = arith.index_cast %add3A_710 : i32 to index
        %get3A_851 = arith.constant 144 : index
        %get3A_852 = tpu.vector_load %arg14[%get3A_850, %get3A_851] {strides = array<i32>} : memref<40x256xf32, #tpu.memory_space<vmem>>, vector<1x16xf32>,
        %get3A_853 = vector.shape_cast %get3A_852 : vector<1x16xf32> to vector<16xf32>
        %mul3A_854 = arith.mulf %get3A_853, %mul3A_825 : vector<16xf32>
        %mul3A_855 = vector.broadcast %squeeze3A_719 : f32 to vector<16xf32>
        %mul3A_856 = arith.mulf %mul3A_836, %mul3A_855 : vector<16xf32>
        %add3A_857 = arith.addf %mul3A_854, %mul3A_856 : vector<16xf32>
        %swap3A_858 = arith.index_cast %add3A_710 : i32 to index
        %swap3A_859 = arith.constant 80 : index
        %swap3A_860 = tpu.vector_load %arg17[%swap3A_858, %swap3A_859] {strides = array<i32>} : memref<48x128xf32, #tpu.memory_space<vmem>>, vector<1x16xf32>,
        %swap3A_861 = vector.shape_cast %swap3A_860 : vector<1x16xf32> to vector<16xf32>
        %swap3A_862 = vector.shape_cast %add3A_857 : vector<16xf32> to vector<1x16xf32>
        tpu.vector_store %arg17[%swap3A_858, %swap3A_859], %swap3A_862 {strides = array<i32>} : memref<48x128xf32, #tpu.memory_space<vmem>>, vector<1x16xf32>,
        %get3A_863 = arith.index_cast %add3A_710 : i32 to index
        %get3A_864 = arith.constant 176 : index
        %get3A_865 = tpu.vector_load %arg14[%get3A_863, %get3A_864] {strides = array<i32>} : memref<40x256xf32, #tpu.memory_space<vmem>>, vector<1x16xf32>,
        %get3A_866 = vector.shape_cast %get3A_865 : vector<1x16xf32> to vector<16xf32>
        %mul3A_867 = arith.mulf %get3A_866, %mul3A_825 : vector<16xf32>
        %mul3A_868 = vector.broadcast %squeeze3A_721 : f32 to vector<16xf32>
        %mul3A_869 = arith.mulf %mul3A_836, %mul3A_868 : vector<16xf32>
        %add3A_870 = arith.addf %mul3A_867, %mul3A_869 : vector<16xf32>
        %swap3A_871 = arith.index_cast %add3A_710 : i32 to index
        %swap3A_872 = arith.constant 112 : index
        %swap3A_873 = tpu.vector_load %arg17[%swap3A_871, %swap3A_872] {strides = array<i32>} : memref<48x128xf32, #tpu.memory_space<vmem>>, vector<1x16xf32>,
        %swap3A_874 = vector.shape_cast %swap3A_873 : vector<1x16xf32> to vector<16xf32>
        %swap3A_875 = vector.shape_cast %add3A_870 : vector<16xf32> to vector<1x16xf32>
        tpu.vector_store %arg17[%swap3A_871, %swap3A_872], %swap3A_875 {strides = array<i32>} : memref<48x128xf32, #tpu.memory_space<vmem>>, vector<1x16xf32>,
        %scan3A_876 = arith.constant 1 : i32
        %scan3A_877 = arith.addi %scan3A_706, %scan3A_876 : i32
        %mul3A_878 = arith.constant 1 : i32
        %mul3A_879 = arith.muli %scan3A_877, %mul3A_878 : i32
        %add3A_880 = arith.constant 0 : i32
        %add3A_881 = arith.addi %add3A_880, %mul3A_879 : i32
        %add3A_882 = arith.constant 40 : i32
        %add3A_883 = arith.addi %add3A_882, %add3A_881 : i32
        %mul3A_884 = arith.constant 3 : i32
        %mul3A_885 = arith.muli %mul3A_884, %add3A_883 : i32
        %get3A_886 = arith.index_cast %mul3A_885 : i32 to index
        %get3A_887 = tpu.vector_load %arg16[%get3A_886] {strides = array<i32>} : memref<256xf32, #tpu.memory_space<vmem>>, vector<16xf32>,
        %get3A_888 = vector.shape_cast %get3A_887 : vector<16xf32> to vector<16xf32>
        %slice3A_889 = vector.extract_strided_slice %get3A_888 {offsets = [0], sizes = [1], strides = [1]} : vector<16xf32> to vector<1xf32>
        %squeeze3A_890 = vector.extract %slice3A_889[0] : f32 from vector<1xf32>
        %slice3A_891 = vector.extract_strided_slice %get3A_888 {offsets = [1], sizes = [1], strides = [1]} : vector<16xf32> to vector<1xf32>
        %squeeze3A_892 = vector.extract %slice3A_891[0] : f32 from vector<1xf32>
        %slice3A_893 = vector.extract_strided_slice %get3A_888 {offsets = [2], sizes = [1], strides = [1]} : vector<16xf32> to vector<1xf32>
        %squeeze3A_894 = vector.extract %slice3A_893[0] : f32 from vector<1xf32>
        %get3A_895 = arith.index_cast %add3A_881 : i32 to index
        %get3A_896 = arith.constant 0 : index
        %get3A_897 = tpu.vector_load %arg14[%get3A_895, %get3A_896] {strides = array<i32>} : memref<40x256xf32, #tpu.memory_space<vmem>>, vector<1x16xf32>,
        %get3A_898 = vector.shape_cast %get3A_897 : vector<1x16xf32> to vector<16xf32>
        %add3A_899 = arith.constant 40 : i32
        %add3A_900 = arith.addi %add3A_899, %add3A_881 : i32
        %get3A_901 = arith.index_cast %add3A_900 : i32 to index
        %get3A_902 = arith.constant 0 : index
        %get3A_903 = tpu.vector_load %arg15[%get3A_901, %get3A_902] {strides = array<i32>} : memref<80x96xf32, #tpu.memory_space<vmem>>, vector<1x16xf32>,
        %get3A_904 = vector.shape_cast %get3A_903 : vector<1x16xf32> to vector<16xf32>
        %mul3A_905 = arith.mulf %get3A_898, %get3A_904 : vector<16xf32>
        %swap3A_906 = arith.index_cast %add3A_881 : i32 to index
        %swap3A_907 = arith.constant 0 : index
        %swap3A_908 = tpu.vector_load %arg17[%swap3A_906, %swap3A_907] {strides = array<i32>} : memref<48x128xf32, #tpu.memory_space<vmem>>, vector<1x16xf32>,
        %swap3A_909 = vector.shape_cast %swap3A_908 : vector<1x16xf32> to vector<16xf32>
        %swap3A_910 = vector.shape_cast %mul3A_905 : vector<16xf32> to vector<1x16xf32>
        tpu.vector_store %arg17[%swap3A_906, %swap3A_907], %swap3A_910 {strides = array<i32>} : memref<48x128xf32, #tpu.memory_space<vmem>>, vector<1x16xf32>,
        %get3A_911 = arith.index_cast %add3A_881 : i32 to index
        %get3A_912 = arith.constant 32 : index
        %get3A_913 = tpu.vector_load %arg14[%get3A_911, %get3A_912] {strides = array<i32>} : memref<40x256xf32, #tpu.memory_space<vmem>>, vector<1x16xf32>,
        %get3A_914 = vector.shape_cast %get3A_913 : vector<1x16xf32> to vector<16xf32>
        %add3A_915 = arith.constant 40 : i32
        %add3A_916 = arith.addi %add3A_915, %add3A_881 : i32
        %get3A_917 = arith.index_cast %add3A_916 : i32 to index
        %get3A_918 = arith.constant 32 : index
        %get3A_919 = tpu.vector_load %arg15[%get3A_917, %get3A_918] {strides = array<i32>} : memref<80x96xf32, #tpu.memory_space<vmem>>, vector<1x16xf32>,
        %get3A_920 = vector.shape_cast %get3A_919 : vector<1x16xf32> to vector<16xf32>
        %mul3A_921 = arith.mulf %get3A_914, %get3A_920 : vector<16xf32>
        %get3A_922 = arith.index_cast %add3A_881 : i32 to index
        %get3A_923 = arith.constant 64 : index
        %get3A_924 = tpu.vector_load %arg14[%get3A_922, %get3A_923] {strides = array<i32>} : memref<40x256xf32, #tpu.memory_space<vmem>>, vector<1x16xf32>,
        %get3A_925 = vector.shape_cast %get3A_924 : vector<1x16xf32> to vector<16xf32>
        %add3A_926 = arith.constant 40 : i32
        %add3A_927 = arith.addi %add3A_926, %add3A_881 : i32
        %get3A_928 = arith.index_cast %add3A_927 : i32 to index
        %get3A_929 = arith.constant 64 : index
        %get3A_930 = tpu.vector_load %arg15[%get3A_928, %get3A_929] {strides = array<i32>} : memref<80x96xf32, #tpu.memory_space<vmem>>, vector<1x16xf32>,
        %get3A_931 = vector.shape_cast %get3A_930 : vector<1x16xf32> to vector<16xf32>
        %mul3A_932 = arith.mulf %get3A_925, %get3A_931 : vector<16xf32>
        %get3A_933 = arith.index_cast %add3A_881 : i32 to index
        %get3A_934 = arith.constant 96 : index
        %get3A_935 = tpu.vector_load %arg14[%get3A_933, %get3A_934] {strides = array<i32>} : memref<40x256xf32, #tpu.memory_space<vmem>>, vector<1x16xf32>,
        %get3A_936 = vector.shape_cast %get3A_935 : vector<1x16xf32> to vector<16xf32>
        %mul3A_937 = arith.mulf %get3A_936, %mul3A_921 : vector<16xf32>
        %mul3A_938 = vector.broadcast %squeeze3A_890 : f32 to vector<16xf32>
        %mul3A_939 = arith.mulf %mul3A_932, %mul3A_938 : vector<16xf32>
        %add3A_940 = arith.addf %mul3A_937, %mul3A_939 : vector<16xf32>
        %swap3A_941 = arith.index_cast %add3A_881 : i32 to index
        %swap3A_942 = arith.constant 32 : index
        %swap3A_943 = tpu.vector_load %arg17[%swap3A_941, %swap3A_942] {strides = array<i32>} : memref<48x128xf32, #tpu.memory_space<vmem>>, vector<1x16xf32>,
        %swap3A_944 = vector.shape_cast %swap3A_943 : vector<1x16xf32> to vector<16xf32>
        %swap3A_945 = vector.shape_cast %add3A_940 : vector<16xf32> to vector<1x16xf32>
        tpu.vector_store %arg17[%swap3A_941, %swap3A_942], %swap3A_945 {strides = array<i32>} : memref<48x128xf32, #tpu.memory_space<vmem>>, vector<1x16xf32>,
        %get3A_946 = arith.index_cast %add3A_881 : i32 to index
        %get3A_947 = arith.constant 128 : index
        %get3A_948 = tpu.vector_load %arg14[%get3A_946, %get3A_947] {strides = array<i32>} : memref<40x256xf32, #tpu.memory_space<vmem>>, vector<1x16xf32>,
        %get3A_949 = vector.shape_cast %get3A_948 : vector<1x16xf32> to vector<16xf32>
        %mul3A_950 = arith.mulf %get3A_949, %mul3A_921 : vector<16xf32>
        %mul3A_951 = vector.broadcast %squeeze3A_892 : f32 to vector<16xf32>
        %mul3A_952 = arith.mulf %mul3A_932, %mul3A_951 : vector<16xf32>
        %add3A_953 = arith.addf %mul3A_950, %mul3A_952 : vector<16xf32>
        %swap3A_954 = arith.index_cast %add3A_881 : i32 to index
        %swap3A_955 = arith.constant 64 : index
        %swap3A_956 = tpu.vector_load %arg17[%swap3A_954, %swap3A_955] {strides = array<i32>} : memref<48x128xf32, #tpu.memory_space<vmem>>, vector<1x16xf32>,
        %swap3A_957 = vector.shape_cast %swap3A_956 : vector<1x16xf32> to vector<16xf32>
        %swap3A_958 = vector.shape_cast %add3A_953 : vector<16xf32> to vector<1x16xf32>
        tpu.vector_store %arg17[%swap3A_954, %swap3A_955], %swap3A_958 {strides = array<i32>} : memref<48x128xf32, #tpu.memory_space<vmem>>, vector<1x16xf32>,
        %get3A_959 = arith.index_cast %add3A_881 : i32 to index
        %get3A_960 = arith.constant 160 : index
        %get3A_961 = tpu.vector_load %arg14[%get3A_959, %get3A_960] {strides = array<i32>} : memref<40x256xf32, #tpu.memory_space<vmem>>, vector<1x16xf32>,
        %get3A_962 = vector.shape_cast %get3A_961 : vector<1x16xf32> to vector<16xf32>
        %mul3A_963 = arith.mulf %get3A_962, %mul3A_921 : vector<16xf32>
        %mul3A_964 = vector.broadcast %squeeze3A_894 : f32 to vector<16xf32>
        %mul3A_965 = arith.mulf %mul3A_932, %mul3A_964 : vector<16xf32>
        %add3A_966 = arith.addf %mul3A_963, %mul3A_965 : vector<16xf32>
        %swap3A_967 = arith.index_cast %add3A_881 : i32 to index
        %swap3A_968 = arith.constant 96 : index
        %swap3A_969 = tpu.vector_load %arg17[%swap3A_967, %swap3A_968] {strides = array<i32>} : memref<48x128xf32, #tpu.memory_space<vmem>>, vector<1x16xf32>,
        %swap3A_970 = vector.shape_cast %swap3A_969 : vector<1x16xf32> to vector<16xf32>
        %swap3A_971 = vector.shape_cast %add3A_966 : vector<16xf32> to vector<1x16xf32>
        tpu.vector_store %arg17[%swap3A_967, %swap3A_968], %swap3A_971 {strides = array<i32>} : memref<48x128xf32, #tpu.memory_space<vmem>>, vector<1x16xf32>,
        %get3A_972 = arith.index_cast %add3A_881 : i32 to index
        %get3A_973 = arith.constant 16 : index
        %get3A_974 = tpu.vector_load %arg14[%get3A_972, %get3A_973] {strides = array<i32>} : memref<40x256xf32, #tpu.memory_space<vmem>>, vector<1x16xf32>,
        %get3A_975 = vector.shape_cast %get3A_974 : vector<1x16xf32> to vector<16xf32>
        %add3A_976 = arith.constant 40 : i32
        %add3A_977 = arith.addi %add3A_976, %add3A_881 : i32
        %get3A_978 = arith.index_cast %add3A_977 : i32 to index
        %get3A_979 = arith.constant 16 : index
        %get3A_980 = tpu.vector_load %arg15[%get3A_978, %get3A_979] {strides = array<i32>} : memref<80x96xf32, #tpu.memory_space<vmem>>, vector<1x16xf32>,
        %get3A_981 = vector.shape_cast %get3A_980 : vector<1x16xf32> to vector<16xf32>
        %mul3A_982 = arith.mulf %get3A_975, %get3A_981 : vector<16xf32>
        %swap3A_983 = arith.index_cast %add3A_881 : i32 to index
        %swap3A_984 = arith.constant 16 : index
        %swap3A_985 = tpu.vector_load %arg17[%swap3A_983, %swap3A_984] {strides = array<i32>} : memref<48x128xf32, #tpu.memory_space<vmem>>, vector<1x16xf32>,
        %swap3A_986 = vector.shape_cast %swap3A_985 : vector<1x16xf32> to vector<16xf32>
        %swap3A_987 = vector.shape_cast %mul3A_982 : vector<16xf32> to vector<1x16xf32>
        tpu.vector_store %arg17[%swap3A_983, %swap3A_984], %swap3A_987 {strides = array<i32>} : memref<48x128xf32, #tpu.memory_space<vmem>>, vector<1x16xf32>,
        %get3A_988 = arith.index_cast %add3A_881 : i32 to index
        %get3A_989 = arith.constant 48 : index
        %get3A_990 = tpu.vector_load %arg14[%get3A_988, %get3A_989] {strides = array<i32>} : memref<40x256xf32, #tpu.memory_space<vmem>>, vector<1x16xf32>,
        %get3A_991 = vector.shape_cast %get3A_990 : vector<1x16xf32> to vector<16xf32>
        %add3A_992 = arith.constant 40 : i32
        %add3A_993 = arith.addi %add3A_992, %add3A_881 : i32
        %get3A_994 = arith.index_cast %add3A_993 : i32 to index
        %get3A_995 = arith.constant 48 : index
        %get3A_996 = tpu.vector_load %arg15[%get3A_994, %get3A_995] {strides = array<i32>} : memref<80x96xf32, #tpu.memory_space<vmem>>, vector<1x16xf32>,
        %get3A_997 = vector.shape_cast %get3A_996 : vector<1x16xf32> to vector<16xf32>
        %mul3A_998 = arith.mulf %get3A_991, %get3A_997 : vector<16xf32>
        %get3A_999 = arith.index_cast %add3A_881 : i32 to index
        %get3A_1000 = arith.constant 80 : index
        %get3A_1001 = tpu.vector_load %arg14[%get3A_999, %get3A_1000] {strides = array<i32>} : memref<40x256xf32, #tpu.memory_space<vmem>>, vector<1x16xf32>,
        %get3A_1002 = vector.shape_cast %get3A_1001 : vector<1x16xf32> to vector<16xf32>
        %add3A_1003 = arith.constant 40 : i32
        %add3A_1004 = arith.addi %add3A_1003, %add3A_881 : i32
        %get3A_1005 = arith.index_cast %add3A_1004 : i32 to index
        %get3A_1006 = arith.constant 80 : index
        %get3A_1007 = tpu.vector_load %arg15[%get3A_1005, %get3A_1006] {strides = array<i32>} : memref<80x96xf32, #tpu.memory_space<vmem>>, vector<1x16xf32>,
        %get3A_1008 = vector.shape_cast %get3A_1007 : vector<1x16xf32> to vector<16xf32>
        %mul3A_1009 = arith.mulf %get3A_1002, %get3A_1008 : vector<16xf32>
        %get3A_1010 = arith.index_cast %add3A_881 : i32 to index
        %get3A_1011 = arith.constant 112 : index
        %get3A_1012 = tpu.vector_load %arg14[%get3A_1010, %get3A_1011] {strides = array<i32>} : memref<40x256xf32, #tpu.memory_space<vmem>>, vector<1x16xf32>,
        %get3A_1013 = vector.shape_cast %get3A_1012 : vector<1x16xf32> to vector<16xf32>
        %mul3A_1014 = arith.mulf %get3A_1013, %mul3A_998 : vector<16xf32>
        %mul3A_1015 = vector.broadcast %squeeze3A_890 : f32 to vector<16xf32>
        %mul3A_1016 = arith.mulf %mul3A_1009, %mul3A_1015 : vector<16xf32>
        %add3A_1017 = arith.addf %mul3A_1014, %mul3A_1016 : vector<16xf32>
        %swap3A_1018 = arith.index_cast %add3A_881 : i32 to index
        %swap3A_1019 = arith.constant 48 : index
        %swap3A_1020 = tpu.vector_load %arg17[%swap3A_1018, %swap3A_1019] {strides = array<i32>} : memref<48x128xf32, #tpu.memory_space<vmem>>, vector<1x16xf32>,
        %swap3A_1021 = vector.shape_cast %swap3A_1020 : vector<1x16xf32> to vector<16xf32>
        %swap3A_1022 = vector.shape_cast %add3A_1017 : vector<16xf32> to vector<1x16xf32>
        tpu.vector_store %arg17[%swap3A_1018, %swap3A_1019], %swap3A_1022 {strides = array<i32>} : memref<48x128xf32, #tpu.memory_space<vmem>>, vector<1x16xf32>,
        %get3A_1023 = arith.index_cast %add3A_881 : i32 to index
        %get3A_1024 = arith.constant 144 : index
        %get3A_1025 = tpu.vector_load %arg14[%get3A_1023, %get3A_1024] {strides = array<i32>} : memref<40x256xf32, #tpu.memory_space<vmem>>, vector<1x16xf32>,
        %get3A_1026 = vector.shape_cast %get3A_1025 : vector<1x16xf32> to vector<16xf32>
        %mul3A_1027 = arith.mulf %get3A_1026, %mul3A_998 : vector<16xf32>
        %mul3A_1028 = vector.broadcast %squeeze3A_892 : f32 to vector<16xf32>
        %mul3A_1029 = arith.mulf %mul3A_1009, %mul3A_1028 : vector<16xf32>
        %add3A_1030 = arith.addf %mul3A_1027, %mul3A_1029 : vector<16xf32>
        %swap3A_1031 = arith.index_cast %add3A_881 : i32 to index
        %swap3A_1032 = arith.constant 80 : index
        %swap3A_1033 = tpu.vector_load %arg17[%swap3A_1031, %swap3A_1032] {strides = array<i32>} : memref<48x128xf32, #tpu.memory_space<vmem>>, vector<1x16xf32>,
        %swap3A_1034 = vector.shape_cast %swap3A_1033 : vector<1x16xf32> to vector<16xf32>
        %swap3A_1035 = vector.shape_cast %add3A_1030 : vector<16xf32> to vector<1x16xf32>
        tpu.vector_store %arg17[%swap3A_1031, %swap3A_1032], %swap3A_1035 {strides = array<i32>} : memref<48x128xf32, #tpu.memory_space<vmem>>, vector<1x16xf32>,
        %get3A_1036 = arith.index_cast %add3A_881 : i32 to index
        %get3A_1037 = arith.constant 176 : index
        %get3A_1038 = tpu.vector_load %arg14[%get3A_1036, %get3A_1037] {strides = array<i32>} : memref<40x256xf32, #tpu.memory_space<vmem>>, vector<1x16xf32>,
        %get3A_1039 = vector.shape_cast %get3A_1038 : vector<1x16xf32> to vector<16xf32>
        %mul3A_1040 = arith.mulf %get3A_1039, %mul3A_998 : vector<16xf32>
        %mul3A_1041 = vector.broadcast %squeeze3A_894 : f32 to vector<16xf32>
        %mul3A_1042 = arith.mulf %mul3A_1009, %mul3A_1041 : vector<16xf32>
        %add3A_1043 = arith.addf %mul3A_1040, %mul3A_1042 : vector<16xf32>
        %swap3A_1044 = arith.index_cast %add3A_881 : i32 to index
        %swap3A_1045 = arith.constant 112 : index
        %swap3A_1046 = tpu.vector_load %arg17[%swap3A_1044, %swap3A_1045] {strides = array<i32>} : memref<48x128xf32, #tpu.memory_space<vmem>>, vector<1x16xf32>,
        %swap3A_1047 = vector.shape_cast %swap3A_1046 : vector<1x16xf32> to vector<16xf32>
        %swap3A_1048 = vector.shape_cast %add3A_1043 : vector<16xf32> to vector<1x16xf32>
        tpu.vector_store %arg17[%swap3A_1044, %swap3A_1045], %swap3A_1048 {strides = array<i32>} : memref<48x128xf32, #tpu.memory_space<vmem>>, vector<1x16xf32>,
      }
      %scan3A_705 = arith.constant 40 : i32
      "tpu.region"() ({
        %run_scoped3A = tpu.sem_alloc : memref<!tpu.dma_semaphore, #tpu.memory_space<semaphore_mem>>
        %dma_start3A_706 = arith.constant 0 : i32
        %dma_start3A_707 = arith.constant 0 : i32
        %dma_start3A_708 = tpu.memref_slice %arg18[%dma_start3A_706, %dma_start3A_707] : memref<10000x128xf32, #tpu.memory_space<vmem_shared>> -> memref<10000x128xf32, #tpu.memory_space<vmem_shared>>
        tpu.enqueue_indirect_dma source(%arg17 : memref<48x128xf32, #tpu.memory_space<vmem>>) target(%dma_start3A_708 : memref<10000x128xf32, #tpu.memory_space<vmem_shared>>) offsets(%arg12 : memref<48xi32, #tpu.memory_space<vmem>>) semaphore(%run_scoped3A : memref<!tpu.dma_semaphore, #tpu.memory_space<semaphore_mem>>) {add = true}
        %dma_wait3A_709 = arith.constant 0 : i32
        %dma_wait3A_710 = arith.constant 0 : i32
        %dma_wait3A_711 = tpu.memref_slice %arg18[%dma_wait3A_709, %dma_wait3A_710] : memref<10000x128xf32, #tpu.memory_space<vmem_shared>> -> memref<10000x128xf32, #tpu.memory_space<vmem_shared>>
        tpu.wait_indirect_dma semaphore(%run_scoped3A : memref<!tpu.dma_semaphore, #tpu.memory_space<semaphore_mem>>) src(%arg17 : memref<48x128xf32, #tpu.memory_space<vmem>>) dst(%dma_wait3A_711 : memref<10000x128xf32, #tpu.memory_space<vmem_shared>>)
        tpu.yield
      }) : () -> ()
    }
    %scan3A_527 = arith.constant 250 : i32
    %barrier3A_528 = arith.constant 0 : index
    tpu.barrier barrier_id(%barrier3A_528)
    %mul3A_529 = arith.constant 624 : i32
    %mul3A_530 = arith.muli %arg1, %mul3A_529 : i32
    %mul3A_531 = arith.constant 10000 : i32
    %mul3A_532 = arith.muli %add3A_517, %mul3A_531 : i32
    %mul3A_533 = arith.constant 624 : i32
    %mul3A_534 = arith.muli %arg1, %mul3A_533 : i32
    %add3A_535 = arith.addi %mul3A_532, %mul3A_534 : i32
    "tpu.region"() ({
      %run_scoped3A = tpu.sem_alloc : memref<!tpu.dma_semaphore, #tpu.memory_space<semaphore_mem>>
      %dma_start3A = arith.constant 0 : i32
      %dma_start3A_573 = tpu.memref_slice %arg8[%add3A_535, %dma_start3A] : memref<40000x128xf32, #tpu.memory_space<hbm>> -> memref<624x128xf32, #tpu.memory_space<hbm>>
      %dma_start3A_574 = arith.constant 0 : i32
      %dma_start3A_575 = tpu.memref_slice %arg18[%mul3A_530, %dma_start3A_574] : memref<10000x128xf32, #tpu.memory_space<vmem_shared>> -> memref<624x128xf32, #tpu.memory_space<vmem_shared>>
      tpu.enqueue_dma source(%dma_start3A_575 : memref<624x128xf32, #tpu.memory_space<vmem_shared>>) target(%dma_start3A_573 : memref<624x128xf32, #tpu.memory_space<hbm>>) target_semaphore(%run_scoped3A : memref<!tpu.dma_semaphore, #tpu.memory_space<semaphore_mem>>)
      %dma_wait3A = arith.constant 0 : i32
      %dma_wait3A_576 = tpu.memref_slice %arg8[%add3A_535, %dma_wait3A] : memref<40000x128xf32, #tpu.memory_space<hbm>> -> memref<624x128xf32, #tpu.memory_space<hbm>>
      %dma_wait3A_577 = arith.constant 0 : i32
      %dma_wait3A_578 = tpu.memref_slice %arg18[%mul3A_530, %dma_wait3A_577] : memref<10000x128xf32, #tpu.memory_space<vmem_shared>> -> memref<624x128xf32, #tpu.memory_space<vmem_shared>>
      tpu.wait_dma2 semaphore(%run_scoped3A : memref<!tpu.dma_semaphore, #tpu.memory_space<semaphore_mem>>) src(%dma_wait3A_578 : memref<624x128xf32, #tpu.memory_space<vmem_shared>>) dst(%dma_wait3A_576 : memref<624x128xf32, #tpu.memory_space<hbm>>)
      tpu.yield
    }) : () -> ()
    %eq3A_536 = arith.constant 0 : i32
    %eq3A_537 = arith.cmpi eq, %arg1, %eq3A_536 : i32
    %convert_element_type3A_538 = arith.extui %eq3A_537 : i1 to i32
    %cond3A_539 = arith.constant 0 : i32
    %cond3A_540 = arith.cmpi ne, %convert_element_type3A_538, %cond3A_539 : i32
    scf.if %cond3A_540 {
      %mul3A_573 = arith.constant 10000 : i32
      %mul3A_574 = arith.muli %add3A_517, %mul3A_573 : i32
      %add3A_575 = arith.constant 9984 : i32
      %add3A_576 = arith.addi %mul3A_574, %add3A_575 : i32
      "tpu.region"() ({
        %run_scoped3A = tpu.sem_alloc : memref<!tpu.dma_semaphore, #tpu.memory_space<semaphore_mem>>
        %dma_start3A = arith.constant 0 : i32
        %dma_start3A_577 = tpu.memref_slice %arg8[%add3A_576, %dma_start3A] : memref<40000x128xf32, #tpu.memory_space<hbm>> -> memref<16x128xf32, #tpu.memory_space<hbm>>
        %dma_start3A_578 = arith.constant 9984 : i32
        %dma_start3A_579 = arith.constant 0 : i32
        %dma_start3A_580 = tpu.memref_slice %arg18[%dma_start3A_578, %dma_start3A_579] : memref<10000x128xf32, #tpu.memory_space<vmem_shared>> -> memref<16x128xf32, #tpu.memory_space<vmem_shared>>
        tpu.enqueue_dma source(%dma_start3A_580 : memref<16x128xf32, #tpu.memory_space<vmem_shared>>) target(%dma_start3A_577 : memref<16x128xf32, #tpu.memory_space<hbm>>) target_semaphore(%run_scoped3A : memref<!tpu.dma_semaphore, #tpu.memory_space<semaphore_mem>>)
        %dma_wait3A = arith.constant 0 : i32
        %dma_wait3A_581 = tpu.memref_slice %arg8[%add3A_576, %dma_wait3A] : memref<40000x128xf32, #tpu.memory_space<hbm>> -> memref<16x128xf32, #tpu.memory_space<hbm>>
        %dma_wait3A_582 = arith.constant 9984 : i32
        %dma_wait3A_583 = arith.constant 0 : i32
        %dma_wait3A_584 = tpu.memref_slice %arg18[%dma_wait3A_582, %dma_wait3A_583] : memref<10000x128xf32, #tpu.memory_space<vmem_shared>> -> memref<16x128xf32, #tpu.memory_space<vmem_shared>>
        tpu.wait_dma2 semaphore(%run_scoped3A : memref<!tpu.dma_semaphore, #tpu.memory_space<semaphore_mem>>) src(%dma_wait3A_584 : memref<16x128xf32, #tpu.memory_space<vmem_shared>>) dst(%dma_wait3A_581 : memref<16x128xf32, #tpu.memory_space<hbm>>)
        tpu.yield
      }) : () -> ()
    } else {
    }
    %mul3A_541 = arith.constant 2 : i32
    %mul3A_542 = arith.muli %mul3A_541, %arg0 : i32
    %add3A_543 = arith.constant 1 : i32
    %add3A_544 = arith.addi %mul3A_542, %add3A_543 : i32
    %mul3A_545 = arith.constant 624 : i32
    %mul3A_546 = arith.muli %arg1, %mul3A_545 : i32
    %mul3A_547 = arith.constant 624 : i32
    %mul3A_548 = arith.muli %arg1, %mul3A_547 : i32
    "tpu.region"() ({
      %run_scoped3A = tpu.sem_alloc : memref<!tpu.dma_semaphore, #tpu.memory_space<semaphore_mem>>
      %dma_start3A = arith.constant 0 : i32
      %dma_start3A_573 = tpu.memref_slice %arg18[%mul3A_548, %dma_start3A] : memref<10000x128xf32, #tpu.memory_space<vmem_shared>> -> memref<624x128xf32, #tpu.memory_space<vmem_shared>>
      %dma_start3A_574 = arith.constant 0 : i32
      %dma_start3A_575 = tpu.memref_slice %arg7[%mul3A_546, %dma_start3A_574] : memref<10000x128xf32, #tpu.memory_space<hbm>> -> memref<624x128xf32, #tpu.memory_space<hbm>>
      tpu.enqueue_dma source(%dma_start3A_575 : memref<624x128xf32, #tpu.memory_space<hbm>>) target(%dma_start3A_573 : memref<624x128xf32, #tpu.memory_space<vmem_shared>>) target_semaphore(%run_scoped3A : memref<!tpu.dma_semaphore, #tpu.memory_space<semaphore_mem>>)
      %dma_wait3A = arith.constant 0 : i32
      %dma_wait3A_576 = tpu.memref_slice %arg18[%mul3A_548, %dma_wait3A] : memref<10000x128xf32, #tpu.memory_space<vmem_shared>> -> memref<624x128xf32, #tpu.memory_space<vmem_shared>>
      %dma_wait3A_577 = arith.constant 0 : i32
      %dma_wait3A_578 = tpu.memref_slice %arg7[%mul3A_546, %dma_wait3A_577] : memref<10000x128xf32, #tpu.memory_space<hbm>> -> memref<624x128xf32, #tpu.memory_space<hbm>>
      tpu.wait_dma2 semaphore(%run_scoped3A : memref<!tpu.dma_semaphore, #tpu.memory_space<semaphore_mem>>) src(%dma_wait3A_578 : memref<624x128xf32, #tpu.memory_space<hbm>>) dst(%dma_wait3A_576 : memref<624x128xf32, #tpu.memory_space<vmem_shared>>)
      tpu.yield
    }) : () -> ()
    %eq3A_549 = arith.constant 0 : i32
    %eq3A_550 = arith.cmpi eq, %arg1, %eq3A_549 : i32
    %convert_element_type3A_551 = arith.extui %eq3A_550 : i1 to i32
    %cond3A_552 = arith.constant 0 : i32
    %cond3A_553 = arith.cmpi ne, %convert_element_type3A_551, %cond3A_552 : i32
    scf.if %cond3A_553 {
      "tpu.region"() ({
        %run_scoped3A = tpu.sem_alloc : memref<!tpu.dma_semaphore, #tpu.memory_space<semaphore_mem>>
        %dma_start3A = arith.constant 9984 : i32
        %dma_start3A_573 = arith.constant 0 : i32
        %dma_start3A_574 = tpu.memref_slice %arg18[%dma_start3A, %dma_start3A_573] : memref<10000x128xf32, #tpu.memory_space<vmem_shared>> -> memref<16x128xf32, #tpu.memory_space<vmem_shared>>
        %dma_start3A_575 = arith.constant 9984 : i32
        %dma_start3A_576 = arith.constant 0 : i32
        %dma_start3A_577 = tpu.memref_slice %arg7[%dma_start3A_575, %dma_start3A_576] : memref<10000x128xf32, #tpu.memory_space<hbm>> -> memref<16x128xf32, #tpu.memory_space<hbm>>
        tpu.enqueue_dma source(%dma_start3A_577 : memref<16x128xf32, #tpu.memory_space<hbm>>) target(%dma_start3A_574 : memref<16x128xf32, #tpu.memory_space<vmem_shared>>) target_semaphore(%run_scoped3A : memref<!tpu.dma_semaphore, #tpu.memory_space<semaphore_mem>>)
        %dma_wait3A = arith.constant 9984 : i32
        %dma_wait3A_578 = arith.constant 0 : i32
        %dma_wait3A_579 = tpu.memref_slice %arg18[%dma_wait3A, %dma_wait3A_578] : memref<10000x128xf32, #tpu.memory_space<vmem_shared>> -> memref<16x128xf32, #tpu.memory_space<vmem_shared>>
        %dma_wait3A_580 = arith.constant 9984 : i32
        %dma_wait3A_581 = arith.constant 0 : i32
        %dma_wait3A_582 = tpu.memref_slice %arg7[%dma_wait3A_580, %dma_wait3A_581] : memref<10000x128xf32, #tpu.memory_space<hbm>> -> memref<16x128xf32, #tpu.memory_space<hbm>>
        tpu.wait_dma2 semaphore(%run_scoped3A : memref<!tpu.dma_semaphore, #tpu.memory_space<semaphore_mem>>) src(%dma_wait3A_582 : memref<16x128xf32, #tpu.memory_space<hbm>>) dst(%dma_wait3A_579 : memref<16x128xf32, #tpu.memory_space<vmem_shared>>)
        tpu.yield
      }) : () -> ()
    } else {
    }
    %barrier3A_554 = arith.constant 0 : index
    tpu.barrier barrier_id(%barrier3A_554)
    %scan3A_555 = arith.constant 0 : i32
    %scan3A_556 = arith.constant 250 : i32
    %scan3A_557 = arith.addi %scan3A_555, %scan3A_556 : i32
    %scan3A_558 = arith.constant 1 : i32
    scf.for %scan3A_573 = %scan3A_555 to %scan3A_557 step %scan3A_558  : i32 {
      %mul3A_574 = arith.constant 1 : i32
      %mul3A_575 = arith.muli %scan3A_573, %mul3A_574 : i32
      %add3A_576 = arith.constant 0 : i32
      %add3A_577 = arith.addi %add3A_576, %mul3A_575 : i32
      %mul3A_578 = arith.constant 20000 : i32
      %mul3A_579 = arith.muli %arg1, %mul3A_578 : i32
      %mul3A_580 = arith.constant 80 : i32
      %mul3A_581 = arith.muli %add3A_577, %mul3A_580 : i32
      %add3A_582 = arith.addi %mul3A_579, %mul3A_581 : i32
      %dma_start3A = arith.constant 0 : i32
      %dma_start3A_583 = tpu.memref_slice %arg9[%dma_start3A] : memref<80xi32, #tpu.memory_space<vmem>> -> memref<80xi32, #tpu.memory_space<vmem>>
      %dma_start3A_584 = tpu.memref_slice %arg4[%add3A_582] : memref<320000xi32, #tpu.memory_space<hbm>> -> memref<80xi32, #tpu.memory_space<hbm>>
      %dma_start3A_585 = arith.constant 0 : i32
      %dma_start3A_586 = tpu.memref_slice %arg9[%dma_start3A_585] : memref<80xi32, #tpu.memory_space<vmem>> -> memref<80xi32, #tpu.memory_space<vmem>>
      %dma_start3A_587 = tpu.memref_slice %arg4[%add3A_582] : memref<320000xi32, #tpu.memory_space<hbm>> -> memref<80xi32, #tpu.memory_space<hbm>>
      tpu.enqueue_dma source(%dma_start3A_587 : memref<80xi32, #tpu.memory_space<hbm>>) target(%dma_start3A_586 : memref<80xi32, #tpu.memory_space<vmem>>) target_semaphore(%arg19 : memref<!tpu.dma_semaphore, #tpu.memory_space<semaphore_mem>>)
      %dma_start3A_588 = arith.constant 0 : i32
      %dma_start3A_589 = tpu.memref_slice %arg10[%dma_start3A_588] : memref<96xi32, #tpu.memory_space<vmem>> -> memref<80xi32, #tpu.memory_space<vmem>>
      %dma_start3A_590 = tpu.memref_slice %arg5[%add3A_582] : memref<320000xi32, #tpu.memory_space<hbm>> -> memref<80xi32, #tpu.memory_space<hbm>>
      %dma_start3A_591 = arith.constant 0 : i32
      %dma_start3A_592 = tpu.memref_slice %arg10[%dma_start3A_591] : memref<96xi32, #tpu.memory_space<vmem>> -> memref<80xi32, #tpu.memory_space<vmem>>
      %dma_start3A_593 = tpu.memref_slice %arg5[%add3A_582] : memref<320000xi32, #tpu.memory_space<hbm>> -> memref<80xi32, #tpu.memory_space<hbm>>
      tpu.enqueue_dma source(%dma_start3A_593 : memref<80xi32, #tpu.memory_space<hbm>>) target(%dma_start3A_592 : memref<80xi32, #tpu.memory_space<vmem>>) target_semaphore(%arg20 : memref<!tpu.dma_semaphore, #tpu.memory_space<semaphore_mem>>)
      %mul3A_594 = arith.constant 320000 : i32
      %mul3A_595 = arith.muli %add3A_544, %mul3A_594 : i32
      %add3A_596 = arith.addi %mul3A_595, %add3A_582 : i32
      %dma_start3A_597 = arith.constant 0 : i32
      %dma_start3A_598 = tpu.memref_slice %arg3[%add3A_596, %dma_start3A_597] : memref<1280000x96xf32, #tpu.memory_space<hbm>> -> memref<80x96xf32, #tpu.memory_space<hbm>>
      %dma_start3A_599 = arith.constant 0 : i32
      %dma_start3A_600 = tpu.memref_slice %arg3[%add3A_596, %dma_start3A_599] : memref<1280000x96xf32, #tpu.memory_space<hbm>> -> memref<80x96xf32, #tpu.memory_space<hbm>>
      tpu.enqueue_dma source(%dma_start3A_600 : memref<80x96xf32, #tpu.memory_space<hbm>>) target(%arg15 : memref<80x96xf32, #tpu.memory_space<vmem>>) target_semaphore(%arg21 : memref<!tpu.dma_semaphore, #tpu.memory_space<semaphore_mem>>)
      %mul3A_601 = arith.constant 3 : i32
      %mul3A_602 = arith.muli %mul3A_601, %add3A_582 : i32
      %dma_start3A_603 = arith.constant 0 : i32
      %dma_start3A_604 = tpu.memref_slice %arg16[%dma_start3A_603] : memref<256xf32, #tpu.memory_space<vmem>> -> memref<240xf32, #tpu.memory_space<vmem>>
      %dma_start3A_605 = tpu.memref_slice %arg6[%mul3A_602] : memref<960000xf32, #tpu.memory_space<hbm>> -> memref<240xf32, #tpu.memory_space<hbm>>
      %dma_start3A_606 = arith.constant 0 : i32
      %dma_start3A_607 = tpu.memref_slice %arg16[%dma_start3A_606] : memref<256xf32, #tpu.memory_space<vmem>> -> memref<240xf32, #tpu.memory_space<vmem>>
      %dma_start3A_608 = tpu.memref_slice %arg6[%mul3A_602] : memref<960000xf32, #tpu.memory_space<hbm>> -> memref<240xf32, #tpu.memory_space<hbm>>
      tpu.enqueue_dma source(%dma_start3A_608 : memref<240xf32, #tpu.memory_space<hbm>>) target(%dma_start3A_607 : memref<240xf32, #tpu.memory_space<vmem>>) target_semaphore(%arg22 : memref<!tpu.dma_semaphore, #tpu.memory_space<semaphore_mem>>)
      %dma_wait3A = arith.constant 0 : i32
      %dma_wait3A_609 = tpu.memref_slice %arg9[%dma_wait3A] : memref<80xi32, #tpu.memory_space<vmem>> -> memref<80xi32, #tpu.memory_space<vmem>>
      %dma_wait3A_610 = tpu.memref_slice %arg4[%add3A_582] : memref<320000xi32, #tpu.memory_space<hbm>> -> memref<80xi32, #tpu.memory_space<hbm>>
      %dma_wait3A_611 = arith.constant 0 : i32
      %dma_wait3A_612 = tpu.memref_slice %arg9[%dma_wait3A_611] : memref<80xi32, #tpu.memory_space<vmem>> -> memref<80xi32, #tpu.memory_space<vmem>>
      %dma_wait3A_613 = tpu.memref_slice %arg4[%add3A_582] : memref<320000xi32, #tpu.memory_space<hbm>> -> memref<80xi32, #tpu.memory_space<hbm>>
      tpu.wait_dma2 semaphore(%arg19 : memref<!tpu.dma_semaphore, #tpu.memory_space<semaphore_mem>>) src(%dma_wait3A_613 : memref<80xi32, #tpu.memory_space<hbm>>) dst(%dma_wait3A_612 : memref<80xi32, #tpu.memory_space<vmem>>)
      %scan3A_614 = arith.constant 0 : i32
      %scan3A_615 = arith.constant 5 : i32
      %scan3A_616 = arith.addi %scan3A_614, %scan3A_615 : i32
      %scan3A_617 = arith.constant 1 : i32
      scf.for %scan3A_706 = %scan3A_614 to %scan3A_616 step %scan3A_617  : i32 {
        %mul3A_707 = arith.constant 1 : i32
        %mul3A_708 = arith.muli %scan3A_706, %mul3A_707 : i32
        %add3A_709 = arith.constant 0 : i32
        %add3A_710 = arith.addi %add3A_709, %mul3A_708 : i32
        %mul3A_711 = arith.constant 16 : i32
        %mul3A_712 = arith.muli %add3A_710, %mul3A_711 : i32
        %get3A_713 = arith.index_cast %mul3A_712 : i32 to index
        %get3A_714 = tpu.vector_load %arg9[%get3A_713] {strides = array<i32>} : memref<80xi32, #tpu.memory_space<vmem>>, vector<16xi32>,
        %get3A_715 = vector.shape_cast %get3A_714 : vector<16xi32> to vector<16xi32>
        %mul3A_716 = arith.constant 10000 : i32
        %mul3A_717 = arith.muli %add3A_544, %mul3A_716 : i32
        %add3A_718 = vector.broadcast %mul3A_717 : i32 to vector<16xi32>
        %add3A_719 = arith.addi %get3A_715, %add3A_718 : vector<16xi32>
        %mul3A_720 = arith.constant 16 : i32
        %mul3A_721 = arith.muli %add3A_710, %mul3A_720 : i32
        %swap3A_722 = arith.index_cast %mul3A_721 : i32 to index
        %swap3A_723 = tpu.vector_load %arg9[%swap3A_722] {strides = array<i32>} : memref<80xi32, #tpu.memory_space<vmem>>, vector<16xi32>,
        %swap3A_724 = vector.shape_cast %swap3A_723 : vector<16xi32> to vector<16xi32>
        %swap3A_725 = vector.shape_cast %add3A_719 : vector<16xi32> to vector<16xi32>
        tpu.vector_store %arg9[%swap3A_722], %swap3A_725 {strides = array<i32>} : memref<80xi32, #tpu.memory_space<vmem>>, vector<16xi32>,
      }
      %scan3A_618 = arith.constant 5 : i32
      %dma_start3A_619 = arith.constant 0 : i32
      %dma_start3A_620 = tpu.memref_slice %arg9[%dma_start3A_619] : memref<80xi32, #tpu.memory_space<vmem>> -> memref<40xi32, #tpu.memory_space<vmem>>
      %dma_start3A_621 = arith.constant 0 : i32
      %dma_start3A_622 = arith.constant 0 : i32
      %dma_start3A_623 = tpu.memref_slice %arg2[%dma_start3A_621, %dma_start3A_622] : memref<40000x256xf32, #tpu.memory_space<hbm>> -> memref<40000x256xf32, #tpu.memory_space<hbm>>
      tpu.enqueue_indirect_dma source(%dma_start3A_623 : memref<40000x256xf32, #tpu.memory_space<hbm>>) target(%arg13 : memref<40x256xf32, #tpu.memory_space<vmem>>) offsets(%dma_start3A_620 : memref<40xi32, #tpu.memory_space<vmem>>) semaphore(%arg23 : memref<!tpu.dma_semaphore, #tpu.memory_space<semaphore_mem>>)
      %dma_start3A_624 = arith.constant 40 : i32
      %dma_start3A_625 = tpu.memref_slice %arg9[%dma_start3A_624] : memref<80xi32, #tpu.memory_space<vmem>> -> memref<40xi32, #tpu.memory_space<vmem>>
      %dma_start3A_626 = arith.constant 0 : i32
      %dma_start3A_627 = arith.constant 0 : i32
      %dma_start3A_628 = tpu.memref_slice %arg2[%dma_start3A_626, %dma_start3A_627] : memref<40000x256xf32, #tpu.memory_space<hbm>> -> memref<40000x256xf32, #tpu.memory_space<hbm>>
      tpu.enqueue_indirect_dma source(%dma_start3A_628 : memref<40000x256xf32, #tpu.memory_space<hbm>>) target(%arg14 : memref<40x256xf32, #tpu.memory_space<vmem>>) offsets(%dma_start3A_625 : memref<40xi32, #tpu.memory_space<vmem>>) semaphore(%arg24 : memref<!tpu.dma_semaphore, #tpu.memory_space<semaphore_mem>>)
      %dma_wait3A_629 = arith.constant 0 : i32
      %dma_wait3A_630 = tpu.memref_slice %arg10[%dma_wait3A_629] : memref<96xi32, #tpu.memory_space<vmem>> -> memref<80xi32, #tpu.memory_space<vmem>>
      %dma_wait3A_631 = tpu.memref_slice %arg5[%add3A_582] : memref<320000xi32, #tpu.memory_space<hbm>> -> memref<80xi32, #tpu.memory_space<hbm>>
      %dma_wait3A_632 = arith.constant 0 : i32
      %dma_wait3A_633 = tpu.memref_slice %arg10[%dma_wait3A_632] : memref<96xi32, #tpu.memory_space<vmem>> -> memref<80xi32, #tpu.memory_space<vmem>>
      %dma_wait3A_634 = tpu.memref_slice %arg5[%add3A_582] : memref<320000xi32, #tpu.memory_space<hbm>> -> memref<80xi32, #tpu.memory_space<hbm>>
      tpu.wait_dma2 semaphore(%arg20 : memref<!tpu.dma_semaphore, #tpu.memory_space<semaphore_mem>>) src(%dma_wait3A_634 : memref<80xi32, #tpu.memory_space<hbm>>) dst(%dma_wait3A_633 : memref<80xi32, #tpu.memory_space<vmem>>)
      %get3A = arith.constant 0 : index
      %get3A_635 = tpu.vector_load %arg10[%get3A] {strides = array<i32>} : memref<96xi32, #tpu.memory_space<vmem>>, vector<16xi32>,
      %get3A_636 = vector.shape_cast %get3A_635 : vector<16xi32> to vector<16xi32>
      %swap3A_637 = arith.constant 0 : index
      %swap3A_638 = tpu.vector_load %arg11[%swap3A_637] {strides = array<i32>} : memref<48xi32, #tpu.memory_space<vmem>>, vector<16xi32>,
      %swap3A_639 = vector.shape_cast %swap3A_638 : vector<16xi32> to vector<16xi32>
      %swap3A_640 = vector.shape_cast %get3A_636 : vector<16xi32> to vector<16xi32>
      tpu.vector_store %arg11[%swap3A_637], %swap3A_640 {strides = array<i32>} : memref<48xi32, #tpu.memory_space<vmem>>, vector<16xi32>,
      %get3A_641 = arith.constant 40 : index
      %get3A_642 = tpu.vector_load %arg10[%get3A_641] {strides = array<i32>} : memref<96xi32, #tpu.memory_space<vmem>>, vector<16xi32>,
      %get3A_643 = vector.shape_cast %get3A_642 : vector<16xi32> to vector<16xi32>
      %swap3A_644 = arith.constant 0 : index
      %swap3A_645 = tpu.vector_load %arg12[%swap3A_644] {strides = array<i32>} : memref<48xi32, #tpu.memory_space<vmem>>, vector<16xi32>,
      %swap3A_646 = vector.shape_cast %swap3A_645 : vector<16xi32> to vector<16xi32>
      %swap3A_647 = vector.shape_cast %get3A_643 : vector<16xi32> to vector<16xi32>
      tpu.vector_store %arg12[%swap3A_644], %swap3A_647 {strides = array<i32>} : memref<48xi32, #tpu.memory_space<vmem>>, vector<16xi32>,
      %get3A_648 = arith.constant 16 : index
      %get3A_649 = tpu.vector_load %arg10[%get3A_648] {strides = array<i32>} : memref<96xi32, #tpu.memory_space<vmem>>, vector<16xi32>,
      %get3A_650 = vector.shape_cast %get3A_649 : vector<16xi32> to vector<16xi32>
      %swap3A_651 = arith.constant 16 : index
      %swap3A_652 = tpu.vector_load %arg11[%swap3A_651] {strides = array<i32>} : memref<48xi32, #tpu.memory_space<vmem>>, vector<16xi32>,
      %swap3A_653 = vector.shape_cast %swap3A_652 : vector<16xi32> to vector<16xi32>
      %swap3A_654 = vector.shape_cast %get3A_650 : vector<16xi32> to vector<16xi32>
      tpu.vector_store %arg11[%swap3A_651], %swap3A_654 {strides = array<i32>} : memref<48xi32, #tpu.memory_space<vmem>>, vector<16xi32>,
      %get3A_655 = arith.constant 56 : index
      %get3A_656 = tpu.vector_load %arg10[%get3A_655] {strides = array<i32>} : memref<96xi32, #tpu.memory_space<vmem>>, vector<16xi32>,
      %get3A_657 = vector.shape_cast %get3A_656 : vector<16xi32> to vector<16xi32>
      %swap3A_658 = arith.constant 16 : index
      %swap3A_659 = tpu.vector_load %arg12[%swap3A_658] {strides = array<i32>} : memref<48xi32, #tpu.memory_space<vmem>>, vector<16xi32>,
      %swap3A_660 = vector.shape_cast %swap3A_659 : vector<16xi32> to vector<16xi32>
      %swap3A_661 = vector.shape_cast %get3A_657 : vector<16xi32> to vector<16xi32>
      tpu.vector_store %arg12[%swap3A_658], %swap3A_661 {strides = array<i32>} : memref<48xi32, #tpu.memory_space<vmem>>, vector<16xi32>,
      %get3A_662 = arith.constant 32 : index
      %get3A_663 = tpu.vector_load %arg10[%get3A_662] {strides = array<i32>} : memref<96xi32, #tpu.memory_space<vmem>>, vector<16xi32>,
      %get3A_664 = vector.shape_cast %get3A_663 : vector<16xi32> to vector<16xi32>
      %swap3A_665 = arith.constant 32 : index
      %swap3A_666 = tpu.vector_load %arg11[%swap3A_665] {strides = array<i32>} : memref<48xi32, #tpu.memory_space<vmem>>, vector<16xi32>,
      %swap3A_667 = vector.shape_cast %swap3A_666 : vector<16xi32> to vector<16xi32>
      %swap3A_668 = vector.shape_cast %get3A_664 : vector<16xi32> to vector<16xi32>
      tpu.vector_store %arg11[%swap3A_665], %swap3A_668 {strides = array<i32>} : memref<48xi32, #tpu.memory_space<vmem>>, vector<16xi32>,
      %get3A_669 = arith.constant 72 : index
      %get3A_670 = tpu.vector_load %arg10[%get3A_669] {strides = array<i32>} : memref<96xi32, #tpu.memory_space<vmem>>, vector<16xi32>,
      %get3A_671 = vector.shape_cast %get3A_670 : vector<16xi32> to vector<16xi32>
      %swap3A_672 = arith.constant 32 : index
      %swap3A_673 = tpu.vector_load %arg12[%swap3A_672] {strides = array<i32>} : memref<48xi32, #tpu.memory_space<vmem>>, vector<16xi32>,
      %swap3A_674 = vector.shape_cast %swap3A_673 : vector<16xi32> to vector<16xi32>
      %swap3A_675 = vector.shape_cast %get3A_671 : vector<16xi32> to vector<16xi32>
      tpu.vector_store %arg12[%swap3A_672], %swap3A_675 {strides = array<i32>} : memref<48xi32, #tpu.memory_space<vmem>>, vector<16xi32>,
      %dma_wait3A_676 = arith.constant 0 : i32
      %dma_wait3A_677 = tpu.memref_slice %arg3[%add3A_596, %dma_wait3A_676] : memref<1280000x96xf32, #tpu.memory_space<hbm>> -> memref<80x96xf32, #tpu.memory_space<hbm>>
      %dma_wait3A_678 = arith.constant 0 : i32
      %dma_wait3A_679 = tpu.memref_slice %arg3[%add3A_596, %dma_wait3A_678] : memref<1280000x96xf32, #tpu.memory_space<hbm>> -> memref<80x96xf32, #tpu.memory_space<hbm>>
      tpu.wait_dma2 semaphore(%arg21 : memref<!tpu.dma_semaphore, #tpu.memory_space<semaphore_mem>>) src(%dma_wait3A_679 : memref<80x96xf32, #tpu.memory_space<hbm>>) dst(%arg15 : memref<80x96xf32, #tpu.memory_space<vmem>>)
      %dma_wait3A_680 = arith.constant 0 : i32
      %dma_wait3A_681 = tpu.memref_slice %arg16[%dma_wait3A_680] : memref<256xf32, #tpu.memory_space<vmem>> -> memref<240xf32, #tpu.memory_space<vmem>>
      %dma_wait3A_682 = tpu.memref_slice %arg6[%mul3A_602] : memref<960000xf32, #tpu.memory_space<hbm>> -> memref<240xf32, #tpu.memory_space<hbm>>
      %dma_wait3A_683 = arith.constant 0 : i32
      %dma_wait3A_684 = tpu.memref_slice %arg16[%dma_wait3A_683] : memref<256xf32, #tpu.memory_space<vmem>> -> memref<240xf32, #tpu.memory_space<vmem>>
      %dma_wait3A_685 = tpu.memref_slice %arg6[%mul3A_602] : memref<960000xf32, #tpu.memory_space<hbm>> -> memref<240xf32, #tpu.memory_space<hbm>>
      tpu.wait_dma2 semaphore(%arg22 : memref<!tpu.dma_semaphore, #tpu.memory_space<semaphore_mem>>) src(%dma_wait3A_685 : memref<240xf32, #tpu.memory_space<hbm>>) dst(%dma_wait3A_684 : memref<240xf32, #tpu.memory_space<vmem>>)
      %dma_wait3A_686 = arith.constant 0 : i32
      %dma_wait3A_687 = tpu.memref_slice %arg9[%dma_wait3A_686] : memref<80xi32, #tpu.memory_space<vmem>> -> memref<40xi32, #tpu.memory_space<vmem>>
      %dma_wait3A_688 = arith.constant 0 : i32
      %dma_wait3A_689 = arith.constant 0 : i32
      %dma_wait3A_690 = tpu.memref_slice %arg2[%dma_wait3A_688, %dma_wait3A_689] : memref<40000x256xf32, #tpu.memory_space<hbm>> -> memref<40000x256xf32, #tpu.memory_space<hbm>>
      tpu.wait_indirect_dma semaphore(%arg23 : memref<!tpu.dma_semaphore, #tpu.memory_space<semaphore_mem>>) src(%dma_wait3A_690 : memref<40000x256xf32, #tpu.memory_space<hbm>>) dst(%arg13 : memref<40x256xf32, #tpu.memory_space<vmem>>)
      %scan3A_691 = arith.constant 0 : i32
      %scan3A_692 = arith.constant 40 : i32
      %scan3A_693 = arith.addi %scan3A_691, %scan3A_692 : i32
      %scan3A_694 = arith.constant 2 : i32
      scf.for %scan3A_706 = %scan3A_691 to %scan3A_693 step %scan3A_694  : i32 {
        %mul3A_707 = arith.constant 1 : i32
        %mul3A_708 = arith.muli %scan3A_706, %mul3A_707 : i32
        %add3A_709 = arith.constant 0 : i32
        %add3A_710 = arith.addi %add3A_709, %mul3A_708 : i32
        %add3A_711 = arith.constant 0 : i32
        %add3A_712 = arith.addi %add3A_711, %add3A_710 : i32
        %mul3A_713 = arith.constant 3 : i32
        %mul3A_714 = arith.muli %mul3A_713, %add3A_712 : i32
        %get3A_715 = arith.index_cast %mul3A_714 : i32 to index
        %get3A_716 = tpu.vector_load %arg16[%get3A_715] {strides = array<i32>} : memref<256xf32, #tpu.memory_space<vmem>>, vector<16xf32>,
        %get3A_717 = vector.shape_cast %get3A_716 : vector<16xf32> to vector<16xf32>
        %slice3A = vector.extract_strided_slice %get3A_717 {offsets = [0], sizes = [1], strides = [1]} : vector<16xf32> to vector<1xf32>
        %squeeze3A = vector.extract %slice3A[0] : f32 from vector<1xf32>
        %slice3A_718 = vector.extract_strided_slice %get3A_717 {offsets = [1], sizes = [1], strides = [1]} : vector<16xf32> to vector<1xf32>
        %squeeze3A_719 = vector.extract %slice3A_718[0] : f32 from vector<1xf32>
        %slice3A_720 = vector.extract_strided_slice %get3A_717 {offsets = [2], sizes = [1], strides = [1]} : vector<16xf32> to vector<1xf32>
        %squeeze3A_721 = vector.extract %slice3A_720[0] : f32 from vector<1xf32>
        %get3A_722 = arith.index_cast %add3A_710 : i32 to index
        %get3A_723 = arith.constant 0 : index
        %get3A_724 = tpu.vector_load %arg13[%get3A_722, %get3A_723] {strides = array<i32>} : memref<40x256xf32, #tpu.memory_space<vmem>>, vector<1x16xf32>,
        %get3A_725 = vector.shape_cast %get3A_724 : vector<1x16xf32> to vector<16xf32>
        %add3A_726 = arith.constant 0 : i32
        %add3A_727 = arith.addi %add3A_726, %add3A_710 : i32
        %get3A_728 = arith.index_cast %add3A_727 : i32 to index
        %get3A_729 = arith.constant 0 : index
        %get3A_730 = tpu.vector_load %arg15[%get3A_728, %get3A_729] {strides = array<i32>} : memref<80x96xf32, #tpu.memory_space<vmem>>, vector<1x16xf32>,
        %get3A_731 = vector.shape_cast %get3A_730 : vector<1x16xf32> to vector<16xf32>
        %mul3A_732 = arith.mulf %get3A_725, %get3A_731 : vector<16xf32>
        %swap3A_733 = arith.index_cast %add3A_710 : i32 to index
        %swap3A_734 = arith.constant 0 : index
        %swap3A_735 = tpu.vector_load %arg17[%swap3A_733, %swap3A_734] {strides = array<i32>} : memref<48x128xf32, #tpu.memory_space<vmem>>, vector<1x16xf32>,
        %swap3A_736 = vector.shape_cast %swap3A_735 : vector<1x16xf32> to vector<16xf32>
        %swap3A_737 = vector.shape_cast %mul3A_732 : vector<16xf32> to vector<1x16xf32>
        tpu.vector_store %arg17[%swap3A_733, %swap3A_734], %swap3A_737 {strides = array<i32>} : memref<48x128xf32, #tpu.memory_space<vmem>>, vector<1x16xf32>,
        %get3A_738 = arith.index_cast %add3A_710 : i32 to index
        %get3A_739 = arith.constant 32 : index
        %get3A_740 = tpu.vector_load %arg13[%get3A_738, %get3A_739] {strides = array<i32>} : memref<40x256xf32, #tpu.memory_space<vmem>>, vector<1x16xf32>,
        %get3A_741 = vector.shape_cast %get3A_740 : vector<1x16xf32> to vector<16xf32>
        %add3A_742 = arith.constant 0 : i32
        %add3A_743 = arith.addi %add3A_742, %add3A_710 : i32
        %get3A_744 = arith.index_cast %add3A_743 : i32 to index
        %get3A_745 = arith.constant 32 : index
        %get3A_746 = tpu.vector_load %arg15[%get3A_744, %get3A_745] {strides = array<i32>} : memref<80x96xf32, #tpu.memory_space<vmem>>, vector<1x16xf32>,
        %get3A_747 = vector.shape_cast %get3A_746 : vector<1x16xf32> to vector<16xf32>
        %mul3A_748 = arith.mulf %get3A_741, %get3A_747 : vector<16xf32>
        %get3A_749 = arith.index_cast %add3A_710 : i32 to index
        %get3A_750 = arith.constant 64 : index
        %get3A_751 = tpu.vector_load %arg13[%get3A_749, %get3A_750] {strides = array<i32>} : memref<40x256xf32, #tpu.memory_space<vmem>>, vector<1x16xf32>,
        %get3A_752 = vector.shape_cast %get3A_751 : vector<1x16xf32> to vector<16xf32>
        %add3A_753 = arith.constant 0 : i32
        %add3A_754 = arith.addi %add3A_753, %add3A_710 : i32
        %get3A_755 = arith.index_cast %add3A_754 : i32 to index
        %get3A_756 = arith.constant 64 : index
        %get3A_757 = tpu.vector_load %arg15[%get3A_755, %get3A_756] {strides = array<i32>} : memref<80x96xf32, #tpu.memory_space<vmem>>, vector<1x16xf32>,
        %get3A_758 = vector.shape_cast %get3A_757 : vector<1x16xf32> to vector<16xf32>
        %mul3A_759 = arith.mulf %get3A_752, %get3A_758 : vector<16xf32>
        %get3A_760 = arith.index_cast %add3A_710 : i32 to index
        %get3A_761 = arith.constant 96 : index
        %get3A_762 = tpu.vector_load %arg13[%get3A_760, %get3A_761] {strides = array<i32>} : memref<40x256xf32, #tpu.memory_space<vmem>>, vector<1x16xf32>,
        %get3A_763 = vector.shape_cast %get3A_762 : vector<1x16xf32> to vector<16xf32>
        %mul3A_764 = arith.mulf %get3A_763, %mul3A_748 : vector<16xf32>
        %mul3A_765 = vector.broadcast %squeeze3A : f32 to vector<16xf32>
        %mul3A_766 = arith.mulf %mul3A_759, %mul3A_765 : vector<16xf32>
        %add3A_767 = arith.addf %mul3A_764, %mul3A_766 : vector<16xf32>
        %swap3A_768 = arith.index_cast %add3A_710 : i32 to index
        %swap3A_769 = arith.constant 32 : index
        %swap3A_770 = tpu.vector_load %arg17[%swap3A_768, %swap3A_769] {strides = array<i32>} : memref<48x128xf32, #tpu.memory_space<vmem>>, vector<1x16xf32>,
        %swap3A_771 = vector.shape_cast %swap3A_770 : vector<1x16xf32> to vector<16xf32>
        %swap3A_772 = vector.shape_cast %add3A_767 : vector<16xf32> to vector<1x16xf32>
        tpu.vector_store %arg17[%swap3A_768, %swap3A_769], %swap3A_772 {strides = array<i32>} : memref<48x128xf32, #tpu.memory_space<vmem>>, vector<1x16xf32>,
        %get3A_773 = arith.index_cast %add3A_710 : i32 to index
        %get3A_774 = arith.constant 128 : index
        %get3A_775 = tpu.vector_load %arg13[%get3A_773, %get3A_774] {strides = array<i32>} : memref<40x256xf32, #tpu.memory_space<vmem>>, vector<1x16xf32>,
        %get3A_776 = vector.shape_cast %get3A_775 : vector<1x16xf32> to vector<16xf32>
        %mul3A_777 = arith.mulf %get3A_776, %mul3A_748 : vector<16xf32>
        %mul3A_778 = vector.broadcast %squeeze3A_719 : f32 to vector<16xf32>
        %mul3A_779 = arith.mulf %mul3A_759, %mul3A_778 : vector<16xf32>
        %add3A_780 = arith.addf %mul3A_777, %mul3A_779 : vector<16xf32>
        %swap3A_781 = arith.index_cast %add3A_710 : i32 to index
        %swap3A_782 = arith.constant 64 : index
        %swap3A_783 = tpu.vector_load %arg17[%swap3A_781, %swap3A_782] {strides = array<i32>} : memref<48x128xf32, #tpu.memory_space<vmem>>, vector<1x16xf32>,
        %swap3A_784 = vector.shape_cast %swap3A_783 : vector<1x16xf32> to vector<16xf32>
        %swap3A_785 = vector.shape_cast %add3A_780 : vector<16xf32> to vector<1x16xf32>
        tpu.vector_store %arg17[%swap3A_781, %swap3A_782], %swap3A_785 {strides = array<i32>} : memref<48x128xf32, #tpu.memory_space<vmem>>, vector<1x16xf32>,
        %get3A_786 = arith.index_cast %add3A_710 : i32 to index
        %get3A_787 = arith.constant 160 : index
        %get3A_788 = tpu.vector_load %arg13[%get3A_786, %get3A_787] {strides = array<i32>} : memref<40x256xf32, #tpu.memory_space<vmem>>, vector<1x16xf32>,
        %get3A_789 = vector.shape_cast %get3A_788 : vector<1x16xf32> to vector<16xf32>
        %mul3A_790 = arith.mulf %get3A_789, %mul3A_748 : vector<16xf32>
        %mul3A_791 = vector.broadcast %squeeze3A_721 : f32 to vector<16xf32>
        %mul3A_792 = arith.mulf %mul3A_759, %mul3A_791 : vector<16xf32>
        %add3A_793 = arith.addf %mul3A_790, %mul3A_792 : vector<16xf32>
        %swap3A_794 = arith.index_cast %add3A_710 : i32 to index
        %swap3A_795 = arith.constant 96 : index
        %swap3A_796 = tpu.vector_load %arg17[%swap3A_794, %swap3A_795] {strides = array<i32>} : memref<48x128xf32, #tpu.memory_space<vmem>>, vector<1x16xf32>,
        %swap3A_797 = vector.shape_cast %swap3A_796 : vector<1x16xf32> to vector<16xf32>
        %swap3A_798 = vector.shape_cast %add3A_793 : vector<16xf32> to vector<1x16xf32>
        tpu.vector_store %arg17[%swap3A_794, %swap3A_795], %swap3A_798 {strides = array<i32>} : memref<48x128xf32, #tpu.memory_space<vmem>>, vector<1x16xf32>,
        %get3A_799 = arith.index_cast %add3A_710 : i32 to index
        %get3A_800 = arith.constant 16 : index
        %get3A_801 = tpu.vector_load %arg13[%get3A_799, %get3A_800] {strides = array<i32>} : memref<40x256xf32, #tpu.memory_space<vmem>>, vector<1x16xf32>,
        %get3A_802 = vector.shape_cast %get3A_801 : vector<1x16xf32> to vector<16xf32>
        %add3A_803 = arith.constant 0 : i32
        %add3A_804 = arith.addi %add3A_803, %add3A_710 : i32
        %get3A_805 = arith.index_cast %add3A_804 : i32 to index
        %get3A_806 = arith.constant 16 : index
        %get3A_807 = tpu.vector_load %arg15[%get3A_805, %get3A_806] {strides = array<i32>} : memref<80x96xf32, #tpu.memory_space<vmem>>, vector<1x16xf32>,
        %get3A_808 = vector.shape_cast %get3A_807 : vector<1x16xf32> to vector<16xf32>
        %mul3A_809 = arith.mulf %get3A_802, %get3A_808 : vector<16xf32>
        %swap3A_810 = arith.index_cast %add3A_710 : i32 to index
        %swap3A_811 = arith.constant 16 : index
        %swap3A_812 = tpu.vector_load %arg17[%swap3A_810, %swap3A_811] {strides = array<i32>} : memref<48x128xf32, #tpu.memory_space<vmem>>, vector<1x16xf32>,
        %swap3A_813 = vector.shape_cast %swap3A_812 : vector<1x16xf32> to vector<16xf32>
        %swap3A_814 = vector.shape_cast %mul3A_809 : vector<16xf32> to vector<1x16xf32>
        tpu.vector_store %arg17[%swap3A_810, %swap3A_811], %swap3A_814 {strides = array<i32>} : memref<48x128xf32, #tpu.memory_space<vmem>>, vector<1x16xf32>,
        %get3A_815 = arith.index_cast %add3A_710 : i32 to index
        %get3A_816 = arith.constant 48 : index
        %get3A_817 = tpu.vector_load %arg13[%get3A_815, %get3A_816] {strides = array<i32>} : memref<40x256xf32, #tpu.memory_space<vmem>>, vector<1x16xf32>,
        %get3A_818 = vector.shape_cast %get3A_817 : vector<1x16xf32> to vector<16xf32>
        %add3A_819 = arith.constant 0 : i32
        %add3A_820 = arith.addi %add3A_819, %add3A_710 : i32
        %get3A_821 = arith.index_cast %add3A_820 : i32 to index
        %get3A_822 = arith.constant 48 : index
        %get3A_823 = tpu.vector_load %arg15[%get3A_821, %get3A_822] {strides = array<i32>} : memref<80x96xf32, #tpu.memory_space<vmem>>, vector<1x16xf32>,
        %get3A_824 = vector.shape_cast %get3A_823 : vector<1x16xf32> to vector<16xf32>
        %mul3A_825 = arith.mulf %get3A_818, %get3A_824 : vector<16xf32>
        %get3A_826 = arith.index_cast %add3A_710 : i32 to index
        %get3A_827 = arith.constant 80 : index
        %get3A_828 = tpu.vector_load %arg13[%get3A_826, %get3A_827] {strides = array<i32>} : memref<40x256xf32, #tpu.memory_space<vmem>>, vector<1x16xf32>,
        %get3A_829 = vector.shape_cast %get3A_828 : vector<1x16xf32> to vector<16xf32>
        %add3A_830 = arith.constant 0 : i32
        %add3A_831 = arith.addi %add3A_830, %add3A_710 : i32
        %get3A_832 = arith.index_cast %add3A_831 : i32 to index
        %get3A_833 = arith.constant 80 : index
        %get3A_834 = tpu.vector_load %arg15[%get3A_832, %get3A_833] {strides = array<i32>} : memref<80x96xf32, #tpu.memory_space<vmem>>, vector<1x16xf32>,
        %get3A_835 = vector.shape_cast %get3A_834 : vector<1x16xf32> to vector<16xf32>
        %mul3A_836 = arith.mulf %get3A_829, %get3A_835 : vector<16xf32>
        %get3A_837 = arith.index_cast %add3A_710 : i32 to index
        %get3A_838 = arith.constant 112 : index
        %get3A_839 = tpu.vector_load %arg13[%get3A_837, %get3A_838] {strides = array<i32>} : memref<40x256xf32, #tpu.memory_space<vmem>>, vector<1x16xf32>,
        %get3A_840 = vector.shape_cast %get3A_839 : vector<1x16xf32> to vector<16xf32>
        %mul3A_841 = arith.mulf %get3A_840, %mul3A_825 : vector<16xf32>
        %mul3A_842 = vector.broadcast %squeeze3A : f32 to vector<16xf32>
        %mul3A_843 = arith.mulf %mul3A_836, %mul3A_842 : vector<16xf32>
        %add3A_844 = arith.addf %mul3A_841, %mul3A_843 : vector<16xf32>
        %swap3A_845 = arith.index_cast %add3A_710 : i32 to index
        %swap3A_846 = arith.constant 48 : index
        %swap3A_847 = tpu.vector_load %arg17[%swap3A_845, %swap3A_846] {strides = array<i32>} : memref<48x128xf32, #tpu.memory_space<vmem>>, vector<1x16xf32>,
        %swap3A_848 = vector.shape_cast %swap3A_847 : vector<1x16xf32> to vector<16xf32>
        %swap3A_849 = vector.shape_cast %add3A_844 : vector<16xf32> to vector<1x16xf32>
        tpu.vector_store %arg17[%swap3A_845, %swap3A_846], %swap3A_849 {strides = array<i32>} : memref<48x128xf32, #tpu.memory_space<vmem>>, vector<1x16xf32>,
        %get3A_850 = arith.index_cast %add3A_710 : i32 to index
        %get3A_851 = arith.constant 144 : index
        %get3A_852 = tpu.vector_load %arg13[%get3A_850, %get3A_851] {strides = array<i32>} : memref<40x256xf32, #tpu.memory_space<vmem>>, vector<1x16xf32>,
        %get3A_853 = vector.shape_cast %get3A_852 : vector<1x16xf32> to vector<16xf32>
        %mul3A_854 = arith.mulf %get3A_853, %mul3A_825 : vector<16xf32>
        %mul3A_855 = vector.broadcast %squeeze3A_719 : f32 to vector<16xf32>
        %mul3A_856 = arith.mulf %mul3A_836, %mul3A_855 : vector<16xf32>
        %add3A_857 = arith.addf %mul3A_854, %mul3A_856 : vector<16xf32>
        %swap3A_858 = arith.index_cast %add3A_710 : i32 to index
        %swap3A_859 = arith.constant 80 : index
        %swap3A_860 = tpu.vector_load %arg17[%swap3A_858, %swap3A_859] {strides = array<i32>} : memref<48x128xf32, #tpu.memory_space<vmem>>, vector<1x16xf32>,
        %swap3A_861 = vector.shape_cast %swap3A_860 : vector<1x16xf32> to vector<16xf32>
        %swap3A_862 = vector.shape_cast %add3A_857 : vector<16xf32> to vector<1x16xf32>
        tpu.vector_store %arg17[%swap3A_858, %swap3A_859], %swap3A_862 {strides = array<i32>} : memref<48x128xf32, #tpu.memory_space<vmem>>, vector<1x16xf32>,
        %get3A_863 = arith.index_cast %add3A_710 : i32 to index
        %get3A_864 = arith.constant 176 : index
        %get3A_865 = tpu.vector_load %arg13[%get3A_863, %get3A_864] {strides = array<i32>} : memref<40x256xf32, #tpu.memory_space<vmem>>, vector<1x16xf32>,
        %get3A_866 = vector.shape_cast %get3A_865 : vector<1x16xf32> to vector<16xf32>
        %mul3A_867 = arith.mulf %get3A_866, %mul3A_825 : vector<16xf32>
        %mul3A_868 = vector.broadcast %squeeze3A_721 : f32 to vector<16xf32>
        %mul3A_869 = arith.mulf %mul3A_836, %mul3A_868 : vector<16xf32>
        %add3A_870 = arith.addf %mul3A_867, %mul3A_869 : vector<16xf32>
        %swap3A_871 = arith.index_cast %add3A_710 : i32 to index
        %swap3A_872 = arith.constant 112 : index
        %swap3A_873 = tpu.vector_load %arg17[%swap3A_871, %swap3A_872] {strides = array<i32>} : memref<48x128xf32, #tpu.memory_space<vmem>>, vector<1x16xf32>,
        %swap3A_874 = vector.shape_cast %swap3A_873 : vector<1x16xf32> to vector<16xf32>
        %swap3A_875 = vector.shape_cast %add3A_870 : vector<16xf32> to vector<1x16xf32>
        tpu.vector_store %arg17[%swap3A_871, %swap3A_872], %swap3A_875 {strides = array<i32>} : memref<48x128xf32, #tpu.memory_space<vmem>>, vector<1x16xf32>,
        %scan3A_876 = arith.constant 1 : i32
        %scan3A_877 = arith.addi %scan3A_706, %scan3A_876 : i32
        %mul3A_878 = arith.constant 1 : i32
        %mul3A_879 = arith.muli %scan3A_877, %mul3A_878 : i32
        %add3A_880 = arith.constant 0 : i32
        %add3A_881 = arith.addi %add3A_880, %mul3A_879 : i32
        %add3A_882 = arith.constant 0 : i32
        %add3A_883 = arith.addi %add3A_882, %add3A_881 : i32
        %mul3A_884 = arith.constant 3 : i32
        %mul3A_885 = arith.muli %mul3A_884, %add3A_883 : i32
        %get3A_886 = arith.index_cast %mul3A_885 : i32 to index
        %get3A_887 = tpu.vector_load %arg16[%get3A_886] {strides = array<i32>} : memref<256xf32, #tpu.memory_space<vmem>>, vector<16xf32>,
        %get3A_888 = vector.shape_cast %get3A_887 : vector<16xf32> to vector<16xf32>
        %slice3A_889 = vector.extract_strided_slice %get3A_888 {offsets = [0], sizes = [1], strides = [1]} : vector<16xf32> to vector<1xf32>
        %squeeze3A_890 = vector.extract %slice3A_889[0] : f32 from vector<1xf32>
        %slice3A_891 = vector.extract_strided_slice %get3A_888 {offsets = [1], sizes = [1], strides = [1]} : vector<16xf32> to vector<1xf32>
        %squeeze3A_892 = vector.extract %slice3A_891[0] : f32 from vector<1xf32>
        %slice3A_893 = vector.extract_strided_slice %get3A_888 {offsets = [2], sizes = [1], strides = [1]} : vector<16xf32> to vector<1xf32>
        %squeeze3A_894 = vector.extract %slice3A_893[0] : f32 from vector<1xf32>
        %get3A_895 = arith.index_cast %add3A_881 : i32 to index
        %get3A_896 = arith.constant 0 : index
        %get3A_897 = tpu.vector_load %arg13[%get3A_895, %get3A_896] {strides = array<i32>} : memref<40x256xf32, #tpu.memory_space<vmem>>, vector<1x16xf32>,
        %get3A_898 = vector.shape_cast %get3A_897 : vector<1x16xf32> to vector<16xf32>
        %add3A_899 = arith.constant 0 : i32
        %add3A_900 = arith.addi %add3A_899, %add3A_881 : i32
        %get3A_901 = arith.index_cast %add3A_900 : i32 to index
        %get3A_902 = arith.constant 0 : index
        %get3A_903 = tpu.vector_load %arg15[%get3A_901, %get3A_902] {strides = array<i32>} : memref<80x96xf32, #tpu.memory_space<vmem>>, vector<1x16xf32>,
        %get3A_904 = vector.shape_cast %get3A_903 : vector<1x16xf32> to vector<16xf32>
        %mul3A_905 = arith.mulf %get3A_898, %get3A_904 : vector<16xf32>
        %swap3A_906 = arith.index_cast %add3A_881 : i32 to index
        %swap3A_907 = arith.constant 0 : index
        %swap3A_908 = tpu.vector_load %arg17[%swap3A_906, %swap3A_907] {strides = array<i32>} : memref<48x128xf32, #tpu.memory_space<vmem>>, vector<1x16xf32>,
        %swap3A_909 = vector.shape_cast %swap3A_908 : vector<1x16xf32> to vector<16xf32>
        %swap3A_910 = vector.shape_cast %mul3A_905 : vector<16xf32> to vector<1x16xf32>
        tpu.vector_store %arg17[%swap3A_906, %swap3A_907], %swap3A_910 {strides = array<i32>} : memref<48x128xf32, #tpu.memory_space<vmem>>, vector<1x16xf32>,
        %get3A_911 = arith.index_cast %add3A_881 : i32 to index
        %get3A_912 = arith.constant 32 : index
        %get3A_913 = tpu.vector_load %arg13[%get3A_911, %get3A_912] {strides = array<i32>} : memref<40x256xf32, #tpu.memory_space<vmem>>, vector<1x16xf32>,
        %get3A_914 = vector.shape_cast %get3A_913 : vector<1x16xf32> to vector<16xf32>
        %add3A_915 = arith.constant 0 : i32
        %add3A_916 = arith.addi %add3A_915, %add3A_881 : i32
        %get3A_917 = arith.index_cast %add3A_916 : i32 to index
        %get3A_918 = arith.constant 32 : index
        %get3A_919 = tpu.vector_load %arg15[%get3A_917, %get3A_918] {strides = array<i32>} : memref<80x96xf32, #tpu.memory_space<vmem>>, vector<1x16xf32>,
        %get3A_920 = vector.shape_cast %get3A_919 : vector<1x16xf32> to vector<16xf32>
        %mul3A_921 = arith.mulf %get3A_914, %get3A_920 : vector<16xf32>
        %get3A_922 = arith.index_cast %add3A_881 : i32 to index
        %get3A_923 = arith.constant 64 : index
        %get3A_924 = tpu.vector_load %arg13[%get3A_922, %get3A_923] {strides = array<i32>} : memref<40x256xf32, #tpu.memory_space<vmem>>, vector<1x16xf32>,
        %get3A_925 = vector.shape_cast %get3A_924 : vector<1x16xf32> to vector<16xf32>
        %add3A_926 = arith.constant 0 : i32
        %add3A_927 = arith.addi %add3A_926, %add3A_881 : i32
        %get3A_928 = arith.index_cast %add3A_927 : i32 to index
        %get3A_929 = arith.constant 64 : index
        %get3A_930 = tpu.vector_load %arg15[%get3A_928, %get3A_929] {strides = array<i32>} : memref<80x96xf32, #tpu.memory_space<vmem>>, vector<1x16xf32>,
        %get3A_931 = vector.shape_cast %get3A_930 : vector<1x16xf32> to vector<16xf32>
        %mul3A_932 = arith.mulf %get3A_925, %get3A_931 : vector<16xf32>
        %get3A_933 = arith.index_cast %add3A_881 : i32 to index
        %get3A_934 = arith.constant 96 : index
        %get3A_935 = tpu.vector_load %arg13[%get3A_933, %get3A_934] {strides = array<i32>} : memref<40x256xf32, #tpu.memory_space<vmem>>, vector<1x16xf32>,
        %get3A_936 = vector.shape_cast %get3A_935 : vector<1x16xf32> to vector<16xf32>
        %mul3A_937 = arith.mulf %get3A_936, %mul3A_921 : vector<16xf32>
        %mul3A_938 = vector.broadcast %squeeze3A_890 : f32 to vector<16xf32>
        %mul3A_939 = arith.mulf %mul3A_932, %mul3A_938 : vector<16xf32>
        %add3A_940 = arith.addf %mul3A_937, %mul3A_939 : vector<16xf32>
        %swap3A_941 = arith.index_cast %add3A_881 : i32 to index
        %swap3A_942 = arith.constant 32 : index
        %swap3A_943 = tpu.vector_load %arg17[%swap3A_941, %swap3A_942] {strides = array<i32>} : memref<48x128xf32, #tpu.memory_space<vmem>>, vector<1x16xf32>,
        %swap3A_944 = vector.shape_cast %swap3A_943 : vector<1x16xf32> to vector<16xf32>
        %swap3A_945 = vector.shape_cast %add3A_940 : vector<16xf32> to vector<1x16xf32>
        tpu.vector_store %arg17[%swap3A_941, %swap3A_942], %swap3A_945 {strides = array<i32>} : memref<48x128xf32, #tpu.memory_space<vmem>>, vector<1x16xf32>,
        %get3A_946 = arith.index_cast %add3A_881 : i32 to index
        %get3A_947 = arith.constant 128 : index
        %get3A_948 = tpu.vector_load %arg13[%get3A_946, %get3A_947] {strides = array<i32>} : memref<40x256xf32, #tpu.memory_space<vmem>>, vector<1x16xf32>,
        %get3A_949 = vector.shape_cast %get3A_948 : vector<1x16xf32> to vector<16xf32>
        %mul3A_950 = arith.mulf %get3A_949, %mul3A_921 : vector<16xf32>
        %mul3A_951 = vector.broadcast %squeeze3A_892 : f32 to vector<16xf32>
        %mul3A_952 = arith.mulf %mul3A_932, %mul3A_951 : vector<16xf32>
        %add3A_953 = arith.addf %mul3A_950, %mul3A_952 : vector<16xf32>
        %swap3A_954 = arith.index_cast %add3A_881 : i32 to index
        %swap3A_955 = arith.constant 64 : index
        %swap3A_956 = tpu.vector_load %arg17[%swap3A_954, %swap3A_955] {strides = array<i32>} : memref<48x128xf32, #tpu.memory_space<vmem>>, vector<1x16xf32>,
        %swap3A_957 = vector.shape_cast %swap3A_956 : vector<1x16xf32> to vector<16xf32>
        %swap3A_958 = vector.shape_cast %add3A_953 : vector<16xf32> to vector<1x16xf32>
        tpu.vector_store %arg17[%swap3A_954, %swap3A_955], %swap3A_958 {strides = array<i32>} : memref<48x128xf32, #tpu.memory_space<vmem>>, vector<1x16xf32>,
        %get3A_959 = arith.index_cast %add3A_881 : i32 to index
        %get3A_960 = arith.constant 160 : index
        %get3A_961 = tpu.vector_load %arg13[%get3A_959, %get3A_960] {strides = array<i32>} : memref<40x256xf32, #tpu.memory_space<vmem>>, vector<1x16xf32>,
        %get3A_962 = vector.shape_cast %get3A_961 : vector<1x16xf32> to vector<16xf32>
        %mul3A_963 = arith.mulf %get3A_962, %mul3A_921 : vector<16xf32>
        %mul3A_964 = vector.broadcast %squeeze3A_894 : f32 to vector<16xf32>
        %mul3A_965 = arith.mulf %mul3A_932, %mul3A_964 : vector<16xf32>
        %add3A_966 = arith.addf %mul3A_963, %mul3A_965 : vector<16xf32>
        %swap3A_967 = arith.index_cast %add3A_881 : i32 to index
        %swap3A_968 = arith.constant 96 : index
        %swap3A_969 = tpu.vector_load %arg17[%swap3A_967, %swap3A_968] {strides = array<i32>} : memref<48x128xf32, #tpu.memory_space<vmem>>, vector<1x16xf32>,
        %swap3A_970 = vector.shape_cast %swap3A_969 : vector<1x16xf32> to vector<16xf32>
        %swap3A_971 = vector.shape_cast %add3A_966 : vector<16xf32> to vector<1x16xf32>
        tpu.vector_store %arg17[%swap3A_967, %swap3A_968], %swap3A_971 {strides = array<i32>} : memref<48x128xf32, #tpu.memory_space<vmem>>, vector<1x16xf32>,
        %get3A_972 = arith.index_cast %add3A_881 : i32 to index
        %get3A_973 = arith.constant 16 : index
        %get3A_974 = tpu.vector_load %arg13[%get3A_972, %get3A_973] {strides = array<i32>} : memref<40x256xf32, #tpu.memory_space<vmem>>, vector<1x16xf32>,
        %get3A_975 = vector.shape_cast %get3A_974 : vector<1x16xf32> to vector<16xf32>
        %add3A_976 = arith.constant 0 : i32
        %add3A_977 = arith.addi %add3A_976, %add3A_881 : i32
        %get3A_978 = arith.index_cast %add3A_977 : i32 to index
        %get3A_979 = arith.constant 16 : index
        %get3A_980 = tpu.vector_load %arg15[%get3A_978, %get3A_979] {strides = array<i32>} : memref<80x96xf32, #tpu.memory_space<vmem>>, vector<1x16xf32>,
        %get3A_981 = vector.shape_cast %get3A_980 : vector<1x16xf32> to vector<16xf32>
        %mul3A_982 = arith.mulf %get3A_975, %get3A_981 : vector<16xf32>
        %swap3A_983 = arith.index_cast %add3A_881 : i32 to index
        %swap3A_984 = arith.constant 16 : index
        %swap3A_985 = tpu.vector_load %arg17[%swap3A_983, %swap3A_984] {strides = array<i32>} : memref<48x128xf32, #tpu.memory_space<vmem>>, vector<1x16xf32>,
        %swap3A_986 = vector.shape_cast %swap3A_985 : vector<1x16xf32> to vector<16xf32>
        %swap3A_987 = vector.shape_cast %mul3A_982 : vector<16xf32> to vector<1x16xf32>
        tpu.vector_store %arg17[%swap3A_983, %swap3A_984], %swap3A_987 {strides = array<i32>} : memref<48x128xf32, #tpu.memory_space<vmem>>, vector<1x16xf32>,
        %get3A_988 = arith.index_cast %add3A_881 : i32 to index
        %get3A_989 = arith.constant 48 : index
        %get3A_990 = tpu.vector_load %arg13[%get3A_988, %get3A_989] {strides = array<i32>} : memref<40x256xf32, #tpu.memory_space<vmem>>, vector<1x16xf32>,
        %get3A_991 = vector.shape_cast %get3A_990 : vector<1x16xf32> to vector<16xf32>
        %add3A_992 = arith.constant 0 : i32
        %add3A_993 = arith.addi %add3A_992, %add3A_881 : i32
        %get3A_994 = arith.index_cast %add3A_993 : i32 to index
        %get3A_995 = arith.constant 48 : index
        %get3A_996 = tpu.vector_load %arg15[%get3A_994, %get3A_995] {strides = array<i32>} : memref<80x96xf32, #tpu.memory_space<vmem>>, vector<1x16xf32>,
        %get3A_997 = vector.shape_cast %get3A_996 : vector<1x16xf32> to vector<16xf32>
        %mul3A_998 = arith.mulf %get3A_991, %get3A_997 : vector<16xf32>
        %get3A_999 = arith.index_cast %add3A_881 : i32 to index
        %get3A_1000 = arith.constant 80 : index
        %get3A_1001 = tpu.vector_load %arg13[%get3A_999, %get3A_1000] {strides = array<i32>} : memref<40x256xf32, #tpu.memory_space<vmem>>, vector<1x16xf32>,
        %get3A_1002 = vector.shape_cast %get3A_1001 : vector<1x16xf32> to vector<16xf32>
        %add3A_1003 = arith.constant 0 : i32
        %add3A_1004 = arith.addi %add3A_1003, %add3A_881 : i32
        %get3A_1005 = arith.index_cast %add3A_1004 : i32 to index
        %get3A_1006 = arith.constant 80 : index
        %get3A_1007 = tpu.vector_load %arg15[%get3A_1005, %get3A_1006] {strides = array<i32>} : memref<80x96xf32, #tpu.memory_space<vmem>>, vector<1x16xf32>,
        %get3A_1008 = vector.shape_cast %get3A_1007 : vector<1x16xf32> to vector<16xf32>
        %mul3A_1009 = arith.mulf %get3A_1002, %get3A_1008 : vector<16xf32>
        %get3A_1010 = arith.index_cast %add3A_881 : i32 to index
        %get3A_1011 = arith.constant 112 : index
        %get3A_1012 = tpu.vector_load %arg13[%get3A_1010, %get3A_1011] {strides = array<i32>} : memref<40x256xf32, #tpu.memory_space<vmem>>, vector<1x16xf32>,
        %get3A_1013 = vector.shape_cast %get3A_1012 : vector<1x16xf32> to vector<16xf32>
        %mul3A_1014 = arith.mulf %get3A_1013, %mul3A_998 : vector<16xf32>
        %mul3A_1015 = vector.broadcast %squeeze3A_890 : f32 to vector<16xf32>
        %mul3A_1016 = arith.mulf %mul3A_1009, %mul3A_1015 : vector<16xf32>
        %add3A_1017 = arith.addf %mul3A_1014, %mul3A_1016 : vector<16xf32>
        %swap3A_1018 = arith.index_cast %add3A_881 : i32 to index
        %swap3A_1019 = arith.constant 48 : index
        %swap3A_1020 = tpu.vector_load %arg17[%swap3A_1018, %swap3A_1019] {strides = array<i32>} : memref<48x128xf32, #tpu.memory_space<vmem>>, vector<1x16xf32>,
        %swap3A_1021 = vector.shape_cast %swap3A_1020 : vector<1x16xf32> to vector<16xf32>
        %swap3A_1022 = vector.shape_cast %add3A_1017 : vector<16xf32> to vector<1x16xf32>
        tpu.vector_store %arg17[%swap3A_1018, %swap3A_1019], %swap3A_1022 {strides = array<i32>} : memref<48x128xf32, #tpu.memory_space<vmem>>, vector<1x16xf32>,
        %get3A_1023 = arith.index_cast %add3A_881 : i32 to index
        %get3A_1024 = arith.constant 144 : index
        %get3A_1025 = tpu.vector_load %arg13[%get3A_1023, %get3A_1024] {strides = array<i32>} : memref<40x256xf32, #tpu.memory_space<vmem>>, vector<1x16xf32>,
        %get3A_1026 = vector.shape_cast %get3A_1025 : vector<1x16xf32> to vector<16xf32>
        %mul3A_1027 = arith.mulf %get3A_1026, %mul3A_998 : vector<16xf32>
        %mul3A_1028 = vector.broadcast %squeeze3A_892 : f32 to vector<16xf32>
        %mul3A_1029 = arith.mulf %mul3A_1009, %mul3A_1028 : vector<16xf32>
        %add3A_1030 = arith.addf %mul3A_1027, %mul3A_1029 : vector<16xf32>
        %swap3A_1031 = arith.index_cast %add3A_881 : i32 to index
        %swap3A_1032 = arith.constant 80 : index
        %swap3A_1033 = tpu.vector_load %arg17[%swap3A_1031, %swap3A_1032] {strides = array<i32>} : memref<48x128xf32, #tpu.memory_space<vmem>>, vector<1x16xf32>,
        %swap3A_1034 = vector.shape_cast %swap3A_1033 : vector<1x16xf32> to vector<16xf32>
        %swap3A_1035 = vector.shape_cast %add3A_1030 : vector<16xf32> to vector<1x16xf32>
        tpu.vector_store %arg17[%swap3A_1031, %swap3A_1032], %swap3A_1035 {strides = array<i32>} : memref<48x128xf32, #tpu.memory_space<vmem>>, vector<1x16xf32>,
        %get3A_1036 = arith.index_cast %add3A_881 : i32 to index
        %get3A_1037 = arith.constant 176 : index
        %get3A_1038 = tpu.vector_load %arg13[%get3A_1036, %get3A_1037] {strides = array<i32>} : memref<40x256xf32, #tpu.memory_space<vmem>>, vector<1x16xf32>,
        %get3A_1039 = vector.shape_cast %get3A_1038 : vector<1x16xf32> to vector<16xf32>
        %mul3A_1040 = arith.mulf %get3A_1039, %mul3A_998 : vector<16xf32>
        %mul3A_1041 = vector.broadcast %squeeze3A_894 : f32 to vector<16xf32>
        %mul3A_1042 = arith.mulf %mul3A_1009, %mul3A_1041 : vector<16xf32>
        %add3A_1043 = arith.addf %mul3A_1040, %mul3A_1042 : vector<16xf32>
        %swap3A_1044 = arith.index_cast %add3A_881 : i32 to index
        %swap3A_1045 = arith.constant 112 : index
        %swap3A_1046 = tpu.vector_load %arg17[%swap3A_1044, %swap3A_1045] {strides = array<i32>} : memref<48x128xf32, #tpu.memory_space<vmem>>, vector<1x16xf32>,
        %swap3A_1047 = vector.shape_cast %swap3A_1046 : vector<1x16xf32> to vector<16xf32>
        %swap3A_1048 = vector.shape_cast %add3A_1043 : vector<16xf32> to vector<1x16xf32>
        tpu.vector_store %arg17[%swap3A_1044, %swap3A_1045], %swap3A_1048 {strides = array<i32>} : memref<48x128xf32, #tpu.memory_space<vmem>>, vector<1x16xf32>,
      }
      %scan3A_695 = arith.constant 40 : i32
      "tpu.region"() ({
        %run_scoped3A = tpu.sem_alloc : memref<!tpu.dma_semaphore, #tpu.memory_space<semaphore_mem>>
        %dma_start3A_706 = arith.constant 0 : i32
        %dma_start3A_707 = arith.constant 0 : i32
        %dma_start3A_708 = tpu.memref_slice %arg18[%dma_start3A_706, %dma_start3A_707] : memref<10000x128xf32, #tpu.memory_space<vmem_shared>> -> memref<10000x128xf32, #tpu.memory_space<vmem_shared>>
        tpu.enqueue_indirect_dma source(%arg17 : memref<48x128xf32, #tpu.memory_space<vmem>>) target(%dma_start3A_708 : memref<10000x128xf32, #tpu.memory_space<vmem_shared>>) offsets(%arg11 : memref<48xi32, #tpu.memory_space<vmem>>) semaphore(%run_scoped3A : memref<!tpu.dma_semaphore, #tpu.memory_space<semaphore_mem>>) {add = true}
        %dma_wait3A_709 = arith.constant 0 : i32
        %dma_wait3A_710 = arith.constant 0 : i32
        %dma_wait3A_711 = tpu.memref_slice %arg18[%dma_wait3A_709, %dma_wait3A_710] : memref<10000x128xf32, #tpu.memory_space<vmem_shared>> -> memref<10000x128xf32, #tpu.memory_space<vmem_shared>>
        tpu.wait_indirect_dma semaphore(%run_scoped3A : memref<!tpu.dma_semaphore, #tpu.memory_space<semaphore_mem>>) src(%arg17 : memref<48x128xf32, #tpu.memory_space<vmem>>) dst(%dma_wait3A_711 : memref<10000x128xf32, #tpu.memory_space<vmem_shared>>)
        tpu.yield
      }) : () -> ()
      %dma_wait3A_696 = arith.constant 40 : i32
      %dma_wait3A_697 = tpu.memref_slice %arg9[%dma_wait3A_696] : memref<80xi32, #tpu.memory_space<vmem>> -> memref<40xi32, #tpu.memory_space<vmem>>
      %dma_wait3A_698 = arith.constant 0 : i32
      %dma_wait3A_699 = arith.constant 0 : i32
      %dma_wait3A_700 = tpu.memref_slice %arg2[%dma_wait3A_698, %dma_wait3A_699] : memref<40000x256xf32, #tpu.memory_space<hbm>> -> memref<40000x256xf32, #tpu.memory_space<hbm>>
      tpu.wait_indirect_dma semaphore(%arg24 : memref<!tpu.dma_semaphore, #tpu.memory_space<semaphore_mem>>) src(%dma_wait3A_700 : memref<40000x256xf32, #tpu.memory_space<hbm>>) dst(%arg14 : memref<40x256xf32, #tpu.memory_space<vmem>>)
      %scan3A_701 = arith.constant 0 : i32
      %scan3A_702 = arith.constant 40 : i32
      %scan3A_703 = arith.addi %scan3A_701, %scan3A_702 : i32
      %scan3A_704 = arith.constant 2 : i32
      scf.for %scan3A_706 = %scan3A_701 to %scan3A_703 step %scan3A_704  : i32 {
        %mul3A_707 = arith.constant 1 : i32
        %mul3A_708 = arith.muli %scan3A_706, %mul3A_707 : i32
        %add3A_709 = arith.constant 0 : i32
        %add3A_710 = arith.addi %add3A_709, %mul3A_708 : i32
        %add3A_711 = arith.constant 40 : i32
        %add3A_712 = arith.addi %add3A_711, %add3A_710 : i32
        %mul3A_713 = arith.constant 3 : i32
        %mul3A_714 = arith.muli %mul3A_713, %add3A_712 : i32
        %get3A_715 = arith.index_cast %mul3A_714 : i32 to index
        %get3A_716 = tpu.vector_load %arg16[%get3A_715] {strides = array<i32>} : memref<256xf32, #tpu.memory_space<vmem>>, vector<16xf32>,
        %get3A_717 = vector.shape_cast %get3A_716 : vector<16xf32> to vector<16xf32>
        %slice3A = vector.extract_strided_slice %get3A_717 {offsets = [0], sizes = [1], strides = [1]} : vector<16xf32> to vector<1xf32>
        %squeeze3A = vector.extract %slice3A[0] : f32 from vector<1xf32>
        %slice3A_718 = vector.extract_strided_slice %get3A_717 {offsets = [1], sizes = [1], strides = [1]} : vector<16xf32> to vector<1xf32>
        %squeeze3A_719 = vector.extract %slice3A_718[0] : f32 from vector<1xf32>
        %slice3A_720 = vector.extract_strided_slice %get3A_717 {offsets = [2], sizes = [1], strides = [1]} : vector<16xf32> to vector<1xf32>
        %squeeze3A_721 = vector.extract %slice3A_720[0] : f32 from vector<1xf32>
        %get3A_722 = arith.index_cast %add3A_710 : i32 to index
        %get3A_723 = arith.constant 0 : index
        %get3A_724 = tpu.vector_load %arg14[%get3A_722, %get3A_723] {strides = array<i32>} : memref<40x256xf32, #tpu.memory_space<vmem>>, vector<1x16xf32>,
        %get3A_725 = vector.shape_cast %get3A_724 : vector<1x16xf32> to vector<16xf32>
        %add3A_726 = arith.constant 40 : i32
        %add3A_727 = arith.addi %add3A_726, %add3A_710 : i32
        %get3A_728 = arith.index_cast %add3A_727 : i32 to index
        %get3A_729 = arith.constant 0 : index
        %get3A_730 = tpu.vector_load %arg15[%get3A_728, %get3A_729] {strides = array<i32>} : memref<80x96xf32, #tpu.memory_space<vmem>>, vector<1x16xf32>,
        %get3A_731 = vector.shape_cast %get3A_730 : vector<1x16xf32> to vector<16xf32>
        %mul3A_732 = arith.mulf %get3A_725, %get3A_731 : vector<16xf32>
        %swap3A_733 = arith.index_cast %add3A_710 : i32 to index
        %swap3A_734 = arith.constant 0 : index
        %swap3A_735 = tpu.vector_load %arg17[%swap3A_733, %swap3A_734] {strides = array<i32>} : memref<48x128xf32, #tpu.memory_space<vmem>>, vector<1x16xf32>,
        %swap3A_736 = vector.shape_cast %swap3A_735 : vector<1x16xf32> to vector<16xf32>
        %swap3A_737 = vector.shape_cast %mul3A_732 : vector<16xf32> to vector<1x16xf32>
        tpu.vector_store %arg17[%swap3A_733, %swap3A_734], %swap3A_737 {strides = array<i32>} : memref<48x128xf32, #tpu.memory_space<vmem>>, vector<1x16xf32>,
        %get3A_738 = arith.index_cast %add3A_710 : i32 to index
        %get3A_739 = arith.constant 32 : index
        %get3A_740 = tpu.vector_load %arg14[%get3A_738, %get3A_739] {strides = array<i32>} : memref<40x256xf32, #tpu.memory_space<vmem>>, vector<1x16xf32>,
        %get3A_741 = vector.shape_cast %get3A_740 : vector<1x16xf32> to vector<16xf32>
        %add3A_742 = arith.constant 40 : i32
        %add3A_743 = arith.addi %add3A_742, %add3A_710 : i32
        %get3A_744 = arith.index_cast %add3A_743 : i32 to index
        %get3A_745 = arith.constant 32 : index
        %get3A_746 = tpu.vector_load %arg15[%get3A_744, %get3A_745] {strides = array<i32>} : memref<80x96xf32, #tpu.memory_space<vmem>>, vector<1x16xf32>,
        %get3A_747 = vector.shape_cast %get3A_746 : vector<1x16xf32> to vector<16xf32>
        %mul3A_748 = arith.mulf %get3A_741, %get3A_747 : vector<16xf32>
        %get3A_749 = arith.index_cast %add3A_710 : i32 to index
        %get3A_750 = arith.constant 64 : index
        %get3A_751 = tpu.vector_load %arg14[%get3A_749, %get3A_750] {strides = array<i32>} : memref<40x256xf32, #tpu.memory_space<vmem>>, vector<1x16xf32>,
        %get3A_752 = vector.shape_cast %get3A_751 : vector<1x16xf32> to vector<16xf32>
        %add3A_753 = arith.constant 40 : i32
        %add3A_754 = arith.addi %add3A_753, %add3A_710 : i32
        %get3A_755 = arith.index_cast %add3A_754 : i32 to index
        %get3A_756 = arith.constant 64 : index
        %get3A_757 = tpu.vector_load %arg15[%get3A_755, %get3A_756] {strides = array<i32>} : memref<80x96xf32, #tpu.memory_space<vmem>>, vector<1x16xf32>,
        %get3A_758 = vector.shape_cast %get3A_757 : vector<1x16xf32> to vector<16xf32>
        %mul3A_759 = arith.mulf %get3A_752, %get3A_758 : vector<16xf32>
        %get3A_760 = arith.index_cast %add3A_710 : i32 to index
        %get3A_761 = arith.constant 96 : index
        %get3A_762 = tpu.vector_load %arg14[%get3A_760, %get3A_761] {strides = array<i32>} : memref<40x256xf32, #tpu.memory_space<vmem>>, vector<1x16xf32>,
        %get3A_763 = vector.shape_cast %get3A_762 : vector<1x16xf32> to vector<16xf32>
        %mul3A_764 = arith.mulf %get3A_763, %mul3A_748 : vector<16xf32>
        %mul3A_765 = vector.broadcast %squeeze3A : f32 to vector<16xf32>
        %mul3A_766 = arith.mulf %mul3A_759, %mul3A_765 : vector<16xf32>
        %add3A_767 = arith.addf %mul3A_764, %mul3A_766 : vector<16xf32>
        %swap3A_768 = arith.index_cast %add3A_710 : i32 to index
        %swap3A_769 = arith.constant 32 : index
        %swap3A_770 = tpu.vector_load %arg17[%swap3A_768, %swap3A_769] {strides = array<i32>} : memref<48x128xf32, #tpu.memory_space<vmem>>, vector<1x16xf32>,
        %swap3A_771 = vector.shape_cast %swap3A_770 : vector<1x16xf32> to vector<16xf32>
        %swap3A_772 = vector.shape_cast %add3A_767 : vector<16xf32> to vector<1x16xf32>
        tpu.vector_store %arg17[%swap3A_768, %swap3A_769], %swap3A_772 {strides = array<i32>} : memref<48x128xf32, #tpu.memory_space<vmem>>, vector<1x16xf32>,
        %get3A_773 = arith.index_cast %add3A_710 : i32 to index
        %get3A_774 = arith.constant 128 : index
        %get3A_775 = tpu.vector_load %arg14[%get3A_773, %get3A_774] {strides = array<i32>} : memref<40x256xf32, #tpu.memory_space<vmem>>, vector<1x16xf32>,
        %get3A_776 = vector.shape_cast %get3A_775 : vector<1x16xf32> to vector<16xf32>
        %mul3A_777 = arith.mulf %get3A_776, %mul3A_748 : vector<16xf32>
        %mul3A_778 = vector.broadcast %squeeze3A_719 : f32 to vector<16xf32>
        %mul3A_779 = arith.mulf %mul3A_759, %mul3A_778 : vector<16xf32>
        %add3A_780 = arith.addf %mul3A_777, %mul3A_779 : vector<16xf32>
        %swap3A_781 = arith.index_cast %add3A_710 : i32 to index
        %swap3A_782 = arith.constant 64 : index
        %swap3A_783 = tpu.vector_load %arg17[%swap3A_781, %swap3A_782] {strides = array<i32>} : memref<48x128xf32, #tpu.memory_space<vmem>>, vector<1x16xf32>,
        %swap3A_784 = vector.shape_cast %swap3A_783 : vector<1x16xf32> to vector<16xf32>
        %swap3A_785 = vector.shape_cast %add3A_780 : vector<16xf32> to vector<1x16xf32>
        tpu.vector_store %arg17[%swap3A_781, %swap3A_782], %swap3A_785 {strides = array<i32>} : memref<48x128xf32, #tpu.memory_space<vmem>>, vector<1x16xf32>,
        %get3A_786 = arith.index_cast %add3A_710 : i32 to index
        %get3A_787 = arith.constant 160 : index
        %get3A_788 = tpu.vector_load %arg14[%get3A_786, %get3A_787] {strides = array<i32>} : memref<40x256xf32, #tpu.memory_space<vmem>>, vector<1x16xf32>,
        %get3A_789 = vector.shape_cast %get3A_788 : vector<1x16xf32> to vector<16xf32>
        %mul3A_790 = arith.mulf %get3A_789, %mul3A_748 : vector<16xf32>
        %mul3A_791 = vector.broadcast %squeeze3A_721 : f32 to vector<16xf32>
        %mul3A_792 = arith.mulf %mul3A_759, %mul3A_791 : vector<16xf32>
        %add3A_793 = arith.addf %mul3A_790, %mul3A_792 : vector<16xf32>
        %swap3A_794 = arith.index_cast %add3A_710 : i32 to index
        %swap3A_795 = arith.constant 96 : index
        %swap3A_796 = tpu.vector_load %arg17[%swap3A_794, %swap3A_795] {strides = array<i32>} : memref<48x128xf32, #tpu.memory_space<vmem>>, vector<1x16xf32>,
        %swap3A_797 = vector.shape_cast %swap3A_796 : vector<1x16xf32> to vector<16xf32>
        %swap3A_798 = vector.shape_cast %add3A_793 : vector<16xf32> to vector<1x16xf32>
        tpu.vector_store %arg17[%swap3A_794, %swap3A_795], %swap3A_798 {strides = array<i32>} : memref<48x128xf32, #tpu.memory_space<vmem>>, vector<1x16xf32>,
        %get3A_799 = arith.index_cast %add3A_710 : i32 to index
        %get3A_800 = arith.constant 16 : index
        %get3A_801 = tpu.vector_load %arg14[%get3A_799, %get3A_800] {strides = array<i32>} : memref<40x256xf32, #tpu.memory_space<vmem>>, vector<1x16xf32>,
        %get3A_802 = vector.shape_cast %get3A_801 : vector<1x16xf32> to vector<16xf32>
        %add3A_803 = arith.constant 40 : i32
        %add3A_804 = arith.addi %add3A_803, %add3A_710 : i32
        %get3A_805 = arith.index_cast %add3A_804 : i32 to index
        %get3A_806 = arith.constant 16 : index
        %get3A_807 = tpu.vector_load %arg15[%get3A_805, %get3A_806] {strides = array<i32>} : memref<80x96xf32, #tpu.memory_space<vmem>>, vector<1x16xf32>,
        %get3A_808 = vector.shape_cast %get3A_807 : vector<1x16xf32> to vector<16xf32>
        %mul3A_809 = arith.mulf %get3A_802, %get3A_808 : vector<16xf32>
        %swap3A_810 = arith.index_cast %add3A_710 : i32 to index
        %swap3A_811 = arith.constant 16 : index
        %swap3A_812 = tpu.vector_load %arg17[%swap3A_810, %swap3A_811] {strides = array<i32>} : memref<48x128xf32, #tpu.memory_space<vmem>>, vector<1x16xf32>,
        %swap3A_813 = vector.shape_cast %swap3A_812 : vector<1x16xf32> to vector<16xf32>
        %swap3A_814 = vector.shape_cast %mul3A_809 : vector<16xf32> to vector<1x16xf32>
        tpu.vector_store %arg17[%swap3A_810, %swap3A_811], %swap3A_814 {strides = array<i32>} : memref<48x128xf32, #tpu.memory_space<vmem>>, vector<1x16xf32>,
        %get3A_815 = arith.index_cast %add3A_710 : i32 to index
        %get3A_816 = arith.constant 48 : index
        %get3A_817 = tpu.vector_load %arg14[%get3A_815, %get3A_816] {strides = array<i32>} : memref<40x256xf32, #tpu.memory_space<vmem>>, vector<1x16xf32>,
        %get3A_818 = vector.shape_cast %get3A_817 : vector<1x16xf32> to vector<16xf32>
        %add3A_819 = arith.constant 40 : i32
        %add3A_820 = arith.addi %add3A_819, %add3A_710 : i32
        %get3A_821 = arith.index_cast %add3A_820 : i32 to index
        %get3A_822 = arith.constant 48 : index
        %get3A_823 = tpu.vector_load %arg15[%get3A_821, %get3A_822] {strides = array<i32>} : memref<80x96xf32, #tpu.memory_space<vmem>>, vector<1x16xf32>,
        %get3A_824 = vector.shape_cast %get3A_823 : vector<1x16xf32> to vector<16xf32>
        %mul3A_825 = arith.mulf %get3A_818, %get3A_824 : vector<16xf32>
        %get3A_826 = arith.index_cast %add3A_710 : i32 to index
        %get3A_827 = arith.constant 80 : index
        %get3A_828 = tpu.vector_load %arg14[%get3A_826, %get3A_827] {strides = array<i32>} : memref<40x256xf32, #tpu.memory_space<vmem>>, vector<1x16xf32>,
        %get3A_829 = vector.shape_cast %get3A_828 : vector<1x16xf32> to vector<16xf32>
        %add3A_830 = arith.constant 40 : i32
        %add3A_831 = arith.addi %add3A_830, %add3A_710 : i32
        %get3A_832 = arith.index_cast %add3A_831 : i32 to index
        %get3A_833 = arith.constant 80 : index
        %get3A_834 = tpu.vector_load %arg15[%get3A_832, %get3A_833] {strides = array<i32>} : memref<80x96xf32, #tpu.memory_space<vmem>>, vector<1x16xf32>,
        %get3A_835 = vector.shape_cast %get3A_834 : vector<1x16xf32> to vector<16xf32>
        %mul3A_836 = arith.mulf %get3A_829, %get3A_835 : vector<16xf32>
        %get3A_837 = arith.index_cast %add3A_710 : i32 to index
        %get3A_838 = arith.constant 112 : index
        %get3A_839 = tpu.vector_load %arg14[%get3A_837, %get3A_838] {strides = array<i32>} : memref<40x256xf32, #tpu.memory_space<vmem>>, vector<1x16xf32>,
        %get3A_840 = vector.shape_cast %get3A_839 : vector<1x16xf32> to vector<16xf32>
        %mul3A_841 = arith.mulf %get3A_840, %mul3A_825 : vector<16xf32>
        %mul3A_842 = vector.broadcast %squeeze3A : f32 to vector<16xf32>
        %mul3A_843 = arith.mulf %mul3A_836, %mul3A_842 : vector<16xf32>
        %add3A_844 = arith.addf %mul3A_841, %mul3A_843 : vector<16xf32>
        %swap3A_845 = arith.index_cast %add3A_710 : i32 to index
        %swap3A_846 = arith.constant 48 : index
        %swap3A_847 = tpu.vector_load %arg17[%swap3A_845, %swap3A_846] {strides = array<i32>} : memref<48x128xf32, #tpu.memory_space<vmem>>, vector<1x16xf32>,
        %swap3A_848 = vector.shape_cast %swap3A_847 : vector<1x16xf32> to vector<16xf32>
        %swap3A_849 = vector.shape_cast %add3A_844 : vector<16xf32> to vector<1x16xf32>
        tpu.vector_store %arg17[%swap3A_845, %swap3A_846], %swap3A_849 {strides = array<i32>} : memref<48x128xf32, #tpu.memory_space<vmem>>, vector<1x16xf32>,
        %get3A_850 = arith.index_cast %add3A_710 : i32 to index
        %get3A_851 = arith.constant 144 : index
        %get3A_852 = tpu.vector_load %arg14[%get3A_850, %get3A_851] {strides = array<i32>} : memref<40x256xf32, #tpu.memory_space<vmem>>, vector<1x16xf32>,
        %get3A_853 = vector.shape_cast %get3A_852 : vector<1x16xf32> to vector<16xf32>
        %mul3A_854 = arith.mulf %get3A_853, %mul3A_825 : vector<16xf32>
        %mul3A_855 = vector.broadcast %squeeze3A_719 : f32 to vector<16xf32>
        %mul3A_856 = arith.mulf %mul3A_836, %mul3A_855 : vector<16xf32>
        %add3A_857 = arith.addf %mul3A_854, %mul3A_856 : vector<16xf32>
        %swap3A_858 = arith.index_cast %add3A_710 : i32 to index
        %swap3A_859 = arith.constant 80 : index
        %swap3A_860 = tpu.vector_load %arg17[%swap3A_858, %swap3A_859] {strides = array<i32>} : memref<48x128xf32, #tpu.memory_space<vmem>>, vector<1x16xf32>,
        %swap3A_861 = vector.shape_cast %swap3A_860 : vector<1x16xf32> to vector<16xf32>
        %swap3A_862 = vector.shape_cast %add3A_857 : vector<16xf32> to vector<1x16xf32>
        tpu.vector_store %arg17[%swap3A_858, %swap3A_859], %swap3A_862 {strides = array<i32>} : memref<48x128xf32, #tpu.memory_space<vmem>>, vector<1x16xf32>,
        %get3A_863 = arith.index_cast %add3A_710 : i32 to index
        %get3A_864 = arith.constant 176 : index
        %get3A_865 = tpu.vector_load %arg14[%get3A_863, %get3A_864] {strides = array<i32>} : memref<40x256xf32, #tpu.memory_space<vmem>>, vector<1x16xf32>,
        %get3A_866 = vector.shape_cast %get3A_865 : vector<1x16xf32> to vector<16xf32>
        %mul3A_867 = arith.mulf %get3A_866, %mul3A_825 : vector<16xf32>
        %mul3A_868 = vector.broadcast %squeeze3A_721 : f32 to vector<16xf32>
        %mul3A_869 = arith.mulf %mul3A_836, %mul3A_868 : vector<16xf32>
        %add3A_870 = arith.addf %mul3A_867, %mul3A_869 : vector<16xf32>
        %swap3A_871 = arith.index_cast %add3A_710 : i32 to index
        %swap3A_872 = arith.constant 112 : index
        %swap3A_873 = tpu.vector_load %arg17[%swap3A_871, %swap3A_872] {strides = array<i32>} : memref<48x128xf32, #tpu.memory_space<vmem>>, vector<1x16xf32>,
        %swap3A_874 = vector.shape_cast %swap3A_873 : vector<1x16xf32> to vector<16xf32>
        %swap3A_875 = vector.shape_cast %add3A_870 : vector<16xf32> to vector<1x16xf32>
        tpu.vector_store %arg17[%swap3A_871, %swap3A_872], %swap3A_875 {strides = array<i32>} : memref<48x128xf32, #tpu.memory_space<vmem>>, vector<1x16xf32>,
        %scan3A_876 = arith.constant 1 : i32
        %scan3A_877 = arith.addi %scan3A_706, %scan3A_876 : i32
        %mul3A_878 = arith.constant 1 : i32
        %mul3A_879 = arith.muli %scan3A_877, %mul3A_878 : i32
        %add3A_880 = arith.constant 0 : i32
        %add3A_881 = arith.addi %add3A_880, %mul3A_879 : i32
        %add3A_882 = arith.constant 40 : i32
        %add3A_883 = arith.addi %add3A_882, %add3A_881 : i32
        %mul3A_884 = arith.constant 3 : i32
        %mul3A_885 = arith.muli %mul3A_884, %add3A_883 : i32
        %get3A_886 = arith.index_cast %mul3A_885 : i32 to index
        %get3A_887 = tpu.vector_load %arg16[%get3A_886] {strides = array<i32>} : memref<256xf32, #tpu.memory_space<vmem>>, vector<16xf32>,
        %get3A_888 = vector.shape_cast %get3A_887 : vector<16xf32> to vector<16xf32>
        %slice3A_889 = vector.extract_strided_slice %get3A_888 {offsets = [0], sizes = [1], strides = [1]} : vector<16xf32> to vector<1xf32>
        %squeeze3A_890 = vector.extract %slice3A_889[0] : f32 from vector<1xf32>
        %slice3A_891 = vector.extract_strided_slice %get3A_888 {offsets = [1], sizes = [1], strides = [1]} : vector<16xf32> to vector<1xf32>
        %squeeze3A_892 = vector.extract %slice3A_891[0] : f32 from vector<1xf32>
        %slice3A_893 = vector.extract_strided_slice %get3A_888 {offsets = [2], sizes = [1], strides = [1]} : vector<16xf32> to vector<1xf32>
        %squeeze3A_894 = vector.extract %slice3A_893[0] : f32 from vector<1xf32>
        %get3A_895 = arith.index_cast %add3A_881 : i32 to index
        %get3A_896 = arith.constant 0 : index
        %get3A_897 = tpu.vector_load %arg14[%get3A_895, %get3A_896] {strides = array<i32>} : memref<40x256xf32, #tpu.memory_space<vmem>>, vector<1x16xf32>,
        %get3A_898 = vector.shape_cast %get3A_897 : vector<1x16xf32> to vector<16xf32>
        %add3A_899 = arith.constant 40 : i32
        %add3A_900 = arith.addi %add3A_899, %add3A_881 : i32
        %get3A_901 = arith.index_cast %add3A_900 : i32 to index
        %get3A_902 = arith.constant 0 : index
        %get3A_903 = tpu.vector_load %arg15[%get3A_901, %get3A_902] {strides = array<i32>} : memref<80x96xf32, #tpu.memory_space<vmem>>, vector<1x16xf32>,
        %get3A_904 = vector.shape_cast %get3A_903 : vector<1x16xf32> to vector<16xf32>
        %mul3A_905 = arith.mulf %get3A_898, %get3A_904 : vector<16xf32>
        %swap3A_906 = arith.index_cast %add3A_881 : i32 to index
        %swap3A_907 = arith.constant 0 : index
        %swap3A_908 = tpu.vector_load %arg17[%swap3A_906, %swap3A_907] {strides = array<i32>} : memref<48x128xf32, #tpu.memory_space<vmem>>, vector<1x16xf32>,
        %swap3A_909 = vector.shape_cast %swap3A_908 : vector<1x16xf32> to vector<16xf32>
        %swap3A_910 = vector.shape_cast %mul3A_905 : vector<16xf32> to vector<1x16xf32>
        tpu.vector_store %arg17[%swap3A_906, %swap3A_907], %swap3A_910 {strides = array<i32>} : memref<48x128xf32, #tpu.memory_space<vmem>>, vector<1x16xf32>,
        %get3A_911 = arith.index_cast %add3A_881 : i32 to index
        %get3A_912 = arith.constant 32 : index
        %get3A_913 = tpu.vector_load %arg14[%get3A_911, %get3A_912] {strides = array<i32>} : memref<40x256xf32, #tpu.memory_space<vmem>>, vector<1x16xf32>,
        %get3A_914 = vector.shape_cast %get3A_913 : vector<1x16xf32> to vector<16xf32>
        %add3A_915 = arith.constant 40 : i32
        %add3A_916 = arith.addi %add3A_915, %add3A_881 : i32
        %get3A_917 = arith.index_cast %add3A_916 : i32 to index
        %get3A_918 = arith.constant 32 : index
        %get3A_919 = tpu.vector_load %arg15[%get3A_917, %get3A_918] {strides = array<i32>} : memref<80x96xf32, #tpu.memory_space<vmem>>, vector<1x16xf32>,
        %get3A_920 = vector.shape_cast %get3A_919 : vector<1x16xf32> to vector<16xf32>
        %mul3A_921 = arith.mulf %get3A_914, %get3A_920 : vector<16xf32>
        %get3A_922 = arith.index_cast %add3A_881 : i32 to index
        %get3A_923 = arith.constant 64 : index
        %get3A_924 = tpu.vector_load %arg14[%get3A_922, %get3A_923] {strides = array<i32>} : memref<40x256xf32, #tpu.memory_space<vmem>>, vector<1x16xf32>,
        %get3A_925 = vector.shape_cast %get3A_924 : vector<1x16xf32> to vector<16xf32>
        %add3A_926 = arith.constant 40 : i32
        %add3A_927 = arith.addi %add3A_926, %add3A_881 : i32
        %get3A_928 = arith.index_cast %add3A_927 : i32 to index
        %get3A_929 = arith.constant 64 : index
        %get3A_930 = tpu.vector_load %arg15[%get3A_928, %get3A_929] {strides = array<i32>} : memref<80x96xf32, #tpu.memory_space<vmem>>, vector<1x16xf32>,
        %get3A_931 = vector.shape_cast %get3A_930 : vector<1x16xf32> to vector<16xf32>
        %mul3A_932 = arith.mulf %get3A_925, %get3A_931 : vector<16xf32>
        %get3A_933 = arith.index_cast %add3A_881 : i32 to index
        %get3A_934 = arith.constant 96 : index
        %get3A_935 = tpu.vector_load %arg14[%get3A_933, %get3A_934] {strides = array<i32>} : memref<40x256xf32, #tpu.memory_space<vmem>>, vector<1x16xf32>,
        %get3A_936 = vector.shape_cast %get3A_935 : vector<1x16xf32> to vector<16xf32>
        %mul3A_937 = arith.mulf %get3A_936, %mul3A_921 : vector<16xf32>
        %mul3A_938 = vector.broadcast %squeeze3A_890 : f32 to vector<16xf32>
        %mul3A_939 = arith.mulf %mul3A_932, %mul3A_938 : vector<16xf32>
        %add3A_940 = arith.addf %mul3A_937, %mul3A_939 : vector<16xf32>
        %swap3A_941 = arith.index_cast %add3A_881 : i32 to index
        %swap3A_942 = arith.constant 32 : index
        %swap3A_943 = tpu.vector_load %arg17[%swap3A_941, %swap3A_942] {strides = array<i32>} : memref<48x128xf32, #tpu.memory_space<vmem>>, vector<1x16xf32>,
        %swap3A_944 = vector.shape_cast %swap3A_943 : vector<1x16xf32> to vector<16xf32>
        %swap3A_945 = vector.shape_cast %add3A_940 : vector<16xf32> to vector<1x16xf32>
        tpu.vector_store %arg17[%swap3A_941, %swap3A_942], %swap3A_945 {strides = array<i32>} : memref<48x128xf32, #tpu.memory_space<vmem>>, vector<1x16xf32>,
        %get3A_946 = arith.index_cast %add3A_881 : i32 to index
        %get3A_947 = arith.constant 128 : index
        %get3A_948 = tpu.vector_load %arg14[%get3A_946, %get3A_947] {strides = array<i32>} : memref<40x256xf32, #tpu.memory_space<vmem>>, vector<1x16xf32>,
        %get3A_949 = vector.shape_cast %get3A_948 : vector<1x16xf32> to vector<16xf32>
        %mul3A_950 = arith.mulf %get3A_949, %mul3A_921 : vector<16xf32>
        %mul3A_951 = vector.broadcast %squeeze3A_892 : f32 to vector<16xf32>
        %mul3A_952 = arith.mulf %mul3A_932, %mul3A_951 : vector<16xf32>
        %add3A_953 = arith.addf %mul3A_950, %mul3A_952 : vector<16xf32>
        %swap3A_954 = arith.index_cast %add3A_881 : i32 to index
        %swap3A_955 = arith.constant 64 : index
        %swap3A_956 = tpu.vector_load %arg17[%swap3A_954, %swap3A_955] {strides = array<i32>} : memref<48x128xf32, #tpu.memory_space<vmem>>, vector<1x16xf32>,
        %swap3A_957 = vector.shape_cast %swap3A_956 : vector<1x16xf32> to vector<16xf32>
        %swap3A_958 = vector.shape_cast %add3A_953 : vector<16xf32> to vector<1x16xf32>
        tpu.vector_store %arg17[%swap3A_954, %swap3A_955], %swap3A_958 {strides = array<i32>} : memref<48x128xf32, #tpu.memory_space<vmem>>, vector<1x16xf32>,
        %get3A_959 = arith.index_cast %add3A_881 : i32 to index
        %get3A_960 = arith.constant 160 : index
        %get3A_961 = tpu.vector_load %arg14[%get3A_959, %get3A_960] {strides = array<i32>} : memref<40x256xf32, #tpu.memory_space<vmem>>, vector<1x16xf32>,
        %get3A_962 = vector.shape_cast %get3A_961 : vector<1x16xf32> to vector<16xf32>
        %mul3A_963 = arith.mulf %get3A_962, %mul3A_921 : vector<16xf32>
        %mul3A_964 = vector.broadcast %squeeze3A_894 : f32 to vector<16xf32>
        %mul3A_965 = arith.mulf %mul3A_932, %mul3A_964 : vector<16xf32>
        %add3A_966 = arith.addf %mul3A_963, %mul3A_965 : vector<16xf32>
        %swap3A_967 = arith.index_cast %add3A_881 : i32 to index
        %swap3A_968 = arith.constant 96 : index
        %swap3A_969 = tpu.vector_load %arg17[%swap3A_967, %swap3A_968] {strides = array<i32>} : memref<48x128xf32, #tpu.memory_space<vmem>>, vector<1x16xf32>,
        %swap3A_970 = vector.shape_cast %swap3A_969 : vector<1x16xf32> to vector<16xf32>
        %swap3A_971 = vector.shape_cast %add3A_966 : vector<16xf32> to vector<1x16xf32>
        tpu.vector_store %arg17[%swap3A_967, %swap3A_968], %swap3A_971 {strides = array<i32>} : memref<48x128xf32, #tpu.memory_space<vmem>>, vector<1x16xf32>,
        %get3A_972 = arith.index_cast %add3A_881 : i32 to index
        %get3A_973 = arith.constant 16 : index
        %get3A_974 = tpu.vector_load %arg14[%get3A_972, %get3A_973] {strides = array<i32>} : memref<40x256xf32, #tpu.memory_space<vmem>>, vector<1x16xf32>,
        %get3A_975 = vector.shape_cast %get3A_974 : vector<1x16xf32> to vector<16xf32>
        %add3A_976 = arith.constant 40 : i32
        %add3A_977 = arith.addi %add3A_976, %add3A_881 : i32
        %get3A_978 = arith.index_cast %add3A_977 : i32 to index
        %get3A_979 = arith.constant 16 : index
        %get3A_980 = tpu.vector_load %arg15[%get3A_978, %get3A_979] {strides = array<i32>} : memref<80x96xf32, #tpu.memory_space<vmem>>, vector<1x16xf32>,
        %get3A_981 = vector.shape_cast %get3A_980 : vector<1x16xf32> to vector<16xf32>
        %mul3A_982 = arith.mulf %get3A_975, %get3A_981 : vector<16xf32>
        %swap3A_983 = arith.index_cast %add3A_881 : i32 to index
        %swap3A_984 = arith.constant 16 : index
        %swap3A_985 = tpu.vector_load %arg17[%swap3A_983, %swap3A_984] {strides = array<i32>} : memref<48x128xf32, #tpu.memory_space<vmem>>, vector<1x16xf32>,
        %swap3A_986 = vector.shape_cast %swap3A_985 : vector<1x16xf32> to vector<16xf32>
        %swap3A_987 = vector.shape_cast %mul3A_982 : vector<16xf32> to vector<1x16xf32>
        tpu.vector_store %arg17[%swap3A_983, %swap3A_984], %swap3A_987 {strides = array<i32>} : memref<48x128xf32, #tpu.memory_space<vmem>>, vector<1x16xf32>,
        %get3A_988 = arith.index_cast %add3A_881 : i32 to index
        %get3A_989 = arith.constant 48 : index
        %get3A_990 = tpu.vector_load %arg14[%get3A_988, %get3A_989] {strides = array<i32>} : memref<40x256xf32, #tpu.memory_space<vmem>>, vector<1x16xf32>,
        %get3A_991 = vector.shape_cast %get3A_990 : vector<1x16xf32> to vector<16xf32>
        %add3A_992 = arith.constant 40 : i32
        %add3A_993 = arith.addi %add3A_992, %add3A_881 : i32
        %get3A_994 = arith.index_cast %add3A_993 : i32 to index
        %get3A_995 = arith.constant 48 : index
        %get3A_996 = tpu.vector_load %arg15[%get3A_994, %get3A_995] {strides = array<i32>} : memref<80x96xf32, #tpu.memory_space<vmem>>, vector<1x16xf32>,
        %get3A_997 = vector.shape_cast %get3A_996 : vector<1x16xf32> to vector<16xf32>
        %mul3A_998 = arith.mulf %get3A_991, %get3A_997 : vector<16xf32>
        %get3A_999 = arith.index_cast %add3A_881 : i32 to index
        %get3A_1000 = arith.constant 80 : index
        %get3A_1001 = tpu.vector_load %arg14[%get3A_999, %get3A_1000] {strides = array<i32>} : memref<40x256xf32, #tpu.memory_space<vmem>>, vector<1x16xf32>,
        %get3A_1002 = vector.shape_cast %get3A_1001 : vector<1x16xf32> to vector<16xf32>
        %add3A_1003 = arith.constant 40 : i32
        %add3A_1004 = arith.addi %add3A_1003, %add3A_881 : i32
        %get3A_1005 = arith.index_cast %add3A_1004 : i32 to index
        %get3A_1006 = arith.constant 80 : index
        %get3A_1007 = tpu.vector_load %arg15[%get3A_1005, %get3A_1006] {strides = array<i32>} : memref<80x96xf32, #tpu.memory_space<vmem>>, vector<1x16xf32>,
        %get3A_1008 = vector.shape_cast %get3A_1007 : vector<1x16xf32> to vector<16xf32>
        %mul3A_1009 = arith.mulf %get3A_1002, %get3A_1008 : vector<16xf32>
        %get3A_1010 = arith.index_cast %add3A_881 : i32 to index
        %get3A_1011 = arith.constant 112 : index
        %get3A_1012 = tpu.vector_load %arg14[%get3A_1010, %get3A_1011] {strides = array<i32>} : memref<40x256xf32, #tpu.memory_space<vmem>>, vector<1x16xf32>,
        %get3A_1013 = vector.shape_cast %get3A_1012 : vector<1x16xf32> to vector<16xf32>
        %mul3A_1014 = arith.mulf %get3A_1013, %mul3A_998 : vector<16xf32>
        %mul3A_1015 = vector.broadcast %squeeze3A_890 : f32 to vector<16xf32>
        %mul3A_1016 = arith.mulf %mul3A_1009, %mul3A_1015 : vector<16xf32>
        %add3A_1017 = arith.addf %mul3A_1014, %mul3A_1016 : vector<16xf32>
        %swap3A_1018 = arith.index_cast %add3A_881 : i32 to index
        %swap3A_1019 = arith.constant 48 : index
        %swap3A_1020 = tpu.vector_load %arg17[%swap3A_1018, %swap3A_1019] {strides = array<i32>} : memref<48x128xf32, #tpu.memory_space<vmem>>, vector<1x16xf32>,
        %swap3A_1021 = vector.shape_cast %swap3A_1020 : vector<1x16xf32> to vector<16xf32>
        %swap3A_1022 = vector.shape_cast %add3A_1017 : vector<16xf32> to vector<1x16xf32>
        tpu.vector_store %arg17[%swap3A_1018, %swap3A_1019], %swap3A_1022 {strides = array<i32>} : memref<48x128xf32, #tpu.memory_space<vmem>>, vector<1x16xf32>,
        %get3A_1023 = arith.index_cast %add3A_881 : i32 to index
        %get3A_1024 = arith.constant 144 : index
        %get3A_1025 = tpu.vector_load %arg14[%get3A_1023, %get3A_1024] {strides = array<i32>} : memref<40x256xf32, #tpu.memory_space<vmem>>, vector<1x16xf32>,
        %get3A_1026 = vector.shape_cast %get3A_1025 : vector<1x16xf32> to vector<16xf32>
        %mul3A_1027 = arith.mulf %get3A_1026, %mul3A_998 : vector<16xf32>
        %mul3A_1028 = vector.broadcast %squeeze3A_892 : f32 to vector<16xf32>
        %mul3A_1029 = arith.mulf %mul3A_1009, %mul3A_1028 : vector<16xf32>
        %add3A_1030 = arith.addf %mul3A_1027, %mul3A_1029 : vector<16xf32>
        %swap3A_1031 = arith.index_cast %add3A_881 : i32 to index
        %swap3A_1032 = arith.constant 80 : index
        %swap3A_1033 = tpu.vector_load %arg17[%swap3A_1031, %swap3A_1032] {strides = array<i32>} : memref<48x128xf32, #tpu.memory_space<vmem>>, vector<1x16xf32>,
        %swap3A_1034 = vector.shape_cast %swap3A_1033 : vector<1x16xf32> to vector<16xf32>
        %swap3A_1035 = vector.shape_cast %add3A_1030 : vector<16xf32> to vector<1x16xf32>
        tpu.vector_store %arg17[%swap3A_1031, %swap3A_1032], %swap3A_1035 {strides = array<i32>} : memref<48x128xf32, #tpu.memory_space<vmem>>, vector<1x16xf32>,
        %get3A_1036 = arith.index_cast %add3A_881 : i32 to index
        %get3A_1037 = arith.constant 176 : index
        %get3A_1038 = tpu.vector_load %arg14[%get3A_1036, %get3A_1037] {strides = array<i32>} : memref<40x256xf32, #tpu.memory_space<vmem>>, vector<1x16xf32>,
        %get3A_1039 = vector.shape_cast %get3A_1038 : vector<1x16xf32> to vector<16xf32>
        %mul3A_1040 = arith.mulf %get3A_1039, %mul3A_998 : vector<16xf32>
        %mul3A_1041 = vector.broadcast %squeeze3A_894 : f32 to vector<16xf32>
        %mul3A_1042 = arith.mulf %mul3A_1009, %mul3A_1041 : vector<16xf32>
        %add3A_1043 = arith.addf %mul3A_1040, %mul3A_1042 : vector<16xf32>
        %swap3A_1044 = arith.index_cast %add3A_881 : i32 to index
        %swap3A_1045 = arith.constant 112 : index
        %swap3A_1046 = tpu.vector_load %arg17[%swap3A_1044, %swap3A_1045] {strides = array<i32>} : memref<48x128xf32, #tpu.memory_space<vmem>>, vector<1x16xf32>,
        %swap3A_1047 = vector.shape_cast %swap3A_1046 : vector<1x16xf32> to vector<16xf32>
        %swap3A_1048 = vector.shape_cast %add3A_1043 : vector<16xf32> to vector<1x16xf32>
        tpu.vector_store %arg17[%swap3A_1044, %swap3A_1045], %swap3A_1048 {strides = array<i32>} : memref<48x128xf32, #tpu.memory_space<vmem>>, vector<1x16xf32>,
      }
      %scan3A_705 = arith.constant 40 : i32
      "tpu.region"() ({
        %run_scoped3A = tpu.sem_alloc : memref<!tpu.dma_semaphore, #tpu.memory_space<semaphore_mem>>
        %dma_start3A_706 = arith.constant 0 : i32
        %dma_start3A_707 = arith.constant 0 : i32
        %dma_start3A_708 = tpu.memref_slice %arg18[%dma_start3A_706, %dma_start3A_707] : memref<10000x128xf32, #tpu.memory_space<vmem_shared>> -> memref<10000x128xf32, #tpu.memory_space<vmem_shared>>
        tpu.enqueue_indirect_dma source(%arg17 : memref<48x128xf32, #tpu.memory_space<vmem>>) target(%dma_start3A_708 : memref<10000x128xf32, #tpu.memory_space<vmem_shared>>) offsets(%arg12 : memref<48xi32, #tpu.memory_space<vmem>>) semaphore(%run_scoped3A : memref<!tpu.dma_semaphore, #tpu.memory_space<semaphore_mem>>) {add = true}
        %dma_wait3A_709 = arith.constant 0 : i32
        %dma_wait3A_710 = arith.constant 0 : i32
        %dma_wait3A_711 = tpu.memref_slice %arg18[%dma_wait3A_709, %dma_wait3A_710] : memref<10000x128xf32, #tpu.memory_space<vmem_shared>> -> memref<10000x128xf32, #tpu.memory_space<vmem_shared>>
        tpu.wait_indirect_dma semaphore(%run_scoped3A : memref<!tpu.dma_semaphore, #tpu.memory_space<semaphore_mem>>) src(%arg17 : memref<48x128xf32, #tpu.memory_space<vmem>>) dst(%dma_wait3A_711 : memref<10000x128xf32, #tpu.memory_space<vmem_shared>>)
        tpu.yield
      }) : () -> ()
    }
    %scan3A_559 = arith.constant 250 : i32
    %barrier3A_560 = arith.constant 0 : index
    tpu.barrier barrier_id(%barrier3A_560)
    %mul3A_561 = arith.constant 624 : i32
    %mul3A_562 = arith.muli %arg1, %mul3A_561 : i32
    %mul3A_563 = arith.constant 10000 : i32
    %mul3A_564 = arith.muli %add3A_544, %mul3A_563 : i32
    %mul3A_565 = arith.constant 624 : i32
    %mul3A_566 = arith.muli %arg1, %mul3A_565 : i32
    %add3A_567 = arith.addi %mul3A_564, %mul3A_566 : i32
    "tpu.region"() ({
      %run_scoped3A = tpu.sem_alloc : memref<!tpu.dma_semaphore, #tpu.memory_space<semaphore_mem>>
      %dma_start3A = arith.constant 0 : i32
      %dma_start3A_573 = tpu.memref_slice %arg8[%add3A_567, %dma_start3A] : memref<40000x128xf32, #tpu.memory_space<hbm>> -> memref<624x128xf32, #tpu.memory_space<hbm>>
      %dma_start3A_574 = arith.constant 0 : i32
      %dma_start3A_575 = tpu.memref_slice %arg18[%mul3A_562, %dma_start3A_574] : memref<10000x128xf32, #tpu.memory_space<vmem_shared>> -> memref<624x128xf32, #tpu.memory_space<vmem_shared>>
      tpu.enqueue_dma source(%dma_start3A_575 : memref<624x128xf32, #tpu.memory_space<vmem_shared>>) target(%dma_start3A_573 : memref<624x128xf32, #tpu.memory_space<hbm>>) target_semaphore(%run_scoped3A : memref<!tpu.dma_semaphore, #tpu.memory_space<semaphore_mem>>)
      %dma_wait3A = arith.constant 0 : i32
      %dma_wait3A_576 = tpu.memref_slice %arg8[%add3A_567, %dma_wait3A] : memref<40000x128xf32, #tpu.memory_space<hbm>> -> memref<624x128xf32, #tpu.memory_space<hbm>>
      %dma_wait3A_577 = arith.constant 0 : i32
      %dma_wait3A_578 = tpu.memref_slice %arg18[%mul3A_562, %dma_wait3A_577] : memref<10000x128xf32, #tpu.memory_space<vmem_shared>> -> memref<624x128xf32, #tpu.memory_space<vmem_shared>>
      tpu.wait_dma2 semaphore(%run_scoped3A : memref<!tpu.dma_semaphore, #tpu.memory_space<semaphore_mem>>) src(%dma_wait3A_578 : memref<624x128xf32, #tpu.memory_space<vmem_shared>>) dst(%dma_wait3A_576 : memref<624x128xf32, #tpu.memory_space<hbm>>)
      tpu.yield
    }) : () -> ()
    %eq3A_568 = arith.constant 0 : i32
    %eq3A_569 = arith.cmpi eq, %arg1, %eq3A_568 : i32
    %convert_element_type3A_570 = arith.extui %eq3A_569 : i1 to i32
    %cond3A_571 = arith.constant 0 : i32
    %cond3A_572 = arith.cmpi ne, %convert_element_type3A_570, %cond3A_571 : i32
    scf.if %cond3A_572 {
      %mul3A_573 = arith.constant 10000 : i32
      %mul3A_574 = arith.muli %add3A_544, %mul3A_573 : i32
      %add3A_575 = arith.constant 9984 : i32
      %add3A_576 = arith.addi %mul3A_574, %add3A_575 : i32
      "tpu.region"() ({
        %run_scoped3A = tpu.sem_alloc : memref<!tpu.dma_semaphore, #tpu.memory_space<semaphore_mem>>
        %dma_start3A = arith.constant 0 : i32
        %dma_start3A_577 = tpu.memref_slice %arg8[%add3A_576, %dma_start3A] : memref<40000x128xf32, #tpu.memory_space<hbm>> -> memref<16x128xf32, #tpu.memory_space<hbm>>
        %dma_start3A_578 = arith.constant 9984 : i32
        %dma_start3A_579 = arith.constant 0 : i32
        %dma_start3A_580 = tpu.memref_slice %arg18[%dma_start3A_578, %dma_start3A_579] : memref<10000x128xf32, #tpu.memory_space<vmem_shared>> -> memref<16x128xf32, #tpu.memory_space<vmem_shared>>
        tpu.enqueue_dma source(%dma_start3A_580 : memref<16x128xf32, #tpu.memory_space<vmem_shared>>) target(%dma_start3A_577 : memref<16x128xf32, #tpu.memory_space<hbm>>) target_semaphore(%run_scoped3A : memref<!tpu.dma_semaphore, #tpu.memory_space<semaphore_mem>>)
        %dma_wait3A = arith.constant 0 : i32
        %dma_wait3A_581 = tpu.memref_slice %arg8[%add3A_576, %dma_wait3A] : memref<40000x128xf32, #tpu.memory_space<hbm>> -> memref<16x128xf32, #tpu.memory_space<hbm>>
        %dma_wait3A_582 = arith.constant 9984 : i32
        %dma_wait3A_583 = arith.constant 0 : i32
        %dma_wait3A_584 = tpu.memref_slice %arg18[%dma_wait3A_582, %dma_wait3A_583] : memref<10000x128xf32, #tpu.memory_space<vmem_shared>> -> memref<16x128xf32, #tpu.memory_space<vmem_shared>>
        tpu.wait_dma2 semaphore(%run_scoped3A : memref<!tpu.dma_semaphore, #tpu.memory_space<semaphore_mem>>) src(%dma_wait3A_584 : memref<16x128xf32, #tpu.memory_space<vmem_shared>>) dst(%dma_wait3A_581 : memref<16x128xf32, #tpu.memory_space<hbm>>)
        tpu.yield
      }) : () -> ()
    } else {
    }
    return
  }
}

module attributes {stable_mosaic.version = 14 : i64} {
  func.func @_rbf_body(%arg0: i32, %arg1: memref<2000x128xf32, #tpu.memory_space<vmem>>, %arg2: memref<128x384xf32, #tpu.memory_space<vmem>>, %arg3: memref<1x384xf32, #tpu.memory_space<vmem>>, %arg4: memref<4x2000x96xf32, #tpu.memory_space<vmem>>) attributes {dimension_semantics = [#tpu.dimension_semantics<arbitrary>], iteration_bounds = array<i64: 160>, scalar_prefetch = 0 : i64, scratch_operands = 0 : i64, tpu.core_type = #tpu.core_type<tc>, window_params = [{transform_indices = @transform_0, window_bounds = array<i64: 2000, 128>}, {pipeline_mode = #tpu.pipeline_mode<synchronous>, transform_indices = @transform_1, window_bounds = array<i64: 128, 384>}, {pipeline_mode = #tpu.pipeline_mode<synchronous>, transform_indices = @transform_2, window_bounds = array<i64: 1, 384>}, {transform_indices = @transform_3, window_bounds = array<i64: 4, 2000, 96>}]} {
    %get3A = arith.constant 0 : index
    %get3A_0 = arith.constant 0 : index
    %get3A_1 = vector.load %arg1[%get3A, %get3A_0] : memref<2000x128xf32, #tpu.memory_space<vmem>>, vector<2000x128xf32>
    %get3A_2 = arith.constant 0 : index
    %get3A_3 = arith.constant 0 : index
    %get3A_4 = vector.load %arg2[%get3A_2, %get3A_3] : memref<128x384xf32, #tpu.memory_space<vmem>>, vector<128x384xf32>
    %dot_general3A = arith.constant dense<0.000000e+00> : vector<2000x384xf32>
    %dot_general3A_5 = tpu.matmul %get3A_1, %get3A_4, %dot_general3A {dimension_numbers = #tpu.dot_dimension_numbers<[1], [0], [0], [1], [0, 0, 1, 1], [], []>, transpose_lhs_hint = false} : vector<2000x128xf32>, vector<128x384xf32>, vector<2000x384xf32> -> vector<2000x384xf32>
    %get3A_6 = arith.constant 0 : index
    %get3A_7 = arith.constant 0 : index
    %get3A_8 = vector.load %arg3[%get3A_6, %get3A_7] : memref<1x384xf32, #tpu.memory_space<vmem>>, vector<1x384xf32>
    %add3A = vector.broadcast %get3A_8 : vector<1x384xf32> to vector<2000x384xf32>
    %add3A_9 = arith.addf %dot_general3A_5, %add3A : vector<2000x384xf32>
    %slice3A = vector.extract_strided_slice %add3A_9 {offsets = [0, 0], sizes = [2000, 96], strides = [1, 1]} : vector<2000x384xf32> to vector<2000x96xf32>
    %swap3A = arith.constant 0 : index
    %swap3A_10 = arith.constant 0 : index
    %swap3A_11 = arith.constant 0 : index
    %swap3A_12 = vector.load %arg4[%swap3A, %swap3A_10, %swap3A_11] : memref<4x2000x96xf32, #tpu.memory_space<vmem>>, vector<1x2000x96xf32>
    %swap3A_13 = vector.shape_cast %swap3A_12 : vector<1x2000x96xf32> to vector<2000x96xf32>
    %swap3A_14 = vector.shape_cast %slice3A : vector<2000x96xf32> to vector<1x2000x96xf32>
    tpu.vector_store %arg4[%swap3A, %swap3A_10, %swap3A_11], %swap3A_14 {strides = array<i32>} : memref<4x2000x96xf32, #tpu.memory_space<vmem>>, vector<1x2000x96xf32>,
    %slice3A_15 = vector.extract_strided_slice %add3A_9 {offsets = [0, 96], sizes = [2000, 96], strides = [1, 1]} : vector<2000x384xf32> to vector<2000x96xf32>
    %swap3A_16 = arith.constant 1 : index
    %swap3A_17 = arith.constant 0 : index
    %swap3A_18 = arith.constant 0 : index
    %swap3A_19 = vector.load %arg4[%swap3A_16, %swap3A_17, %swap3A_18] : memref<4x2000x96xf32, #tpu.memory_space<vmem>>, vector<1x2000x96xf32>
    %swap3A_20 = vector.shape_cast %swap3A_19 : vector<1x2000x96xf32> to vector<2000x96xf32>
    %swap3A_21 = vector.shape_cast %slice3A_15 : vector<2000x96xf32> to vector<1x2000x96xf32>
    tpu.vector_store %arg4[%swap3A_16, %swap3A_17, %swap3A_18], %swap3A_21 {strides = array<i32>} : memref<4x2000x96xf32, #tpu.memory_space<vmem>>, vector<1x2000x96xf32>,
    %slice3A_22 = vector.extract_strided_slice %add3A_9 {offsets = [0, 192], sizes = [2000, 96], strides = [1, 1]} : vector<2000x384xf32> to vector<2000x96xf32>
    %swap3A_23 = arith.constant 2 : index
    %swap3A_24 = arith.constant 0 : index
    %swap3A_25 = arith.constant 0 : index
    %swap3A_26 = vector.load %arg4[%swap3A_23, %swap3A_24, %swap3A_25] : memref<4x2000x96xf32, #tpu.memory_space<vmem>>, vector<1x2000x96xf32>
    %swap3A_27 = vector.shape_cast %swap3A_26 : vector<1x2000x96xf32> to vector<2000x96xf32>
    %swap3A_28 = vector.shape_cast %slice3A_22 : vector<2000x96xf32> to vector<1x2000x96xf32>
    tpu.vector_store %arg4[%swap3A_23, %swap3A_24, %swap3A_25], %swap3A_28 {strides = array<i32>} : memref<4x2000x96xf32, #tpu.memory_space<vmem>>, vector<1x2000x96xf32>,
    %slice3A_29 = vector.extract_strided_slice %add3A_9 {offsets = [0, 288], sizes = [2000, 96], strides = [1, 1]} : vector<2000x384xf32> to vector<2000x96xf32>
    %swap3A_30 = arith.constant 3 : index
    %swap3A_31 = arith.constant 0 : index
    %swap3A_32 = arith.constant 0 : index
    %swap3A_33 = vector.load %arg4[%swap3A_30, %swap3A_31, %swap3A_32] : memref<4x2000x96xf32, #tpu.memory_space<vmem>>, vector<1x2000x96xf32>
    %swap3A_34 = vector.shape_cast %swap3A_33 : vector<1x2000x96xf32> to vector<2000x96xf32>
    %swap3A_35 = vector.shape_cast %slice3A_29 : vector<2000x96xf32> to vector<1x2000x96xf32>
    tpu.vector_store %arg4[%swap3A_30, %swap3A_31, %swap3A_32], %swap3A_35 {strides = array<i32>} : memref<4x2000x96xf32, #tpu.memory_space<vmem>>, vector<1x2000x96xf32>,
    return
  }
  func.func @transform_0(%arg0: i32) -> (i32, i32) {
    %c0_i32 = arith.constant 0 : i32
    %c0_i32_0 = arith.constant 0 : i32
    return %arg0, %c0_i32 : i32, i32
  }
  func.func @transform_1(%arg0: i32) -> (i32, i32) {
    %c0_i32 = arith.constant 0 : i32
    %c0_i32_0 = arith.constant 0 : i32
    %c0_i32_1 = arith.constant 0 : i32
    return %c0_i32, %c0_i32_0 : i32, i32
  }
  func.func @transform_2(%arg0: i32) -> (i32, i32) {
    %c0_i32 = arith.constant 0 : i32
    %c0_i32_0 = arith.constant 0 : i32
    %c0_i32_1 = arith.constant 0 : i32
    return %c0_i32, %c0_i32_0 : i32, i32
  }
  func.func @transform_3(%arg0: i32) -> (i32, i32, i32) {
    %c0_i32 = arith.constant 0 : i32
    %c0_i32_0 = arith.constant 0 : i32
    %c0_i32_1 = arith.constant 0 : i32
    return %c0_i32, %arg0, %c0_i32_0 : i32, i32, i32
  }
}

module attributes {stable_mosaic.version = 14 : i64} {
  func.func @_xh_body(%arg0: i32, %arg1: i32, %arg2: memref<1000x128xf32, #tpu.memory_space<vmem>>, %arg3: memref<1x1000x96xf32, #tpu.memory_space<vmem>>, %arg4: memref<1x128xf32, #tpu.memory_space<vmem>>, %arg5: memref<1x128xf32, #tpu.memory_space<vmem>>, %arg6: memref<128x128xf32, #tpu.memory_space<vmem>>, %arg7: memref<1x128xf32, #tpu.memory_space<vmem>>, %arg8: memref<1x128x96xf32, #tpu.memory_space<vmem>>, %arg9: memref<1x1x96xf32, #tpu.memory_space<vmem>>, %arg10: memref<1x1000x256xf32, #tpu.memory_space<vmem>>) attributes {dimension_semantics = [#tpu.dimension_semantics<arbitrary>, #tpu.dimension_semantics<arbitrary>], iteration_bounds = array<i64: 4, 10>, scalar_prefetch = 0 : i64, scratch_operands = 0 : i64, tpu.core_type = #tpu.core_type<tc>, window_params = [{transform_indices = @transform_0, window_bounds = array<i64: 1000, 128>}, {transform_indices = @transform_1, window_bounds = array<i64: 1, 1000, 96>}, {pipeline_mode = #tpu.pipeline_mode<synchronous>, transform_indices = @transform_2, window_bounds = array<i64: 1, 128>}, {pipeline_mode = #tpu.pipeline_mode<synchronous>, transform_indices = @transform_3, window_bounds = array<i64: 1, 128>}, {pipeline_mode = #tpu.pipeline_mode<synchronous>, transform_indices = @transform_4, window_bounds = array<i64: 128, 128>}, {pipeline_mode = #tpu.pipeline_mode<synchronous>, transform_indices = @transform_5, window_bounds = array<i64: 1, 128>}, {transform_indices = @transform_6, window_bounds = array<i64: 1, 128, 96>}, {transform_indices = @transform_7, window_bounds = array<i64: 1, 1, 96>}, {transform_indices = @transform_8, window_bounds = array<i64: 1, 1000, 256>}]} {
    %get3A = arith.constant 0 : index
    %get3A_0 = arith.constant 0 : index
    %get3A_1 = vector.load %arg2[%get3A, %get3A_0] : memref<1000x128xf32, #tpu.memory_space<vmem>>, vector<1000x128xf32>
    %reduce_sum3A = arith.constant dense<0.000000e+00> : vector<1000xf32>
    %reduce_sum3A_2 = vector.multi_reduction <add>, %get3A_1, %reduce_sum3A [1] : vector<1000x128xf32> to vector<1000xf32>
    %broadcast_in_dim3A = vector.shape_cast %reduce_sum3A_2 : vector<1000xf32> to vector<1000x1xf32>
    %div3A = arith.constant 1.280000e+02 : f32
    %div3A_3 = vector.broadcast %div3A : f32 to vector<1000x1xf32>
    %div3A_4 = arith.divf %broadcast_in_dim3A, %div3A_3 : vector<1000x1xf32>
    %sub3A = vector.broadcast %div3A_4 : vector<1000x1xf32> to vector<1000x128xf32>
    %sub3A_5 = arith.subf %get3A_1, %sub3A : vector<1000x128xf32>
    %integer_pow3A = arith.mulf %sub3A_5, %sub3A_5 : vector<1000x128xf32>
    %reduce_sum3A_6 = arith.constant dense<0.000000e+00> : vector<1000xf32>
    %reduce_sum3A_7 = vector.multi_reduction <add>, %integer_pow3A, %reduce_sum3A_6 [1] : vector<1000x128xf32> to vector<1000xf32>
    %broadcast_in_dim3A_8 = vector.shape_cast %reduce_sum3A_7 : vector<1000xf32> to vector<1000x1xf32>
    %div3A_9 = arith.constant 1.280000e+02 : f32
    %div3A_10 = vector.broadcast %div3A_9 : f32 to vector<1000x1xf32>
    %div3A_11 = arith.divf %broadcast_in_dim3A_8, %div3A_10 : vector<1000x1xf32>
    %sub3A_12 = vector.broadcast %div3A_4 : vector<1000x1xf32> to vector<1000x128xf32>
    %sub3A_13 = arith.subf %get3A_1, %sub3A_12 : vector<1000x128xf32>
    %add3A = arith.constant 9.99999974E-6 : f32
    %add3A_14 = vector.broadcast %add3A : f32 to vector<1000x1xf32>
    %add3A_15 = arith.addf %div3A_11, %add3A_14 : vector<1000x1xf32>
    %rsqrt3A = math.rsqrt %add3A_15 : vector<1000x1xf32>
    %mul3A = vector.broadcast %rsqrt3A : vector<1000x1xf32> to vector<1000x128xf32>
    %mul3A_16 = arith.mulf %sub3A_13, %mul3A : vector<1000x128xf32>
    %get3A_17 = arith.constant 0 : index
    %get3A_18 = arith.constant 0 : index
    %get3A_19 = vector.load %arg4[%get3A_17, %get3A_18] : memref<1x128xf32, #tpu.memory_space<vmem>>, vector<1x128xf32>
    %mul3A_20 = vector.broadcast %get3A_19 : vector<1x128xf32> to vector<1000x128xf32>
    %mul3A_21 = arith.mulf %mul3A_16, %mul3A_20 : vector<1000x128xf32>
    %get3A_22 = arith.constant 0 : index
    %get3A_23 = arith.constant 0 : index
    %get3A_24 = vector.load %arg5[%get3A_22, %get3A_23] : memref<1x128xf32, #tpu.memory_space<vmem>>, vector<1x128xf32>
    %add3A_25 = vector.broadcast %get3A_24 : vector<1x128xf32> to vector<1000x128xf32>
    %add3A_26 = arith.addf %mul3A_21, %add3A_25 : vector<1000x128xf32>
    %get3A_27 = arith.constant 0 : index
    %get3A_28 = arith.constant 0 : index
    %get3A_29 = vector.load %arg6[%get3A_27, %get3A_28] : memref<128x128xf32, #tpu.memory_space<vmem>>, vector<128x128xf32>
    %dot_general3A = arith.constant dense<0.000000e+00> : vector<1000x128xf32>
    %dot_general3A_30 = tpu.matmul %add3A_26, %get3A_29, %dot_general3A {dimension_numbers = #tpu.dot_dimension_numbers<[1], [0], [0], [1], [0, 0, 1, 1], [], []>, transpose_lhs_hint = false} : vector<1000x128xf32>, vector<128x128xf32>, vector<1000x128xf32> -> vector<1000x128xf32>
    %get3A_31 = arith.constant 0 : index
    %get3A_32 = arith.constant 0 : index
    %get3A_33 = vector.load %arg7[%get3A_31, %get3A_32] : memref<1x128xf32, #tpu.memory_space<vmem>>, vector<1x128xf32>
    %add3A_34 = vector.broadcast %get3A_33 : vector<1x128xf32> to vector<1000x128xf32>
    %add3A_35 = arith.addf %dot_general3A_30, %add3A_34 : vector<1000x128xf32>
    %logistic3A = arith.negf %add3A_35 : vector<1000x128xf32>
    %logistic3A_36 = math.exp %logistic3A : vector<1000x128xf32>
    %logistic3A_37 = arith.constant 1.000000e+00 : f32
    %logistic3A_38 = vector.broadcast %logistic3A_37 : f32 to vector<1000x128xf32>
    %logistic3A_39 = arith.addf %logistic3A_38, %logistic3A_36 : vector<1000x128xf32>
    %logistic3A_40 = arith.divf %logistic3A_38, %logistic3A_39 : vector<1000x128xf32>
    %mul3A_41 = arith.mulf %add3A_35, %logistic3A_40 : vector<1000x128xf32>
    %mul3A_42 = arith.constant 1.66666663 : f32
    %mul3A_43 = vector.broadcast %mul3A_42 : f32 to vector<1000x128xf32>
    %mul3A_44 = arith.mulf %mul3A_41, %mul3A_43 : vector<1000x128xf32>
    %get3A_45 = arith.constant 0 : index
    %get3A_46 = arith.constant 0 : index
    %get3A_47 = arith.constant 0 : index
    %get3A_48 = vector.load %arg8[%get3A_45, %get3A_46, %get3A_47] : memref<1x128x96xf32, #tpu.memory_space<vmem>>, vector<1x128x96xf32>
    %get3A_49 = vector.shape_cast %get3A_48 : vector<1x128x96xf32> to vector<128x96xf32>
    %dot_general3A_50 = arith.constant dense<0.000000e+00> : vector<1000x96xf32>
    %dot_general3A_51 = tpu.matmul %mul3A_44, %get3A_49, %dot_general3A_50 {dimension_numbers = #tpu.dot_dimension_numbers<[1], [0], [0], [1], [0, 0, 1, 1], [], []>, transpose_lhs_hint = false} : vector<1000x128xf32>, vector<128x96xf32>, vector<1000x96xf32> -> vector<1000x96xf32>
    %get3A_52 = arith.constant 0 : index
    %get3A_53 = arith.constant 0 : index
    %get3A_54 = arith.constant 0 : index
    %get3A_55 = vector.load %arg9[%get3A_52, %get3A_53, %get3A_54] : memref<1x1x96xf32, #tpu.memory_space<vmem>>, vector<1x1x96xf32>
    %get3A_56 = vector.shape_cast %get3A_55 : vector<1x1x96xf32> to vector<1x96xf32>
    %add3A_57 = vector.broadcast %get3A_56 : vector<1x96xf32> to vector<1000x96xf32>
    %add3A_58 = arith.addf %dot_general3A_51, %add3A_57 : vector<1000x96xf32>
    %broadcast_in_dim3A_59 = arith.constant 0.000000e+00 : f32
    %broadcast_in_dim3A_60 = vector.broadcast %broadcast_in_dim3A_59 : f32 to vector<1000x64xf32>
    %get3A_61 = arith.constant 0 : index
    %get3A_62 = arith.constant 0 : index
    %get3A_63 = arith.constant 0 : index
    %get3A_64 = vector.load %arg3[%get3A_61, %get3A_62, %get3A_63] : memref<1x1000x96xf32, #tpu.memory_space<vmem>>, vector<1x1000x96xf32>
    %get3A_65 = vector.shape_cast %get3A_64 : vector<1x1000x96xf32> to vector<1000x96xf32>
    %concatenate3A = tpu.concatenate %add3A_58, %get3A_65, %broadcast_in_dim3A_60 in 1 : vector<1000x96xf32>, vector<1000x96xf32>, vector<1000x64xf32> -> vector<1000x256xf32>
    %swap3A = arith.constant 0 : index
    %swap3A_66 = arith.constant 0 : index
    %swap3A_67 = arith.constant 0 : index
    %swap3A_68 = vector.load %arg10[%swap3A, %swap3A_66, %swap3A_67] : memref<1x1000x256xf32, #tpu.memory_space<vmem>>, vector<1x1000x256xf32>
    %swap3A_69 = vector.shape_cast %swap3A_68 : vector<1x1000x256xf32> to vector<1000x256xf32>
    %swap3A_70 = vector.shape_cast %concatenate3A : vector<1000x256xf32> to vector<1x1000x256xf32>
    tpu.vector_store %arg10[%swap3A, %swap3A_66, %swap3A_67], %swap3A_70 {strides = array<i32>} : memref<1x1000x256xf32, #tpu.memory_space<vmem>>, vector<1x1000x256xf32>,
    return
  }
  func.func @transform_0(%arg0: i32, %arg1: i32) -> (i32, i32) {
    %c0_i32 = arith.constant 0 : i32
    %c0_i32_0 = arith.constant 0 : i32
    return %arg1, %c0_i32 : i32, i32
  }
  func.func @transform_1(%arg0: i32, %arg1: i32) -> (i32, i32, i32) {
    %c0_i32 = arith.constant 0 : i32
    %c0_i32_0 = arith.constant 0 : i32
    return %arg0, %arg1, %c0_i32 : i32, i32, i32
  }
  func.func @transform_2(%arg0: i32, %arg1: i32) -> (i32, i32) {
    %c0_i32 = arith.constant 0 : i32
    %c0_i32_0 = arith.constant 0 : i32
    %c0_i32_1 = arith.constant 0 : i32
    return %c0_i32, %c0_i32_0 : i32, i32
  }
  func.func @transform_3(%arg0: i32, %arg1: i32) -> (i32, i32) {
    %c0_i32 = arith.constant 0 : i32
    %c0_i32_0 = arith.constant 0 : i32
    %c0_i32_1 = arith.constant 0 : i32
    return %c0_i32, %c0_i32_0 : i32, i32
  }
  func.func @transform_4(%arg0: i32, %arg1: i32) -> (i32, i32) {
    %c0_i32 = arith.constant 0 : i32
    %c0_i32_0 = arith.constant 0 : i32
    %c0_i32_1 = arith.constant 0 : i32
    return %c0_i32, %c0_i32_0 : i32, i32
  }
  func.func @transform_5(%arg0: i32, %arg1: i32) -> (i32, i32) {
    %c0_i32 = arith.constant 0 : i32
    %c0_i32_0 = arith.constant 0 : i32
    %c0_i32_1 = arith.constant 0 : i32
    return %c0_i32, %c0_i32_0 : i32, i32
  }
  func.func @transform_6(%arg0: i32, %arg1: i32) -> (i32, i32, i32) {
    %c0_i32 = arith.constant 0 : i32
    %c0_i32_0 = arith.constant 0 : i32
    %c0_i32_1 = arith.constant 0 : i32
    return %arg0, %c0_i32, %c0_i32_0 : i32, i32, i32
  }
  func.func @transform_7(%arg0: i32, %arg1: i32) -> (i32, i32, i32) {
    %c0_i32 = arith.constant 0 : i32
    %c0_i32_0 = arith.constant 0 : i32
    %c0_i32_1 = arith.constant 0 : i32
    return %arg0, %c0_i32, %c0_i32_0 : i32, i32, i32
  }
  func.func @transform_8(%arg0: i32, %arg1: i32) -> (i32, i32, i32) {
    %c0_i32 = arith.constant 0 : i32
    %c0_i32_0 = arith.constant 0 : i32
    return %arg0, %arg1, %c0_i32 : i32, i32, i32
  }
}

</mosaic_0001>

<sc_bundles>
// kernel: kernel.5.cloned.1.call-start
scs
__scs_entry_jumppad:
0x0: {  	(pc) =	sbr.rel $0x88, $3  }
0x1: {  	(tag) =	ssettag $0x0;
	lr =	simm.s32 $0x1  }
0x2: {  	[smem:$0x3F94] =	sst lr;
	_ =	strace $0xD0000000  }
0x3: {  	_ = 	snop  }
0x4: {  	_ = 	snop  }
0x5: {  	_ = 	snop  }
0x6: {  	_ = 	snop  }
0x7: {  	_ = 	snop  }
__scs_overlays_trampoline_lowered:
0x8: {  	[smem:$0x3FA3] =	sst s0  }
0x9: {  	[smem:$0x3FA4] =	sst s1  }
0xa: {  	[smem:$0x3FA5] =	sst s2  }
0xb: {  	[smem:$0x3FA6] =	sst s3  }
0xc: {  	[smem:$0x3FA7] =	sst s4  }
0xd: {  	[smem:$0x3FA8] =	sst s5  }
0xe: {  	[smem:$0x3FA9] =	sst s6  }
0xf: {  	[smem:$0x3FAA] =	sst s7  }
0x10: {  	[smem:$0x3FAB] =	sst s8  }
0x11: {  	[smem:$0x3FAC] =	sst s9;
	s0 =	simm.s32 @!p0 $0x0  }
0x12: {  	s1 =	sld [smem:$0x3F92];
	s0 =	simm.s32 @p0 $0x1  }
0x13: {  	[smem:$0x3FAD] =	sst s0;
	s0 =	simm.s32 @!p1 $0x0  }
0x14: {  	s2 =	sld [smem:$0x3F91];
	s0 =	simm.s32 @p1 $0x1  }
0x15: {  	[smem:$0x3FAE] =	sst s0;
	s0 =	simm.s32 @!p2 $0x0  }
0x16: {  	s3 =	sld [smem:$0x3FDB];
	s0 =	simm.s32 @p2 $0x1  }
0x17: {  	s4 =	simm.s32 $0x1BF5;
	[smem:$0x3FB0] =	sst s0  }
0x18: {  	s0 =	sld [smem:$0x3F93];
	_ =	swait.ge [sflag:s4], $0x0  }
0x19: {  	s7 =	sld [smem:$0x3F94]  }
0x1a: {  	s8 =	sadd.s32 $0xFFFFE003, lr  }
0x1b: {  	s9 =	sadd.s32 $0xFFFFFEF7, lr;
	s5 =	simm.s32 $0xFFFFFFFF;
	p2 =	slt.u32 s8, $0xFFFFF086  }
0x1c: {  	p1 =	slt.u32 s9, $0xF7A;
	s5 =	simm.s32 @!p2 $0x0  }
0x1d: {  	s5 =	simm.s32 @p1 $0x1;
	p0 =	seq.s32 s7, s2  }
0x1e: {  	s7 =	smul.u32 @!p0 $0xF7A, s2;
	p2 =	seq.s32 @!p0 s5, $0x0  }
0x1f: {  	s9 =	smul.u32 $0xF7A, s1;
	s8 =	simm.s32 @!p0 $0x1BF5;
	p2 =	por !p2, p0  }
0x20: {  	[sflag:s8] =	ssyncset.s32 @!p0 $0xFFFFF086;
	s6 =	sadd.s32 @!p0 s3, s7;
	s7 =	simm.s32 @!p0 $0x108  }
0x21: {  	s3 =	sadd.s32 s3, s9;
	s6 =	sadd.s32 @!p0 $0x88, s6;
	s7 =	simm.s32 @p2 $0x1082  }
0x22: {  	[simem:s7], [sflag:s8] =	dma.local @!p0 [hbm:s6], $0xF7A  }
0x23: {  	s9 =	sor.u32 $0xD0000000, s2;
	s6 =	simm.s32 $0x108;
	_ =	swait.ge @!p0 [sflag:s8], $0x0  }
0x24: {  	s3 =	sadd.s32 $0x88, s3;
	s6 =	simm.s32 @!p1 $0x1082;
	[sflag:s4] =	ssyncset.s32 $0xFFFFF086  }
0x25: {  	[simem:s6], [sflag:s4] =	dma.local [hbm:s3], $0xF7A  }
0x26: {  	[smem:$0x3F94] =	sst s1;
	(tag) =	ssettag s2;
	_ =	strace s9  }
0x27: {  	s1 =	sld [smem:$0x3FA4]  }
0x28: {  	s2 =	sld [smem:$0x3FA5]  }
0x29: {  	s4 =	sld [smem:$0x3FA7]  }
0x2a: {  	p0 =	seq.s32 s5, $0x0;
	s5 =	sld [smem:$0x3FA8]  }
0x2b: {  	s6 =	sld [smem:$0x3FA9]  }
0x2c: {  	s7 =	sld [smem:$0x3FAA]  }
0x2d: {  	s3 =	simm.s32 $0x108;
	s8 =	sld [smem:$0x3FAB]  }
0x2e: {  	s3 =	simm.s32 @!p0 $0x1082;
	s9 =	sld [smem:$0x3FAC]  }
0x2f: {  	lr =	sadd.s32 s0, s3;
	s0 =	sld [smem:$0x3FA3]  }
0x30: {  	s3 =	sld [smem:$0x3FA6]  }
0x31: {  	[smem:$0x3FAF] =	sst s10  }
0x32: {  	s10 =	sld [smem:$0x3FAD];
	_ =	sdelay $0x3  }
0x33: {  	p0 =	seq.s32 s10, $0x1;
	s10 =	sld [smem:$0x3FAF];
	_ =	sdelay $0x3  }
0x34: {  	[smem:$0x3FAF] =	sst s10  }
0x35: {  	s10 =	sld [smem:$0x3FAE];
	_ =	sdelay $0x3  }
0x36: {  	p1 =	seq.s32 s10, $0x1;
	s10 =	sld [smem:$0x3FAF];
	_ =	sdelay $0x3  }
0x37: {  	[smem:$0x3FAF] =	sst s10  }
0x38: {  	s10 =	sld [smem:$0x3FB0]  }
0x39: {  	_ = 	snop;
	(pc) =	sbr.ind lr, $3  }
0x3a: {  	_ = 	snop  }
0x3b: {  	_ = 	snop  }
0x3c: {  	p2 =	seq.s32 s10, $0x1;
	s10 =	sld [smem:$0x3FAF]  }
0x3d: {  	_ =	shalt  }
0x3e: {  	_ =	shalt  }
0x3f: {  	_ =	shalt  }
0x40: {  	_ =	shalt  }
0x41: {  	_ =	shalt  }
0x42: {  	_ =	shalt  }
0x43: {  	_ =	shalt  }
0x44: {  	_ =	shalt  }
0x45: {  	_ =	shalt  }
0x46: {  	_ =	shalt  }
0x47: {  	_ =	shalt  }
0x48: {  	_ =	shalt  }
0x49: {  	_ =	shalt  }
0x4a: {  	_ =	shalt  }
0x4b: {  	_ =	shalt  }
0x4c: {  	_ =	shalt  }
0x4d: {  	_ =	shalt  }
0x4e: {  	_ =	shalt  }
0x4f: {  	_ =	shalt  }
0x50: {  	_ =	shalt  }
0x51: {  	_ =	shalt  }
0x52: {  	_ =	shalt  }
0x53: {  	_ =	shalt  }
0x54: {  	_ =	shalt  }
0x55: {  	_ =	shalt  }
0x56: {  	_ =	shalt  }
0x57: {  	_ =	shalt  }
0x58: {  	_ =	shalt  }
0x59: {  	_ =	shalt  }
0x5a: {  	_ =	shalt  }
0x5b: {  	_ =	shalt  }
0x5c: {  	_ =	shalt  }
0x5d: {  	_ =	shalt  }
0x5e: {  	_ =	shalt  }
0x5f: {  	_ =	shalt  }
0x60: {  	_ =	shalt  }
0x61: {  	_ =	shalt  }
0x62: {  	_ =	shalt  }
0x63: {  	_ =	shalt  }
0x64: {  	_ =	shalt  }
0x65: {  	_ =	shalt  }
0x66: {  	_ =	shalt  }
0x67: {  	_ =	shalt  }
0x68: {  	_ =	shalt  }
0x69: {  	_ =	shalt  }
0x6a: {  	_ =	shalt  }
0x6b: {  	_ =	shalt  }
0x6c: {  	_ =	shalt  }
0x6d: {  	_ =	shalt  }
0x6e: {  	_ =	shalt  }
0x6f: {  	_ =	shalt  }
0x70: {  	_ =	shalt  }
0x71: {  	_ =	shalt  }
0x72: {  	_ =	shalt  }
0x73: {  	_ =	shalt  }
0x74: {  	_ =	shalt  }
0x75: {  	_ =	shalt  }
0x76: {  	_ =	shalt  }
0x77: {  	_ =	shalt  }
0x78: {  	_ =	shalt  }
0x79: {  	_ =	shalt  }
0x7a: {  	_ =	shalt  }
0x7b: {  	_ =	shalt  }
0x7c: {  	_ =	shalt  }
0x7d: {  	_ =	shalt  }
0x7e: {  	_ =	shalt  }
0x7f: {  	_ =	shalt  }
0x80: {  	_ =	shalt  }
0x81: {  	_ =	shalt  }
0x82: {  	_ =	shalt  }
0x83: {  	_ =	shalt  }
0x84: {  	_ =	shalt  }
0x85: {  	_ =	shalt  }
0x86: {  	_ =	shalt  }
0x87: {  	_ =	shalt  }
.Lfunc_end0:
.L_simem_size_0:
called_computation_lowered:
.L_overlay_start_0:
0x88: {  	s2 =	sld [smem:$0x3FD9]  }
0x89: {  	s3 =	sld [smem:$0x3FFE];
	_ =	sdelay $0x1  }
0x8a: {  	s1 =	srdreg.scid  }
0x8b: {  	s0 =	sand.u32 $0x1, s1  }
0x8c: {  	s14 =	sshll.u32 s0, $0xA;
	s2 =	sadd.s32 s3, s2  }
0x8d: {  	s2 =	sadd.s32 s2, s14  }
0x8e: {  	[smem:$0x3FBB] =	sst s2  }
0x8f: {  	_ = 	snop  }
0x90: {  	s2 =	sld [smem:$0x3FD0];
	_ =	sdelay $0x2  }
0x91: {  	s15 =	simm.s32 $0xA;
	s4 =	simm.s32 $0x10  }
0x92: {  	[smem:s4], [sflag:s15] =	dma.local [hbm:s2], $0x1  }
0x93: {  	_ =	swait.eq [sflag:s15], $0x1  }
0x94: {  	[sflag:s15] =	ssyncset.done $0x0  }
0x95: {  	s16 =	sld [smem:$0x10];
	[sflag:s15] =	ssyncadd.s32 $0xFFFFFFFF  }
0x96: {  	s17 =	sld [smem:$0x11];
	(tm) =	ssettm $0x1  }
0x97: {  	s18 =	sld [smem:$0x3FFB];
	_ =	sdelay $0x3  }
0x98: {  	_ =	strace s18  }
0x99: {  	s4 =	sld [smem:$0x3FFC];
	_ =	sdelay $0x3  }
0x9a: {  	_ =	strace s4  }
0x9b: {  	s4 =	sld [smem:$0x3FFD];
	_ =	sdelay $0x3  }
0x9c: {  	_ =	strace s4  }
0x9d: {  	_ =	strace $0x8FFFFFFF  }
0x9e: {  	s19 =	sld [smem:$0x3FDB];
	_ =	sdelay $0x1  }
0x9f: {  	s5 =	simm.s32 $_scs_section_size  }
0xa0: {  	s6 =	simm.s32 $_size__tile_overlayer_lowered;
	s7 =	simm.s32 $_tile_overlayer_lowered  }
0xa1: {  	s22 =	simm.s32 $0x1BFF;
	s21 =	sshll.u32 s7, $0x1;
	s4 =	sadd.s32 s5, s19  }
0xa2: {  	s8 =	simm.s32 $0x0;
	s20 =	sshll.u32 s6, $0x1;
	s6 =	sadd.s32 s21, s4  }
0xa3: {  	[timem:s8], [sflag:s22] =	dma.local [hbm:s6], s20  }
0xa4: {  	_ =	swait.ge [sflag:s22], s20  }
0xa5: {  	s5 =	ssub.s32 $0x0, s20;
	[sflag:s22] =	ssyncset.done $0x0  }
0xa6: {  	[sflag:s22] =	ssyncadd.s32 s5;
	_ =	sdelay $0x1  }
0xa7: {  	s23 =	simm.s32 $0x1B8B  }
0xa8: {  	_ =	swait.ge [sflag:s23], $0x1  }
0xa9: {  	[sflag:s23] =	ssyncset.done $0x0  }
0xaa: {  	s25 =	simm.s32 $0x1B8E;
	s24 =	sld [smem:$0x3FFE];
	[sflag:s23] =	ssyncadd.s32 $0xFFFFFFFF  }
0xab: {  	s26 =	simm.s32 $execute0_lowered;
	[smem:$0x3FD2] =	sst s25  }
0xac: {  	s6 =	sshll.u32 s26, $0x1;
	_ =	strace $0x80000046;
	[dreg:$0x1] =	wrdreg $0xFFFFFFFF  }
0xad: {  	s28 =	simm.s32 $_size_execute0_lowered;
	s4 =	sadd.s32 s4, s6;
	[dreg:$0x0] =	wrdreg $0x0  }
0xae: {  	s6 =	sshll.u32 s28, $0x1;
	[dreg:$0x2] =	wrdreg s4  }
0xaf: {  	[dreg:$0x3] =	wrdreg s6  }
0xb0: {  	[dreg:$0x4] =	wrdreg $0xC0  }
0xb1: {  	_ =	task [dreg:s8], $0x5FFFF  }
0xb2: {  	[dreg:$0x1] =	wrdreg $0xFFFFFFFF  }
0xb3: {  	[dreg:$0x0] =	wrdreg $0x60  }
0xb4: {  	[dreg:$0x2] =	wrdreg s24  }
0xb5: {  	[dreg:$0x3] =	wrdreg s17  }
0xb6: {  	[dreg:$0x4] =	wrdreg s16  }
0xb7: {  	[dreg:$0x5] =	wrdreg $0x93000  }
0xb8: {  	[dreg:$0x6] =	wrdreg $0x9  }
0xb9: {  	_ =	task.clear_ibuf [dreg:s8], $0x7FFFF;
	_ =	strace $0x90000046  }
0xba: {  	s29 =	simm.s32 $0x9;
	_ =	strace $0x80000048  }
0xbb: {  	_ =	swait.ge [sflag:s29], $0x1  }
0xbc: {  	[sflag:s29] =	ssyncadd.s32 $0xFFFFFFFF  }
0xbd: {  	_ =	strace $0x90000048  }
0xbe: {  	_ =	sfence  }
0xbf: {  	s30 =	sld [smem:$0x0];
	_ =	sdelay $0x2  }
0xc0: {  	s31 =	sshll.u32 s1, $0xD;
	s1 =	sshrl.u32 s1, $0x2  }
0xc1: {  	s3 =	sand.u32 $0x4000, s31;
	s1 =	sadd.s32 s1, s30  }
0xc2: {  	s0 =	sor.u32 s3, s0;
	s1 =	sshll.u32 s1, $0x11  }
0xc3: {  	s0 =	sor.u32 s1, s0  }
0xc4: {  	s0 =	sadd.s32 $0x8F2B, s0  }
0xc5: {  	[sflag:s0] =	ssyncadd.remote.s32 $0x1  }
0xc6: {  	_ =	sfence.sel $0xFFFF  }
0xc7: {  	[dreg:$0x0] =	wrdreg $0xFFFFFFFF;
	(pc) =	sbr.abs _section_cstart, $3  }
0xc8: {  	[dreg:$0x1] =	wrdreg $0xFFFFFFFF  }
0xc9: {  	_ =	task.clear_ibuf [dreg:s8], $0x2FFFF;
	_ =	strace $0x9FFFFFFF  }
0xca: {  	(tm) =	ssettm $0x7FFFFFFF  }
0xcb: {  	_ =	shalt  }
tec
execute0_lowered:
.L_overlay_start_1:
0x0: {  	(tag) =	ssettag $0x1  }
0x1: {  	s0 =	rddreg [dreg:$0x0]  }
0x2: {  	s1 =	rddreg [dreg:$0x2]  }
0x3: {  	s2 =	rddreg [dreg:$0x3]  }
0x4: {  	s17 =	simm.s32 $0x0;
	s3 =	srdreg.scid;
	s9 =	stileid.u32  }
0x5: {  	s21 =	simm.s32 $0x7;
	s16 =	simm.s32 $0x4200;
	s18 =	simm.s32 $0x4A00  }
0x6: {  	[smem:$0x7FF] =	sst s17;
	s4 =	sadd.s32 $0x143A000, s0;
	s5 =	sadd.s32 $0xB2000, s0  }
0x7: {  	s6 =	sadd.s32 $0xBE00, s0;
	s3 =	sand.u32 $0x1, s3;
	s10 =	smul.u32 $0x270, s9  }
0x8: {  	s7 =	sadd.s32 $0x2000, s0;
	s11 =	smul.u32 $0x4E000, s9;
	s0 =	sadd.s32 $0x15C00, s0  }
0x9: {  	s13 =	smul.u32 $0x2700, s9;
	s19 =	sshll.u32 s9, $0x6;
	s23 =	sadd.s32 $0x138000, s2  }
0xa: {  	p0 =	sne.s32 s9, $0x0;
	_ =	strace $0x80000047;
	s14 =	smul.u32 $0x9C400, s3  }
0xb: {  	s8 =	ssub.s32 $0x2, s3;
	s20 =	smul.u32 $0x4E20, s3;
	[dreg:$0xa] =	wrdreg s23  }
0xc: {  	s22 =	sor.u32 $0x1C07, s19;
	s24 =	smul.u32 $0x271000, s3;
	s3 =	sshllo.u32 s3, $0x1  }
0xd: {  	s19 =	simm.s32 $0x2;
	s12 =	sshrl.u32 s8, $0x1;
	s11 =	sshrl.u32 s11, $0x2  }
0xe: {  	s13 =	sadd.s32 s1, s13;
	s26 =	smul.u32 $0x2710, s3;
	[dreg:$0x9] =	wrdreg s22  }
0xf: {  	s1 =	sadd.s32 $0x27000, s1;
	s15 =	smul.u32 $0x138800, s3;
	[dreg:$0x7] =	wrdreg s14  }
0x10: {  	s3 =	smul.u32 $0x4E200, s3;
	s12 =	ssub.s32 s8, s12;
	[dreg:$0x8] =	wrdreg s13  }
0x11: {  	s8 =	smul.u32 $0x4E20, s9;
	s11 =	sadd.s32 s11, s2;
	[dreg:$0xb] =	wrdreg s1  }
0x12: {  	s25 =	sadd.s32 s10, s20;
	s13 =	sshrl.u32 s24, $0x3;
	v0 =	vmov s20;
	s20 =	simm.s32 $0x3  }
0x13: {  	s14 =	simm.s32 $0x4;
	s9 =	simm.s32 $0x5;
	[dreg:$0x6] =	wrdreg s11  }
0x14: {  	s1 =	sshll.u32 s25, $0x4;
	s28 =	sadd.s32 s0, s13;
	s10 =	sadd.s32 s10, s26  }
0x15: {  	s30 =	sshrl.u32 s15, $0x3;
	[dreg:$0xe] =	wrdreg s3;
	s31 =	smax.u32 s12, $0x1  }
0x16: {  	s25 =	simm.s32 $0x1;
	s15 =	simm.s32 $0x3A00;
	s11 =	simm.s32 $0x30  }
0x17: {  	s3 =	simm.s32 $0x100;
	s1 =	sadd.s32 s0, s1;
	[dreg:$0x11] =	wrdreg s31  }
0x18: {  	s29 =	sshll.u32 s10, $0x4;
	[dreg:$0xc] =	wrdreg s1;
	s1 =	sadd.s32 $0x27000, s28  }
0x19: {  	v2 =	vimm.f32 $0.0e+00;
	v6 =	vlaneseq.u32;
	v3 =	vimm.s32 $0x0;
	[dreg:$0xd] =	wrdreg s1;
	s1 =	sadd.s32 s0, s29;
	s0 =	sadd.s32 s0, s30  }
0x1a: {  	vm0 =	vmmov $0xffff;
	v4 =	vand.u32 $0x7, v6;
	v5 =	vshrl.u32 v6, $0x3;
	s12 =	simm.s32 $0x7B00;
	[dreg:$0xf] =	wrdreg s1;
	s0 =	sadd.s32 $0x27000, s0  }
0x1b: {  	v6 =	vor.u32 $0x8, v6;
	v5 =	vmul.u32 $0x8, v5;
	v1 =	vmov s26;
	s10 =	simm.s32 $0x180;
	s1 =	simm.s32 $0x6;
	[dreg:$0x10] =	wrdreg s0  }
.LBB2_1:
0x1c: {  	[tilespmem:$0x8F00] =	vst v2  }
0x1d: {  	[tilespmem:$0x8F10] =	vst v2  }
0x1e: {  	[tilespmem:$0x8F20] =	vst v2  }
0x1f: {  	[tilespmem:$0x8F30] =	vst v2  }
0x20: {  	[tilespmem:$0x8F40] =	vst v2  }
0x21: {  	[tilespmem:$0x8F50] =	vst v2  }
0x22: {  	[tilespmem:$0x8F60] =	vst v2  }
0x23: {  	[tilespmem:$0x8F70] =	vst v2  }
0x24: {  	[tilespmem:$0x8F80] =	vst v2  }
0x25: {  	[tilespmem:$0x8F90] =	vst v2  }
0x26: {  	[tilespmem:$0x8FA0] =	vst v2  }
0x27: {  	[tilespmem:$0x8FB0] =	vst v2  }
0x28: {  	[tilespmem:$0x8FC0] =	vst v2  }
0x29: {  	[tilespmem:$0x8FD0] =	vst v2  }
0x2a: {  	[tilespmem:$0x8FE0] =	vst v2  }
0x2b: {  	[tilespmem:$0x8FF0] =	vst v2  }
0x2c: {  	[tilespmem:$0x9000] =	vst v2  }
0x2d: {  	[tilespmem:$0x9010] =	vst v2  }
0x2e: {  	[tilespmem:$0x9020] =	vst v2  }
0x2f: {  	[tilespmem:$0x9030] =	vst v2  }
0x30: {  	[tilespmem:$0x9040] =	vst v2  }
0x31: {  	[tilespmem:$0x9050] =	vst v2  }
0x32: {  	[tilespmem:$0x9060] =	vst v2  }
0x33: {  	[tilespmem:$0x9070] =	vst v2  }
0x34: {  	[tilespmem:$0x9080] =	vst v2  }
0x35: {  	[tilespmem:$0x9090] =	vst v2  }
0x36: {  	[tilespmem:$0x90A0] =	vst v2  }
0x37: {  	[tilespmem:$0x90B0] =	vst v2  }
0x38: {  	[tilespmem:$0x90C0] =	vst v2  }
0x39: {  	[tilespmem:$0x90D0] =	vst v2  }
0x3a: {  	[tilespmem:$0x90E0] =	vst v2  }
0x3b: {  	[tilespmem:$0x90F0] =	vst v2  }
0x3c: {  	[tilespmem:$0x9100] =	vst v2  }
0x3d: {  	[tilespmem:$0x9110] =	vst v2  }
0x3e: {  	[tilespmem:$0x9120] =	vst v2  }
0x3f: {  	[tilespmem:$0x9130] =	vst v2  }
0x40: {  	[tilespmem:$0x9140] =	vst v2  }
0x41: {  	[tilespmem:$0x9150] =	vst v2  }
0x42: {  	[tilespmem:$0x9160] =	vst v2  }
0x43: {  	[tilespmem:$0x9170] =	vst v2  }
0x44: {  	[tilespmem:$0x9180] =	vst v2  }
0x45: {  	[tilespmem:$0x9190] =	vst v2  }
0x46: {  	[tilespmem:$0x91A0] =	vst v2  }
0x47: {  	[tilespmem:$0x91B0] =	vst v2  }
0x48: {  	[tilespmem:$0x91C0] =	vst v2  }
0x49: {  	[tilespmem:$0x91D0] =	vst v2  }
0x4a: {  	[tilespmem:$0x91E0] =	vst v2  }
0x4b: {  	[tilespmem:$0x91F0] =	vst v2  }
0x4c: {  	[tilespmem:$0x9200] =	vst v2  }
0x4d: {  	[tilespmem:$0x9210] =	vst v2  }
0x4e: {  	[tilespmem:$0x9220] =	vst v2  }
0x4f: {  	[tilespmem:$0x9230] =	vst v2  }
0x50: {  	[tilespmem:$0x9240] =	vst v2  }
0x51: {  	[tilespmem:$0x9250] =	vst v2  }
0x52: {  	[tilespmem:$0x9260] =	vst v2  }
0x53: {  	[tilespmem:$0x9270] =	vst v2  }
0x54: {  	[tilespmem:$0x9280] =	vst v2  }
0x55: {  	[tilespmem:$0x9290] =	vst v2  }
0x56: {  	[tilespmem:$0x92A0] =	vst v2  }
0x57: {  	[tilespmem:$0x92B0] =	vst v2  }
0x58: {  	[tilespmem:$0x92C0] =	vst v2  }
0x59: {  	[dreg:$0x5] =	wrdreg s17;
	[tilespmem:$0x92D0] =	vst v2  }
0x5a: {  	[tilespmem:$0x92E0] =	vst v2;
	s0 =	rddreg [dreg:$0x6]  }
0x5b: {  	[tilespmem:$0x92F0] =	vst v2;
	s31 =	rddreg [dreg:$0x8];
	s13 =	sshrl.u32 s0, $0x3  }
0x5c: {  	[tilespmem:$0xD0] =	vst v3;
	[dreg:$0x12] =	wrdreg s13  }
0x5d: {  	[spmem:s13], [sflag:s22] =	dma.local [hbm:s31], $0x2700  }
0x5e: {  	_ =	swait.ge [sflag:s21], $0x2700  }
0x5f: {  	s0 =	rddreg [dreg:$0xa]  }
0x60: {  	[sflag:s21] =	ssyncset.done $0x0;
	s13 =	sshrl.u32 @!p0 s0, $0x3;
	s0 =	rddreg [dreg:$0xb]  }
0x61: {  	[sflag:s21] =	ssyncadd.s32 $0xFFFFD900;
	[dreg:$0x13] =	wrdreg s13  }
0x62: {  	[spmem:s13], [sflag:s22] =	dma.local @!p0 [hbm:s0], $0x100  }
0x63: {  	s0 =	simm.s32 @!p0 $0x7  }
0x64: {  	_ =	swait.ge @!p0 [sflag:s0], $0x100  }
0x65: {  	[sflag:s0] =	ssyncset.done @!p0 $0x0  }
0x66: {  	[sflag:s0] =	ssyncadd.s32 @!p0 $0xFFFFFF00  }
0x67: {  	s17 =	simm.s32 $0x0;
	[bflag:$0x0] =	sbarrier.arrive $0xFFFF  }
.LBB2_2:
0x68: {  	s0 =	smul.u32 $0x50, s17;
	_ =	sdelay $0x1  }
0x69: {  	s0 =	sadd.s32 s8, s0  }
0x6a: {  	s13 =	sshrl.u32 s0, $0x3  }
0x6b: {  	s22 =	simm.s32 $0x0;
	s23 =	sadd.s32 s6, s13  }
0x6c: {  	[tilespmem:s22], [sflag:$0x1] =	stream.linear.gather [hbm4b:s23+s22], $0x50, $0x38;
	[tilespmem:$0x1CB80] =	vst v63  }
0x6d: {  	s31 =	simm.s32 $0x80;
	s13 =	sadd.s32 s7, s13;
	s23 =	rddreg [dreg:$0x7]  }
0x6e: {  	[tilespmem:s31], [sflag:$0x2] =	stream.linear.gather [hbm4b:s13+s22], $0x50, $0x38;
	[tilespmem:$0x1CB80] =	vst v63  }
0x6f: {  	s13 =	sadd.s32 s23, s0;
	s0 =	smul.u32 $0x3, s0  }
0x70: {  	s24 =	simm.s32 $0x5200;
	s13 =	sshll.u32 s13, $0x4  }
0x71: {  	s26 =	rddreg [dreg:$0x1];
	s13 =	sadd.s32 s5, s13;
	s0 =	sshrl.u32 s0, $0x3  }
0x72: {  	[tilespmem:s24], [sflag:$0x3] =	stream.linear.gather [hbm4b:s13+s22], $0x2800, $0x38;
	[tilespmem:$0x1CB80] =	vst v63  }
0x73: {  	s31 =	simm.s32 $0x7A00;
	s0 =	sadd.s32 s26, s0  }
0x74: {  	[tilespmem:s31], [sflag:$0x4] =	stream.linear.gather [hbm4b:s0+s22], $0xF0, $0x38;
	[tilespmem:$0x1CB80] =	vst v63  }
0x75: {  	_ =	swait.ge [sflag:s25], $0x50  }
0x76: {  	[sflag:s25] =	ssyncset.done $0x0  }
0x77: {  	[sflag:s25] =	ssyncadd.s32 $0xFFFFFFB0  }
0x78: {  	v7 =	vld [tilespmem:$0x0];
	_ =	sdelay $0x4  }
0x79: {  	v8 =	vadd.s32 v0, v7  }
0x7a: {  	v9 =	vld [tilespmem:$0x10];
	v10 =	vshll.u32 v8, $0x1  }
0x7b: {  	v11 =	vld [tilespmem:$0x20];
	v7 =	vand.u32 $0x7, v7;
	v10 =	vand.u32 $0xFFFFFFF0, v10  }
0x7c: {  	v12 =	vld [tilespmem:$0x30];
	v7 =	vor.u32 v7, v10  }
0x7d: {  	v10 =	vld [tilespmem:$0x40];
	v13 =	vperm.xlane v7, v4;
	_ =	sdelay $0x1  }
0x7e: {  	[tilespmem:$0x0] =	vst v8;
	v8 =	vadd.s32 v0, v9;
	v7 =	vperm.xlane v7, v6;
	v9 =	vadd.s32 v5, v13  }
0x7f: {  	[tilespmem:$0x10] =	vst v8;
	v8 =	vadd.s32 v0, v11  }
0x80: {  	[tilespmem:$0x20] =	vst v8;
	v8 =	vadd.s32 v0, v12;
	v7 =	vadd.s32 v5, v7  }
0x81: {  	[tilespmem:$0x30] =	vst v8;
	v8 =	vadd.s32 v0, v10  }
0x82: {  	s13 =	simm.s32 $0x200;
	[tilespmem:$0x40] =	vst v8  }
0x83: {  	[tilespmem:s13], [sflag:$0x5] =	stream.indirect_vreg.gather [hbm4b:s4+s22], $0x80, v9, vm0, $0xb8;
	[tilespmem:$0x1CB80] =	vst v63  }
0x84: {  	s23 =	simm.s32 $0xA00  }
0x85: {  	[tilespmem:s23], [sflag:$0x5] =	stream.indirect_vreg.gather [hbm4b:s4+s22], $0x80, v7, vm0, $0xb8;
	[tilespmem:$0x1CB80] =	vst v63  }
0x86: {  	v7 =	vld [tilespmem:$0x10];
	_ =	sdelay $0x4  }
0x87: {  	v8 =	vshll.u32 v7, $0x1  }
0x88: {  	v7 =	vand.u32 $0x7, v7;
	v8 =	vand.u32 $0xFFFFFFF0, v8  }
0x89: {  	v7 =	vor.u32 v7, v8  }
0x8a: {  	v8 =	vperm.xlane v7, v4;
	_ =	sdelay $0x1  }
0x8b: {  	v7 =	vperm.xlane v7, v6;
	v8 =	vadd.s32 v5, v8;
	_ =	sdelay $0x1  }
0x8c: {  	v7 =	vadd.s32 v5, v7;
	_ =	sdelay $0x1  }
0x8d: {  	s24 =	simm.s32 $0x1200  }
0x8e: {  	[tilespmem:s24], [sflag:$0x5] =	stream.indirect_vreg.gather [hbm4b:s4+s22], $0x80, v8, vm0, $0xb8;
	[tilespmem:$0x1CB80] =	vst v63  }
0x8f: {  	s26 =	simm.s32 $0x1A00  }
0x90: {  	[tilespmem:s26], [sflag:$0x5] =	stream.indirect_vreg.gather [hbm4b:s4+s22], $0x80, v7, vm0, $0xb8;
	[tilespmem:$0x1CB80] =	vst v63  }
0x91: {  	v7 =	vld.msk [tilespmem:$0x20], $0xff;
	_ =	sdelay $0x4  }
0x92: {  	v8 =	vshll.u32 v7, $0x1  }
0x93: {  	v7 =	vand.u32 $0x7, v7;
	v8 =	vand.u32 $0xFFFFFFF0, v8  }
0x94: {  	v7 =	vor.u32 v7, v8  }
0x95: {  	v7 =	vperm.xlane v7, v4;
	_ =	sdelay $0x1  }
0x96: {  	v7 =	vadd.s32 v5, v7;
	_ =	sdelay $0x3  }
0x97: {  	s31 =	simm.s32 $0x2200  }
0x98: {  	[tilespmem:s31], [sflag:$0x5] =	stream.indirect_vreg.gather [hbm4b:s4+s22], $0x80, v7, vm0, $0xb8;
	[tilespmem:$0x1CB80] =	vst v63  }
0x99: {  	v7 =	vld [tilespmem:$0x28];
	_ =	sdelay $0x4  }
0x9a: {  	v8 =	vshll.u32 v7, $0x1  }
0x9b: {  	v7 =	vand.u32 $0x7, v7;
	v8 =	vand.u32 $0xFFFFFFF0, v8  }
0x9c: {  	v7 =	vor.u32 v7, v8  }
0x9d: {  	v8 =	vperm.xlane v7, v4;
	_ =	sdelay $0x1  }
0x9e: {  	v7 =	vperm.xlane v7, v6;
	v8 =	vadd.s32 v5, v8;
	_ =	sdelay $0x1  }
0x9f: {  	v7 =	vadd.s32 v5, v7;
	_ =	sdelay $0x1  }
0xa0: {  	s13 =	simm.s32 $0x2A00  }
0xa1: {  	[tilespmem:s13], [sflag:$0x6] =	stream.indirect_vreg.gather [hbm4b:s4+s22], $0x80, v8, vm0, $0xb8;
	[tilespmem:$0x1CB80] =	vst v63  }
0xa2: {  	s23 =	simm.s32 $0x3200  }
0xa3: {  	[tilespmem:s23], [sflag:$0x6] =	stream.indirect_vreg.gather [hbm4b:s4+s22], $0x80, v7, vm0, $0xb8;
	[tilespmem:$0x1CB80] =	vst v63  }
0xa4: {  	v7 =	vld [tilespmem:$0x38];
	_ =	sdelay $0x4  }
0xa5: {  	v8 =	vshll.u32 v7, $0x1  }
0xa6: {  	v7 =	vand.u32 $0x7, v7;
	v8 =	vand.u32 $0xFFFFFFF0, v8  }
0xa7: {  	v7 =	vor.u32 v7, v8  }
0xa8: {  	v8 =	vperm.xlane v7, v4;
	_ =	sdelay $0x1  }
0xa9: {  	v7 =	vperm.xlane v7, v6;
	v8 =	vadd.s32 v5, v8;
	_ =	sdelay $0x1  }
0xaa: {  	v7 =	vadd.s32 v5, v7;
	_ =	sdelay $0x2  }
0xab: {  	[tilespmem:s15], [sflag:$0x6] =	stream.indirect_vreg.gather [hbm4b:s4+s22], $0x80, v8, vm0, $0xb8;
	[tilespmem:$0x1CB80] =	vst v63  }
0xac: {  	_ = 	snop  }
0xad: {  	[tilespmem:s16], [sflag:$0x6] =	stream.indirect_vreg.gather [hbm4b:s4+s22], $0x80, v7, vm0, $0xb8;
	[tilespmem:$0x1CB80] =	vst v63  }
0xae: {  	v7 =	vld.msk [tilespmem:$0x48], $0xff;
	_ =	sdelay $0x4  }
0xaf: {  	v8 =	vshll.u32 v7, $0x1  }
0xb0: {  	v7 =	vand.u32 $0x7, v7;
	v8 =	vand.u32 $0xFFFFFFF0, v8  }
0xb1: {  	v7 =	vor.u32 v7, v8  }
0xb2: {  	v7 =	vperm.xlane v7, v4;
	_ =	sdelay $0x1  }
0xb3: {  	v7 =	vadd.s32 v5, v7;
	_ =	sdelay $0x4  }
0xb4: {  	[tilespmem:s18], [sflag:$0x6] =	stream.indirect_vreg.gather [hbm4b:s4+s22], $0x80, v7, vm0, $0xb8;
	[tilespmem:$0x1CB80] =	vst v63  }
0xb5: {  	_ =	swait.ge [sflag:s19], $0x50  }
0xb6: {  	[sflag:s19] =	ssyncset.done $0x0  }
0xb7: {  	[sflag:s19] =	ssyncadd.s32 $0xFFFFFFB0  }
0xb8: {  	v7 =	vld [tilespmem:$0x80]  }
0xb9: {  	v8 =	vld [tilespmem:$0xA8]  }
0xba: {  	v9 =	vld [tilespmem:$0x90]  }
0xbb: {  	v10 =	vld [tilespmem:$0xB8]  }
0xbc: {  	v11 =	vld [tilespmem:$0xA0]  }
0xbd: {  	[tilespmem:$0x100] =	vst v7;
	v7 =	vld [tilespmem:$0xC8]  }
0xbe: {  	[tilespmem:$0x180] =	vst v8  }
0xbf: {  	[tilespmem:$0x110] =	vst v9  }
0xc0: {  	[tilespmem:$0x190] =	vst v10  }
0xc1: {  	[tilespmem:$0x120] =	vst v11  }
0xc2: {  	[tilespmem:$0x1A0] =	vst v7  }
0xc3: {  	_ =	swait.ge [sflag:s20], $0x2800  }
0xc4: {  	[sflag:s20] =	ssyncset.done $0x0  }
0xc5: {  	[sflag:s20] =	ssyncadd.s32 $0xFFFFD800  }
0xc6: {  	_ =	swait.ge [sflag:s14], $0xF0  }
0xc7: {  	[sflag:s14] =	ssyncset.done $0x0  }
0xc8: {  	[sflag:s14] =	ssyncadd.s32 $0xFFFFFF10  }
0xc9: {  	s24 =	sand.u32 $0x3800, s22;
	_ =	swait.ge [sflag:s9], $0x2800  }
0xca: {  	s0 =	sor.u32 $0x200, s24;
	[sflag:s9] =	ssyncset.done $0x0  }
0xcb: {  	s26 =	sand.u32 $0x300, s22;
	s13 =	simm.s32 $0x5280;
	[sflag:s9] =	ssyncadd.s32 $0xFFFFD800  }
0xcc: {  	s24 =	sadd.s32 s26, s0;
	v7 =	vld [tilespmem:s13+$0xFFFFFF80]  }
0xcd: {  	v8 =	vld [tilespmem:s24+$0x0];
	_ =	sdelay $0x4  }
0xce: {  	v7 =	vmul.f32 v7, v8  }
0xcf: {  	s26 =	simm.s32 $0x7A03;
	s23 =	simm.s32 $0x7B80  }
0xd0: {  	v8 =	vld [tilespmem:s26+$0xFFFFFFFD];
	[tilespmem:s23+$0xFFFFFF80] =	vst v7  }
0xd1: {  	v7 =	vld [tilespmem:s13+$0xFFFFFFC0]  }
0xd2: {  	v9 =	vld [tilespmem:s24+$0x20]  }
0xd3: {  	v10 =	vld [tilespmem:s24+$0x40]  }
0xd4: {  	v11 =	vld [tilespmem:s13+$0xFFFFFFA0];
	_ =	sdelay $0x1  }
0xd5: {  	v54 =	vld [tilespmem:s24+$0x60];
	_ =	sdelay $0x1  }
0xd6: {  	v7 =	vmul.f32 v7, v10  }
0xd7: {  	v10 =	vbroadcast v8, $0x0;
	v9 =	vmul.f32 v11, v9;
	_ =	sdelay $0x1  }
0xd8: {  	v11 =	vmul.f32 v7, v10;
	v12 =	vmul.f32 v54, v9;
	_ =	sdelay $0x1  }
0xd9: {  	v11 =	vadd.f32 v11, v12;
	_ =	sdelay $0x1  }
0xda: {  	[tilespmem:s23+$0xFFFFFFA0] =	vst v11  }
0xdb: {  	v11 =	vld [tilespmem:s24+$0x400];
	_ =	sdelay $0x2  }
0xdc: {  	v55 =	vbroadcast v8, $0x1;
	_ =	sdelay $0x1  }
0xdd: {  	v56 =	vmul.f32 v7, v55;
	v11 =	vmul.f32 v11, v9;
	_ =	sdelay $0x1  }
0xde: {  	v11 =	vadd.f32 v11, v56;
	_ =	sdelay $0x1  }
0xdf: {  	[tilespmem:s23+$0xFFFFFFC0] =	vst v11  }
0xe0: {  	v11 =	vld [tilespmem:s24+$0x420];
	_ =	sdelay $0x2  }
0xe1: {  	v8 =	vbroadcast v8, $0x2;
	_ =	sdelay $0x1  }
0xe2: {  	v7 =	vmul.f32 v7, v8;
	v9 =	vmul.f32 v11, v9;
	_ =	sdelay $0x1  }
0xe3: {  	v7 =	vadd.f32 v9, v7;
	_ =	sdelay $0x1  }
0xe4: {  	[tilespmem:s23+$0xFFFFFFE0] =	vst v7  }
0xe5: {  	v7 =	vld [tilespmem:s24+$0x10]  }
0xe6: {  	v9 =	vld [tilespmem:s13+$0xFFFFFF90];
	_ =	sdelay $0x4  }
0xe7: {  	v7 =	vmul.f32 v9, v7;
	_ =	sdelay $0x1  }
0xe8: {  	[tilespmem:s23+$0xFFFFFF90] =	vst v7  }
0xe9: {  	v7 =	vld [tilespmem:s24+$0x30]  }
0xea: {  	v9 =	vld [tilespmem:s13+$0xFFFFFFB0]  }
0xeb: {  	v11 =	vld [tilespmem:s13+$0xFFFFFFD0]  }
0xec: {  	v57 =	vld [tilespmem:s24+$0x50];
	_ =	sdelay $0x1  }
0xed: {  	v14 =	vld [tilespmem:s24+$0x70];
	_ =	sdelay $0x2  }
0xee: {  	v7 =	vmul.f32 v9, v7;
	v9 =	vmul.f32 v11, v57;
	_ =	sdelay $0x1  }
0xef: {  	v11 =	vmul.f32 v14, v7;
	v10 =	vmul.f32 v9, v10;
	_ =	sdelay $0x1  }
0xf0: {  	v10 =	vadd.f32 v10, v11;
	_ =	sdelay $0x1  }
0xf1: {  	[tilespmem:s23+$0xFFFFFFB0] =	vst v10  }
0xf2: {  	v10 =	vld [tilespmem:s24+$0x410];
	_ =	sdelay $0x4  }
0xf3: {  	v11 =	vmul.f32 v9, v55;
	v10 =	vmul.f32 v10, v7;
	_ =	sdelay $0x1  }
0xf4: {  	v10 =	vadd.f32 v10, v11;
	_ =	sdelay $0x1  }
0xf5: {  	[tilespmem:s23+$0xFFFFFFD0] =	vst v10  }
0xf6: {  	v10 =	vld [tilespmem:s24+$0x430];
	_ =	sdelay $0x4  }
0xf7: {  	v8 =	vmul.f32 v9, v8;
	v7 =	vmul.f32 v10, v7;
	_ =	sdelay $0x1  }
0xf8: {  	s31 =	simm.s32 $0x80;
	v7 =	vadd.f32 v7, v8  }
0xf9: {  	s24 =	sand.u32 $0x380, s31  }
0xfa: {  	s0 =	sadd.s32 s24, s0;
	[tilespmem:s23+$0xFFFFFFF0] =	vst v7  }
0xfb: {  	v7 =	vld [tilespmem:s0+$0x0]  }
0xfc: {  	v8 =	vld [tilespmem:s13+$0x0];
	_ =	sdelay $0x4  }
0xfd: {  	v7 =	vmul.f32 v8, v7;
	_ =	sdelay $0x1  }
0xfe: {  	v8 =	vld [tilespmem:s26+$0x0];
	[tilespmem:s23+$0x0] =	vst v7  }
0xff: {  	v7 =	vld [tilespmem:s0+$0x20]  }
0x100: {  	v9 =	vld [tilespmem:s13+$0x20]  }
0x101: {  	v10 =	vld [tilespmem:s13+$0x40]  }
0x102: {  	v11 =	vld [tilespmem:s0+$0x40];
	_ =	sdelay $0x1  }
0x103: {  	v58 =	vld [tilespmem:s0+$0x60];
	_ =	sdelay $0x1  }
0x104: {  	v59 =	vbroadcast v8, $0x0  }
0x105: {  	v9 =	vmul.f32 v9, v7;
	v10 =	vmul.f32 v10, v11;
	_ =	sdelay $0x1  }
0x106: {  	v7 =	vmul.f32 v58, v9;
	v11 =	vmul.f32 v10, v59;
	_ =	sdelay $0x1  }
0x107: {  	v7 =	vadd.f32 v11, v7;
	_ =	sdelay $0x1  }
0x108: {  	[tilespmem:s23+$0x20] =	vst v7  }
0x109: {  	v11 =	vld [tilespmem:s0+$0x400];
	_ =	sdelay $0x2  }
0x10a: {  	v7 =	vbroadcast v8, $0x1;
	_ =	sdelay $0x1  }
0x10b: {  	v60 =	vmul.f32 v10, v7;
	v11 =	vmul.f32 v11, v9;
	_ =	sdelay $0x1  }
0x10c: {  	v11 =	vadd.f32 v11, v60;
	_ =	sdelay $0x1  }
0x10d: {  	[tilespmem:s23+$0x40] =	vst v11  }
0x10e: {  	v11 =	vld [tilespmem:s0+$0x420];
	_ =	sdelay $0x2  }
0x10f: {  	v8 =	vbroadcast v8, $0x2;
	_ =	sdelay $0x1  }
0x110: {  	v10 =	vmul.f32 v10, v8;
	v9 =	vmul.f32 v11, v9;
	_ =	sdelay $0x1  }
0x111: {  	v9 =	vadd.f32 v9, v10;
	_ =	sdelay $0x1  }
0x112: {  	[tilespmem:s23+$0x60] =	vst v9  }
0x113: {  	v9 =	vld [tilespmem:s0+$0x10]  }
0x114: {  	v10 =	vld [tilespmem:s13+$0x10];
	_ =	sdelay $0x4  }
0x115: {  	v9 =	vmul.f32 v10, v9;
	_ =	sdelay $0x1  }
0x116: {  	[tilespmem:s23+$0x10] =	vst v9  }
0x117: {  	v10 =	vld [tilespmem:s0+$0x30]  }
0x118: {  	v9 =	vld [tilespmem:s0+$0x50]  }
0x119: {  	v11 =	vld [tilespmem:s13+$0x50]  }
0x11a: {  	v61 =	vld [tilespmem:s13+$0x30];
	_ =	sdelay $0x1  }
0x11b: {  	v62 =	vld [tilespmem:s0+$0x70];
	_ =	sdelay $0x2  }
0x11c: {  	v9 =	vmul.f32 v11, v9;
	v10 =	vmul.f32 v61, v10;
	_ =	sdelay $0x1  }
0x11d: {  	v11 =	vmul.f32 v62, v10;
	v63 =	vmul.f32 v9, v59;
	_ =	sdelay $0x1  }
0x11e: {  	v11 =	vadd.f32 v63, v11;
	_ =	sdelay $0x1  }
0x11f: {  	[tilespmem:s23+$0x30] =	vst v11  }
0x120: {  	v11 =	vld [tilespmem:s0+$0x410]  }
0x121: {  	s28 =	simm.s32 $0x7A09;
	s29 =	simm.s32 $0x5380  }
0x122: {  	s30 =	simm.s32 $0x0;
	s24 =	simm.s32 $0x0;
	s26 =	simm.s32 $0x7C80  }
.LBB2_3:
0x123: {  	s24 =	sadd.s32 $0x2, s24;
	s22 =	sadd.s32 $0x200, s22;
	s30 =	sadd.s32 $0x100, s30  }
0x124: {  	p1 =	slt.u32 s24, $0x26  }
0x125: {  	v7 =	vmul.f32 v9, v7;
	v11 =	vmul.f32 v11, v10;
	_ =	sdelay $0x1  }
0x126: {  	v7 =	vadd.f32 v11, v7;
	_ =	sdelay $0x1  }
0x127: {  	[tilespmem:s23+$0x50] =	vst v7  }
0x128: {  	v7 =	vld [tilespmem:s0+$0x430];
	_ =	sdelay $0x4  }
0x129: {  	v8 =	vmul.f32 v9, v8;
	v7 =	vmul.f32 v7, v10;
	_ =	sdelay $0x1  }
0x12a: {  	v7 =	vadd.f32 v7, v8  }
0x12b: {  	s0 =	sand.u32 $0x3800, s22  }
0x12c: {  	s13 =	sand.u32 $0x300, s30;
	s0 =	sor.u32 $0x200, s0;
	[tilespmem:s23+$0x70] =	vst v7;
	s23 =	smov.u32 s26  }
0x12d: {  	s31 =	sadd.s32 s13, s0;
	v7 =	vld [tilespmem:s29+$0xFFFFFF80]  }
0x12e: {  	v8 =	vld [tilespmem:s31+$0x0];
	_ =	sdelay $0x4  }
0x12f: {  	v7 =	vmul.f32 v7, v8  }
0x130: {  	v8 =	vld [tilespmem:s28+$0xFFFFFFFD]  }
0x131: {  	[tilespmem:s26+$0xFFFFFF80] =	vst v7  }
0x132: {  	v7 =	vld [tilespmem:s29+$0xFFFFFFC0]  }
0x133: {  	v9 =	vld [tilespmem:s31+$0x20]  }
0x134: {  	v10 =	vld [tilespmem:s31+$0x40]  }
0x135: {  	v11 =	vld [tilespmem:s29+$0xFFFFFFA0];
	_ =	sdelay $0x1  }
0x136: {  	v12 =	vld [tilespmem:s31+$0x60];
	_ =	sdelay $0x1  }
0x137: {  	v7 =	vmul.f32 v7, v10;
	v10 =	vbroadcast v8, $0x0  }
0x138: {  	v9 =	vmul.f32 v11, v9  }
0x139: {  	v11 =	vmul.f32 v7, v10  }
0x13a: {  	v12 =	vmul.f32 v12, v9;
	_ =	sdelay $0x1  }
0x13b: {  	v11 =	vadd.f32 v11, v12;
	_ =	sdelay $0x1  }
0x13c: {  	[tilespmem:s26+$0xFFFFFFA0] =	vst v11  }
0x13d: {  	v11 =	vld [tilespmem:s31+$0x400];
	_ =	sdelay $0x2  }
0x13e: {  	v12 =	vbroadcast v8, $0x1;
	_ =	sdelay $0x1  }
0x13f: {  	v13 =	vmul.f32 v7, v12;
	v11 =	vmul.f32 v11, v9;
	_ =	sdelay $0x1  }
0x140: {  	v11 =	vadd.f32 v11, v13;
	_ =	sdelay $0x1  }
0x141: {  	[tilespmem:s26+$0xFFFFFFC0] =	vst v11  }
0x142: {  	v11 =	vld [tilespmem:s31+$0x420];
	_ =	sdelay $0x2  }
0x143: {  	v8 =	vbroadcast v8, $0x2;
	_ =	sdelay $0x1  }
0x144: {  	v7 =	vmul.f32 v7, v8;
	v9 =	vmul.f32 v11, v9;
	_ =	sdelay $0x1  }
0x145: {  	v7 =	vadd.f32 v9, v7;
	_ =	sdelay $0x1  }
0x146: {  	[tilespmem:s26+$0xFFFFFFE0] =	vst v7  }
0x147: {  	v7 =	vld [tilespmem:s31+$0x10]  }
0x148: {  	v9 =	vld [tilespmem:s29+$0xFFFFFF90];
	_ =	sdelay $0x4  }
0x149: {  	v7 =	vmul.f32 v9, v7;
	_ =	sdelay $0x1  }
0x14a: {  	[tilespmem:s26+$0xFFFFFF90] =	vst v7  }
0x14b: {  	v7 =	vld [tilespmem:s31+$0x70]  }
0x14c: {  	v9 =	vld [tilespmem:s31+$0x30]  }
0x14d: {  	v11 =	vld [tilespmem:s29+$0xFFFFFFB0]  }
0x14e: {  	v13 =	vld [tilespmem:s29+$0xFFFFFFD0]  }
0x14f: {  	v14 =	vld [tilespmem:s31+$0x50];
	_ =	sdelay $0x3  }
0x150: {  	v9 =	vmul.f32 v11, v9  }
0x151: {  	v11 =	vmul.f32 v13, v14  }
0x152: {  	v7 =	vmul.f32 v7, v9  }
0x153: {  	v10 =	vmul.f32 v11, v10;
	_ =	sdelay $0x1  }
0x154: {  	v7 =	vadd.f32 v10, v7;
	_ =	sdelay $0x1  }
0x155: {  	[tilespmem:s26+$0xFFFFFFB0] =	vst v7  }
0x156: {  	v7 =	vld [tilespmem:s31+$0x410];
	_ =	sdelay $0x4  }
0x157: {  	v10 =	vmul.f32 v11, v12;
	v7 =	vmul.f32 v7, v9;
	_ =	sdelay $0x1  }
0x158: {  	v7 =	vadd.f32 v7, v10;
	_ =	sdelay $0x1  }
0x159: {  	[tilespmem:s26+$0xFFFFFFD0] =	vst v7  }
0x15a: {  	v7 =	vld [tilespmem:s31+$0x430];
	_ =	sdelay $0x4  }
0x15b: {  	v8 =	vmul.f32 v11, v8;
	v7 =	vmul.f32 v7, v9;
	_ =	sdelay $0x1  }
0x15c: {  	s13 =	sadd.s32 $0x80, s30;
	v7 =	vadd.f32 v7, v8  }
0x15d: {  	s13 =	sand.u32 $0x380, s13  }
0x15e: {  	s0 =	sadd.s32 s13, s0;
	[tilespmem:s26+$0xFFFFFFF0] =	vst v7  }
0x15f: {  	v7 =	vld [tilespmem:s0+$0x0]  }
0x160: {  	v8 =	vld [tilespmem:s29+$0x0];
	_ =	sdelay $0x4  }
0x161: {  	v7 =	vmul.f32 v8, v7  }
0x162: {  	v8 =	vld [tilespmem:s28+$0x0]  }
0x163: {  	[tilespmem:s26+$0x0] =	vst v7  }
0x164: {  	v7 =	vld [tilespmem:s0+$0x20]  }
0x165: {  	v9 =	vld [tilespmem:s29+$0x20]  }
0x166: {  	v10 =	vld [tilespmem:s29+$0x40]  }
0x167: {  	v11 =	vld [tilespmem:s0+$0x40]  }
0x168: {  	v12 =	vld [tilespmem:s0+$0x60];
	_ =	sdelay $0x2  }
0x169: {  	v13 =	vbroadcast v8, $0x0  }
0x16a: {  	v9 =	vmul.f32 v9, v7;
	v10 =	vmul.f32 v10, v11;
	_ =	sdelay $0x1  }
0x16b: {  	v7 =	vmul.f32 v12, v9;
	v11 =	vmul.f32 v10, v13;
	_ =	sdelay $0x1  }
0x16c: {  	v7 =	vadd.f32 v11, v7;
	_ =	sdelay $0x1  }
0x16d: {  	[tilespmem:s26+$0x20] =	vst v7  }
0x16e: {  	v11 =	vld [tilespmem:s0+$0x400];
	_ =	sdelay $0x2  }
0x16f: {  	v7 =	vbroadcast v8, $0x1;
	_ =	sdelay $0x1  }
0x170: {  	v12 =	vmul.f32 v10, v7;
	v11 =	vmul.f32 v11, v9;
	_ =	sdelay $0x1  }
0x171: {  	v11 =	vadd.f32 v11, v12;
	_ =	sdelay $0x1  }
0x172: {  	[tilespmem:s26+$0x40] =	vst v11  }
0x173: {  	v11 =	vld [tilespmem:s0+$0x420];
	_ =	sdelay $0x2  }
0x174: {  	v8 =	vbroadcast v8, $0x2;
	_ =	sdelay $0x1  }
0x175: {  	v10 =	vmul.f32 v10, v8;
	v9 =	vmul.f32 v11, v9;
	_ =	sdelay $0x1  }
0x176: {  	v9 =	vadd.f32 v9, v10;
	_ =	sdelay $0x1  }
0x177: {  	[tilespmem:s26+$0x60] =	vst v9  }
0x178: {  	v9 =	vld [tilespmem:s0+$0x10]  }
0x179: {  	v10 =	vld [tilespmem:s29+$0x10];
	_ =	sdelay $0x4  }
0x17a: {  	v9 =	vmul.f32 v10, v9;
	_ =	sdelay $0x1  }
0x17b: {  	[tilespmem:s26+$0x10] =	vst v9  }
0x17c: {  	v10 =	vld [tilespmem:s0+$0x30]  }
0x17d: {  	v9 =	vld [tilespmem:s0+$0x50]  }
0x17e: {  	v11 =	vld [tilespmem:s29+$0x50]  }
0x17f: {  	v12 =	vld [tilespmem:s29+$0x30]  }
0x180: {  	v14 =	vld [tilespmem:s0+$0x70];
	_ =	sdelay $0x2  }
0x181: {  	v9 =	vmul.f32 v11, v9  }
0x182: {  	v10 =	vmul.f32 v12, v10;
	_ =	sdelay $0x1  }
0x183: {  	v12 =	vmul.f32 v9, v13;
	v11 =	vmul.f32 v14, v10;
	_ =	sdelay $0x1  }
0x184: {  	v11 =	vadd.f32 v12, v11  }
.Ltmp0:
0x185: {  	(pc) =	sbr.rel @p1 .LBB2_3-.Ltmp0, $3  }
0x186: {  	[tilespmem:s26+$0x30] =	vst v11  }
0x187: {  	v11 =	vld [tilespmem:s0+$0x410];
	_ =	sdelay $0x1  }
0x188: {  	s28 =	sadd.s32 $0x6, s28;
	s29 =	sadd.s32 $0x100, s29;
	s26 =	sadd.s32 $0x100, s26  }
0x189: {  	_ =	sdelay $0x1  }
0x18a: {  	v7 =	vmul.f32 v9, v7;
	v11 =	vmul.f32 v11, v10;
	_ =	sdelay $0x1  }
0x18b: {  	v7 =	vadd.f32 v11, v7;
	_ =	sdelay $0x1  }
0x18c: {  	[tilespmem:s23+$0x50] =	vst v7  }
0x18d: {  	v7 =	vld [tilespmem:s0+$0x430];
	_ =	sdelay $0x4  }
0x18e: {  	v8 =	vmul.f32 v9, v8;
	v7 =	vmul.f32 v7, v10;
	_ =	sdelay $0x1  }
0x18f: {  	v7 =	vadd.f32 v7, v8;
	_ =	sdelay $0x1  }
0x190: {  	[tilespmem:s23+$0x70] =	vst v7  }
0x191: {  	[spmem:s2] =	stream.indirect.scatter.add.f32 [tilespmem:s12], [sflag:$0x7], $0x80, s3, s11, $0xb8;
	[tilespmem:$0x1CB80] =	vst v63  }
0x192: {  	_ =	swait.ge [sflag:s21], $0x1800  }
0x193: {  	[sflag:s21] =	ssyncset.done $0x0  }
0x194: {  	[sflag:s21] =	ssyncadd.s32 $0xFFFFE800  }
0x195: {  	s22 =	simm.s32 $0x0;
	_ =	swait.ge [sflag:s1], $0x2800  }
0x196: {  	s13 =	simm.s32 $0x66D0;
	s24 =	sand.u32 $0x3800, s22;
	[sflag:s1] =	ssyncset.done $0x0  }
0x197: {  	s26 =	sand.u32 $0x300, s22;
	s0 =	sadd.s32 $0x2A00, s24;
	[sflag:s1] =	ssyncadd.s32 $0xFFFFD800  }
0x198: {  	s24 =	sadd.s32 s26, s0;
	v7 =	vld [tilespmem:s13+$0xFFFFFF30]  }
0x199: {  	v8 =	vld [tilespmem:s24+$0x0];
	_ =	sdelay $0x4  }
0x19a: {  	v7 =	vmul.f32 v7, v8  }
0x19b: {  	s26 =	simm.s32 $0x7A7B;
	s23 =	simm.s32 $0x7B80  }
0x19c: {  	v8 =	vld [tilespmem:s26+$0xFFFFFFFD];
	[tilespmem:s23+$0xFFFFFF80] =	vst v7  }
0x19d: {  	v7 =	vld [tilespmem:s13+$0xFFFFFF70]  }
0x19e: {  	v9 =	vld [tilespmem:s24+$0x20]  }
0x19f: {  	v10 =	vld [tilespmem:s24+$0x40]  }
0x1a0: {  	v11 =	vld [tilespmem:s13+$0xFFFFFF50];
	_ =	sdelay $0x1  }
0x1a1: {  	v12 =	vld [tilespmem:s24+$0x60];
	_ =	sdelay $0x1  }
0x1a2: {  	v7 =	vmul.f32 v7, v10  }
0x1a3: {  	v10 =	vbroadcast v8, $0x0;
	v9 =	vmul.f32 v11, v9;
	_ =	sdelay $0x1  }
0x1a4: {  	v11 =	vmul.f32 v7, v10;
	v12 =	vmul.f32 v12, v9;
	_ =	sdelay $0x1  }
0x1a5: {  	v11 =	vadd.f32 v11, v12;
	_ =	sdelay $0x1  }
0x1a6: {  	[tilespmem:s23+$0xFFFFFFA0] =	vst v11  }
0x1a7: {  	v11 =	vld [tilespmem:s24+$0x400];
	_ =	sdelay $0x2  }
0x1a8: {  	v56 =	vbroadcast v8, $0x1;
	_ =	sdelay $0x1  }
0x1a9: {  	v13 =	vmul.f32 v7, v56;
	v11 =	vmul.f32 v11, v9;
	_ =	sdelay $0x1  }
0x1aa: {  	v11 =	vadd.f32 v11, v13;
	_ =	sdelay $0x1  }
0x1ab: {  	[tilespmem:s23+$0xFFFFFFC0] =	vst v11  }
0x1ac: {  	v11 =	vld [tilespmem:s24+$0x420];
	_ =	sdelay $0x2  }
0x1ad: {  	v8 =	vbroadcast v8, $0x2;
	_ =	sdelay $0x1  }
0x1ae: {  	v7 =	vmul.f32 v7, v8;
	v9 =	vmul.f32 v11, v9;
	_ =	sdelay $0x1  }
0x1af: {  	v7 =	vadd.f32 v9, v7;
	_ =	sdelay $0x1  }
0x1b0: {  	[tilespmem:s23+$0xFFFFFFE0] =	vst v7  }
0x1b1: {  	v7 =	vld [tilespmem:s24+$0x10]  }
0x1b2: {  	v9 =	vld [tilespmem:s13+$0xFFFFFF40];
	_ =	sdelay $0x4  }
0x1b3: {  	v7 =	vmul.f32 v9, v7;
	_ =	sdelay $0x1  }
0x1b4: {  	[tilespmem:s23+$0xFFFFFF90] =	vst v7  }
0x1b5: {  	v7 =	vld [tilespmem:s24+$0x30]  }
0x1b6: {  	v9 =	vld [tilespmem:s13+$0xFFFFFF60]  }
0x1b7: {  	v11 =	vld [tilespmem:s13+$0xFFFFFF80]  }
0x1b8: {  	v57 =	vld [tilespmem:s24+$0x50];
	_ =	sdelay $0x1  }
0x1b9: {  	v14 =	vld [tilespmem:s24+$0x70];
	_ =	sdelay $0x2  }
0x1ba: {  	v7 =	vmul.f32 v9, v7;
	v9 =	vmul.f32 v11, v57;
	_ =	sdelay $0x1  }
0x1bb: {  	v11 =	vmul.f32 v14, v7;
	v10 =	vmul.f32 v9, v10;
	_ =	sdelay $0x1  }
0x1bc: {  	v10 =	vadd.f32 v10, v11;
	_ =	sdelay $0x1  }
0x1bd: {  	[tilespmem:s23+$0xFFFFFFB0] =	vst v10  }
0x1be: {  	v10 =	vld [tilespmem:s24+$0x410];
	_ =	sdelay $0x4  }
0x1bf: {  	v11 =	vmul.f32 v9, v56;
	v10 =	vmul.f32 v10, v7;
	_ =	sdelay $0x1  }
0x1c0: {  	v10 =	vadd.f32 v10, v11;
	_ =	sdelay $0x1  }
0x1c1: {  	[tilespmem:s23+$0xFFFFFFD0] =	vst v10  }
0x1c2: {  	v10 =	vld [tilespmem:s24+$0x430];
	_ =	sdelay $0x4  }
0x1c3: {  	v8 =	vmul.f32 v9, v8;
	v7 =	vmul.f32 v10, v7;
	_ =	sdelay $0x1  }
0x1c4: {  	s31 =	simm.s32 $0x80;
	v7 =	vadd.f32 v7, v8  }
0x1c5: {  	s24 =	sand.u32 $0x380, s31  }
0x1c6: {  	s0 =	sadd.s32 s24, s0;
	[tilespmem:s23+$0xFFFFFFF0] =	vst v7  }
0x1c7: {  	v7 =	vld [tilespmem:s0+$0x0]  }
0x1c8: {  	v8 =	vld [tilespmem:s13+$0xFFFFFFB0];
	_ =	sdelay $0x4  }
0x1c9: {  	v7 =	vmul.f32 v8, v7;
	_ =	sdelay $0x1  }
0x1ca: {  	v8 =	vld [tilespmem:s26+$0x0];
	[tilespmem:s23+$0x0] =	vst v7  }
0x1cb: {  	v7 =	vld [tilespmem:s0+$0x20]  }
0x1cc: {  	v9 =	vld [tilespmem:s13+$0xFFFFFFD0]  }
0x1cd: {  	v10 =	vld [tilespmem:s13+$0xFFFFFFF0]  }
0x1ce: {  	v11 =	vld [tilespmem:s0+$0x40];
	_ =	sdelay $0x1  }
0x1cf: {  	v58 =	vld [tilespmem:s0+$0x60];
	_ =	sdelay $0x1  }
0x1d0: {  	v59 =	vbroadcast v8, $0x0  }
0x1d1: {  	v9 =	vmul.f32 v9, v7;
	v10 =	vmul.f32 v10, v11;
	_ =	sdelay $0x1  }
0x1d2: {  	v7 =	vmul.f32 v58, v9;
	v11 =	vmul.f32 v10, v59;
	_ =	sdelay $0x1  }
0x1d3: {  	v7 =	vadd.f32 v11, v7;
	_ =	sdelay $0x1  }
0x1d4: {  	[tilespmem:s23+$0x20] =	vst v7  }
0x1d5: {  	v11 =	vld [tilespmem:s0+$0x400];
	_ =	sdelay $0x2  }
0x1d6: {  	v7 =	vbroadcast v8, $0x1;
	_ =	sdelay $0x1  }
0x1d7: {  	v60 =	vmul.f32 v10, v7;
	v11 =	vmul.f32 v11, v9;
	_ =	sdelay $0x1  }
0x1d8: {  	v11 =	vadd.f32 v11, v60;
	_ =	sdelay $0x1  }
0x1d9: {  	[tilespmem:s23+$0x40] =	vst v11  }
0x1da: {  	v11 =	vld [tilespmem:s0+$0x420];
	_ =	sdelay $0x2  }
0x1db: {  	v8 =	vbroadcast v8, $0x2;
	_ =	sdelay $0x1  }
0x1dc: {  	v10 =	vmul.f32 v10, v8;
	v9 =	vmul.f32 v11, v9;
	_ =	sdelay $0x1  }
0x1dd: {  	v9 =	vadd.f32 v9, v10;
	_ =	sdelay $0x1  }
0x1de: {  	[tilespmem:s23+$0x60] =	vst v9  }
0x1df: {  	v9 =	vld [tilespmem:s0+$0x10]  }
0x1e0: {  	v10 =	vld [tilespmem:s13+$0xFFFFFFC0];
	_ =	sdelay $0x4  }
0x1e1: {  	v9 =	vmul.f32 v10, v9;
	_ =	sdelay $0x1  }
0x1e2: {  	[tilespmem:s23+$0x10] =	vst v9  }
0x1e3: {  	v10 =	vld [tilespmem:s0+$0x30]  }
0x1e4: {  	v9 =	vld [tilespmem:s0+$0x50]  }
0x1e5: {  	v11 =	vld [tilespmem:s13+$0x0]  }
0x1e6: {  	v61 =	vld [tilespmem:s13+$0xFFFFFFE0];
	_ =	sdelay $0x1  }
0x1e7: {  	v62 =	vld [tilespmem:s0+$0x70];
	_ =	sdelay $0x2  }
0x1e8: {  	v9 =	vmul.f32 v11, v9;
	v10 =	vmul.f32 v61, v10;
	_ =	sdelay $0x1  }
0x1e9: {  	v11 =	vmul.f32 v62, v10;
	v63 =	vmul.f32 v9, v59;
	_ =	sdelay $0x1  }
0x1ea: {  	v11 =	vadd.f32 v63, v11;
	_ =	sdelay $0x1  }
0x1eb: {  	[tilespmem:s23+$0x30] =	vst v11  }
0x1ec: {  	v11 =	vld [tilespmem:s0+$0x410]  }
0x1ed: {  	s28 =	simm.s32 $0x7A81;
	s29 =	simm.s32 $0x67D0  }
0x1ee: {  	s30 =	simm.s32 $0x0;
	s24 =	simm.s32 $0x0;
	s26 =	simm.s32 $0x7C80  }
.LBB2_5:
0x1ef: {  	s24 =	sadd.s32 $0x2, s24;
	s22 =	sadd.s32 $0x200, s22;
	s30 =	sadd.s32 $0x100, s30  }
0x1f0: {  	p1 =	slt.u32 s24, $0x26  }
0x1f1: {  	v7 =	vmul.f32 v9, v7;
	v11 =	vmul.f32 v11, v10;
	_ =	sdelay $0x1  }
0x1f2: {  	v7 =	vadd.f32 v11, v7;
	_ =	sdelay $0x1  }
0x1f3: {  	[tilespmem:s23+$0x50] =	vst v7  }
0x1f4: {  	v7 =	vld [tilespmem:s0+$0x430];
	_ =	sdelay $0x4  }
0x1f5: {  	v8 =	vmul.f32 v9, v8;
	v7 =	vmul.f32 v7, v10;
	_ =	sdelay $0x1  }
0x1f6: {  	v7 =	vadd.f32 v7, v8  }
0x1f7: {  	s0 =	sand.u32 $0x3800, s22  }
0x1f8: {  	s13 =	sand.u32 $0x300, s30;
	s0 =	sadd.s32 $0x2A00, s0;
	[tilespmem:s23+$0x70] =	vst v7;
	s23 =	smov.u32 s26  }
0x1f9: {  	s31 =	sadd.s32 s13, s0;
	v7 =	vld [tilespmem:s29+$0xFFFFFF30]  }
0x1fa: {  	v8 =	vld [tilespmem:s31+$0x0];
	_ =	sdelay $0x4  }
0x1fb: {  	v7 =	vmul.f32 v7, v8  }
0x1fc: {  	v8 =	vld [tilespmem:s28+$0xFFFFFFFD]  }
0x1fd: {  	[tilespmem:s26+$0xFFFFFF80] =	vst v7  }
0x1fe: {  	v7 =	vld [tilespmem:s29+$0xFFFFFF70]  }
0x1ff: {  	v9 =	vld [tilespmem:s31+$0x20]  }
0x200: {  	v10 =	vld [tilespmem:s31+$0x40]  }
0x201: {  	v11 =	vld [tilespmem:s29+$0xFFFFFF50];
	_ =	sdelay $0x1  }
0x202: {  	v12 =	vld [tilespmem:s31+$0x60];
	_ =	sdelay $0x1  }
0x203: {  	v7 =	vmul.f32 v7, v10;
	v10 =	vbroadcast v8, $0x0  }
0x204: {  	v9 =	vmul.f32 v11, v9  }
0x205: {  	v11 =	vmul.f32 v7, v10  }
0x206: {  	v12 =	vmul.f32 v12, v9;
	_ =	sdelay $0x1  }
0x207: {  	v11 =	vadd.f32 v11, v12;
	_ =	sdelay $0x1  }
0x208: {  	[tilespmem:s26+$0xFFFFFFA0] =	vst v11  }
0x209: {  	v11 =	vld [tilespmem:s31+$0x400];
	_ =	sdelay $0x2  }
0x20a: {  	v12 =	vbroadcast v8, $0x1;
	_ =	sdelay $0x1  }
0x20b: {  	v13 =	vmul.f32 v7, v12;
	v11 =	vmul.f32 v11, v9;
	_ =	sdelay $0x1  }
0x20c: {  	v11 =	vadd.f32 v11, v13;
	_ =	sdelay $0x1  }
0x20d: {  	[tilespmem:s26+$0xFFFFFFC0] =	vst v11  }
0x20e: {  	v11 =	vld [tilespmem:s31+$0x420];
	_ =	sdelay $0x2  }
0x20f: {  	v8 =	vbroadcast v8, $0x2;
	_ =	sdelay $0x1  }
0x210: {  	v7 =	vmul.f32 v7, v8;
	v9 =	vmul.f32 v11, v9;
	_ =	sdelay $0x1  }
0x211: {  	v7 =	vadd.f32 v9, v7;
	_ =	sdelay $0x1  }
0x212: {  	[tilespmem:s26+$0xFFFFFFE0] =	vst v7  }
0x213: {  	v7 =	vld [tilespmem:s31+$0x10]  }
0x214: {  	v9 =	vld [tilespmem:s29+$0xFFFFFF40];
	_ =	sdelay $0x4  }
0x215: {  	v7 =	vmul.f32 v9, v7;
	_ =	sdelay $0x1  }
0x216: {  	[tilespmem:s26+$0xFFFFFF90] =	vst v7  }
0x217: {  	v7 =	vld [tilespmem:s31+$0x70]  }
0x218: {  	v9 =	vld [tilespmem:s31+$0x30]  }
0x219: {  	v11 =	vld [tilespmem:s29+$0xFFFFFF60]  }
0x21a: {  	v13 =	vld [tilespmem:s29+$0xFFFFFF80]  }
0x21b: {  	v14 =	vld [tilespmem:s31+$0x50];
	_ =	sdelay $0x3  }
0x21c: {  	v9 =	vmul.f32 v11, v9  }
0x21d: {  	v11 =	vmul.f32 v13, v14  }
0x21e: {  	v7 =	vmul.f32 v7, v9  }
0x21f: {  	v10 =	vmul.f32 v11, v10;
	_ =	sdelay $0x1  }
0x220: {  	v7 =	vadd.f32 v10, v7;
	_ =	sdelay $0x1  }
0x221: {  	[tilespmem:s26+$0xFFFFFFB0] =	vst v7  }
0x222: {  	v7 =	vld [tilespmem:s31+$0x410];
	_ =	sdelay $0x4  }
0x223: {  	v10 =	vmul.f32 v11, v12;
	v7 =	vmul.f32 v7, v9;
	_ =	sdelay $0x1  }
0x224: {  	v7 =	vadd.f32 v7, v10;
	_ =	sdelay $0x1  }
0x225: {  	[tilespmem:s26+$0xFFFFFFD0] =	vst v7  }
0x226: {  	v7 =	vld [tilespmem:s31+$0x430];
	_ =	sdelay $0x4  }
0x227: {  	v8 =	vmul.f32 v11, v8;
	v7 =	vmul.f32 v7, v9;
	_ =	sdelay $0x1  }
0x228: {  	s13 =	sadd.s32 $0x80, s30;
	v7 =	vadd.f32 v7, v8  }
0x229: {  	s13 =	sand.u32 $0x380, s13  }
0x22a: {  	s0 =	sadd.s32 s13, s0;
	[tilespmem:s26+$0xFFFFFFF0] =	vst v7  }
0x22b: {  	v7 =	vld [tilespmem:s0+$0x0]  }
0x22c: {  	v8 =	vld [tilespmem:s29+$0xFFFFFFB0];
	_ =	sdelay $0x4  }
0x22d: {  	v7 =	vmul.f32 v8, v7  }
0x22e: {  	v8 =	vld [tilespmem:s28+$0x0]  }
0x22f: {  	[tilespmem:s26+$0x0] =	vst v7  }
0x230: {  	v7 =	vld [tilespmem:s0+$0x20]  }
0x231: {  	v9 =	vld [tilespmem:s29+$0xFFFFFFD0]  }
0x232: {  	v10 =	vld [tilespmem:s29+$0xFFFFFFF0]  }
0x233: {  	v11 =	vld [tilespmem:s0+$0x40]  }
0x234: {  	v12 =	vld [tilespmem:s0+$0x60];
	_ =	sdelay $0x2  }
0x235: {  	v13 =	vbroadcast v8, $0x0  }
0x236: {  	v9 =	vmul.f32 v9, v7;
	v10 =	vmul.f32 v10, v11;
	_ =	sdelay $0x1  }
0x237: {  	v7 =	vmul.f32 v12, v9;
	v11 =	vmul.f32 v10, v13;
	_ =	sdelay $0x1  }
0x238: {  	v7 =	vadd.f32 v11, v7;
	_ =	sdelay $0x1  }
0x239: {  	[tilespmem:s26+$0x20] =	vst v7  }
0x23a: {  	v11 =	vld [tilespmem:s0+$0x400];
	_ =	sdelay $0x2  }
0x23b: {  	v7 =	vbroadcast v8, $0x1;
	_ =	sdelay $0x1  }
0x23c: {  	v12 =	vmul.f32 v10, v7;
	v11 =	vmul.f32 v11, v9;
	_ =	sdelay $0x1  }
0x23d: {  	v11 =	vadd.f32 v11, v12;
	_ =	sdelay $0x1  }
0x23e: {  	[tilespmem:s26+$0x40] =	vst v11  }
0x23f: {  	v11 =	vld [tilespmem:s0+$0x420];
	_ =	sdelay $0x2  }
0x240: {  	v8 =	vbroadcast v8, $0x2;
	_ =	sdelay $0x1  }
0x241: {  	v10 =	vmul.f32 v10, v8;
	v9 =	vmul.f32 v11, v9;
	_ =	sdelay $0x1  }
0x242: {  	v9 =	vadd.f32 v9, v10;
	_ =	sdelay $0x1  }
0x243: {  	[tilespmem:s26+$0x60] =	vst v9  }
0x244: {  	v9 =	vld [tilespmem:s0+$0x10]  }
0x245: {  	v10 =	vld [tilespmem:s29+$0xFFFFFFC0];
	_ =	sdelay $0x4  }
0x246: {  	v9 =	vmul.f32 v10, v9;
	_ =	sdelay $0x1  }
0x247: {  	[tilespmem:s26+$0x10] =	vst v9  }
0x248: {  	v10 =	vld [tilespmem:s0+$0x30]  }
0x249: {  	v9 =	vld [tilespmem:s0+$0x50]  }
0x24a: {  	v11 =	vld [tilespmem:s29+$0x0]  }
0x24b: {  	v12 =	vld [tilespmem:s29+$0xFFFFFFE0]  }
0x24c: {  	v14 =	vld [tilespmem:s0+$0x70];
	_ =	sdelay $0x2  }
0x24d: {  	v9 =	vmul.f32 v11, v9  }
0x24e: {  	v10 =	vmul.f32 v12, v10;
	_ =	sdelay $0x1  }
0x24f: {  	v12 =	vmul.f32 v9, v13;
	v11 =	vmul.f32 v14, v10;
	_ =	sdelay $0x1  }
0x250: {  	v11 =	vadd.f32 v12, v11  }
.Ltmp1:
0x251: {  	(pc) =	sbr.rel @p1 .LBB2_5-.Ltmp1, $3  }
0x252: {  	[tilespmem:s26+$0x30] =	vst v11  }
0x253: {  	v11 =	vld [tilespmem:s0+$0x410];
	_ =	sdelay $0x1  }
0x254: {  	s28 =	sadd.s32 $0x6, s28;
	s29 =	sadd.s32 $0x100, s29;
	s26 =	sadd.s32 $0x100, s26  }
0x255: {  	_ =	sdelay $0x1  }
0x256: {  	v7 =	vmul.f32 v9, v7;
	v11 =	vmul.f32 v11, v10;
	_ =	sdelay $0x1  }
0x257: {  	v7 =	vadd.f32 v11, v7;
	_ =	sdelay $0x1  }
0x258: {  	[tilespmem:s23+$0x50] =	vst v7  }
0x259: {  	v7 =	vld [tilespmem:s0+$0x430];
	_ =	sdelay $0x4  }
0x25a: {  	v8 =	vmul.f32 v9, v8;
	v7 =	vmul.f32 v7, v10;
	_ =	sdelay $0x1  }
0x25b: {  	s17 =	sadd.s32 $0x1, s17;
	v7 =	vadd.f32 v7, v8  }
0x25c: {  	p1 =	sne.s32 s17, $0xFA  }
.Ltmp2:
0x25d: {  	[tilespmem:s23+$0x70] =	vst v7;
	(pc) =	sbr.rel @p1 .LBB2_2-.Ltmp2, $4  }
0x25e: {  	[spmem:s2] =	stream.indirect.scatter.add.f32 [tilespmem:s12], [sflag:$0x7], $0x80, s10, s11, $0xb8;
	[tilespmem:$0x1CB80] =	vst v63  }
0x25f: {  	_ =	swait.ge [sflag:s21], $0x1800  }
0x260: {  	[sflag:s21] =	ssyncset.done $0x0  }
0x261: {  	[sflag:s21] =	ssyncadd.s32 $0xFFFFE800  }
0x262: {  	[bflag:$0x0] =	sbarrier.arrive $0xFFFF  }
0x263: {  	s22 =	rddreg [dreg:$0x9]  }
0x264: {  	s0 =	rddreg [dreg:$0xc]  }
0x265: {  	s13 =	rddreg [dreg:$0x12]  }
0x266: {  	[hbm:s0], [sflag:s22] =	dma.local [spmem:s13], $0x2700  }
0x267: {  	_ =	swait.ge [sflag:s21], $0x2700  }
0x268: {  	[sflag:s21] =	ssyncset.done $0x0;
	s13 =	rddreg [dreg:$0x6]  }
0x269: {  	s17 =	rddreg [dreg:$0x8];
	[sflag:s21] =	ssyncadd.s32 $0xFFFFD900;
	s0 =	sshrl.u32 @p0 s13, $0x3  }
0x26a: {  	[spmem:s0], [sflag:s22] =	dma.local @p0 [hbm:s17], $0x2700  }
0x26b: {  	s0 =	simm.s32 @p0 $0x7  }
0x26c: {  	_ =	swait.ge @p0 [sflag:s0], $0x2700  }
0x26d: {  	[sflag:s0] =	ssyncset.done @p0 $0x0;
	s23 =	rddreg [dreg:$0x13]  }
0x26e: {  	[sflag:s0] =	ssyncadd.s32 @p0 $0xFFFFD900;
	s0 =	rddreg [dreg:$0xd]  }
0x26f: {  	[hbm:s0], [sflag:s22] =	dma.local @!p0 [spmem:s23], $0x100  }
0x270: {  	s0 =	simm.s32 @!p0 $0x7  }
0x271: {  	_ =	swait.ge @!p0 [sflag:s0], $0x100  }
0x272: {  	[sflag:s0] =	ssyncset.done @!p0 $0x0  }
0x273: {  	s13 =	sshrl.u32 @!p0 s13, $0x3;
	[sflag:s0] =	ssyncadd.s32 @!p0 $0xFFFFFF00  }
0x274: {  	[spmem:s13], [sflag:s22] =	dma.local @!p0 [hbm:s17], $0x2700  }
0x275: {  	_ =	swait.ge @!p0 [sflag:s0], $0x2700  }
0x276: {  	[sflag:s0] =	ssyncset.done @!p0 $0x0  }
0x277: {  	s13 =	rddreg [dreg:$0xb];
	[sflag:s0] =	ssyncadd.s32 @!p0 $0xFFFFD900  }
0x278: {  	[spmem:s23], [sflag:s22] =	dma.local @!p0 [hbm:s13], $0x100  }
0x279: {  	_ =	swait.ge @!p0 [sflag:s0], $0x100  }
0x27a: {  	[sflag:s0] =	ssyncset.done @!p0 $0x0  }
0x27b: {  	[sflag:s0] =	ssyncadd.s32 @!p0 $0xFFFFFF00  }
0x27c: {  	s17 =	simm.s32 $0x0;
	s22 =	simm.s32 $0x0;
	[bflag:$0x0] =	sbarrier.arrive $0xFFFF  }
.LBB2_8:
0x27d: {  	s0 =	smul.u32 $0x50, s22;
	_ =	sdelay $0x1  }
0x27e: {  	s0 =	sadd.s32 s8, s0  }
0x27f: {  	s13 =	sshrl.u32 s0, $0x3  }
0x280: {  	s23 =	sadd.s32 s6, s13  }
0x281: {  	[tilespmem:s17], [sflag:$0x1] =	stream.linear.gather [hbm4b:s23+s17], $0x50, $0x38;
	[tilespmem:$0x1CB80] =	vst v63  }
0x282: {  	s26 =	simm.s32 $0x80;
	s24 =	rddreg [dreg:$0xe];
	s13 =	sadd.s32 s7, s13  }
0x283: {  	[tilespmem:s26], [sflag:$0x2] =	stream.linear.gather [hbm4b:s13+s17], $0x50, $0x38;
	[tilespmem:$0x1CB80] =	vst v63  }
0x284: {  	s13 =	sadd.s32 s24, s0;
	s0 =	smul.u32 $0x3, s0  }
0x285: {  	s23 =	rddreg [dreg:$0x1];
	s13 =	sshll.u32 s13, $0x4  }
0x286: {  	s26 =	simm.s32 $0x5200;
	s13 =	sadd.s32 s5, s13;
	s0 =	sshrl.u32 s0, $0x3  }
0x287: {  	[tilespmem:s26], [sflag:$0x3] =	stream.linear.gather [hbm4b:s13+s17], $0x2800, $0x38;
	[tilespmem:$0x1CB80] =	vst v63  }
0x288: {  	s24 =	simm.s32 $0x7A00;
	s0 =	sadd.s32 s23, s0  }
0x289: {  	[tilespmem:s24], [sflag:$0x4] =	stream.linear.gather [hbm4b:s0+s17], $0xF0, $0x38;
	[tilespmem:$0x1CB80] =	vst v63  }
0x28a: {  	_ =	swait.ge [sflag:s25], $0x50  }
0x28b: {  	[sflag:s25] =	ssyncset.done $0x0  }
0x28c: {  	[sflag:s25] =	ssyncadd.s32 $0xFFFFFFB0  }
0x28d: {  	v7 =	vld [tilespmem:$0x0];
	_ =	sdelay $0x4  }
0x28e: {  	v8 =	vadd.s32 v1, v7  }
0x28f: {  	v9 =	vld [tilespmem:$0x10];
	v10 =	vshll.u32 v8, $0x1  }
0x290: {  	v11 =	vld [tilespmem:$0x20];
	v7 =	vand.u32 $0x7, v7;
	v10 =	vand.u32 $0xFFFFFFF0, v10  }
0x291: {  	v12 =	vld [tilespmem:$0x30];
	v7 =	vor.u32 v7, v10  }
0x292: {  	v10 =	vld [tilespmem:$0x40];
	v13 =	vperm.xlane v7, v4;
	_ =	sdelay $0x1  }
0x293: {  	[tilespmem:$0x0] =	vst v8;
	v8 =	vadd.s32 v1, v9;
	v7 =	vperm.xlane v7, v6;
	v9 =	vadd.s32 v5, v13  }
0x294: {  	[tilespmem:$0x10] =	vst v8;
	v8 =	vadd.s32 v1, v11  }
0x295: {  	[tilespmem:$0x20] =	vst v8;
	v8 =	vadd.s32 v1, v12;
	v7 =	vadd.s32 v5, v7  }
0x296: {  	[tilespmem:$0x30] =	vst v8;
	v8 =	vadd.s32 v1, v10  }
0x297: {  	s26 =	simm.s32 $0x200;
	[tilespmem:$0x40] =	vst v8  }
0x298: {  	[tilespmem:s26], [sflag:$0x5] =	stream.indirect_vreg.gather [hbm4b:s4+s17], $0x80, v9, vm0, $0xb8;
	[tilespmem:$0x1CB80] =	vst v63  }
0x299: {  	s13 =	simm.s32 $0xA00  }
0x29a: {  	[tilespmem:s13], [sflag:$0x5] =	stream.indirect_vreg.gather [hbm4b:s4+s17], $0x80, v7, vm0, $0xb8;
	[tilespmem:$0x1CB80] =	vst v63  }
0x29b: {  	v7 =	vld [tilespmem:$0x10];
	_ =	sdelay $0x4  }
0x29c: {  	v8 =	vshll.u32 v7, $0x1  }
0x29d: {  	v7 =	vand.u32 $0x7, v7;
	v8 =	vand.u32 $0xFFFFFFF0, v8  }
0x29e: {  	v7 =	vor.u32 v7, v8  }
0x29f: {  	v8 =	vperm.xlane v7, v4;
	_ =	sdelay $0x1  }
0x2a0: {  	v7 =	vperm.xlane v7, v6;
	v8 =	vadd.s32 v5, v8;
	_ =	sdelay $0x1  }
0x2a1: {  	v7 =	vadd.s32 v5, v7;
	_ =	sdelay $0x1  }
0x2a2: {  	s23 =	simm.s32 $0x1200  }
0x2a3: {  	[tilespmem:s23], [sflag:$0x5] =	stream.indirect_vreg.gather [hbm4b:s4+s17], $0x80, v8, vm0, $0xb8;
	[tilespmem:$0x1CB80] =	vst v63  }
0x2a4: {  	s24 =	simm.s32 $0x1A00  }
0x2a5: {  	[tilespmem:s24], [sflag:$0x5] =	stream.indirect_vreg.gather [hbm4b:s4+s17], $0x80, v7, vm0, $0xb8;
	[tilespmem:$0x1CB80] =	vst v63  }
0x2a6: {  	v7 =	vld.msk [tilespmem:$0x20], $0xff;
	_ =	sdelay $0x4  }
0x2a7: {  	v8 =	vshll.u32 v7, $0x1  }
0x2a8: {  	v7 =	vand.u32 $0x7, v7;
	v8 =	vand.u32 $0xFFFFFFF0, v8  }
0x2a9: {  	v7 =	vor.u32 v7, v8  }
0x2aa: {  	v7 =	vperm.xlane v7, v4;
	_ =	sdelay $0x1  }
0x2ab: {  	v7 =	vadd.s32 v5, v7;
	_ =	sdelay $0x3  }
0x2ac: {  	s26 =	simm.s32 $0x2200  }
0x2ad: {  	[tilespmem:s26], [sflag:$0x5] =	stream.indirect_vreg.gather [hbm4b:s4+s17], $0x80, v7, vm0, $0xb8;
	[tilespmem:$0x1CB80] =	vst v63  }
0x2ae: {  	v7 =	vld [tilespmem:$0x28];
	_ =	sdelay $0x4  }
0x2af: {  	v8 =	vshll.u32 v7, $0x1  }
0x2b0: {  	v7 =	vand.u32 $0x7, v7;
	v8 =	vand.u32 $0xFFFFFFF0, v8  }
0x2b1: {  	v7 =	vor.u32 v7, v8  }
0x2b2: {  	v8 =	vperm.xlane v7, v4;
	_ =	sdelay $0x1  }
0x2b3: {  	v7 =	vperm.xlane v7, v6;
	v8 =	vadd.s32 v5, v8;
	_ =	sdelay $0x1  }
0x2b4: {  	v7 =	vadd.s32 v5, v7;
	_ =	sdelay $0x1  }
0x2b5: {  	s13 =	simm.s32 $0x2A00  }
0x2b6: {  	[tilespmem:s13], [sflag:$0x6] =	stream.indirect_vreg.gather [hbm4b:s4+s17], $0x80, v8, vm0, $0xb8;
	[tilespmem:$0x1CB80] =	vst v63  }
0x2b7: {  	s23 =	simm.s32 $0x3200  }
0x2b8: {  	[tilespmem:s23], [sflag:$0x6] =	stream.indirect_vreg.gather [hbm4b:s4+s17], $0x80, v7, vm0, $0xb8;
	[tilespmem:$0x1CB80] =	vst v63  }
0x2b9: {  	v7 =	vld [tilespmem:$0x38];
	_ =	sdelay $0x4  }
0x2ba: {  	v8 =	vshll.u32 v7, $0x1  }
0x2bb: {  	v7 =	vand.u32 $0x7, v7;
	v8 =	vand.u32 $0xFFFFFFF0, v8  }
0x2bc: {  	v7 =	vor.u32 v7, v8  }
0x2bd: {  	v8 =	vperm.xlane v7, v4;
	_ =	sdelay $0x1  }
0x2be: {  	v7 =	vperm.xlane v7, v6;
	v8 =	vadd.s32 v5, v8;
	_ =	sdelay $0x1  }
0x2bf: {  	v7 =	vadd.s32 v5, v7;
	_ =	sdelay $0x2  }
0x2c0: {  	[tilespmem:s15], [sflag:$0x6] =	stream.indirect_vreg.gather [hbm4b:s4+s17], $0x80, v8, vm0, $0xb8;
	[tilespmem:$0x1CB80] =	vst v63  }
0x2c1: {  	_ = 	snop  }
0x2c2: {  	[tilespmem:s16], [sflag:$0x6] =	stream.indirect_vreg.gather [hbm4b:s4+s17], $0x80, v7, vm0, $0xb8;
	[tilespmem:$0x1CB80] =	vst v63  }
0x2c3: {  	v7 =	vld.msk [tilespmem:$0x48], $0xff;
	_ =	sdelay $0x4  }
0x2c4: {  	v8 =	vshll.u32 v7, $0x1  }
0x2c5: {  	v7 =	vand.u32 $0x7, v7;
	v8 =	vand.u32 $0xFFFFFFF0, v8  }
0x2c6: {  	v7 =	vor.u32 v7, v8  }
0x2c7: {  	v7 =	vperm.xlane v7, v4;
	_ =	sdelay $0x1  }
0x2c8: {  	v7 =	vadd.s32 v5, v7;
	_ =	sdelay $0x4  }
0x2c9: {  	[tilespmem:s18], [sflag:$0x6] =	stream.indirect_vreg.gather [hbm4b:s4+s17], $0x80, v7, vm0, $0xb8;
	[tilespmem:$0x1CB80] =	vst v63  }
0x2ca: {  	_ =	swait.ge [sflag:s19], $0x50  }
0x2cb: {  	[sflag:s19] =	ssyncset.done $0x0  }
0x2cc: {  	[sflag:s19] =	ssyncadd.s32 $0xFFFFFFB0  }
0x2cd: {  	v7 =	vld [tilespmem:$0x80]  }
0x2ce: {  	v8 =	vld [tilespmem:$0xA8]  }
0x2cf: {  	v9 =	vld [tilespmem:$0x90]  }
0x2d0: {  	v10 =	vld [tilespmem:$0xB8]  }
0x2d1: {  	v11 =	vld [tilespmem:$0xA0]  }
0x2d2: {  	[tilespmem:$0x100] =	vst v7;
	v7 =	vld [tilespmem:$0xC8]  }
0x2d3: {  	[tilespmem:$0x180] =	vst v8  }
0x2d4: {  	[tilespmem:$0x110] =	vst v9  }
0x2d5: {  	[tilespmem:$0x190] =	vst v10  }
0x2d6: {  	[tilespmem:$0x120] =	vst v11  }
0x2d7: {  	[tilespmem:$0x1A0] =	vst v7  }
0x2d8: {  	_ =	swait.ge [sflag:s20], $0x2800  }
0x2d9: {  	[sflag:s20] =	ssyncset.done $0x0  }
0x2da: {  	[sflag:s20] =	ssyncadd.s32 $0xFFFFD800  }
0x2db: {  	_ =	swait.ge [sflag:s14], $0xF0  }
0x2dc: {  	[sflag:s14] =	ssyncset.done $0x0  }
0x2dd: {  	[sflag:s14] =	ssyncadd.s32 $0xFFFFFF10  }
0x2de: {  	s24 =	sand.u32 $0x3800, s17;
	_ =	swait.ge [sflag:s9], $0x2800  }
0x2df: {  	s0 =	sor.u32 $0x200, s24;
	[sflag:s9] =	ssyncset.done $0x0  }
0x2e0: {  	s26 =	sand.u32 $0x300, s17;
	s13 =	simm.s32 $0x5280;
	[sflag:s9] =	ssyncadd.s32 $0xFFFFD800  }
0x2e1: {  	s24 =	sadd.s32 s26, s0;
	v7 =	vld [tilespmem:s13+$0xFFFFFF80]  }
0x2e2: {  	v8 =	vld [tilespmem:s24+$0x0];
	_ =	sdelay $0x4  }
0x2e3: {  	v7 =	vmul.f32 v7, v8  }
0x2e4: {  	s26 =	simm.s32 $0x7A03;
	s23 =	simm.s32 $0x7B80  }
0x2e5: {  	v8 =	vld [tilespmem:s26+$0xFFFFFFFD];
	[tilespmem:s23+$0xFFFFFF80] =	vst v7  }
0x2e6: {  	v7 =	vld [tilespmem:s13+$0xFFFFFFC0]  }
0x2e7: {  	v9 =	vld [tilespmem:s24+$0x20]  }
0x2e8: {  	v10 =	vld [tilespmem:s24+$0x40]  }
0x2e9: {  	v11 =	vld [tilespmem:s13+$0xFFFFFFA0];
	_ =	sdelay $0x1  }
0x2ea: {  	v54 =	vld [tilespmem:s24+$0x60];
	_ =	sdelay $0x1  }
0x2eb: {  	v7 =	vmul.f32 v7, v10  }
0x2ec: {  	v10 =	vbroadcast v8, $0x0;
	v9 =	vmul.f32 v11, v9;
	_ =	sdelay $0x1  }
0x2ed: {  	v11 =	vmul.f32 v7, v10;
	v12 =	vmul.f32 v54, v9;
	_ =	sdelay $0x1  }
0x2ee: {  	v11 =	vadd.f32 v11, v12;
	_ =	sdelay $0x1  }
0x2ef: {  	[tilespmem:s23+$0xFFFFFFA0] =	vst v11  }
0x2f0: {  	v11 =	vld [tilespmem:s24+$0x400];
	_ =	sdelay $0x2  }
0x2f1: {  	v55 =	vbroadcast v8, $0x1;
	_ =	sdelay $0x1  }
0x2f2: {  	v56 =	vmul.f32 v7, v55;
	v11 =	vmul.f32 v11, v9;
	_ =	sdelay $0x1  }
0x2f3: {  	v11 =	vadd.f32 v11, v56;
	_ =	sdelay $0x1  }
0x2f4: {  	[tilespmem:s23+$0xFFFFFFC0] =	vst v11  }
0x2f5: {  	v11 =	vld [tilespmem:s24+$0x420];
	_ =	sdelay $0x2  }
0x2f6: {  	v8 =	vbroadcast v8, $0x2;
	_ =	sdelay $0x1  }
0x2f7: {  	v7 =	vmul.f32 v7, v8;
	v9 =	vmul.f32 v11, v9;
	_ =	sdelay $0x1  }
0x2f8: {  	v7 =	vadd.f32 v9, v7;
	_ =	sdelay $0x1  }
0x2f9: {  	[tilespmem:s23+$0xFFFFFFE0] =	vst v7  }
0x2fa: {  	v7 =	vld [tilespmem:s24+$0x10]  }
0x2fb: {  	v9 =	vld [tilespmem:s13+$0xFFFFFF90];
	_ =	sdelay $0x4  }
0x2fc: {  	v7 =	vmul.f32 v9, v7;
	_ =	sdelay $0x1  }
0x2fd: {  	[tilespmem:s23+$0xFFFFFF90] =	vst v7  }
0x2fe: {  	v7 =	vld [tilespmem:s24+$0x30]  }
0x2ff: {  	v9 =	vld [tilespmem:s13+$0xFFFFFFB0]  }
0x300: {  	v11 =	vld [tilespmem:s13+$0xFFFFFFD0]  }
0x301: {  	v57 =	vld [tilespmem:s24+$0x50];
	_ =	sdelay $0x1  }
0x302: {  	v14 =	vld [tilespmem:s24+$0x70];
	_ =	sdelay $0x2  }
0x303: {  	v7 =	vmul.f32 v9, v7;
	v9 =	vmul.f32 v11, v57;
	_ =	sdelay $0x1  }
0x304: {  	v11 =	vmul.f32 v14, v7;
	v10 =	vmul.f32 v9, v10;
	_ =	sdelay $0x1  }
0x305: {  	v10 =	vadd.f32 v10, v11;
	_ =	sdelay $0x1  }
0x306: {  	[tilespmem:s23+$0xFFFFFFB0] =	vst v10  }
0x307: {  	v10 =	vld [tilespmem:s24+$0x410];
	_ =	sdelay $0x4  }
0x308: {  	v11 =	vmul.f32 v9, v55;
	v10 =	vmul.f32 v10, v7;
	_ =	sdelay $0x1  }
0x309: {  	v10 =	vadd.f32 v10, v11;
	_ =	sdelay $0x1  }
0x30a: {  	[tilespmem:s23+$0xFFFFFFD0] =	vst v10  }
0x30b: {  	v10 =	vld [tilespmem:s24+$0x430];
	_ =	sdelay $0x4  }
0x30c: {  	v8 =	vmul.f32 v9, v8;
	v7 =	vmul.f32 v10, v7;
	_ =	sdelay $0x1  }
0x30d: {  	s24 =	simm.s32 $0x80;
	v7 =	vadd.f32 v7, v8  }
0x30e: {  	s24 =	sand.u32 $0x380, s24  }
0x30f: {  	s0 =	sadd.s32 s24, s0;
	[tilespmem:s23+$0xFFFFFFF0] =	vst v7  }
0x310: {  	v7 =	vld [tilespmem:s0+$0x0]  }
0x311: {  	v8 =	vld [tilespmem:s13+$0x0];
	_ =	sdelay $0x4  }
0x312: {  	v7 =	vmul.f32 v8, v7;
	_ =	sdelay $0x1  }
0x313: {  	v8 =	vld [tilespmem:s26+$0x0];
	[tilespmem:s23+$0x0] =	vst v7  }
0x314: {  	v7 =	vld [tilespmem:s0+$0x20]  }
0x315: {  	v9 =	vld [tilespmem:s13+$0x20]  }
0x316: {  	v10 =	vld [tilespmem:s13+$0x40]  }
0x317: {  	v11 =	vld [tilespmem:s0+$0x40];
	_ =	sdelay $0x1  }
0x318: {  	v58 =	vld [tilespmem:s0+$0x60];
	_ =	sdelay $0x1  }
0x319: {  	v59 =	vbroadcast v8, $0x0  }
0x31a: {  	v9 =	vmul.f32 v9, v7;
	v10 =	vmul.f32 v10, v11;
	_ =	sdelay $0x1  }
0x31b: {  	v7 =	vmul.f32 v58, v9;
	v11 =	vmul.f32 v10, v59;
	_ =	sdelay $0x1  }
0x31c: {  	v7 =	vadd.f32 v11, v7;
	_ =	sdelay $0x1  }
0x31d: {  	[tilespmem:s23+$0x20] =	vst v7  }
0x31e: {  	v11 =	vld [tilespmem:s0+$0x400];
	_ =	sdelay $0x2  }
0x31f: {  	v7 =	vbroadcast v8, $0x1;
	_ =	sdelay $0x1  }
0x320: {  	v60 =	vmul.f32 v10, v7;
	v11 =	vmul.f32 v11, v9;
	_ =	sdelay $0x1  }
0x321: {  	v11 =	vadd.f32 v11, v60;
	_ =	sdelay $0x1  }
0x322: {  	[tilespmem:s23+$0x40] =	vst v11  }
0x323: {  	v11 =	vld [tilespmem:s0+$0x420];
	_ =	sdelay $0x2  }
0x324: {  	v8 =	vbroadcast v8, $0x2;
	_ =	sdelay $0x1  }
0x325: {  	v10 =	vmul.f32 v10, v8;
	v9 =	vmul.f32 v11, v9;
	_ =	sdelay $0x1  }
0x326: {  	v9 =	vadd.f32 v9, v10;
	_ =	sdelay $0x1  }
0x327: {  	[tilespmem:s23+$0x60] =	vst v9  }
0x328: {  	v9 =	vld [tilespmem:s0+$0x10]  }
0x329: {  	v10 =	vld [tilespmem:s13+$0x10];
	_ =	sdelay $0x4  }
0x32a: {  	v9 =	vmul.f32 v10, v9;
	_ =	sdelay $0x1  }
0x32b: {  	[tilespmem:s23+$0x10] =	vst v9  }
0x32c: {  	v10 =	vld [tilespmem:s0+$0x30]  }
0x32d: {  	v9 =	vld [tilespmem:s0+$0x50]  }
0x32e: {  	v11 =	vld [tilespmem:s13+$0x50]  }
0x32f: {  	v61 =	vld [tilespmem:s13+$0x30];
	_ =	sdelay $0x1  }
0x330: {  	v62 =	vld [tilespmem:s0+$0x70];
	_ =	sdelay $0x2  }
0x331: {  	v9 =	vmul.f32 v11, v9;
	v10 =	vmul.f32 v61, v10;
	_ =	sdelay $0x1  }
0x332: {  	v11 =	vmul.f32 v62, v10;
	v63 =	vmul.f32 v9, v59;
	_ =	sdelay $0x1  }
0x333: {  	v11 =	vadd.f32 v63, v11;
	_ =	sdelay $0x1  }
0x334: {  	[tilespmem:s23+$0x30] =	vst v11  }
0x335: {  	v11 =	vld [tilespmem:s0+$0x410]  }
0x336: {  	s28 =	simm.s32 $0x7A09;
	s29 =	simm.s32 $0x5380;
	s30 =	simm.s32 $0x0  }
0x337: {  	s31 =	simm.s32 $0x0;
	s24 =	simm.s32 $0x0;
	s26 =	simm.s32 $0x7C80  }
.LBB2_9:
0x338: {  	s24 =	sadd.s32 $0x2, s24;
	s30 =	sadd.s32 $0x200, s30;
	s31 =	sadd.s32 $0x100, s31  }
0x339: {  	p1 =	slt.u32 s24, $0x26  }
0x33a: {  	v7 =	vmul.f32 v9, v7;
	v11 =	vmul.f32 v11, v10;
	_ =	sdelay $0x1  }
0x33b: {  	v7 =	vadd.f32 v11, v7;
	_ =	sdelay $0x1  }
0x33c: {  	[tilespmem:s23+$0x50] =	vst v7  }
0x33d: {  	v7 =	vld [tilespmem:s0+$0x430];
	_ =	sdelay $0x4  }
0x33e: {  	v8 =	vmul.f32 v9, v8;
	v7 =	vmul.f32 v7, v10;
	_ =	sdelay $0x1  }
0x33f: {  	v7 =	vadd.f32 v7, v8  }
0x340: {  	s0 =	sand.u32 $0x3800, s30  }
0x341: {  	s13 =	sand.u32 $0x300, s31;
	s0 =	sor.u32 $0x200, s0;
	[tilespmem:s23+$0x70] =	vst v7;
	s23 =	smov.u32 s26  }
0x342: {  	s13 =	sadd.s32 s13, s0;
	v7 =	vld [tilespmem:s29+$0xFFFFFF80]  }
0x343: {  	v8 =	vld [tilespmem:s13+$0x0];
	_ =	sdelay $0x4  }
0x344: {  	v7 =	vmul.f32 v7, v8  }
0x345: {  	v8 =	vld [tilespmem:s28+$0xFFFFFFFD]  }
0x346: {  	[tilespmem:s26+$0xFFFFFF80] =	vst v7  }
0x347: {  	v7 =	vld [tilespmem:s29+$0xFFFFFFC0]  }
0x348: {  	v9 =	vld [tilespmem:s13+$0x20]  }
0x349: {  	v10 =	vld [tilespmem:s13+$0x40]  }
0x34a: {  	v11 =	vld [tilespmem:s29+$0xFFFFFFA0];
	_ =	sdelay $0x1  }
0x34b: {  	v12 =	vld [tilespmem:s13+$0x60];
	_ =	sdelay $0x1  }
0x34c: {  	v7 =	vmul.f32 v7, v10;
	v10 =	vbroadcast v8, $0x0  }
0x34d: {  	v9 =	vmul.f32 v11, v9  }
0x34e: {  	v11 =	vmul.f32 v7, v10  }
0x34f: {  	v12 =	vmul.f32 v12, v9;
	_ =	sdelay $0x1  }
0x350: {  	v11 =	vadd.f32 v11, v12;
	_ =	sdelay $0x1  }
0x351: {  	[tilespmem:s26+$0xFFFFFFA0] =	vst v11  }
0x352: {  	v11 =	vld [tilespmem:s13+$0x400];
	_ =	sdelay $0x2  }
0x353: {  	v12 =	vbroadcast v8, $0x1;
	_ =	sdelay $0x1  }
0x354: {  	v13 =	vmul.f32 v7, v12;
	v11 =	vmul.f32 v11, v9;
	_ =	sdelay $0x1  }
0x355: {  	v11 =	vadd.f32 v11, v13;
	_ =	sdelay $0x1  }
0x356: {  	[tilespmem:s26+$0xFFFFFFC0] =	vst v11  }
0x357: {  	v11 =	vld [tilespmem:s13+$0x420];
	_ =	sdelay $0x2  }
0x358: {  	v8 =	vbroadcast v8, $0x2;
	_ =	sdelay $0x1  }
0x359: {  	v7 =	vmul.f32 v7, v8;
	v9 =	vmul.f32 v11, v9;
	_ =	sdelay $0x1  }
0x35a: {  	v7 =	vadd.f32 v9, v7;
	_ =	sdelay $0x1  }
0x35b: {  	[tilespmem:s26+$0xFFFFFFE0] =	vst v7  }
0x35c: {  	v7 =	vld [tilespmem:s13+$0x10]  }
0x35d: {  	v9 =	vld [tilespmem:s29+$0xFFFFFF90];
	_ =	sdelay $0x4  }
0x35e: {  	v7 =	vmul.f32 v9, v7;
	_ =	sdelay $0x1  }
0x35f: {  	[tilespmem:s26+$0xFFFFFF90] =	vst v7  }
0x360: {  	v7 =	vld [tilespmem:s13+$0x70]  }
0x361: {  	v9 =	vld [tilespmem:s13+$0x30]  }
0x362: {  	v11 =	vld [tilespmem:s29+$0xFFFFFFB0]  }
0x363: {  	v13 =	vld [tilespmem:s29+$0xFFFFFFD0]  }
0x364: {  	v14 =	vld [tilespmem:s13+$0x50];
	_ =	sdelay $0x3  }
0x365: {  	v9 =	vmul.f32 v11, v9  }
0x366: {  	v11 =	vmul.f32 v13, v14  }
0x367: {  	v7 =	vmul.f32 v7, v9  }
0x368: {  	v10 =	vmul.f32 v11, v10;
	_ =	sdelay $0x1  }
0x369: {  	v7 =	vadd.f32 v10, v7;
	_ =	sdelay $0x1  }
0x36a: {  	[tilespmem:s26+$0xFFFFFFB0] =	vst v7  }
0x36b: {  	v7 =	vld [tilespmem:s13+$0x410];
	_ =	sdelay $0x4  }
0x36c: {  	v10 =	vmul.f32 v11, v12;
	v7 =	vmul.f32 v7, v9;
	_ =	sdelay $0x1  }
0x36d: {  	v7 =	vadd.f32 v7, v10;
	_ =	sdelay $0x1  }
0x36e: {  	[tilespmem:s26+$0xFFFFFFD0] =	vst v7  }
0x36f: {  	v7 =	vld [tilespmem:s13+$0x430];
	_ =	sdelay $0x4  }
0x370: {  	v8 =	vmul.f32 v11, v8;
	v7 =	vmul.f32 v7, v9;
	_ =	sdelay $0x1  }
0x371: {  	s13 =	sadd.s32 $0x80, s31;
	v7 =	vadd.f32 v7, v8  }
0x372: {  	s13 =	sand.u32 $0x380, s13  }
0x373: {  	s0 =	sadd.s32 s13, s0;
	[tilespmem:s26+$0xFFFFFFF0] =	vst v7  }
0x374: {  	v7 =	vld [tilespmem:s0+$0x0]  }
0x375: {  	v8 =	vld [tilespmem:s29+$0x0];
	_ =	sdelay $0x4  }
0x376: {  	v7 =	vmul.f32 v8, v7  }
0x377: {  	v8 =	vld [tilespmem:s28+$0x0]  }
0x378: {  	[tilespmem:s26+$0x0] =	vst v7  }
0x379: {  	v7 =	vld [tilespmem:s0+$0x20]  }
0x37a: {  	v9 =	vld [tilespmem:s29+$0x20]  }
0x37b: {  	v10 =	vld [tilespmem:s29+$0x40]  }
0x37c: {  	v11 =	vld [tilespmem:s0+$0x40]  }
0x37d: {  	v12 =	vld [tilespmem:s0+$0x60];
	_ =	sdelay $0x2  }
0x37e: {  	v13 =	vbroadcast v8, $0x0  }
0x37f: {  	v9 =	vmul.f32 v9, v7;
	v10 =	vmul.f32 v10, v11;
	_ =	sdelay $0x1  }
0x380: {  	v7 =	vmul.f32 v12, v9;
	v11 =	vmul.f32 v10, v13;
	_ =	sdelay $0x1  }
0x381: {  	v7 =	vadd.f32 v11, v7;
	_ =	sdelay $0x1  }
0x382: {  	[tilespmem:s26+$0x20] =	vst v7  }
0x383: {  	v11 =	vld [tilespmem:s0+$0x400];
	_ =	sdelay $0x2  }
0x384: {  	v7 =	vbroadcast v8, $0x1;
	_ =	sdelay $0x1  }
0x385: {  	v12 =	vmul.f32 v10, v7;
	v11 =	vmul.f32 v11, v9;
	_ =	sdelay $0x1  }
0x386: {  	v11 =	vadd.f32 v11, v12;
	_ =	sdelay $0x1  }
0x387: {  	[tilespmem:s26+$0x40] =	vst v11  }
0x388: {  	v11 =	vld [tilespmem:s0+$0x420];
	_ =	sdelay $0x2  }
0x389: {  	v8 =	vbroadcast v8, $0x2;
	_ =	sdelay $0x1  }
0x38a: {  	v10 =	vmul.f32 v10, v8;
	v9 =	vmul.f32 v11, v9;
	_ =	sdelay $0x1  }
0x38b: {  	v9 =	vadd.f32 v9, v10;
	_ =	sdelay $0x1  }
0x38c: {  	[tilespmem:s26+$0x60] =	vst v9  }
0x38d: {  	v9 =	vld [tilespmem:s0+$0x10]  }
0x38e: {  	v10 =	vld [tilespmem:s29+$0x10];
	_ =	sdelay $0x4  }
0x38f: {  	v9 =	vmul.f32 v10, v9;
	_ =	sdelay $0x1  }
0x390: {  	[tilespmem:s26+$0x10] =	vst v9  }
0x391: {  	v10 =	vld [tilespmem:s0+$0x30]  }
0x392: {  	v9 =	vld [tilespmem:s0+$0x50]  }
0x393: {  	v11 =	vld [tilespmem:s29+$0x50]  }
0x394: {  	v12 =	vld [tilespmem:s29+$0x30]  }
0x395: {  	v14 =	vld [tilespmem:s0+$0x70];
	_ =	sdelay $0x2  }
0x396: {  	v9 =	vmul.f32 v11, v9  }
0x397: {  	v10 =	vmul.f32 v12, v10;
	_ =	sdelay $0x1  }
0x398: {  	v12 =	vmul.f32 v9, v13;
	v11 =	vmul.f32 v14, v10;
	_ =	sdelay $0x1  }
0x399: {  	v11 =	vadd.f32 v12, v11  }
.Ltmp3:
0x39a: {  	(pc) =	sbr.rel @p1 .LBB2_9-.Ltmp3, $3  }
0x39b: {  	[tilespmem:s26+$0x30] =	vst v11  }
0x39c: {  	v11 =	vld [tilespmem:s0+$0x410];
	_ =	sdelay $0x1  }
0x39d: {  	s28 =	sadd.s32 $0x6, s28;
	s29 =	sadd.s32 $0x100, s29;
	s26 =	sadd.s32 $0x100, s26  }
0x39e: {  	_ =	sdelay $0x1  }
0x39f: {  	v7 =	vmul.f32 v9, v7;
	v11 =	vmul.f32 v11, v10;
	_ =	sdelay $0x1  }
0x3a0: {  	v7 =	vadd.f32 v11, v7;
	_ =	sdelay $0x1  }
0x3a1: {  	[tilespmem:s23+$0x50] =	vst v7  }
0x3a2: {  	v7 =	vld [tilespmem:s0+$0x430];
	_ =	sdelay $0x4  }
0x3a3: {  	v8 =	vmul.f32 v9, v8;
	v7 =	vmul.f32 v7, v10;
	_ =	sdelay $0x1  }
0x3a4: {  	v7 =	vadd.f32 v7, v8;
	_ =	sdelay $0x1  }
0x3a5: {  	[tilespmem:s23+$0x70] =	vst v7  }
0x3a6: {  	[spmem:s2] =	stream.indirect.scatter.add.f32 [tilespmem:s12], [sflag:$0x7], $0x80, s3, s11, $0xb8;
	[tilespmem:$0x1CB80] =	vst v63  }
0x3a7: {  	_ =	swait.ge [sflag:s21], $0x1800  }
0x3a8: {  	[sflag:s21] =	ssyncset.done $0x0  }
0x3a9: {  	[sflag:s21] =	ssyncadd.s32 $0xFFFFE800  }
0x3aa: {  	s23 =	simm.s32 $0x0;
	_ =	swait.ge [sflag:s1], $0x2800  }
0x3ab: {  	s13 =	simm.s32 $0x66D0;
	s26 =	sand.u32 $0x3800, s23;
	[sflag:s1] =	ssyncset.done $0x0  }
0x3ac: {  	s24 =	sand.u32 $0x300, s23;
	s0 =	sadd.s32 $0x2A00, s26;
	[sflag:s1] =	ssyncadd.s32 $0xFFFFD800  }
0x3ad: {  	s26 =	sadd.s32 s24, s0;
	v7 =	vld [tilespmem:s13+$0xFFFFFF30]  }
0x3ae: {  	v8 =	vld [tilespmem:s26+$0x0];
	_ =	sdelay $0x4  }
0x3af: {  	v7 =	vmul.f32 v7, v8  }
0x3b0: {  	s28 =	simm.s32 $0x7A7B;
	s24 =	simm.s32 $0x7B80  }
0x3b1: {  	v8 =	vld [tilespmem:s28+$0xFFFFFFFD];
	[tilespmem:s24+$0xFFFFFF80] =	vst v7  }
0x3b2: {  	v7 =	vld [tilespmem:s13+$0xFFFFFF70]  }
0x3b3: {  	v9 =	vld [tilespmem:s26+$0x20]  }
0x3b4: {  	v10 =	vld [tilespmem:s26+$0x40]  }
0x3b5: {  	v11 =	vld [tilespmem:s13+$0xFFFFFF50];
	_ =	sdelay $0x1  }
0x3b6: {  	v12 =	vld [tilespmem:s26+$0x60];
	_ =	sdelay $0x1  }
0x3b7: {  	v7 =	vmul.f32 v7, v10  }
0x3b8: {  	v10 =	vbroadcast v8, $0x0;
	v9 =	vmul.f32 v11, v9;
	_ =	sdelay $0x1  }
0x3b9: {  	v11 =	vmul.f32 v7, v10;
	v12 =	vmul.f32 v12, v9;
	_ =	sdelay $0x1  }
0x3ba: {  	v11 =	vadd.f32 v11, v12;
	_ =	sdelay $0x1  }
0x3bb: {  	[tilespmem:s24+$0xFFFFFFA0] =	vst v11  }
0x3bc: {  	v11 =	vld [tilespmem:s26+$0x400];
	_ =	sdelay $0x2  }
0x3bd: {  	v56 =	vbroadcast v8, $0x1;
	_ =	sdelay $0x1  }
0x3be: {  	v13 =	vmul.f32 v7, v56;
	v11 =	vmul.f32 v11, v9;
	_ =	sdelay $0x1  }
0x3bf: {  	v11 =	vadd.f32 v11, v13;
	_ =	sdelay $0x1  }
0x3c0: {  	[tilespmem:s24+$0xFFFFFFC0] =	vst v11  }
0x3c1: {  	v11 =	vld [tilespmem:s26+$0x420];
	_ =	sdelay $0x2  }
0x3c2: {  	v8 =	vbroadcast v8, $0x2;
	_ =	sdelay $0x1  }
0x3c3: {  	v7 =	vmul.f32 v7, v8;
	v9 =	vmul.f32 v11, v9;
	_ =	sdelay $0x1  }
0x3c4: {  	v7 =	vadd.f32 v9, v7;
	_ =	sdelay $0x1  }
0x3c5: {  	[tilespmem:s24+$0xFFFFFFE0] =	vst v7  }
0x3c6: {  	v7 =	vld [tilespmem:s26+$0x10]  }
0x3c7: {  	v9 =	vld [tilespmem:s13+$0xFFFFFF40];
	_ =	sdelay $0x4  }
0x3c8: {  	v7 =	vmul.f32 v9, v7;
	_ =	sdelay $0x1  }
0x3c9: {  	[tilespmem:s24+$0xFFFFFF90] =	vst v7  }
0x3ca: {  	v7 =	vld [tilespmem:s26+$0x30]  }
0x3cb: {  	v9 =	vld [tilespmem:s13+$0xFFFFFF60]  }
0x3cc: {  	v11 =	vld [tilespmem:s13+$0xFFFFFF80]  }
0x3cd: {  	v57 =	vld [tilespmem:s26+$0x50];
	_ =	sdelay $0x1  }
0x3ce: {  	v14 =	vld [tilespmem:s26+$0x70];
	_ =	sdelay $0x2  }
0x3cf: {  	v7 =	vmul.f32 v9, v7;
	v9 =	vmul.f32 v11, v57;
	_ =	sdelay $0x1  }
0x3d0: {  	v11 =	vmul.f32 v14, v7;
	v10 =	vmul.f32 v9, v10;
	_ =	sdelay $0x1  }
0x3d1: {  	v10 =	vadd.f32 v10, v11;
	_ =	sdelay $0x1  }
0x3d2: {  	[tilespmem:s24+$0xFFFFFFB0] =	vst v10  }
0x3d3: {  	v10 =	vld [tilespmem:s26+$0x410];
	_ =	sdelay $0x4  }
0x3d4: {  	v11 =	vmul.f32 v9, v56;
	v10 =	vmul.f32 v10, v7;
	_ =	sdelay $0x1  }
0x3d5: {  	v10 =	vadd.f32 v10, v11;
	_ =	sdelay $0x1  }
0x3d6: {  	[tilespmem:s24+$0xFFFFFFD0] =	vst v10  }
0x3d7: {  	v10 =	vld [tilespmem:s26+$0x430];
	_ =	sdelay $0x4  }
0x3d8: {  	v8 =	vmul.f32 v9, v8;
	v7 =	vmul.f32 v10, v7;
	_ =	sdelay $0x1  }
0x3d9: {  	s26 =	simm.s32 $0x80;
	v7 =	vadd.f32 v7, v8  }
0x3da: {  	s26 =	sand.u32 $0x380, s26  }
0x3db: {  	s0 =	sadd.s32 s26, s0;
	[tilespmem:s24+$0xFFFFFFF0] =	vst v7  }
0x3dc: {  	v7 =	vld [tilespmem:s0+$0x0]  }
0x3dd: {  	v8 =	vld [tilespmem:s13+$0xFFFFFFB0];
	_ =	sdelay $0x4  }
0x3de: {  	v7 =	vmul.f32 v8, v7;
	_ =	sdelay $0x1  }
0x3df: {  	v8 =	vld [tilespmem:s28+$0x0];
	[tilespmem:s24+$0x0] =	vst v7  }
0x3e0: {  	v7 =	vld [tilespmem:s0+$0x20]  }
0x3e1: {  	v9 =	vld [tilespmem:s13+$0xFFFFFFD0]  }
0x3e2: {  	v10 =	vld [tilespmem:s13+$0xFFFFFFF0]  }
0x3e3: {  	v11 =	vld [tilespmem:s0+$0x40];
	_ =	sdelay $0x1  }
0x3e4: {  	v58 =	vld [tilespmem:s0+$0x60];
	_ =	sdelay $0x1  }
0x3e5: {  	v59 =	vbroadcast v8, $0x0  }
0x3e6: {  	v9 =	vmul.f32 v9, v7;
	v10 =	vmul.f32 v10, v11;
	_ =	sdelay $0x1  }
0x3e7: {  	v7 =	vmul.f32 v58, v9;
	v11 =	vmul.f32 v10, v59;
	_ =	sdelay $0x1  }
0x3e8: {  	v7 =	vadd.f32 v11, v7;
	_ =	sdelay $0x1  }
0x3e9: {  	[tilespmem:s24+$0x20] =	vst v7  }
0x3ea: {  	v11 =	vld [tilespmem:s0+$0x400];
	_ =	sdelay $0x2  }
0x3eb: {  	v7 =	vbroadcast v8, $0x1;
	_ =	sdelay $0x1  }
0x3ec: {  	v60 =	vmul.f32 v10, v7;
	v11 =	vmul.f32 v11, v9;
	_ =	sdelay $0x1  }
0x3ed: {  	v11 =	vadd.f32 v11, v60;
	_ =	sdelay $0x1  }
0x3ee: {  	[tilespmem:s24+$0x40] =	vst v11  }
0x3ef: {  	v11 =	vld [tilespmem:s0+$0x420];
	_ =	sdelay $0x2  }
0x3f0: {  	v8 =	vbroadcast v8, $0x2;
	_ =	sdelay $0x1  }
0x3f1: {  	v10 =	vmul.f32 v10, v8;
	v9 =	vmul.f32 v11, v9;
	_ =	sdelay $0x1  }
0x3f2: {  	v9 =	vadd.f32 v9, v10;
	_ =	sdelay $0x1  }
0x3f3: {  	[tilespmem:s24+$0x60] =	vst v9  }
0x3f4: {  	v9 =	vld [tilespmem:s0+$0x10]  }
0x3f5: {  	v10 =	vld [tilespmem:s13+$0xFFFFFFC0];
	_ =	sdelay $0x4  }
0x3f6: {  	v9 =	vmul.f32 v10, v9;
	_ =	sdelay $0x1  }
0x3f7: {  	[tilespmem:s24+$0x10] =	vst v9  }
0x3f8: {  	v10 =	vld [tilespmem:s0+$0x30]  }
0x3f9: {  	v9 =	vld [tilespmem:s0+$0x50]  }
0x3fa: {  	v11 =	vld [tilespmem:s13+$0x0]  }
0x3fb: {  	v61 =	vld [tilespmem:s13+$0xFFFFFFE0];
	_ =	sdelay $0x1  }
0x3fc: {  	v62 =	vld [tilespmem:s0+$0x70];
	_ =	sdelay $0x2  }
0x3fd: {  	v9 =	vmul.f32 v11, v9;
	v10 =	vmul.f32 v61, v10;
	_ =	sdelay $0x1  }
0x3fe: {  	v11 =	vmul.f32 v62, v10;
	v63 =	vmul.f32 v9, v59;
	_ =	sdelay $0x1  }
0x3ff: {  	v11 =	vadd.f32 v63, v11;
	_ =	sdelay $0x1  }
0x400: {  	[tilespmem:s24+$0x30] =	vst v11  }
0x401: {  	v11 =	vld [tilespmem:s0+$0x410]  }
0x402: {  	s29 =	simm.s32 $0x7A81;
	s30 =	simm.s32 $0x67D0  }
0x403: {  	s31 =	simm.s32 $0x0;
	s26 =	simm.s32 $0x0;
	s28 =	simm.s32 $0x7C80  }
.LBB2_11:
0x404: {  	s26 =	sadd.s32 $0x2, s26;
	s23 =	sadd.s32 $0x200, s23;
	s31 =	sadd.s32 $0x100, s31  }
0x405: {  	p1 =	slt.u32 s26, $0x26  }
0x406: {  	v7 =	vmul.f32 v9, v7;
	v11 =	vmul.f32 v11, v10;
	_ =	sdelay $0x1  }
0x407: {  	v7 =	vadd.f32 v11, v7;
	_ =	sdelay $0x1  }
0x408: {  	[tilespmem:s24+$0x50] =	vst v7  }
0x409: {  	v7 =	vld [tilespmem:s0+$0x430];
	_ =	sdelay $0x4  }
0x40a: {  	v8 =	vmul.f32 v9, v8;
	v7 =	vmul.f32 v7, v10;
	_ =	sdelay $0x1  }
0x40b: {  	v7 =	vadd.f32 v7, v8  }
0x40c: {  	s0 =	sand.u32 $0x3800, s23  }
0x40d: {  	s13 =	sand.u32 $0x300, s31;
	s0 =	sadd.s32 $0x2A00, s0;
	[tilespmem:s24+$0x70] =	vst v7;
	s24 =	smov.u32 s28  }
0x40e: {  	s13 =	sadd.s32 s13, s0;
	v7 =	vld [tilespmem:s30+$0xFFFFFF30]  }
0x40f: {  	v8 =	vld [tilespmem:s13+$0x0];
	_ =	sdelay $0x4  }
0x410: {  	v7 =	vmul.f32 v7, v8  }
0x411: {  	v8 =	vld [tilespmem:s29+$0xFFFFFFFD]  }
0x412: {  	[tilespmem:s28+$0xFFFFFF80] =	vst v7  }
0x413: {  	v7 =	vld [tilespmem:s30+$0xFFFFFF70]  }
0x414: {  	v9 =	vld [tilespmem:s13+$0x20]  }
0x415: {  	v10 =	vld [tilespmem:s13+$0x40]  }
0x416: {  	v11 =	vld [tilespmem:s30+$0xFFFFFF50];
	_ =	sdelay $0x1  }
0x417: {  	v12 =	vld [tilespmem:s13+$0x60];
	_ =	sdelay $0x1  }
0x418: {  	v7 =	vmul.f32 v7, v10;
	v10 =	vbroadcast v8, $0x0  }
0x419: {  	v9 =	vmul.f32 v11, v9  }
0x41a: {  	v11 =	vmul.f32 v7, v10  }
0x41b: {  	v12 =	vmul.f32 v12, v9;
	_ =	sdelay $0x1  }
0x41c: {  	v11 =	vadd.f32 v11, v12;
	_ =	sdelay $0x1  }
0x41d: {  	[tilespmem:s28+$0xFFFFFFA0] =	vst v11  }
0x41e: {  	v11 =	vld [tilespmem:s13+$0x400];
	_ =	sdelay $0x2  }
0x41f: {  	v12 =	vbroadcast v8, $0x1;
	_ =	sdelay $0x1  }
0x420: {  	v13 =	vmul.f32 v7, v12;
	v11 =	vmul.f32 v11, v9;
	_ =	sdelay $0x1  }
0x421: {  	v11 =	vadd.f32 v11, v13;
	_ =	sdelay $0x1  }
0x422: {  	[tilespmem:s28+$0xFFFFFFC0] =	vst v11  }
0x423: {  	v11 =	vld [tilespmem:s13+$0x420];
	_ =	sdelay $0x2  }
0x424: {  	v8 =	vbroadcast v8, $0x2;
	_ =	sdelay $0x1  }
0x425: {  	v7 =	vmul.f32 v7, v8;
	v9 =	vmul.f32 v11, v9;
	_ =	sdelay $0x1  }
0x426: {  	v7 =	vadd.f32 v9, v7;
	_ =	sdelay $0x1  }
0x427: {  	[tilespmem:s28+$0xFFFFFFE0] =	vst v7  }
0x428: {  	v7 =	vld [tilespmem:s13+$0x10]  }
0x429: {  	v9 =	vld [tilespmem:s30+$0xFFFFFF40];
	_ =	sdelay $0x4  }
0x42a: {  	v7 =	vmul.f32 v9, v7;
	_ =	sdelay $0x1  }
0x42b: {  	[tilespmem:s28+$0xFFFFFF90] =	vst v7  }
0x42c: {  	v7 =	vld [tilespmem:s13+$0x70]  }
0x42d: {  	v9 =	vld [tilespmem:s13+$0x30]  }
0x42e: {  	v11 =	vld [tilespmem:s30+$0xFFFFFF60]  }
0x42f: {  	v13 =	vld [tilespmem:s30+$0xFFFFFF80]  }
0x430: {  	v14 =	vld [tilespmem:s13+$0x50];
	_ =	sdelay $0x3  }
0x431: {  	v9 =	vmul.f32 v11, v9  }
0x432: {  	v11 =	vmul.f32 v13, v14  }
0x433: {  	v7 =	vmul.f32 v7, v9  }
0x434: {  	v10 =	vmul.f32 v11, v10;
	_ =	sdelay $0x1  }
0x435: {  	v7 =	vadd.f32 v10, v7;
	_ =	sdelay $0x1  }
0x436: {  	[tilespmem:s28+$0xFFFFFFB0] =	vst v7  }
0x437: {  	v7 =	vld [tilespmem:s13+$0x410];
	_ =	sdelay $0x4  }
0x438: {  	v10 =	vmul.f32 v11, v12;
	v7 =	vmul.f32 v7, v9;
	_ =	sdelay $0x1  }
0x439: {  	v7 =	vadd.f32 v7, v10;
	_ =	sdelay $0x1  }
0x43a: {  	[tilespmem:s28+$0xFFFFFFD0] =	vst v7  }
0x43b: {  	v7 =	vld [tilespmem:s13+$0x430];
	_ =	sdelay $0x4  }
0x43c: {  	v8 =	vmul.f32 v11, v8;
	v7 =	vmul.f32 v7, v9;
	_ =	sdelay $0x1  }
0x43d: {  	s13 =	sadd.s32 $0x80, s31;
	v7 =	vadd.f32 v7, v8  }
0x43e: {  	s13 =	sand.u32 $0x380, s13  }
0x43f: {  	s0 =	sadd.s32 s13, s0;
	[tilespmem:s28+$0xFFFFFFF0] =	vst v7  }
0x440: {  	v7 =	vld [tilespmem:s0+$0x0]  }
0x441: {  	v8 =	vld [tilespmem:s30+$0xFFFFFFB0];
	_ =	sdelay $0x4  }
0x442: {  	v7 =	vmul.f32 v8, v7  }
0x443: {  	v8 =	vld [tilespmem:s29+$0x0]  }
0x444: {  	[tilespmem:s28+$0x0] =	vst v7  }
0x445: {  	v7 =	vld [tilespmem:s0+$0x20]  }
0x446: {  	v9 =	vld [tilespmem:s30+$0xFFFFFFD0]  }
0x447: {  	v10 =	vld [tilespmem:s30+$0xFFFFFFF0]  }
0x448: {  	v11 =	vld [tilespmem:s0+$0x40]  }
0x449: {  	v12 =	vld [tilespmem:s0+$0x60];
	_ =	sdelay $0x2  }
0x44a: {  	v13 =	vbroadcast v8, $0x0  }
0x44b: {  	v9 =	vmul.f32 v9, v7;
	v10 =	vmul.f32 v10, v11;
	_ =	sdelay $0x1  }
0x44c: {  	v7 =	vmul.f32 v12, v9;
	v11 =	vmul.f32 v10, v13;
	_ =	sdelay $0x1  }
0x44d: {  	v7 =	vadd.f32 v11, v7;
	_ =	sdelay $0x1  }
0x44e: {  	[tilespmem:s28+$0x20] =	vst v7  }
0x44f: {  	v11 =	vld [tilespmem:s0+$0x400];
	_ =	sdelay $0x2  }
0x450: {  	v7 =	vbroadcast v8, $0x1;
	_ =	sdelay $0x1  }
0x451: {  	v12 =	vmul.f32 v10, v7;
	v11 =	vmul.f32 v11, v9;
	_ =	sdelay $0x1  }
0x452: {  	v11 =	vadd.f32 v11, v12;
	_ =	sdelay $0x1  }
0x453: {  	[tilespmem:s28+$0x40] =	vst v11  }
0x454: {  	v11 =	vld [tilespmem:s0+$0x420];
	_ =	sdelay $0x2  }
0x455: {  	v8 =	vbroadcast v8, $0x2;
	_ =	sdelay $0x1  }
0x456: {  	v10 =	vmul.f32 v10, v8;
	v9 =	vmul.f32 v11, v9;
	_ =	sdelay $0x1  }
0x457: {  	v9 =	vadd.f32 v9, v10;
	_ =	sdelay $0x1  }
0x458: {  	[tilespmem:s28+$0x60] =	vst v9  }
0x459: {  	v9 =	vld [tilespmem:s0+$0x10]  }
0x45a: {  	v10 =	vld [tilespmem:s30+$0xFFFFFFC0];
	_ =	sdelay $0x4  }
0x45b: {  	v9 =	vmul.f32 v10, v9;
	_ =	sdelay $0x1  }
0x45c: {  	[tilespmem:s28+$0x10] =	vst v9  }
0x45d: {  	v10 =	vld [tilespmem:s0+$0x30]  }
0x45e: {  	v9 =	vld [tilespmem:s0+$0x50]  }
0x45f: {  	v11 =	vld [tilespmem:s30+$0x0]  }
0x460: {  	v12 =	vld [tilespmem:s30+$0xFFFFFFE0]  }
0x461: {  	v14 =	vld [tilespmem:s0+$0x70];
	_ =	sdelay $0x2  }
0x462: {  	v9 =	vmul.f32 v11, v9  }
0x463: {  	v10 =	vmul.f32 v12, v10;
	_ =	sdelay $0x1  }
0x464: {  	v12 =	vmul.f32 v9, v13;
	v11 =	vmul.f32 v14, v10;
	_ =	sdelay $0x1  }
0x465: {  	v11 =	vadd.f32 v12, v11  }
.Ltmp4:
0x466: {  	(pc) =	sbr.rel @p1 .LBB2_11-.Ltmp4, $3  }
0x467: {  	[tilespmem:s28+$0x30] =	vst v11  }
0x468: {  	v11 =	vld [tilespmem:s0+$0x410];
	_ =	sdelay $0x1  }
0x469: {  	s29 =	sadd.s32 $0x6, s29;
	s30 =	sadd.s32 $0x100, s30;
	s28 =	sadd.s32 $0x100, s28  }
0x46a: {  	_ =	sdelay $0x1  }
0x46b: {  	v7 =	vmul.f32 v9, v7;
	v11 =	vmul.f32 v11, v10;
	_ =	sdelay $0x1  }
0x46c: {  	v7 =	vadd.f32 v11, v7;
	_ =	sdelay $0x1  }
0x46d: {  	[tilespmem:s24+$0x50] =	vst v7  }
0x46e: {  	v7 =	vld [tilespmem:s0+$0x430];
	_ =	sdelay $0x4  }
0x46f: {  	v8 =	vmul.f32 v9, v8;
	v7 =	vmul.f32 v7, v10;
	_ =	sdelay $0x1  }
0x470: {  	s22 =	sadd.s32 $0x1, s22;
	v7 =	vadd.f32 v7, v8  }
0x471: {  	p1 =	sne.s32 s22, $0xFA  }
.Ltmp5:
0x472: {  	[tilespmem:s24+$0x70] =	vst v7;
	(pc) =	sbr.rel @p1 .LBB2_8-.Ltmp5, $4  }
0x473: {  	[spmem:s2] =	stream.indirect.scatter.add.f32 [tilespmem:s12], [sflag:$0x7], $0x80, s10, s11, $0xb8;
	[tilespmem:$0x1CB80] =	vst v63  }
0x474: {  	_ =	swait.ge [sflag:s21], $0x1800  }
0x475: {  	[sflag:s21] =	ssyncset.done $0x0  }
0x476: {  	[sflag:s21] =	ssyncadd.s32 $0xFFFFE800  }
0x477: {  	[bflag:$0x0] =	sbarrier.arrive $0xFFFF  }
0x478: {  	s22 =	rddreg [dreg:$0x9]  }
0x479: {  	s0 =	rddreg [dreg:$0xf]  }
0x47a: {  	s13 =	rddreg [dreg:$0x12]  }
0x47b: {  	[hbm:s0], [sflag:s22] =	dma.local [spmem:s13], $0x2700  }
0x47c: {  	_ =	swait.ge [sflag:s21], $0x2700  }
0x47d: {  	[sflag:s21] =	ssyncset.done $0x0;
	s0 =	rddreg [dreg:$0x10]  }
0x47e: {  	s13 =	rddreg [dreg:$0x13];
	[sflag:s21] =	ssyncadd.s32 $0xFFFFD900  }
0x47f: {  	[hbm:s0], [sflag:s22] =	dma.local @!p0 [spmem:s13], $0x100  }
0x480: {  	s0 =	simm.s32 @!p0 $0x7  }
0x481: {  	_ =	swait.ge @!p0 [sflag:s0], $0x100  }
0x482: {  	s17 =	rddreg [dreg:$0x5]  }
0x483: {  	s31 =	rddreg [dreg:$0x11];
	s17 =	sadd.s32 $0x1, s17  }
0x484: {  	p1 =	sne.s32 s17, s31  }
.Ltmp6:
0x485: {  	_ = 	snop;
	(pc) =	sbr.rel @p1 .LBB2_1-.Ltmp6, $3  }
0x486: {  	_ =	sdelay $0x1  }
0x487: {  	[sflag:s0] =	ssyncset.done @!p0 $0x0  }
0x488: {  	[sflag:s0] =	ssyncadd.s32 @!p0 $0xFFFFFF00  }
0x489: {  	_ =	sfence.sel $0x180000  }
0x48a: {  	[bflag:$0x0] =	sbarrier.arrive $0xFFFF  }
0x48b: {  	_ =	strace $0x90000047  }
0x48c: {  	[bflag:$0x2] =	sbarrier.arrive $0xFFFF  }
0x48d: {  	s0 =	rddreg [dreg:$0x4]  }
0x48e: {  	s0 =	sadd.s32 @!p0 $0x100000, s0  }
0x48f: {  	[sflag:s0] =	ssyncadd.tile.s32 @!p0 $0x1;
	_ =	shalt  }
.Lfunc_end2:
_tile_overlayer_lowered:
.L_overlay_start_2:
0x490: {  	(tag) =	ssettag $0x2  }
0x491: {  	s0 =	rddreg [dreg:$0x0];
	s2 =	stileid.u32  }
0x492: {  	s1 =	rddreg [dreg:$0x1];
	p0 =	sne.s32 s2, $0x0  }
0x493: {  	s3 =	rddreg [dreg:$0x2];
	[bflag:$0x3] =	sbarrier.arrive $0xFFFF;
	s2 =	simm.s32 @!p0 $0x1C07  }
0x494: {  	[timem:s3], [sflag:s2] =	dma.local @!p0 [hbm:s0], s1  }
0x495: {  	s0 =	simm.s32 @!p0 $0x7  }
0x496: {  	_ =	swait.ge @!p0 [sflag:s0], s1  }
0x497: {  	s1 =	ssub.s32 @!p0 $0x0, s1;
	[sflag:s0] =	ssyncset.done @!p0 $0x0  }
0x498: {  	[sflag:s0] =	ssyncadd.s32 @!p0 s1  }
0x499: {  	[bflag:$0x3] =	sbarrier.arrive $0xFFFF  }
0x49a: {  	_ =	shalt  }

</sc_bundles>
